<compile_context>
chip_gen: v7x
topology: tpu7x:2x2x1
jax: 0.10.2.dev20260603
libtpu: 0.0.44.dev20260713+nightly
codegen_flags: <defaults>
</compile_context>

<pallas_src>
import functools

import jax
import jax.numpy as jnp
from jax import lax
from jax.experimental import pallas as pl
from jax.experimental.pallas import tpu as pltpu
from jax.experimental.pallas import tpu_sc as plsc

N = 100000
E = 6400000
SUB = 128
CE = 640
NSUB = CE // SUB
LANES = 16
GPS = SUB // LANES
NW = 32
NCHUNK = E // CE
BASE_CHUNKS = (NCHUNK // NW) & ~1
EXTRA = NCHUNK - BASE_CHUNKS * NW
NP = BASE_CHUNKS // 2


def _rsqrt(x):
    i = lax.bitcast_convert_type(x, jnp.int32)
    i = jnp.int32(0x5F3759DF) - lax.shift_right_logical(i, 1)
    y = lax.bitcast_convert_type(i, jnp.float32)
    for _ in range(3):
        y = y * (jnp.float32(1.5) - jnp.float32(0.5) * x * y * y)
    return y


_MESH = plsc.VectorSubcoreMesh(core_axis_name="c", subcore_axis_name="s")

_BUF = [
    pltpu.VMEM((2 * NSUB, SUB), jnp.int32),
    pltpu.VMEM((NSUB, SUB, 8), jnp.float32),
    pltpu.VMEM((NSUB, SUB, 8), jnp.float32),
    pltpu.VMEM((CE,), jnp.float32),
    pltpu.VMEM((CE,), jnp.float32),
    pltpu.VMEM((CE,), jnp.float32),
    pltpu.VMEM((NSUB, SUB, 4), jnp.float32),
    pltpu.VMEM((NSUB, SUB, 4), jnp.float32),
    pltpu.SemaphoreType.DMA,
    pltpu.SemaphoreType.DMA,
]


@functools.partial(
    pl.kernel,
    out_type=[
        jax.ShapeDtypeStruct((2, N, 4), jnp.float32),
        jax.ShapeDtypeStruct((E,), jnp.float32),
    ],
    mesh=_MESH,
    compiler_params=pltpu.CompilerParams(
        needs_layout_passes=False, use_tc_tiling_on_sc=False),
    scratch_types=_BUF + _BUF + [
        pltpu.VMEM_SHARED((N, 4), jnp.float32),
    ],
)
def _sc_solve(tab, idx_hbm, l_in, d0_in, zeros_hbm,
              parts, l_out,
              ia, ra_i, ra_j, la, d0a, loa, cia, cja, sla, ssa,
              ib, rb_i, rb_j, lb, d0b, lob, cib, cjb, slb, ssb,
              acc):
    c = lax.axis_index("c")
    s = lax.axis_index("s")
    w = s * 2 + c

    @pl.when(s == 0)
    def _():
        pltpu.sync_copy(zeros_hbm, acc)

    plsc.subcore_barrier()

    A = (ia, ra_i, ra_j, la, d0a, loa, cia, cja, sla, ssa)
    B = (ib, rb_i, rb_j, lb, d0b, lob, cib, cjb, slb, ssb)

    ibase = lax.iota(jnp.int32, LANES)
    col = [jnp.full((LANES,), k, jnp.int32) for k in range(5)]
    ccol = [jnp.full((LANES,), k, jnp.int32) for k in range(3)]

    def load_start(chunk, bufs):
        idx, rows_i, rows_j, l_v, d0_v = bufs[:5]
        sl = bufs[8]
        ebase = chunk * CE
        gbase = chunk * 2 * NSUB
        pltpu.sync_copy(idx_hbm.at[pl.ds(gbase, 2 * NSUB)], idx)
        pltpu.async_copy(l_in.at[pl.ds(ebase, CE)], l_v, sl)
        pltpu.async_copy(d0_in.at[pl.ds(ebase, CE)], d0_v, sl)
        for g in range(NSUB):
            pltpu.async_copy(tab.at[idx.at[g]], rows_i.at[g], sl)
            pltpu.async_copy(tab.at[idx.at[NSUB + g]], rows_j.at[g], sl)

    def load_wait(chunk, bufs):
        idx, rows_i, rows_j, l_v, d0_v = bufs[:5]
        sl = bufs[8]
        ebase = chunk * CE
        pltpu.make_async_copy(l_in.at[pl.ds(ebase, CE)], l_v, sl).wait()
        pltpu.make_async_copy(d0_in.at[pl.ds(ebase, CE)], d0_v, sl).wait()
        for g in range(NSUB):
            pltpu.make_async_copy(tab.at[idx.at[g]], rows_i.at[g], sl).wait()
            pltpu.make_async_copy(
                tab.at[idx.at[NSUB + g]], rows_j.at[g], sl).wait()

    def compute(bufs):
        _, rows_i, rows_j, l_v, d0_v, lout_v, ci_v, cj_v = bufs[:8]

        @plsc.parallel_loop(0, NSUB * GPS, unroll=2)
        def group_body(g16):
            sub = g16 // GPS
            rowv = ibase + (g16 % GPS) * LANES
            gv = jnp.full((LANES,), 0, jnp.int32) + sub
            xi = plsc.load_gather(rows_i, [gv, rowv, col[0]])
            yi = plsc.load_gather(rows_i, [gv, rowv, col[1]])
            zi = plsc.load_gather(rows_i, [gv, rowv, col[2]])
            wi = plsc.load_gather(rows_i, [gv, rowv, col[3]])
            ki = plsc.load_gather(rows_i, [gv, rowv, col[4]])
            xj = plsc.load_gather(rows_j, [gv, rowv, col[0]])
            yj = plsc.load_gather(rows_j, [gv, rowv, col[1]])
            zj = plsc.load_gather(rows_j, [gv, rowv, col[2]])
            wj = plsc.load_gather(rows_j, [gv, rowv, col[3]])
            kj = plsc.load_gather(rows_j, [gv, rowv, col[4]])
            dx = xi - xj
            dy = yi - yj
            dz = zi - zj
            dsq = dx * dx + dy * dy + dz * dz
            rinv = _rsqrt(dsq)
            dist = dsq * rinv
            lv = l_v[pl.ds(g16 * LANES, LANES)]
            d0v = d0_v[pl.ds(g16 * LANES, LANES)]
            cons = dist - d0v
            a = (ki + kj) * jnp.float32(0.5)
            ssum = wi + wj
            ssum = jnp.where(ssum == jnp.float32(0.0), jnp.float32(jnp.inf),
                             ssum)
            ldel = (-cons - a * lv) / (ssum + a)
            lout_v[pl.ds(g16 * LANES, LANES)] = lv + ldel
            rn = jnp.where(dsq > jnp.float32(0.0), rinv, jnp.float32(jnp.inf))
            fi = wi * ldel * rn
            fj = -(wj * ldel * rn)
            plsc.store_scatter(ci_v, [gv, rowv, ccol[0]], fi * dx)
            plsc.store_scatter(ci_v, [gv, rowv, ccol[1]], fi * dy)
            plsc.store_scatter(ci_v, [gv, rowv, ccol[2]], fi * dz)
            plsc.store_scatter(cj_v, [gv, rowv, ccol[0]], fj * dx)
            plsc.store_scatter(cj_v, [gv, rowv, ccol[1]], fj * dy)
            plsc.store_scatter(cj_v, [gv, rowv, ccol[2]], fj * dz)

    def store(chunk, bufs):
        idx = bufs[0]
        lout_v, ci_v, cj_v = bufs[5:8]
        ss = bufs[9]
        ebase = chunk * CE
        pltpu.async_copy(lout_v, l_out.at[pl.ds(ebase, CE)], ss)
        for g in range(NSUB):
            pltpu.sync_copy(ci_v.at[g], acc.at[idx.at[g]], add=True)
            pltpu.sync_copy(cj_v.at[g], acc.at[idx.at[NSUB + g]], add=True)

    def lout_wait(chunk, bufs):
        lout_v = bufs[5]
        ss = bufs[9]
        ebase = chunk * CE
        pltpu.make_async_copy(lout_v, l_out.at[pl.ds(ebase, CE)], ss).wait()

    def wchunk(t):
        return t * NW + w

    load_start(wchunk(0), A)

    def body(p, _):
        c0 = 2 * p
        c1 = 2 * p + 1

        load_start(wchunk(c1), B)
        load_wait(wchunk(c0), A)

        @pl.when(p >= 1)
        def _():
            lout_wait(wchunk(c0 - 2), A)

        compute(A)
        store(wchunk(c0), A)

        @pl.when(p < NP - 1)
        def _():
            load_start(wchunk(c0 + 2), A)

        load_wait(wchunk(c1), B)

        @pl.when(p >= 1)
        def _():
            lout_wait(wchunk(c1 - 2), B)

        compute(B)
        store(wchunk(c1), B)
        return 0

    lax.fori_loop(0, NP, body, 0)

    lout_wait(wchunk(BASE_CHUNKS - 2), A)
    lout_wait(wchunk(BASE_CHUNKS - 1), B)

    @pl.when(w < EXTRA)
    def _():
        extra_chunk = BASE_CHUNKS * NW + w
        load_start(extra_chunk, A)
        load_wait(extra_chunk, A)
        compute(A)
        store(extra_chunk, A)
        lout_wait(extra_chunk, A)

    plsc.subcore_barrier()

    @pl.when(s == 0)
    def _():
        pltpu.sync_copy(acc, parts.at[c])


def _combine_body(vp_ref, p0_ref, p1_ref, o_ref):
    o_ref[...] = vp_ref[...] + p0_ref[...] + p1_ref[...]


def _combine(v_pad, parts):
    vp = v_pad.reshape(N * 4 // 128, 128)
    p0 = parts[0].reshape(N * 4 // 128, 128)
    p1 = parts[1].reshape(N * 4 // 128, 128)
    out = pl.pallas_call(
        _combine_body,
        out_shape=jax.ShapeDtypeStruct((N * 4 // 128, 128), jnp.float32),
    )(vp, p0, p1)
    return out.reshape(N, 4)[:, :3]


def kernel(V_predict, L, V_w, V_compliance, C_dist, C_init_d):
    tab = jnp.concatenate(
        [V_predict, V_w, V_compliance, jnp.zeros((N, 3), jnp.float32)], axis=1)
    idx_hbm = (C_dist.reshape(NCHUNK, NSUB, SUB, 2)
               .transpose(0, 3, 1, 2)
               .reshape(NCHUNK * 2 * NSUB, SUB))
    zeros_hbm = jnp.zeros((N, 4), jnp.float32)
    parts, l_new = _sc_solve(tab, idx_hbm, L.reshape(E), C_init_d.reshape(E),
                             zeros_hbm)
    v_pad = jnp.concatenate([V_predict, jnp.zeros((N, 1), jnp.float32)], axis=1)
    v_out = _combine(v_pad, parts)
    return (v_out, l_new.reshape(E, 1))

# --- scband reference (transcript-rebuilt; emitter-appended) ---
"""Pipeline reference for scband-project-c-dist-12610023981116 (READ-ONLY COPY).

The authoritative reference and input builder live on the scoring server;
editing this copy changes nothing except your own understanding.
"""

import jax, jax.numpy as jnp
import numpy as np

N_NODES = 100000
N_EDGES = 6400000


def setup_inputs(seed: int = 0) -> dict:
    key = jax.random.key(seed)
    k1, k2, k3, k4, k5 = jax.random.split(key, 5)
    V_predict = jax.random.normal(k1, (N_NODES, 3), dtype=jnp.float32)
    L = jnp.zeros((N_EDGES, 1), dtype=jnp.float32)
    # __init__ buffers (detached clones in the torch module)
    V_w = jax.random.uniform(k2, (N_NODES, 1), dtype=jnp.float32)
    V_compliance = jax.random.uniform(k3, (N_NODES, 1), dtype=jnp.float32)
    C_dist = jax.random.randint(k4, (N_EDGES, 2), 0, N_NODES, dtype=jnp.int32)
    C_init_d = jax.random.uniform(k5, (N_EDGES, 1), dtype=jnp.float32)
    return {
        "V_predict": V_predict,
        "L": L,
        "V_w": V_w,
        "V_compliance": V_compliance,
        "C_dist": C_dist,
        "C_init_d": C_init_d,
    }


def reference(V_predict, L, V_w, V_compliance, C_dist, C_init_d):
    i = C_dist[:, 0]
    j = C_dist[:, 1]
    # gather endpoint positions (SparseCore gather)
    Nvec = jnp.take(V_predict, i, axis=0) - jnp.take(V_predict, j, axis=0)
    D = jnp.linalg.norm(Nvec, ord=2, axis=1, keepdims=True)
    C = D - C_init_d
    N_norm = Nvec / D
    A = (jnp.take(V_compliance, i, axis=0) + jnp.take(V_compliance, j, axis=0)) / 2.0
    S = jnp.take(V_w, i, axis=0) + jnp.take(V_w, j, axis=0)
    S = jnp.where(S == 0.0, jnp.inf, S)
    L_delta = (-C - A * L) / (S + A)
    L_new = L + L_delta
    # scatter position corrections back to vertices (SparseCore scatter-add)
    wi = jnp.take(V_w, i, axis=0)
    wj = jnp.take(V_w, j, axis=0)
    V_predict_new = V_predict
    V_predict_new = V_predict_new.at[i].add(wi * L_delta * N_norm)
    V_predict_new = V_predict_new.at[j].add(-(wj * L_delta * N_norm))
    return (V_predict_new, L_new)

if __name__ == "__main__":
    import jax
    _d = setup_inputs()
    print(jax.jit(kernel)(*tuple(_d.values())))

</pallas_src>

<mosaic_0001>
#map = affine_map<(d0, d1) -> (0, 0)>
#map1 = affine_map<(d0, d1) -> (0)>
#map2 = affine_map<(d0, d1) -> (0, 0, 0)>
module attributes {stable_mosaic.version = 14 : i64} {
  func.func @_sc_solve(%arg0: i32, %arg1: i32, %arg2: memref<100000x8xf32, #tpu.memory_space<hbm>>, %arg3: memref<100000x128xi32, #tpu.memory_space<hbm>>, %arg4: memref<6400000xf32, #tpu.memory_space<hbm>>, %arg5: memref<6400000xf32, #tpu.memory_space<hbm>>, %arg6: memref<100000x4xf32, #tpu.memory_space<hbm>>, %arg7: memref<2x100000x4xf32, #tpu.memory_space<hbm>>, %arg8: memref<6400000xf32, #tpu.memory_space<hbm>>, %arg9: memref<10x128xi32, #tpu.memory_space<vmem>>, %arg10: memref<5x128x8xf32, #tpu.memory_space<vmem>>, %arg11: memref<5x128x8xf32, #tpu.memory_space<vmem>>, %arg12: memref<640xf32, #tpu.memory_space<vmem>>, %arg13: memref<640xf32, #tpu.memory_space<vmem>>, %arg14: memref<640xf32, #tpu.memory_space<vmem>>, %arg15: memref<5x128x4xf32, #tpu.memory_space<vmem>>, %arg16: memref<5x128x4xf32, #tpu.memory_space<vmem>>, %arg17: memref<!tpu.dma_semaphore, #tpu.memory_space<semaphore_mem>>, %arg18: memref<!tpu.dma_semaphore, #tpu.memory_space<semaphore_mem>>, %arg19: memref<10x128xi32, #tpu.memory_space<vmem>>, %arg20: memref<5x128x8xf32, #tpu.memory_space<vmem>>, %arg21: memref<5x128x8xf32, #tpu.memory_space<vmem>>, %arg22: memref<640xf32, #tpu.memory_space<vmem>>, %arg23: memref<640xf32, #tpu.memory_space<vmem>>, %arg24: memref<640xf32, #tpu.memory_space<vmem>>, %arg25: memref<5x128x4xf32, #tpu.memory_space<vmem>>, %arg26: memref<5x128x4xf32, #tpu.memory_space<vmem>>, %arg27: memref<!tpu.dma_semaphore, #tpu.memory_space<semaphore_mem>>, %arg28: memref<!tpu.dma_semaphore, #tpu.memory_space<semaphore_mem>>, %arg29: memref<100000x4xf32, #tpu.memory_space<vmem_shared>>) attributes {dimension_semantics = [#tpu.dimension_semantics<core_parallel>, #tpu.dimension_semantics<subcore_parallel>], iteration_bounds = array<i64: 2, 16>, scalar_prefetch = 0 : i64, scratch_operands = 21 : i64, tpu.core_type = #tpu.core_type<sc_vector_subcore>, window_params = [{transform_indices = #map}, {transform_indices = #map}, {transform_indices = #map1}, {transform_indices = #map1}, {transform_indices = #map}, {transform_indices = #map2}, {transform_indices = #map1}]} {
    %mul3A = arith.constant 2 : i32
    %mul3A_0 = arith.muli %arg1, %mul3A : i32
    %add3A = arith.addi %mul3A_0, %arg0 : i32
    %eq3A = arith.constant 0 : i32
    %eq3A_1 = arith.cmpi eq, %arg1, %eq3A : i32
    %convert_element_type3A = arith.extui %eq3A_1 : i1 to i32
    %cond3A = arith.constant 0 : i32
    %cond3A_2 = arith.cmpi ne, %convert_element_type3A, %cond3A : i32
    scf.if %cond3A_2 {
      "tpu.region"() ({
        %run_scoped3A = tpu.sem_alloc : memref<!tpu.dma_semaphore, #tpu.memory_space<semaphore_mem>>
        tpu.enqueue_dma source(%arg6 : memref<100000x4xf32, #tpu.memory_space<hbm>>) target(%arg29 : memref<100000x4xf32, #tpu.memory_space<vmem_shared>>) target_semaphore(%run_scoped3A : memref<!tpu.dma_semaphore, #tpu.memory_space<semaphore_mem>>)
        tpu.wait_dma2 semaphore(%run_scoped3A : memref<!tpu.dma_semaphore, #tpu.memory_space<semaphore_mem>>) src(%arg6 : memref<100000x4xf32, #tpu.memory_space<hbm>>) dst(%arg29 : memref<100000x4xf32, #tpu.memory_space<vmem_shared>>)
        tpu.yield
      }) : () -> ()
    } else {
    }
    %barrier3A = arith.constant 0 : index
    tpu.barrier barrier_id(%barrier3A)
    %iota3A = tpu.iota {dimensions = array<i32: 0>} : vector<16xi32>
    %broadcast_in_dim3A = arith.constant 0 : i32
    %broadcast_in_dim3A_3 = vector.broadcast %broadcast_in_dim3A : i32 to vector<16xi32>
    %broadcast_in_dim3A_4 = arith.constant 1 : i32
    %broadcast_in_dim3A_5 = vector.broadcast %broadcast_in_dim3A_4 : i32 to vector<16xi32>
    %broadcast_in_dim3A_6 = arith.constant 2 : i32
    %broadcast_in_dim3A_7 = vector.broadcast %broadcast_in_dim3A_6 : i32 to vector<16xi32>
    %broadcast_in_dim3A_8 = arith.constant 3 : i32
    %broadcast_in_dim3A_9 = vector.broadcast %broadcast_in_dim3A_8 : i32 to vector<16xi32>
    %broadcast_in_dim3A_10 = arith.constant 4 : i32
    %broadcast_in_dim3A_11 = vector.broadcast %broadcast_in_dim3A_10 : i32 to vector<16xi32>
    %broadcast_in_dim3A_12 = arith.constant 0 : i32
    %broadcast_in_dim3A_13 = vector.broadcast %broadcast_in_dim3A_12 : i32 to vector<16xi32>
    %broadcast_in_dim3A_14 = arith.constant 1 : i32
    %broadcast_in_dim3A_15 = vector.broadcast %broadcast_in_dim3A_14 : i32 to vector<16xi32>
    %broadcast_in_dim3A_16 = arith.constant 2 : i32
    %broadcast_in_dim3A_17 = vector.broadcast %broadcast_in_dim3A_16 : i32 to vector<16xi32>
    %add3A_18 = arith.constant 0 : i32
    %add3A_19 = arith.addi %add3A_18, %add3A : i32
    %mul3A_20 = arith.constant 640 : i32
    %mul3A_21 = arith.muli %add3A_19, %mul3A_20 : i32
    %mul3A_22 = arith.constant 2 : i32
    %mul3A_23 = arith.muli %add3A_19, %mul3A_22 : i32
    %mul3A_24 = arith.constant 5 : i32
    %mul3A_25 = arith.muli %mul3A_23, %mul3A_24 : i32
    "tpu.region"() ({
      %run_scoped3A = tpu.sem_alloc : memref<!tpu.dma_semaphore, #tpu.memory_space<semaphore_mem>>
      %dma_start3A_176 = arith.constant 0 : i32
      %dma_start3A_177 = tpu.memref_slice %arg3[%mul3A_25, %dma_start3A_176] : memref<100000x128xi32, #tpu.memory_space<hbm>> -> memref<10x128xi32, #tpu.memory_space<hbm>>
      %dma_start3A_178 = arith.constant 0 : i32
      %dma_start3A_179 = tpu.memref_slice %arg3[%mul3A_25, %dma_start3A_178] : memref<100000x128xi32, #tpu.memory_space<hbm>> -> memref<10x128xi32, #tpu.memory_space<hbm>>
      tpu.enqueue_dma source(%dma_start3A_179 : memref<10x128xi32, #tpu.memory_space<hbm>>) target(%arg9 : memref<10x128xi32, #tpu.memory_space<vmem>>) target_semaphore(%run_scoped3A : memref<!tpu.dma_semaphore, #tpu.memory_space<semaphore_mem>>)
      %dma_wait3A_180 = arith.constant 0 : i32
      %dma_wait3A_181 = tpu.memref_slice %arg3[%mul3A_25, %dma_wait3A_180] : memref<100000x128xi32, #tpu.memory_space<hbm>> -> memref<10x128xi32, #tpu.memory_space<hbm>>
      %dma_wait3A_182 = arith.constant 0 : i32
      %dma_wait3A_183 = tpu.memref_slice %arg3[%mul3A_25, %dma_wait3A_182] : memref<100000x128xi32, #tpu.memory_space<hbm>> -> memref<10x128xi32, #tpu.memory_space<hbm>>
      tpu.wait_dma2 semaphore(%run_scoped3A : memref<!tpu.dma_semaphore, #tpu.memory_space<semaphore_mem>>) src(%dma_wait3A_183 : memref<10x128xi32, #tpu.memory_space<hbm>>) dst(%arg9 : memref<10x128xi32, #tpu.memory_space<vmem>>)
      tpu.yield
    }) : () -> ()
    %dma_start3A = tpu.memref_slice %arg4[%mul3A_21] : memref<6400000xf32, #tpu.memory_space<hbm>> -> memref<640xf32, #tpu.memory_space<hbm>>
    %dma_start3A_26 = tpu.memref_slice %arg4[%mul3A_21] : memref<6400000xf32, #tpu.memory_space<hbm>> -> memref<640xf32, #tpu.memory_space<hbm>>
    tpu.enqueue_dma source(%dma_start3A_26 : memref<640xf32, #tpu.memory_space<hbm>>) target(%arg12 : memref<640xf32, #tpu.memory_space<vmem>>) target_semaphore(%arg17 : memref<!tpu.dma_semaphore, #tpu.memory_space<semaphore_mem>>)
    %dma_start3A_27 = tpu.memref_slice %arg5[%mul3A_21] : memref<6400000xf32, #tpu.memory_space<hbm>> -> memref<640xf32, #tpu.memory_space<hbm>>
    %dma_start3A_28 = tpu.memref_slice %arg5[%mul3A_21] : memref<6400000xf32, #tpu.memory_space<hbm>> -> memref<640xf32, #tpu.memory_space<hbm>>
    tpu.enqueue_dma source(%dma_start3A_28 : memref<640xf32, #tpu.memory_space<hbm>>) target(%arg13 : memref<640xf32, #tpu.memory_space<vmem>>) target_semaphore(%arg17 : memref<!tpu.dma_semaphore, #tpu.memory_space<semaphore_mem>>)
    %dma_start3A_29 = arith.constant 0 : i32
    %dma_start3A_30 = arith.constant 0 : i32
    %dma_start3A_31 = arith.constant 0 : i32
    %dma_start3A_32 = arith.constant 0 : i32
    %dma_start3A_33 = tpu.memref_slice %arg10[%dma_start3A_30, %dma_start3A_31, %dma_start3A_32] : memref<5x128x8xf32, #tpu.memory_space<vmem>> -> memref<1x128x8xf32, #tpu.memory_space<vmem>>
    %dma_start3A_34 = tpu.memref_squeeze %dma_start3A_33 : memref<1x128x8xf32, #tpu.memory_space<vmem>> -> memref<128x8xf32, #tpu.memory_space<vmem>>
    %dma_start3A_35 = arith.constant 0 : i32
    %dma_start3A_36 = tpu.memref_slice %arg9[%dma_start3A_29, %dma_start3A_35] : memref<10x128xi32, #tpu.memory_space<vmem>> -> memref<1x128xi32, #tpu.memory_space<vmem>>
    %dma_start3A_37 = tpu.memref_squeeze %dma_start3A_36 : memref<1x128xi32, #tpu.memory_space<vmem>> -> memref<128xi32, #tpu.memory_space<vmem>>
    %dma_start3A_38 = arith.constant 0 : i32
    %dma_start3A_39 = arith.constant 0 : i32
    %dma_start3A_40 = tpu.memref_slice %arg2[%dma_start3A_38, %dma_start3A_39] : memref<100000x8xf32, #tpu.memory_space<hbm>> -> memref<100000x8xf32, #tpu.memory_space<hbm>>
    tpu.enqueue_indirect_dma source(%dma_start3A_40 : memref<100000x8xf32, #tpu.memory_space<hbm>>) target(%dma_start3A_34 : memref<128x8xf32, #tpu.memory_space<vmem>>) offsets(%dma_start3A_37 : memref<128xi32, #tpu.memory_space<vmem>>) semaphore(%arg17 : memref<!tpu.dma_semaphore, #tpu.memory_space<semaphore_mem>>)
    %dma_start3A_41 = arith.constant 5 : i32
    %dma_start3A_42 = arith.constant 0 : i32
    %dma_start3A_43 = arith.constant 0 : i32
    %dma_start3A_44 = arith.constant 0 : i32
    %dma_start3A_45 = tpu.memref_slice %arg11[%dma_start3A_42, %dma_start3A_43, %dma_start3A_44] : memref<5x128x8xf32, #tpu.memory_space<vmem>> -> memref<1x128x8xf32, #tpu.memory_space<vmem>>
    %dma_start3A_46 = tpu.memref_squeeze %dma_start3A_45 : memref<1x128x8xf32, #tpu.memory_space<vmem>> -> memref<128x8xf32, #tpu.memory_space<vmem>>
    %dma_start3A_47 = arith.constant 0 : i32
    %dma_start3A_48 = tpu.memref_slice %arg9[%dma_start3A_41, %dma_start3A_47] : memref<10x128xi32, #tpu.memory_space<vmem>> -> memref<1x128xi32, #tpu.memory_space<vmem>>
    %dma_start3A_49 = tpu.memref_squeeze %dma_start3A_48 : memref<1x128xi32, #tpu.memory_space<vmem>> -> memref<128xi32, #tpu.memory_space<vmem>>
    %dma_start3A_50 = arith.constant 0 : i32
    %dma_start3A_51 = arith.constant 0 : i32
    %dma_start3A_52 = tpu.memref_slice %arg2[%dma_start3A_50, %dma_start3A_51] : memref<100000x8xf32, #tpu.memory_space<hbm>> -> memref<100000x8xf32, #tpu.memory_space<hbm>>
    tpu.enqueue_indirect_dma source(%dma_start3A_52 : memref<100000x8xf32, #tpu.memory_space<hbm>>) target(%dma_start3A_46 : memref<128x8xf32, #tpu.memory_space<vmem>>) offsets(%dma_start3A_49 : memref<128xi32, #tpu.memory_space<vmem>>) semaphore(%arg17 : memref<!tpu.dma_semaphore, #tpu.memory_space<semaphore_mem>>)
    %dma_start3A_53 = arith.constant 1 : i32
    %dma_start3A_54 = arith.constant 1 : i32
    %dma_start3A_55 = arith.constant 0 : i32
    %dma_start3A_56 = arith.constant 0 : i32
    %dma_start3A_57 = tpu.memref_slice %arg10[%dma_start3A_54, %dma_start3A_55, %dma_start3A_56] : memref<5x128x8xf32, #tpu.memory_space<vmem>> -> memref<1x128x8xf32, #tpu.memory_space<vmem>>
    %dma_start3A_58 = tpu.memref_squeeze %dma_start3A_57 : memref<1x128x8xf32, #tpu.memory_space<vmem>> -> memref<128x8xf32, #tpu.memory_space<vmem>>
    %dma_start3A_59 = arith.constant 0 : i32
    %dma_start3A_60 = tpu.memref_slice %arg9[%dma_start3A_53, %dma_start3A_59] : memref<10x128xi32, #tpu.memory_space<vmem>> -> memref<1x128xi32, #tpu.memory_space<vmem>>
    %dma_start3A_61 = tpu.memref_squeeze %dma_start3A_60 : memref<1x128xi32, #tpu.memory_space<vmem>> -> memref<128xi32, #tpu.memory_space<vmem>>
    %dma_start3A_62 = arith.constant 0 : i32
    %dma_start3A_63 = arith.constant 0 : i32
    %dma_start3A_64 = tpu.memref_slice %arg2[%dma_start3A_62, %dma_start3A_63] : memref<100000x8xf32, #tpu.memory_space<hbm>> -> memref<100000x8xf32, #tpu.memory_space<hbm>>
    tpu.enqueue_indirect_dma source(%dma_start3A_64 : memref<100000x8xf32, #tpu.memory_space<hbm>>) target(%dma_start3A_58 : memref<128x8xf32, #tpu.memory_space<vmem>>) offsets(%dma_start3A_61 : memref<128xi32, #tpu.memory_space<vmem>>) semaphore(%arg17 : memref<!tpu.dma_semaphore, #tpu.memory_space<semaphore_mem>>)
    %dma_start3A_65 = arith.constant 6 : i32
    %dma_start3A_66 = arith.constant 1 : i32
    %dma_start3A_67 = arith.constant 0 : i32
    %dma_start3A_68 = arith.constant 0 : i32
    %dma_start3A_69 = tpu.memref_slice %arg11[%dma_start3A_66, %dma_start3A_67, %dma_start3A_68] : memref<5x128x8xf32, #tpu.memory_space<vmem>> -> memref<1x128x8xf32, #tpu.memory_space<vmem>>
    %dma_start3A_70 = tpu.memref_squeeze %dma_start3A_69 : memref<1x128x8xf32, #tpu.memory_space<vmem>> -> memref<128x8xf32, #tpu.memory_space<vmem>>
    %dma_start3A_71 = arith.constant 0 : i32
    %dma_start3A_72 = tpu.memref_slice %arg9[%dma_start3A_65, %dma_start3A_71] : memref<10x128xi32, #tpu.memory_space<vmem>> -> memref<1x128xi32, #tpu.memory_space<vmem>>
    %dma_start3A_73 = tpu.memref_squeeze %dma_start3A_72 : memref<1x128xi32, #tpu.memory_space<vmem>> -> memref<128xi32, #tpu.memory_space<vmem>>
    %dma_start3A_74 = arith.constant 0 : i32
    %dma_start3A_75 = arith.constant 0 : i32
    %dma_start3A_76 = tpu.memref_slice %arg2[%dma_start3A_74, %dma_start3A_75] : memref<100000x8xf32, #tpu.memory_space<hbm>> -> memref<100000x8xf32, #tpu.memory_space<hbm>>
    tpu.enqueue_indirect_dma source(%dma_start3A_76 : memref<100000x8xf32, #tpu.memory_space<hbm>>) target(%dma_start3A_70 : memref<128x8xf32, #tpu.memory_space<vmem>>) offsets(%dma_start3A_73 : memref<128xi32, #tpu.memory_space<vmem>>) semaphore(%arg17 : memref<!tpu.dma_semaphore, #tpu.memory_space<semaphore_mem>>)
    %dma_start3A_77 = arith.constant 2 : i32
    %dma_start3A_78 = arith.constant 2 : i32
    %dma_start3A_79 = arith.constant 0 : i32
    %dma_start3A_80 = arith.constant 0 : i32
    %dma_start3A_81 = tpu.memref_slice %arg10[%dma_start3A_78, %dma_start3A_79, %dma_start3A_80] : memref<5x128x8xf32, #tpu.memory_space<vmem>> -> memref<1x128x8xf32, #tpu.memory_space<vmem>>
    %dma_start3A_82 = tpu.memref_squeeze %dma_start3A_81 : memref<1x128x8xf32, #tpu.memory_space<vmem>> -> memref<128x8xf32, #tpu.memory_space<vmem>>
    %dma_start3A_83 = arith.constant 0 : i32
    %dma_start3A_84 = tpu.memref_slice %arg9[%dma_start3A_77, %dma_start3A_83] : memref<10x128xi32, #tpu.memory_space<vmem>> -> memref<1x128xi32, #tpu.memory_space<vmem>>
    %dma_start3A_85 = tpu.memref_squeeze %dma_start3A_84 : memref<1x128xi32, #tpu.memory_space<vmem>> -> memref<128xi32, #tpu.memory_space<vmem>>
    %dma_start3A_86 = arith.constant 0 : i32
    %dma_start3A_87 = arith.constant 0 : i32
    %dma_start3A_88 = tpu.memref_slice %arg2[%dma_start3A_86, %dma_start3A_87] : memref<100000x8xf32, #tpu.memory_space<hbm>> -> memref<100000x8xf32, #tpu.memory_space<hbm>>
    tpu.enqueue_indirect_dma source(%dma_start3A_88 : memref<100000x8xf32, #tpu.memory_space<hbm>>) target(%dma_start3A_82 : memref<128x8xf32, #tpu.memory_space<vmem>>) offsets(%dma_start3A_85 : memref<128xi32, #tpu.memory_space<vmem>>) semaphore(%arg17 : memref<!tpu.dma_semaphore, #tpu.memory_space<semaphore_mem>>)
    %dma_start3A_89 = arith.constant 7 : i32
    %dma_start3A_90 = arith.constant 2 : i32
    %dma_start3A_91 = arith.constant 0 : i32
    %dma_start3A_92 = arith.constant 0 : i32
    %dma_start3A_93 = tpu.memref_slice %arg11[%dma_start3A_90, %dma_start3A_91, %dma_start3A_92] : memref<5x128x8xf32, #tpu.memory_space<vmem>> -> memref<1x128x8xf32, #tpu.memory_space<vmem>>
    %dma_start3A_94 = tpu.memref_squeeze %dma_start3A_93 : memref<1x128x8xf32, #tpu.memory_space<vmem>> -> memref<128x8xf32, #tpu.memory_space<vmem>>
    %dma_start3A_95 = arith.constant 0 : i32
    %dma_start3A_96 = tpu.memref_slice %arg9[%dma_start3A_89, %dma_start3A_95] : memref<10x128xi32, #tpu.memory_space<vmem>> -> memref<1x128xi32, #tpu.memory_space<vmem>>
    %dma_start3A_97 = tpu.memref_squeeze %dma_start3A_96 : memref<1x128xi32, #tpu.memory_space<vmem>> -> memref<128xi32, #tpu.memory_space<vmem>>
    %dma_start3A_98 = arith.constant 0 : i32
    %dma_start3A_99 = arith.constant 0 : i32
    %dma_start3A_100 = tpu.memref_slice %arg2[%dma_start3A_98, %dma_start3A_99] : memref<100000x8xf32, #tpu.memory_space<hbm>> -> memref<100000x8xf32, #tpu.memory_space<hbm>>
    tpu.enqueue_indirect_dma source(%dma_start3A_100 : memref<100000x8xf32, #tpu.memory_space<hbm>>) target(%dma_start3A_94 : memref<128x8xf32, #tpu.memory_space<vmem>>) offsets(%dma_start3A_97 : memref<128xi32, #tpu.memory_space<vmem>>) semaphore(%arg17 : memref<!tpu.dma_semaphore, #tpu.memory_space<semaphore_mem>>)
    %dma_start3A_101 = arith.constant 3 : i32
    %dma_start3A_102 = arith.constant 3 : i32
    %dma_start3A_103 = arith.constant 0 : i32
    %dma_start3A_104 = arith.constant 0 : i32
    %dma_start3A_105 = tpu.memref_slice %arg10[%dma_start3A_102, %dma_start3A_103, %dma_start3A_104] : memref<5x128x8xf32, #tpu.memory_space<vmem>> -> memref<1x128x8xf32, #tpu.memory_space<vmem>>
    %dma_start3A_106 = tpu.memref_squeeze %dma_start3A_105 : memref<1x128x8xf32, #tpu.memory_space<vmem>> -> memref<128x8xf32, #tpu.memory_space<vmem>>
    %dma_start3A_107 = arith.constant 0 : i32
    %dma_start3A_108 = tpu.memref_slice %arg9[%dma_start3A_101, %dma_start3A_107] : memref<10x128xi32, #tpu.memory_space<vmem>> -> memref<1x128xi32, #tpu.memory_space<vmem>>
    %dma_start3A_109 = tpu.memref_squeeze %dma_start3A_108 : memref<1x128xi32, #tpu.memory_space<vmem>> -> memref<128xi32, #tpu.memory_space<vmem>>
    %dma_start3A_110 = arith.constant 0 : i32
    %dma_start3A_111 = arith.constant 0 : i32
    %dma_start3A_112 = tpu.memref_slice %arg2[%dma_start3A_110, %dma_start3A_111] : memref<100000x8xf32, #tpu.memory_space<hbm>> -> memref<100000x8xf32, #tpu.memory_space<hbm>>
    tpu.enqueue_indirect_dma source(%dma_start3A_112 : memref<100000x8xf32, #tpu.memory_space<hbm>>) target(%dma_start3A_106 : memref<128x8xf32, #tpu.memory_space<vmem>>) offsets(%dma_start3A_109 : memref<128xi32, #tpu.memory_space<vmem>>) semaphore(%arg17 : memref<!tpu.dma_semaphore, #tpu.memory_space<semaphore_mem>>)
    %dma_start3A_113 = arith.constant 8 : i32
    %dma_start3A_114 = arith.constant 3 : i32
    %dma_start3A_115 = arith.constant 0 : i32
    %dma_start3A_116 = arith.constant 0 : i32
    %dma_start3A_117 = tpu.memref_slice %arg11[%dma_start3A_114, %dma_start3A_115, %dma_start3A_116] : memref<5x128x8xf32, #tpu.memory_space<vmem>> -> memref<1x128x8xf32, #tpu.memory_space<vmem>>
    %dma_start3A_118 = tpu.memref_squeeze %dma_start3A_117 : memref<1x128x8xf32, #tpu.memory_space<vmem>> -> memref<128x8xf32, #tpu.memory_space<vmem>>
    %dma_start3A_119 = arith.constant 0 : i32
    %dma_start3A_120 = tpu.memref_slice %arg9[%dma_start3A_113, %dma_start3A_119] : memref<10x128xi32, #tpu.memory_space<vmem>> -> memref<1x128xi32, #tpu.memory_space<vmem>>
    %dma_start3A_121 = tpu.memref_squeeze %dma_start3A_120 : memref<1x128xi32, #tpu.memory_space<vmem>> -> memref<128xi32, #tpu.memory_space<vmem>>
    %dma_start3A_122 = arith.constant 0 : i32
    %dma_start3A_123 = arith.constant 0 : i32
    %dma_start3A_124 = tpu.memref_slice %arg2[%dma_start3A_122, %dma_start3A_123] : memref<100000x8xf32, #tpu.memory_space<hbm>> -> memref<100000x8xf32, #tpu.memory_space<hbm>>
    tpu.enqueue_indirect_dma source(%dma_start3A_124 : memref<100000x8xf32, #tpu.memory_space<hbm>>) target(%dma_start3A_118 : memref<128x8xf32, #tpu.memory_space<vmem>>) offsets(%dma_start3A_121 : memref<128xi32, #tpu.memory_space<vmem>>) semaphore(%arg17 : memref<!tpu.dma_semaphore, #tpu.memory_space<semaphore_mem>>)
    %dma_start3A_125 = arith.constant 4 : i32
    %dma_start3A_126 = arith.constant 4 : i32
    %dma_start3A_127 = arith.constant 0 : i32
    %dma_start3A_128 = arith.constant 0 : i32
    %dma_start3A_129 = tpu.memref_slice %arg10[%dma_start3A_126, %dma_start3A_127, %dma_start3A_128] : memref<5x128x8xf32, #tpu.memory_space<vmem>> -> memref<1x128x8xf32, #tpu.memory_space<vmem>>
    %dma_start3A_130 = tpu.memref_squeeze %dma_start3A_129 : memref<1x128x8xf32, #tpu.memory_space<vmem>> -> memref<128x8xf32, #tpu.memory_space<vmem>>
    %dma_start3A_131 = arith.constant 0 : i32
    %dma_start3A_132 = tpu.memref_slice %arg9[%dma_start3A_125, %dma_start3A_131] : memref<10x128xi32, #tpu.memory_space<vmem>> -> memref<1x128xi32, #tpu.memory_space<vmem>>
    %dma_start3A_133 = tpu.memref_squeeze %dma_start3A_132 : memref<1x128xi32, #tpu.memory_space<vmem>> -> memref<128xi32, #tpu.memory_space<vmem>>
    %dma_start3A_134 = arith.constant 0 : i32
    %dma_start3A_135 = arith.constant 0 : i32
    %dma_start3A_136 = tpu.memref_slice %arg2[%dma_start3A_134, %dma_start3A_135] : memref<100000x8xf32, #tpu.memory_space<hbm>> -> memref<100000x8xf32, #tpu.memory_space<hbm>>
    tpu.enqueue_indirect_dma source(%dma_start3A_136 : memref<100000x8xf32, #tpu.memory_space<hbm>>) target(%dma_start3A_130 : memref<128x8xf32, #tpu.memory_space<vmem>>) offsets(%dma_start3A_133 : memref<128xi32, #tpu.memory_space<vmem>>) semaphore(%arg17 : memref<!tpu.dma_semaphore, #tpu.memory_space<semaphore_mem>>)
    %dma_start3A_137 = arith.constant 9 : i32
    %dma_start3A_138 = arith.constant 4 : i32
    %dma_start3A_139 = arith.constant 0 : i32
    %dma_start3A_140 = arith.constant 0 : i32
    %dma_start3A_141 = tpu.memref_slice %arg11[%dma_start3A_138, %dma_start3A_139, %dma_start3A_140] : memref<5x128x8xf32, #tpu.memory_space<vmem>> -> memref<1x128x8xf32, #tpu.memory_space<vmem>>
    %dma_start3A_142 = tpu.memref_squeeze %dma_start3A_141 : memref<1x128x8xf32, #tpu.memory_space<vmem>> -> memref<128x8xf32, #tpu.memory_space<vmem>>
    %dma_start3A_143 = arith.constant 0 : i32
    %dma_start3A_144 = tpu.memref_slice %arg9[%dma_start3A_137, %dma_start3A_143] : memref<10x128xi32, #tpu.memory_space<vmem>> -> memref<1x128xi32, #tpu.memory_space<vmem>>
    %dma_start3A_145 = tpu.memref_squeeze %dma_start3A_144 : memref<1x128xi32, #tpu.memory_space<vmem>> -> memref<128xi32, #tpu.memory_space<vmem>>
    %dma_start3A_146 = arith.constant 0 : i32
    %dma_start3A_147 = arith.constant 0 : i32
    %dma_start3A_148 = tpu.memref_slice %arg2[%dma_start3A_146, %dma_start3A_147] : memref<100000x8xf32, #tpu.memory_space<hbm>> -> memref<100000x8xf32, #tpu.memory_space<hbm>>
    tpu.enqueue_indirect_dma source(%dma_start3A_148 : memref<100000x8xf32, #tpu.memory_space<hbm>>) target(%dma_start3A_142 : memref<128x8xf32, #tpu.memory_space<vmem>>) offsets(%dma_start3A_145 : memref<128xi32, #tpu.memory_space<vmem>>) semaphore(%arg17 : memref<!tpu.dma_semaphore, #tpu.memory_space<semaphore_mem>>)
    %scan3A = arith.constant 0 : i32
    %scan3A_149 = arith.constant 0 : i32
    %scan3A_150 = arith.constant 156 : i32
    %scan3A_151 = arith.addi %scan3A_149, %scan3A_150 : i32
    %scan3A_152 = arith.constant 1 : i32
    %scan3A_153 = scf.for %scan3A_176 = %scan3A_149 to %scan3A_151 step %scan3A_152 iter_args(%scan3A_177 = %scan3A) -> (i32)  : i32 {
      %mul3A_178 = arith.constant 2 : i32
      %mul3A_179 = arith.muli %mul3A_178, %scan3A_176 : i32
      %mul3A_180 = arith.constant 2 : i32
      %mul3A_181 = arith.muli %mul3A_180, %scan3A_176 : i32
      %add3A_182 = arith.constant 1 : i32
      %add3A_183 = arith.addi %mul3A_181, %add3A_182 : i32
      %mul3A_184 = arith.constant 32 : i32
      %mul3A_185 = arith.muli %add3A_183, %mul3A_184 : i32
      %add3A_186 = arith.addi %mul3A_185, %add3A : i32
      %mul3A_187 = arith.constant 640 : i32
      %mul3A_188 = arith.muli %add3A_186, %mul3A_187 : i32
      %mul3A_189 = arith.constant 2 : i32
      %mul3A_190 = arith.muli %add3A_186, %mul3A_189 : i32
      %mul3A_191 = arith.constant 5 : i32
      %mul3A_192 = arith.muli %mul3A_190, %mul3A_191 : i32
      "tpu.region"() ({
        %run_scoped3A_648 = tpu.sem_alloc : memref<!tpu.dma_semaphore, #tpu.memory_space<semaphore_mem>>
        %dma_start3A_649 = arith.constant 0 : i32
        %dma_start3A_650 = tpu.memref_slice %arg3[%mul3A_192, %dma_start3A_649] : memref<100000x128xi32, #tpu.memory_space<hbm>> -> memref<10x128xi32, #tpu.memory_space<hbm>>
        %dma_start3A_651 = arith.constant 0 : i32
        %dma_start3A_652 = tpu.memref_slice %arg3[%mul3A_192, %dma_start3A_651] : memref<100000x128xi32, #tpu.memory_space<hbm>> -> memref<10x128xi32, #tpu.memory_space<hbm>>
        tpu.enqueue_dma source(%dma_start3A_652 : memref<10x128xi32, #tpu.memory_space<hbm>>) target(%arg19 : memref<10x128xi32, #tpu.memory_space<vmem>>) target_semaphore(%run_scoped3A_648 : memref<!tpu.dma_semaphore, #tpu.memory_space<semaphore_mem>>)
        %dma_wait3A_653 = arith.constant 0 : i32
        %dma_wait3A_654 = tpu.memref_slice %arg3[%mul3A_192, %dma_wait3A_653] : memref<100000x128xi32, #tpu.memory_space<hbm>> -> memref<10x128xi32, #tpu.memory_space<hbm>>
        %dma_wait3A_655 = arith.constant 0 : i32
        %dma_wait3A_656 = tpu.memref_slice %arg3[%mul3A_192, %dma_wait3A_655] : memref<100000x128xi32, #tpu.memory_space<hbm>> -> memref<10x128xi32, #tpu.memory_space<hbm>>
        tpu.wait_dma2 semaphore(%run_scoped3A_648 : memref<!tpu.dma_semaphore, #tpu.memory_space<semaphore_mem>>) src(%dma_wait3A_656 : memref<10x128xi32, #tpu.memory_space<hbm>>) dst(%arg19 : memref<10x128xi32, #tpu.memory_space<vmem>>)
        tpu.yield
      }) : () -> ()
      %dma_start3A_193 = tpu.memref_slice %arg4[%mul3A_188] : memref<6400000xf32, #tpu.memory_space<hbm>> -> memref<640xf32, #tpu.memory_space<hbm>>
      %dma_start3A_194 = tpu.memref_slice %arg4[%mul3A_188] : memref<6400000xf32, #tpu.memory_space<hbm>> -> memref<640xf32, #tpu.memory_space<hbm>>
      tpu.enqueue_dma source(%dma_start3A_194 : memref<640xf32, #tpu.memory_space<hbm>>) target(%arg22 : memref<640xf32, #tpu.memory_space<vmem>>) target_semaphore(%arg27 : memref<!tpu.dma_semaphore, #tpu.memory_space<semaphore_mem>>)
      %dma_start3A_195 = tpu.memref_slice %arg5[%mul3A_188] : memref<6400000xf32, #tpu.memory_space<hbm>> -> memref<640xf32, #tpu.memory_space<hbm>>
      %dma_start3A_196 = tpu.memref_slice %arg5[%mul3A_188] : memref<6400000xf32, #tpu.memory_space<hbm>> -> memref<640xf32, #tpu.memory_space<hbm>>
      tpu.enqueue_dma source(%dma_start3A_196 : memref<640xf32, #tpu.memory_space<hbm>>) target(%arg23 : memref<640xf32, #tpu.memory_space<vmem>>) target_semaphore(%arg27 : memref<!tpu.dma_semaphore, #tpu.memory_space<semaphore_mem>>)
      %dma_start3A_197 = arith.constant 0 : i32
      %dma_start3A_198 = arith.constant 0 : i32
      %dma_start3A_199 = arith.constant 0 : i32
      %dma_start3A_200 = arith.constant 0 : i32
      %dma_start3A_201 = tpu.memref_slice %arg20[%dma_start3A_198, %dma_start3A_199, %dma_start3A_200] : memref<5x128x8xf32, #tpu.memory_space<vmem>> -> memref<1x128x8xf32, #tpu.memory_space<vmem>>
      %dma_start3A_202 = tpu.memref_squeeze %dma_start3A_201 : memref<1x128x8xf32, #tpu.memory_space<vmem>> -> memref<128x8xf32, #tpu.memory_space<vmem>>
      %dma_start3A_203 = arith.constant 0 : i32
      %dma_start3A_204 = tpu.memref_slice %arg19[%dma_start3A_197, %dma_start3A_203] : memref<10x128xi32, #tpu.memory_space<vmem>> -> memref<1x128xi32, #tpu.memory_space<vmem>>
      %dma_start3A_205 = tpu.memref_squeeze %dma_start3A_204 : memref<1x128xi32, #tpu.memory_space<vmem>> -> memref<128xi32, #tpu.memory_space<vmem>>
      %dma_start3A_206 = arith.constant 0 : i32
      %dma_start3A_207 = arith.constant 0 : i32
      %dma_start3A_208 = tpu.memref_slice %arg2[%dma_start3A_206, %dma_start3A_207] : memref<100000x8xf32, #tpu.memory_space<hbm>> -> memref<100000x8xf32, #tpu.memory_space<hbm>>
      tpu.enqueue_indirect_dma source(%dma_start3A_208 : memref<100000x8xf32, #tpu.memory_space<hbm>>) target(%dma_start3A_202 : memref<128x8xf32, #tpu.memory_space<vmem>>) offsets(%dma_start3A_205 : memref<128xi32, #tpu.memory_space<vmem>>) semaphore(%arg27 : memref<!tpu.dma_semaphore, #tpu.memory_space<semaphore_mem>>)
      %dma_start3A_209 = arith.constant 5 : i32
      %dma_start3A_210 = arith.constant 0 : i32
      %dma_start3A_211 = arith.constant 0 : i32
      %dma_start3A_212 = arith.constant 0 : i32
      %dma_start3A_213 = tpu.memref_slice %arg21[%dma_start3A_210, %dma_start3A_211, %dma_start3A_212] : memref<5x128x8xf32, #tpu.memory_space<vmem>> -> memref<1x128x8xf32, #tpu.memory_space<vmem>>
      %dma_start3A_214 = tpu.memref_squeeze %dma_start3A_213 : memref<1x128x8xf32, #tpu.memory_space<vmem>> -> memref<128x8xf32, #tpu.memory_space<vmem>>
      %dma_start3A_215 = arith.constant 0 : i32
      %dma_start3A_216 = tpu.memref_slice %arg19[%dma_start3A_209, %dma_start3A_215] : memref<10x128xi32, #tpu.memory_space<vmem>> -> memref<1x128xi32, #tpu.memory_space<vmem>>
      %dma_start3A_217 = tpu.memref_squeeze %dma_start3A_216 : memref<1x128xi32, #tpu.memory_space<vmem>> -> memref<128xi32, #tpu.memory_space<vmem>>
      %dma_start3A_218 = arith.constant 0 : i32
      %dma_start3A_219 = arith.constant 0 : i32
      %dma_start3A_220 = tpu.memref_slice %arg2[%dma_start3A_218, %dma_start3A_219] : memref<100000x8xf32, #tpu.memory_space<hbm>> -> memref<100000x8xf32, #tpu.memory_space<hbm>>
      tpu.enqueue_indirect_dma source(%dma_start3A_220 : memref<100000x8xf32, #tpu.memory_space<hbm>>) target(%dma_start3A_214 : memref<128x8xf32, #tpu.memory_space<vmem>>) offsets(%dma_start3A_217 : memref<128xi32, #tpu.memory_space<vmem>>) semaphore(%arg27 : memref<!tpu.dma_semaphore, #tpu.memory_space<semaphore_mem>>)
      %dma_start3A_221 = arith.constant 1 : i32
      %dma_start3A_222 = arith.constant 1 : i32
      %dma_start3A_223 = arith.constant 0 : i32
      %dma_start3A_224 = arith.constant 0 : i32
      %dma_start3A_225 = tpu.memref_slice %arg20[%dma_start3A_222, %dma_start3A_223, %dma_start3A_224] : memref<5x128x8xf32, #tpu.memory_space<vmem>> -> memref<1x128x8xf32, #tpu.memory_space<vmem>>
      %dma_start3A_226 = tpu.memref_squeeze %dma_start3A_225 : memref<1x128x8xf32, #tpu.memory_space<vmem>> -> memref<128x8xf32, #tpu.memory_space<vmem>>
      %dma_start3A_227 = arith.constant 0 : i32
      %dma_start3A_228 = tpu.memref_slice %arg19[%dma_start3A_221, %dma_start3A_227] : memref<10x128xi32, #tpu.memory_space<vmem>> -> memref<1x128xi32, #tpu.memory_space<vmem>>
      %dma_start3A_229 = tpu.memref_squeeze %dma_start3A_228 : memref<1x128xi32, #tpu.memory_space<vmem>> -> memref<128xi32, #tpu.memory_space<vmem>>
      %dma_start3A_230 = arith.constant 0 : i32
      %dma_start3A_231 = arith.constant 0 : i32
      %dma_start3A_232 = tpu.memref_slice %arg2[%dma_start3A_230, %dma_start3A_231] : memref<100000x8xf32, #tpu.memory_space<hbm>> -> memref<100000x8xf32, #tpu.memory_space<hbm>>
      tpu.enqueue_indirect_dma source(%dma_start3A_232 : memref<100000x8xf32, #tpu.memory_space<hbm>>) target(%dma_start3A_226 : memref<128x8xf32, #tpu.memory_space<vmem>>) offsets(%dma_start3A_229 : memref<128xi32, #tpu.memory_space<vmem>>) semaphore(%arg27 : memref<!tpu.dma_semaphore, #tpu.memory_space<semaphore_mem>>)
      %dma_start3A_233 = arith.constant 6 : i32
      %dma_start3A_234 = arith.constant 1 : i32
      %dma_start3A_235 = arith.constant 0 : i32
      %dma_start3A_236 = arith.constant 0 : i32
      %dma_start3A_237 = tpu.memref_slice %arg21[%dma_start3A_234, %dma_start3A_235, %dma_start3A_236] : memref<5x128x8xf32, #tpu.memory_space<vmem>> -> memref<1x128x8xf32, #tpu.memory_space<vmem>>
      %dma_start3A_238 = tpu.memref_squeeze %dma_start3A_237 : memref<1x128x8xf32, #tpu.memory_space<vmem>> -> memref<128x8xf32, #tpu.memory_space<vmem>>
      %dma_start3A_239 = arith.constant 0 : i32
      %dma_start3A_240 = tpu.memref_slice %arg19[%dma_start3A_233, %dma_start3A_239] : memref<10x128xi32, #tpu.memory_space<vmem>> -> memref<1x128xi32, #tpu.memory_space<vmem>>
      %dma_start3A_241 = tpu.memref_squeeze %dma_start3A_240 : memref<1x128xi32, #tpu.memory_space<vmem>> -> memref<128xi32, #tpu.memory_space<vmem>>
      %dma_start3A_242 = arith.constant 0 : i32
      %dma_start3A_243 = arith.constant 0 : i32
      %dma_start3A_244 = tpu.memref_slice %arg2[%dma_start3A_242, %dma_start3A_243] : memref<100000x8xf32, #tpu.memory_space<hbm>> -> memref<100000x8xf32, #tpu.memory_space<hbm>>
      tpu.enqueue_indirect_dma source(%dma_start3A_244 : memref<100000x8xf32, #tpu.memory_space<hbm>>) target(%dma_start3A_238 : memref<128x8xf32, #tpu.memory_space<vmem>>) offsets(%dma_start3A_241 : memref<128xi32, #tpu.memory_space<vmem>>) semaphore(%arg27 : memref<!tpu.dma_semaphore, #tpu.memory_space<semaphore_mem>>)
      %dma_start3A_245 = arith.constant 2 : i32
      %dma_start3A_246 = arith.constant 2 : i32
      %dma_start3A_247 = arith.constant 0 : i32
      %dma_start3A_248 = arith.constant 0 : i32
      %dma_start3A_249 = tpu.memref_slice %arg20[%dma_start3A_246, %dma_start3A_247, %dma_start3A_248] : memref<5x128x8xf32, #tpu.memory_space<vmem>> -> memref<1x128x8xf32, #tpu.memory_space<vmem>>
      %dma_start3A_250 = tpu.memref_squeeze %dma_start3A_249 : memref<1x128x8xf32, #tpu.memory_space<vmem>> -> memref<128x8xf32, #tpu.memory_space<vmem>>
      %dma_start3A_251 = arith.constant 0 : i32
      %dma_start3A_252 = tpu.memref_slice %arg19[%dma_start3A_245, %dma_start3A_251] : memref<10x128xi32, #tpu.memory_space<vmem>> -> memref<1x128xi32, #tpu.memory_space<vmem>>
      %dma_start3A_253 = tpu.memref_squeeze %dma_start3A_252 : memref<1x128xi32, #tpu.memory_space<vmem>> -> memref<128xi32, #tpu.memory_space<vmem>>
      %dma_start3A_254 = arith.constant 0 : i32
      %dma_start3A_255 = arith.constant 0 : i32
      %dma_start3A_256 = tpu.memref_slice %arg2[%dma_start3A_254, %dma_start3A_255] : memref<100000x8xf32, #tpu.memory_space<hbm>> -> memref<100000x8xf32, #tpu.memory_space<hbm>>
      tpu.enqueue_indirect_dma source(%dma_start3A_256 : memref<100000x8xf32, #tpu.memory_space<hbm>>) target(%dma_start3A_250 : memref<128x8xf32, #tpu.memory_space<vmem>>) offsets(%dma_start3A_253 : memref<128xi32, #tpu.memory_space<vmem>>) semaphore(%arg27 : memref<!tpu.dma_semaphore, #tpu.memory_space<semaphore_mem>>)
      %dma_start3A_257 = arith.constant 7 : i32
      %dma_start3A_258 = arith.constant 2 : i32
      %dma_start3A_259 = arith.constant 0 : i32
      %dma_start3A_260 = arith.constant 0 : i32
      %dma_start3A_261 = tpu.memref_slice %arg21[%dma_start3A_258, %dma_start3A_259, %dma_start3A_260] : memref<5x128x8xf32, #tpu.memory_space<vmem>> -> memref<1x128x8xf32, #tpu.memory_space<vmem>>
      %dma_start3A_262 = tpu.memref_squeeze %dma_start3A_261 : memref<1x128x8xf32, #tpu.memory_space<vmem>> -> memref<128x8xf32, #tpu.memory_space<vmem>>
      %dma_start3A_263 = arith.constant 0 : i32
      %dma_start3A_264 = tpu.memref_slice %arg19[%dma_start3A_257, %dma_start3A_263] : memref<10x128xi32, #tpu.memory_space<vmem>> -> memref<1x128xi32, #tpu.memory_space<vmem>>
      %dma_start3A_265 = tpu.memref_squeeze %dma_start3A_264 : memref<1x128xi32, #tpu.memory_space<vmem>> -> memref<128xi32, #tpu.memory_space<vmem>>
      %dma_start3A_266 = arith.constant 0 : i32
      %dma_start3A_267 = arith.constant 0 : i32
      %dma_start3A_268 = tpu.memref_slice %arg2[%dma_start3A_266, %dma_start3A_267] : memref<100000x8xf32, #tpu.memory_space<hbm>> -> memref<100000x8xf32, #tpu.memory_space<hbm>>
      tpu.enqueue_indirect_dma source(%dma_start3A_268 : memref<100000x8xf32, #tpu.memory_space<hbm>>) target(%dma_start3A_262 : memref<128x8xf32, #tpu.memory_space<vmem>>) offsets(%dma_start3A_265 : memref<128xi32, #tpu.memory_space<vmem>>) semaphore(%arg27 : memref<!tpu.dma_semaphore, #tpu.memory_space<semaphore_mem>>)
      %dma_start3A_269 = arith.constant 3 : i32
      %dma_start3A_270 = arith.constant 3 : i32
      %dma_start3A_271 = arith.constant 0 : i32
      %dma_start3A_272 = arith.constant 0 : i32
      %dma_start3A_273 = tpu.memref_slice %arg20[%dma_start3A_270, %dma_start3A_271, %dma_start3A_272] : memref<5x128x8xf32, #tpu.memory_space<vmem>> -> memref<1x128x8xf32, #tpu.memory_space<vmem>>
      %dma_start3A_274 = tpu.memref_squeeze %dma_start3A_273 : memref<1x128x8xf32, #tpu.memory_space<vmem>> -> memref<128x8xf32, #tpu.memory_space<vmem>>
      %dma_start3A_275 = arith.constant 0 : i32
      %dma_start3A_276 = tpu.memref_slice %arg19[%dma_start3A_269, %dma_start3A_275] : memref<10x128xi32, #tpu.memory_space<vmem>> -> memref<1x128xi32, #tpu.memory_space<vmem>>
      %dma_start3A_277 = tpu.memref_squeeze %dma_start3A_276 : memref<1x128xi32, #tpu.memory_space<vmem>> -> memref<128xi32, #tpu.memory_space<vmem>>
      %dma_start3A_278 = arith.constant 0 : i32
      %dma_start3A_279 = arith.constant 0 : i32
      %dma_start3A_280 = tpu.memref_slice %arg2[%dma_start3A_278, %dma_start3A_279] : memref<100000x8xf32, #tpu.memory_space<hbm>> -> memref<100000x8xf32, #tpu.memory_space<hbm>>
      tpu.enqueue_indirect_dma source(%dma_start3A_280 : memref<100000x8xf32, #tpu.memory_space<hbm>>) target(%dma_start3A_274 : memref<128x8xf32, #tpu.memory_space<vmem>>) offsets(%dma_start3A_277 : memref<128xi32, #tpu.memory_space<vmem>>) semaphore(%arg27 : memref<!tpu.dma_semaphore, #tpu.memory_space<semaphore_mem>>)
      %dma_start3A_281 = arith.constant 8 : i32
      %dma_start3A_282 = arith.constant 3 : i32
      %dma_start3A_283 = arith.constant 0 : i32
      %dma_start3A_284 = arith.constant 0 : i32
      %dma_start3A_285 = tpu.memref_slice %arg21[%dma_start3A_282, %dma_start3A_283, %dma_start3A_284] : memref<5x128x8xf32, #tpu.memory_space<vmem>> -> memref<1x128x8xf32, #tpu.memory_space<vmem>>
      %dma_start3A_286 = tpu.memref_squeeze %dma_start3A_285 : memref<1x128x8xf32, #tpu.memory_space<vmem>> -> memref<128x8xf32, #tpu.memory_space<vmem>>
      %dma_start3A_287 = arith.constant 0 : i32
      %dma_start3A_288 = tpu.memref_slice %arg19[%dma_start3A_281, %dma_start3A_287] : memref<10x128xi32, #tpu.memory_space<vmem>> -> memref<1x128xi32, #tpu.memory_space<vmem>>
      %dma_start3A_289 = tpu.memref_squeeze %dma_start3A_288 : memref<1x128xi32, #tpu.memory_space<vmem>> -> memref<128xi32, #tpu.memory_space<vmem>>
      %dma_start3A_290 = arith.constant 0 : i32
      %dma_start3A_291 = arith.constant 0 : i32
      %dma_start3A_292 = tpu.memref_slice %arg2[%dma_start3A_290, %dma_start3A_291] : memref<100000x8xf32, #tpu.memory_space<hbm>> -> memref<100000x8xf32, #tpu.memory_space<hbm>>
      tpu.enqueue_indirect_dma source(%dma_start3A_292 : memref<100000x8xf32, #tpu.memory_space<hbm>>) target(%dma_start3A_286 : memref<128x8xf32, #tpu.memory_space<vmem>>) offsets(%dma_start3A_289 : memref<128xi32, #tpu.memory_space<vmem>>) semaphore(%arg27 : memref<!tpu.dma_semaphore, #tpu.memory_space<semaphore_mem>>)
      %dma_start3A_293 = arith.constant 4 : i32
      %dma_start3A_294 = arith.constant 4 : i32
      %dma_start3A_295 = arith.constant 0 : i32
      %dma_start3A_296 = arith.constant 0 : i32
      %dma_start3A_297 = tpu.memref_slice %arg20[%dma_start3A_294, %dma_start3A_295, %dma_start3A_296] : memref<5x128x8xf32, #tpu.memory_space<vmem>> -> memref<1x128x8xf32, #tpu.memory_space<vmem>>
      %dma_start3A_298 = tpu.memref_squeeze %dma_start3A_297 : memref<1x128x8xf32, #tpu.memory_space<vmem>> -> memref<128x8xf32, #tpu.memory_space<vmem>>
      %dma_start3A_299 = arith.constant 0 : i32
      %dma_start3A_300 = tpu.memref_slice %arg19[%dma_start3A_293, %dma_start3A_299] : memref<10x128xi32, #tpu.memory_space<vmem>> -> memref<1x128xi32, #tpu.memory_space<vmem>>
      %dma_start3A_301 = tpu.memref_squeeze %dma_start3A_300 : memref<1x128xi32, #tpu.memory_space<vmem>> -> memref<128xi32, #tpu.memory_space<vmem>>
      %dma_start3A_302 = arith.constant 0 : i32
      %dma_start3A_303 = arith.constant 0 : i32
      %dma_start3A_304 = tpu.memref_slice %arg2[%dma_start3A_302, %dma_start3A_303] : memref<100000x8xf32, #tpu.memory_space<hbm>> -> memref<100000x8xf32, #tpu.memory_space<hbm>>
      tpu.enqueue_indirect_dma source(%dma_start3A_304 : memref<100000x8xf32, #tpu.memory_space<hbm>>) target(%dma_start3A_298 : memref<128x8xf32, #tpu.memory_space<vmem>>) offsets(%dma_start3A_301 : memref<128xi32, #tpu.memory_space<vmem>>) semaphore(%arg27 : memref<!tpu.dma_semaphore, #tpu.memory_space<semaphore_mem>>)
      %dma_start3A_305 = arith.constant 9 : i32
      %dma_start3A_306 = arith.constant 4 : i32
      %dma_start3A_307 = arith.constant 0 : i32
      %dma_start3A_308 = arith.constant 0 : i32
      %dma_start3A_309 = tpu.memref_slice %arg21[%dma_start3A_306, %dma_start3A_307, %dma_start3A_308] : memref<5x128x8xf32, #tpu.memory_space<vmem>> -> memref<1x128x8xf32, #tpu.memory_space<vmem>>
      %dma_start3A_310 = tpu.memref_squeeze %dma_start3A_309 : memref<1x128x8xf32, #tpu.memory_space<vmem>> -> memref<128x8xf32, #tpu.memory_space<vmem>>
      %dma_start3A_311 = arith.constant 0 : i32
      %dma_start3A_312 = tpu.memref_slice %arg19[%dma_start3A_305, %dma_start3A_311] : memref<10x128xi32, #tpu.memory_space<vmem>> -> memref<1x128xi32, #tpu.memory_space<vmem>>
      %dma_start3A_313 = tpu.memref_squeeze %dma_start3A_312 : memref<1x128xi32, #tpu.memory_space<vmem>> -> memref<128xi32, #tpu.memory_space<vmem>>
      %dma_start3A_314 = arith.constant 0 : i32
      %dma_start3A_315 = arith.constant 0 : i32
      %dma_start3A_316 = tpu.memref_slice %arg2[%dma_start3A_314, %dma_start3A_315] : memref<100000x8xf32, #tpu.memory_space<hbm>> -> memref<100000x8xf32, #tpu.memory_space<hbm>>
      tpu.enqueue_indirect_dma source(%dma_start3A_316 : memref<100000x8xf32, #tpu.memory_space<hbm>>) target(%dma_start3A_310 : memref<128x8xf32, #tpu.memory_space<vmem>>) offsets(%dma_start3A_313 : memref<128xi32, #tpu.memory_space<vmem>>) semaphore(%arg27 : memref<!tpu.dma_semaphore, #tpu.memory_space<semaphore_mem>>)
      %mul3A_317 = arith.constant 32 : i32
      %mul3A_318 = arith.muli %mul3A_179, %mul3A_317 : i32
      %add3A_319 = arith.addi %mul3A_318, %add3A : i32
      %mul3A_320 = arith.constant 640 : i32
      %mul3A_321 = arith.muli %add3A_319, %mul3A_320 : i32
      %dma_wait3A_322 = tpu.memref_slice %arg4[%mul3A_321] : memref<6400000xf32, #tpu.memory_space<hbm>> -> memref<640xf32, #tpu.memory_space<hbm>>
      %dma_wait3A_323 = tpu.memref_slice %arg4[%mul3A_321] : memref<6400000xf32, #tpu.memory_space<hbm>> -> memref<640xf32, #tpu.memory_space<hbm>>
      tpu.wait_dma2 semaphore(%arg17 : memref<!tpu.dma_semaphore, #tpu.memory_space<semaphore_mem>>) src(%dma_wait3A_323 : memref<640xf32, #tpu.memory_space<hbm>>) dst(%arg12 : memref<640xf32, #tpu.memory_space<vmem>>)
      %dma_wait3A_324 = tpu.memref_slice %arg5[%mul3A_321] : memref<6400000xf32, #tpu.memory_space<hbm>> -> memref<640xf32, #tpu.memory_space<hbm>>
      %dma_wait3A_325 = tpu.memref_slice %arg5[%mul3A_321] : memref<6400000xf32, #tpu.memory_space<hbm>> -> memref<640xf32, #tpu.memory_space<hbm>>
      tpu.wait_dma2 semaphore(%arg17 : memref<!tpu.dma_semaphore, #tpu.memory_space<semaphore_mem>>) src(%dma_wait3A_325 : memref<640xf32, #tpu.memory_space<hbm>>) dst(%arg13 : memref<640xf32, #tpu.memory_space<vmem>>)
      %dma_wait3A_326 = arith.constant 0 : i32
      %dma_wait3A_327 = arith.constant 0 : i32
      %dma_wait3A_328 = arith.constant 0 : i32
      %dma_wait3A_329 = arith.constant 0 : i32
      %dma_wait3A_330 = tpu.memref_slice %arg10[%dma_wait3A_327, %dma_wait3A_328, %dma_wait3A_329] : memref<5x128x8xf32, #tpu.memory_space<vmem>> -> memref<1x128x8xf32, #tpu.memory_space<vmem>>
      %dma_wait3A_331 = tpu.memref_squeeze %dma_wait3A_330 : memref<1x128x8xf32, #tpu.memory_space<vmem>> -> memref<128x8xf32, #tpu.memory_space<vmem>>
      %dma_wait3A_332 = arith.constant 0 : i32
      %dma_wait3A_333 = tpu.memref_slice %arg9[%dma_wait3A_326, %dma_wait3A_332] : memref<10x128xi32, #tpu.memory_space<vmem>> -> memref<1x128xi32, #tpu.memory_space<vmem>>
      %dma_wait3A_334 = tpu.memref_squeeze %dma_wait3A_333 : memref<1x128xi32, #tpu.memory_space<vmem>> -> memref<128xi32, #tpu.memory_space<vmem>>
      %dma_wait3A_335 = arith.constant 0 : i32
      %dma_wait3A_336 = arith.constant 0 : i32
      %dma_wait3A_337 = tpu.memref_slice %arg2[%dma_wait3A_335, %dma_wait3A_336] : memref<100000x8xf32, #tpu.memory_space<hbm>> -> memref<100000x8xf32, #tpu.memory_space<hbm>>
      tpu.wait_indirect_dma semaphore(%arg17 : memref<!tpu.dma_semaphore, #tpu.memory_space<semaphore_mem>>) src(%dma_wait3A_337 : memref<100000x8xf32, #tpu.memory_space<hbm>>) dst(%dma_wait3A_331 : memref<128x8xf32, #tpu.memory_space<vmem>>)
      %dma_wait3A_338 = arith.constant 5 : i32
      %dma_wait3A_339 = arith.constant 0 : i32
      %dma_wait3A_340 = arith.constant 0 : i32
      %dma_wait3A_341 = arith.constant 0 : i32
      %dma_wait3A_342 = tpu.memref_slice %arg11[%dma_wait3A_339, %dma_wait3A_340, %dma_wait3A_341] : memref<5x128x8xf32, #tpu.memory_space<vmem>> -> memref<1x128x8xf32, #tpu.memory_space<vmem>>
      %dma_wait3A_343 = tpu.memref_squeeze %dma_wait3A_342 : memref<1x128x8xf32, #tpu.memory_space<vmem>> -> memref<128x8xf32, #tpu.memory_space<vmem>>
      %dma_wait3A_344 = arith.constant 0 : i32
      %dma_wait3A_345 = tpu.memref_slice %arg9[%dma_wait3A_338, %dma_wait3A_344] : memref<10x128xi32, #tpu.memory_space<vmem>> -> memref<1x128xi32, #tpu.memory_space<vmem>>
      %dma_wait3A_346 = tpu.memref_squeeze %dma_wait3A_345 : memref<1x128xi32, #tpu.memory_space<vmem>> -> memref<128xi32, #tpu.memory_space<vmem>>
      %dma_wait3A_347 = arith.constant 0 : i32
      %dma_wait3A_348 = arith.constant 0 : i32
      %dma_wait3A_349 = tpu.memref_slice %arg2[%dma_wait3A_347, %dma_wait3A_348] : memref<100000x8xf32, #tpu.memory_space<hbm>> -> memref<100000x8xf32, #tpu.memory_space<hbm>>
      tpu.wait_indirect_dma semaphore(%arg17 : memref<!tpu.dma_semaphore, #tpu.memory_space<semaphore_mem>>) src(%dma_wait3A_349 : memref<100000x8xf32, #tpu.memory_space<hbm>>) dst(%dma_wait3A_343 : memref<128x8xf32, #tpu.memory_space<vmem>>)
      %dma_wait3A_350 = arith.constant 1 : i32
      %dma_wait3A_351 = arith.constant 1 : i32
      %dma_wait3A_352 = arith.constant 0 : i32
      %dma_wait3A_353 = arith.constant 0 : i32
      %dma_wait3A_354 = tpu.memref_slice %arg10[%dma_wait3A_351, %dma_wait3A_352, %dma_wait3A_353] : memref<5x128x8xf32, #tpu.memory_space<vmem>> -> memref<1x128x8xf32, #tpu.memory_space<vmem>>
      %dma_wait3A_355 = tpu.memref_squeeze %dma_wait3A_354 : memref<1x128x8xf32, #tpu.memory_space<vmem>> -> memref<128x8xf32, #tpu.memory_space<vmem>>
      %dma_wait3A_356 = arith.constant 0 : i32
      %dma_wait3A_357 = tpu.memref_slice %arg9[%dma_wait3A_350, %dma_wait3A_356] : memref<10x128xi32, #tpu.memory_space<vmem>> -> memref<1x128xi32, #tpu.memory_space<vmem>>
      %dma_wait3A_358 = tpu.memref_squeeze %dma_wait3A_357 : memref<1x128xi32, #tpu.memory_space<vmem>> -> memref<128xi32, #tpu.memory_space<vmem>>
      %dma_wait3A_359 = arith.constant 0 : i32
      %dma_wait3A_360 = arith.constant 0 : i32
      %dma_wait3A_361 = tpu.memref_slice %arg2[%dma_wait3A_359, %dma_wait3A_360] : memref<100000x8xf32, #tpu.memory_space<hbm>> -> memref<100000x8xf32, #tpu.memory_space<hbm>>
      tpu.wait_indirect_dma semaphore(%arg17 : memref<!tpu.dma_semaphore, #tpu.memory_space<semaphore_mem>>) src(%dma_wait3A_361 : memref<100000x8xf32, #tpu.memory_space<hbm>>) dst(%dma_wait3A_355 : memref<128x8xf32, #tpu.memory_space<vmem>>)
      %dma_wait3A_362 = arith.constant 6 : i32
      %dma_wait3A_363 = arith.constant 1 : i32
      %dma_wait3A_364 = arith.constant 0 : i32
      %dma_wait3A_365 = arith.constant 0 : i32
      %dma_wait3A_366 = tpu.memref_slice %arg11[%dma_wait3A_363, %dma_wait3A_364, %dma_wait3A_365] : memref<5x128x8xf32, #tpu.memory_space<vmem>> -> memref<1x128x8xf32, #tpu.memory_space<vmem>>
      %dma_wait3A_367 = tpu.memref_squeeze %dma_wait3A_366 : memref<1x128x8xf32, #tpu.memory_space<vmem>> -> memref<128x8xf32, #tpu.memory_space<vmem>>
      %dma_wait3A_368 = arith.constant 0 : i32
      %dma_wait3A_369 = tpu.memref_slice %arg9[%dma_wait3A_362, %dma_wait3A_368] : memref<10x128xi32, #tpu.memory_space<vmem>> -> memref<1x128xi32, #tpu.memory_space<vmem>>
      %dma_wait3A_370 = tpu.memref_squeeze %dma_wait3A_369 : memref<1x128xi32, #tpu.memory_space<vmem>> -> memref<128xi32, #tpu.memory_space<vmem>>
      %dma_wait3A_371 = arith.constant 0 : i32
      %dma_wait3A_372 = arith.constant 0 : i32
      %dma_wait3A_373 = tpu.memref_slice %arg2[%dma_wait3A_371, %dma_wait3A_372] : memref<100000x8xf32, #tpu.memory_space<hbm>> -> memref<100000x8xf32, #tpu.memory_space<hbm>>
      tpu.wait_indirect_dma semaphore(%arg17 : memref<!tpu.dma_semaphore, #tpu.memory_space<semaphore_mem>>) src(%dma_wait3A_373 : memref<100000x8xf32, #tpu.memory_space<hbm>>) dst(%dma_wait3A_367 : memref<128x8xf32, #tpu.memory_space<vmem>>)
      %dma_wait3A_374 = arith.constant 2 : i32
      %dma_wait3A_375 = arith.constant 2 : i32
      %dma_wait3A_376 = arith.constant 0 : i32
      %dma_wait3A_377 = arith.constant 0 : i32
      %dma_wait3A_378 = tpu.memref_slice %arg10[%dma_wait3A_375, %dma_wait3A_376, %dma_wait3A_377] : memref<5x128x8xf32, #tpu.memory_space<vmem>> -> memref<1x128x8xf32, #tpu.memory_space<vmem>>
      %dma_wait3A_379 = tpu.memref_squeeze %dma_wait3A_378 : memref<1x128x8xf32, #tpu.memory_space<vmem>> -> memref<128x8xf32, #tpu.memory_space<vmem>>
      %dma_wait3A_380 = arith.constant 0 : i32
      %dma_wait3A_381 = tpu.memref_slice %arg9[%dma_wait3A_374, %dma_wait3A_380] : memref<10x128xi32, #tpu.memory_space<vmem>> -> memref<1x128xi32, #tpu.memory_space<vmem>>
      %dma_wait3A_382 = tpu.memref_squeeze %dma_wait3A_381 : memref<1x128xi32, #tpu.memory_space<vmem>> -> memref<128xi32, #tpu.memory_space<vmem>>
      %dma_wait3A_383 = arith.constant 0 : i32
      %dma_wait3A_384 = arith.constant 0 : i32
      %dma_wait3A_385 = tpu.memref_slice %arg2[%dma_wait3A_383, %dma_wait3A_384] : memref<100000x8xf32, #tpu.memory_space<hbm>> -> memref<100000x8xf32, #tpu.memory_space<hbm>>
      tpu.wait_indirect_dma semaphore(%arg17 : memref<!tpu.dma_semaphore, #tpu.memory_space<semaphore_mem>>) src(%dma_wait3A_385 : memref<100000x8xf32, #tpu.memory_space<hbm>>) dst(%dma_wait3A_379 : memref<128x8xf32, #tpu.memory_space<vmem>>)
      %dma_wait3A_386 = arith.constant 7 : i32
      %dma_wait3A_387 = arith.constant 2 : i32
      %dma_wait3A_388 = arith.constant 0 : i32
      %dma_wait3A_389 = arith.constant 0 : i32
      %dma_wait3A_390 = tpu.memref_slice %arg11[%dma_wait3A_387, %dma_wait3A_388, %dma_wait3A_389] : memref<5x128x8xf32, #tpu.memory_space<vmem>> -> memref<1x128x8xf32, #tpu.memory_space<vmem>>
      %dma_wait3A_391 = tpu.memref_squeeze %dma_wait3A_390 : memref<1x128x8xf32, #tpu.memory_space<vmem>> -> memref<128x8xf32, #tpu.memory_space<vmem>>
      %dma_wait3A_392 = arith.constant 0 : i32
      %dma_wait3A_393 = tpu.memref_slice %arg9[%dma_wait3A_386, %dma_wait3A_392] : memref<10x128xi32, #tpu.memory_space<vmem>> -> memref<1x128xi32, #tpu.memory_space<vmem>>
      %dma_wait3A_394 = tpu.memref_squeeze %dma_wait3A_393 : memref<1x128xi32, #tpu.memory_space<vmem>> -> memref<128xi32, #tpu.memory_space<vmem>>
      %dma_wait3A_395 = arith.constant 0 : i32
      %dma_wait3A_396 = arith.constant 0 : i32
      %dma_wait3A_397 = tpu.memref_slice %arg2[%dma_wait3A_395, %dma_wait3A_396] : memref<100000x8xf32, #tpu.memory_space<hbm>> -> memref<100000x8xf32, #tpu.memory_space<hbm>>
      tpu.wait_indirect_dma semaphore(%arg17 : memref<!tpu.dma_semaphore, #tpu.memory_space<semaphore_mem>>) src(%dma_wait3A_397 : memref<100000x8xf32, #tpu.memory_space<hbm>>) dst(%dma_wait3A_391 : memref<128x8xf32, #tpu.memory_space<vmem>>)
      %dma_wait3A_398 = arith.constant 3 : i32
      %dma_wait3A_399 = arith.constant 3 : i32
      %dma_wait3A_400 = arith.constant 0 : i32
      %dma_wait3A_401 = arith.constant 0 : i32
      %dma_wait3A_402 = tpu.memref_slice %arg10[%dma_wait3A_399, %dma_wait3A_400, %dma_wait3A_401] : memref<5x128x8xf32, #tpu.memory_space<vmem>> -> memref<1x128x8xf32, #tpu.memory_space<vmem>>
      %dma_wait3A_403 = tpu.memref_squeeze %dma_wait3A_402 : memref<1x128x8xf32, #tpu.memory_space<vmem>> -> memref<128x8xf32, #tpu.memory_space<vmem>>
      %dma_wait3A_404 = arith.constant 0 : i32
      %dma_wait3A_405 = tpu.memref_slice %arg9[%dma_wait3A_398, %dma_wait3A_404] : memref<10x128xi32, #tpu.memory_space<vmem>> -> memref<1x128xi32, #tpu.memory_space<vmem>>
      %dma_wait3A_406 = tpu.memref_squeeze %dma_wait3A_405 : memref<1x128xi32, #tpu.memory_space<vmem>> -> memref<128xi32, #tpu.memory_space<vmem>>
      %dma_wait3A_407 = arith.constant 0 : i32
      %dma_wait3A_408 = arith.constant 0 : i32
      %dma_wait3A_409 = tpu.memref_slice %arg2[%dma_wait3A_407, %dma_wait3A_408] : memref<100000x8xf32, #tpu.memory_space<hbm>> -> memref<100000x8xf32, #tpu.memory_space<hbm>>
      tpu.wait_indirect_dma semaphore(%arg17 : memref<!tpu.dma_semaphore, #tpu.memory_space<semaphore_mem>>) src(%dma_wait3A_409 : memref<100000x8xf32, #tpu.memory_space<hbm>>) dst(%dma_wait3A_403 : memref<128x8xf32, #tpu.memory_space<vmem>>)
      %dma_wait3A_410 = arith.constant 8 : i32
      %dma_wait3A_411 = arith.constant 3 : i32
      %dma_wait3A_412 = arith.constant 0 : i32
      %dma_wait3A_413 = arith.constant 0 : i32
      %dma_wait3A_414 = tpu.memref_slice %arg11[%dma_wait3A_411, %dma_wait3A_412, %dma_wait3A_413] : memref<5x128x8xf32, #tpu.memory_space<vmem>> -> memref<1x128x8xf32, #tpu.memory_space<vmem>>
      %dma_wait3A_415 = tpu.memref_squeeze %dma_wait3A_414 : memref<1x128x8xf32, #tpu.memory_space<vmem>> -> memref<128x8xf32, #tpu.memory_space<vmem>>
      %dma_wait3A_416 = arith.constant 0 : i32
      %dma_wait3A_417 = tpu.memref_slice %arg9[%dma_wait3A_410, %dma_wait3A_416] : memref<10x128xi32, #tpu.memory_space<vmem>> -> memref<1x128xi32, #tpu.memory_space<vmem>>
      %dma_wait3A_418 = tpu.memref_squeeze %dma_wait3A_417 : memref<1x128xi32, #tpu.memory_space<vmem>> -> memref<128xi32, #tpu.memory_space<vmem>>
      %dma_wait3A_419 = arith.constant 0 : i32
      %dma_wait3A_420 = arith.constant 0 : i32
      %dma_wait3A_421 = tpu.memref_slice %arg2[%dma_wait3A_419, %dma_wait3A_420] : memref<100000x8xf32, #tpu.memory_space<hbm>> -> memref<100000x8xf32, #tpu.memory_space<hbm>>
      tpu.wait_indirect_dma semaphore(%arg17 : memref<!tpu.dma_semaphore, #tpu.memory_space<semaphore_mem>>) src(%dma_wait3A_421 : memref<100000x8xf32, #tpu.memory_space<hbm>>) dst(%dma_wait3A_415 : memref<128x8xf32, #tpu.memory_space<vmem>>)
      %dma_wait3A_422 = arith.constant 4 : i32
      %dma_wait3A_423 = arith.constant 4 : i32
      %dma_wait3A_424 = arith.constant 0 : i32
      %dma_wait3A_425 = arith.constant 0 : i32
      %dma_wait3A_426 = tpu.memref_slice %arg10[%dma_wait3A_423, %dma_wait3A_424, %dma_wait3A_425] : memref<5x128x8xf32, #tpu.memory_space<vmem>> -> memref<1x128x8xf32, #tpu.memory_space<vmem>>
      %dma_wait3A_427 = tpu.memref_squeeze %dma_wait3A_426 : memref<1x128x8xf32, #tpu.memory_space<vmem>> -> memref<128x8xf32, #tpu.memory_space<vmem>>
      %dma_wait3A_428 = arith.constant 0 : i32
      %dma_wait3A_429 = tpu.memref_slice %arg9[%dma_wait3A_422, %dma_wait3A_428] : memref<10x128xi32, #tpu.memory_space<vmem>> -> memref<1x128xi32, #tpu.memory_space<vmem>>
      %dma_wait3A_430 = tpu.memref_squeeze %dma_wait3A_429 : memref<1x128xi32, #tpu.memory_space<vmem>> -> memref<128xi32, #tpu.memory_space<vmem>>
      %dma_wait3A_431 = arith.constant 0 : i32
      %dma_wait3A_432 = arith.constant 0 : i32
      %dma_wait3A_433 = tpu.memref_slice %arg2[%dma_wait3A_431, %dma_wait3A_432] : memref<100000x8xf32, #tpu.memory_space<hbm>> -> memref<100000x8xf32, #tpu.memory_space<hbm>>
      tpu.wait_indirect_dma semaphore(%arg17 : memref<!tpu.dma_semaphore, #tpu.memory_space<semaphore_mem>>) src(%dma_wait3A_433 : memref<100000x8xf32, #tpu.memory_space<hbm>>) dst(%dma_wait3A_427 : memref<128x8xf32, #tpu.memory_space<vmem>>)
      %dma_wait3A_434 = arith.constant 9 : i32
      %dma_wait3A_435 = arith.constant 4 : i32
      %dma_wait3A_436 = arith.constant 0 : i32
      %dma_wait3A_437 = arith.constant 0 : i32
      %dma_wait3A_438 = tpu.memref_slice %arg11[%dma_wait3A_435, %dma_wait3A_436, %dma_wait3A_437] : memref<5x128x8xf32, #tpu.memory_space<vmem>> -> memref<1x128x8xf32, #tpu.memory_space<vmem>>
      %dma_wait3A_439 = tpu.memref_squeeze %dma_wait3A_438 : memref<1x128x8xf32, #tpu.memory_space<vmem>> -> memref<128x8xf32, #tpu.memory_space<vmem>>
      %dma_wait3A_440 = arith.constant 0 : i32
      %dma_wait3A_441 = tpu.memref_slice %arg9[%dma_wait3A_434, %dma_wait3A_440] : memref<10x128xi32, #tpu.memory_space<vmem>> -> memref<1x128xi32, #tpu.memory_space<vmem>>
      %dma_wait3A_442 = tpu.memref_squeeze %dma_wait3A_441 : memref<1x128xi32, #tpu.memory_space<vmem>> -> memref<128xi32, #tpu.memory_space<vmem>>
      %dma_wait3A_443 = arith.constant 0 : i32
      %dma_wait3A_444 = arith.constant 0 : i32
      %dma_wait3A_445 = tpu.memref_slice %arg2[%dma_wait3A_443, %dma_wait3A_444] : memref<100000x8xf32, #tpu.memory_space<hbm>> -> memref<100000x8xf32, #tpu.memory_space<hbm>>
      tpu.wait_indirect_dma semaphore(%arg17 : memref<!tpu.dma_semaphore, #tpu.memory_space<semaphore_mem>>) src(%dma_wait3A_445 : memref<100000x8xf32, #tpu.memory_space<hbm>>) dst(%dma_wait3A_439 : memref<128x8xf32, #tpu.memory_space<vmem>>)
      %ge3A = arith.constant 1 : i32
      %ge3A_446 = arith.cmpi sge, %scan3A_176, %ge3A : i32
      %convert_element_type3A_447 = arith.extui %ge3A_446 : i1 to i32
      %cond3A_448 = arith.constant 0 : i32
      %cond3A_449 = arith.cmpi ne, %convert_element_type3A_447, %cond3A_448 : i32
      scf.if %cond3A_449 {
        %sub3A = arith.constant 2 : i32
        %sub3A_648 = arith.subi %mul3A_179, %sub3A : i32
        %mul3A_649 = arith.constant 32 : i32
        %mul3A_650 = arith.muli %sub3A_648, %mul3A_649 : i32
        %add3A_651 = arith.addi %mul3A_650, %add3A : i32
        %mul3A_652 = arith.constant 640 : i32
        %mul3A_653 = arith.muli %add3A_651, %mul3A_652 : i32
        %dma_wait3A_654 = tpu.memref_slice %arg8[%mul3A_653] : memref<6400000xf32, #tpu.memory_space<hbm>> -> memref<640xf32, #tpu.memory_space<hbm>>
        %dma_wait3A_655 = tpu.memref_slice %arg8[%mul3A_653] : memref<6400000xf32, #tpu.memory_space<hbm>> -> memref<640xf32, #tpu.memory_space<hbm>>
        tpu.wait_dma2 semaphore(%arg18 : memref<!tpu.dma_semaphore, #tpu.memory_space<semaphore_mem>>) src(%arg14 : memref<640xf32, #tpu.memory_space<vmem>>) dst(%dma_wait3A_655 : memref<640xf32, #tpu.memory_space<hbm>>)
      } else {
      }
      %parallel_loop3A = arith.constant 0 : i32
      %parallel_loop3A_450 = arith.constant 40 : i32
      %parallel_loop3A_451 = arith.constant 1 : i32
      scf.for %parallel_loop3A_648 = %parallel_loop3A to %parallel_loop3A_450 step %parallel_loop3A_451  : i32 {
        %parallel_loop3A_649 = arith.constant 8 : i32
        %parallel_loop3A_650 = arith.divsi %parallel_loop3A_648, %parallel_loop3A_649 : i32
        %parallel_loop3A_651 = arith.constant 0 : i32
        %parallel_loop3A_652 = arith.cmpi sgt, %parallel_loop3A_648, %parallel_loop3A_651 : i32
        %parallel_loop3A_653 = arith.extui %parallel_loop3A_652 : i1 to i32
        %parallel_loop3A_654 = arith.constant 0 : i32
        %parallel_loop3A_655 = arith.cmpi slt, %parallel_loop3A_648, %parallel_loop3A_654 : i32
        %parallel_loop3A_656 = arith.extui %parallel_loop3A_655 : i1 to i32
        %parallel_loop3A_657 = arith.subi %parallel_loop3A_653, %parallel_loop3A_656 : i32
        %parallel_loop3A_658 = arith.constant 0 : i32
        %parallel_loop3A_659 = arith.cmpi sgt, %parallel_loop3A_649, %parallel_loop3A_658 : i32
        %parallel_loop3A_660 = arith.extui %parallel_loop3A_659 : i1 to i32
        %parallel_loop3A_661 = arith.constant 0 : i32
        %parallel_loop3A_662 = arith.cmpi slt, %parallel_loop3A_649, %parallel_loop3A_661 : i32
        %parallel_loop3A_663 = arith.extui %parallel_loop3A_662 : i1 to i32
        %parallel_loop3A_664 = arith.subi %parallel_loop3A_660, %parallel_loop3A_663 : i32
        %parallel_loop3A_665 = arith.cmpi ne, %parallel_loop3A_657, %parallel_loop3A_664 : i32
        %parallel_loop3A_666 = arith.remsi %parallel_loop3A_648, %parallel_loop3A_649 : i32
        %parallel_loop3A_667 = arith.constant 0 : i32
        %parallel_loop3A_668 = arith.cmpi ne, %parallel_loop3A_666, %parallel_loop3A_667 : i32
        %parallel_loop3A_669 = arith.andi %parallel_loop3A_665, %parallel_loop3A_668 : i1
        %parallel_loop3A_670 = arith.constant 1 : i32
        %parallel_loop3A_671 = arith.subi %parallel_loop3A_650, %parallel_loop3A_670 : i32
        %parallel_loop3A_672 = arith.select %parallel_loop3A_669, %parallel_loop3A_671, %parallel_loop3A_650 : i32
        %parallel_loop3A_673 = arith.constant 8 : i32
        %parallel_loop3A_674 = arith.constant 0 : i32
        %parallel_loop3A_675 = arith.cmpi eq, %parallel_loop3A_673, %parallel_loop3A_674 : i32
        %parallel_loop3A_676 = arith.constant 1 : i32
        %parallel_loop3A_677 = arith.select %parallel_loop3A_675, %parallel_loop3A_676, %parallel_loop3A_673 : i32
        %parallel_loop3A_678 = arith.remsi %parallel_loop3A_648, %parallel_loop3A_677 : i32
        %parallel_loop3A_679 = arith.constant 0 : i32
        %parallel_loop3A_680 = arith.cmpi ne, %parallel_loop3A_678, %parallel_loop3A_679 : i32
        %parallel_loop3A_681 = arith.constant 0 : i32
        %parallel_loop3A_682 = arith.cmpi slt, %parallel_loop3A_678, %parallel_loop3A_681 : i32
        %parallel_loop3A_683 = arith.constant 0 : i32
        %parallel_loop3A_684 = arith.cmpi slt, %parallel_loop3A_677, %parallel_loop3A_683 : i32
        %parallel_loop3A_685 = arith.xori %parallel_loop3A_682, %parallel_loop3A_684 : i1
        %parallel_loop3A_686 = arith.andi %parallel_loop3A_685, %parallel_loop3A_680 : i1
        %parallel_loop3A_687 = arith.addi %parallel_loop3A_678, %parallel_loop3A_677 : i32
        %parallel_loop3A_688 = arith.select %parallel_loop3A_686, %parallel_loop3A_687, %parallel_loop3A_678 : i32
        %parallel_loop3A_689 = arith.constant 16 : i32
        %parallel_loop3A_690 = arith.muli %parallel_loop3A_688, %parallel_loop3A_689 : i32
        %parallel_loop3A_691 = vector.broadcast %parallel_loop3A_690 : i32 to vector<16xi32>
        %parallel_loop3A_692 = arith.addi %iota3A, %parallel_loop3A_691 : vector<16xi32>
        %parallel_loop3A_693 = arith.constant 0 : i32
        %parallel_loop3A_694 = vector.broadcast %parallel_loop3A_693 : i32 to vector<16xi32>
        %parallel_loop3A_695 = vector.broadcast %parallel_loop3A_672 : i32 to vector<16xi32>
        %parallel_loop3A_696 = arith.addi %parallel_loop3A_694, %parallel_loop3A_695 : vector<16xi32>
        %parallel_loop3A_697 = tpu.vector_load_idx %arg10[%parallel_loop3A_696, %parallel_loop3A_692, %broadcast_in_dim3A_3] : memref<5x128x8xf32, #tpu.memory_space<vmem>>[vector<16xi32>, vector<16xi32>, vector<16xi32>], vector<16xf32>,
        %parallel_loop3A_698 = tpu.vector_load_idx %arg10[%parallel_loop3A_696, %parallel_loop3A_692, %broadcast_in_dim3A_5] : memref<5x128x8xf32, #tpu.memory_space<vmem>>[vector<16xi32>, vector<16xi32>, vector<16xi32>], vector<16xf32>,
        %parallel_loop3A_699 = tpu.vector_load_idx %arg10[%parallel_loop3A_696, %parallel_loop3A_692, %broadcast_in_dim3A_7] : memref<5x128x8xf32, #tpu.memory_space<vmem>>[vector<16xi32>, vector<16xi32>, vector<16xi32>], vector<16xf32>,
        %parallel_loop3A_700 = tpu.vector_load_idx %arg10[%parallel_loop3A_696, %parallel_loop3A_692, %broadcast_in_dim3A_9] : memref<5x128x8xf32, #tpu.memory_space<vmem>>[vector<16xi32>, vector<16xi32>, vector<16xi32>], vector<16xf32>,
        %parallel_loop3A_701 = tpu.vector_load_idx %arg10[%parallel_loop3A_696, %parallel_loop3A_692, %broadcast_in_dim3A_11] : memref<5x128x8xf32, #tpu.memory_space<vmem>>[vector<16xi32>, vector<16xi32>, vector<16xi32>], vector<16xf32>,
        %parallel_loop3A_702 = tpu.vector_load_idx %arg11[%parallel_loop3A_696, %parallel_loop3A_692, %broadcast_in_dim3A_3] : memref<5x128x8xf32, #tpu.memory_space<vmem>>[vector<16xi32>, vector<16xi32>, vector<16xi32>], vector<16xf32>,
        %parallel_loop3A_703 = tpu.vector_load_idx %arg11[%parallel_loop3A_696, %parallel_loop3A_692, %broadcast_in_dim3A_5] : memref<5x128x8xf32, #tpu.memory_space<vmem>>[vector<16xi32>, vector<16xi32>, vector<16xi32>], vector<16xf32>,
        %parallel_loop3A_704 = tpu.vector_load_idx %arg11[%parallel_loop3A_696, %parallel_loop3A_692, %broadcast_in_dim3A_7] : memref<5x128x8xf32, #tpu.memory_space<vmem>>[vector<16xi32>, vector<16xi32>, vector<16xi32>], vector<16xf32>,
        %parallel_loop3A_705 = tpu.vector_load_idx %arg11[%parallel_loop3A_696, %parallel_loop3A_692, %broadcast_in_dim3A_9] : memref<5x128x8xf32, #tpu.memory_space<vmem>>[vector<16xi32>, vector<16xi32>, vector<16xi32>], vector<16xf32>,
        %parallel_loop3A_706 = tpu.vector_load_idx %arg11[%parallel_loop3A_696, %parallel_loop3A_692, %broadcast_in_dim3A_11] : memref<5x128x8xf32, #tpu.memory_space<vmem>>[vector<16xi32>, vector<16xi32>, vector<16xi32>], vector<16xf32>,
        %parallel_loop3A_707 = arith.subf %parallel_loop3A_697, %parallel_loop3A_702 : vector<16xf32>
        %parallel_loop3A_708 = arith.subf %parallel_loop3A_698, %parallel_loop3A_703 : vector<16xf32>
        %parallel_loop3A_709 = arith.subf %parallel_loop3A_699, %parallel_loop3A_704 : vector<16xf32>
        %parallel_loop3A_710 = arith.mulf %parallel_loop3A_707, %parallel_loop3A_707 : vector<16xf32>
        %parallel_loop3A_711 = arith.mulf %parallel_loop3A_708, %parallel_loop3A_708 : vector<16xf32>
        %parallel_loop3A_712 = arith.addf %parallel_loop3A_710, %parallel_loop3A_711 : vector<16xf32>
        %parallel_loop3A_713 = arith.mulf %parallel_loop3A_709, %parallel_loop3A_709 : vector<16xf32>
        %parallel_loop3A_714 = arith.addf %parallel_loop3A_712, %parallel_loop3A_713 : vector<16xf32>
        %parallel_loop3A_715 = tpu.bitcast %parallel_loop3A_714 : vector<16xf32> -> vector<16xi32>
        %parallel_loop3A_716 = arith.constant 1 : i32
        %parallel_loop3A_717 = vector.broadcast %parallel_loop3A_716 : i32 to vector<16xi32>
        %parallel_loop3A_718 = arith.shrui %parallel_loop3A_715, %parallel_loop3A_717 : vector<16xi32>
        %parallel_loop3A_719 = arith.constant 1597463007 : i32
        %parallel_loop3A_720 = vector.broadcast %parallel_loop3A_719 : i32 to vector<16xi32>
        %parallel_loop3A_721 = arith.subi %parallel_loop3A_720, %parallel_loop3A_718 : vector<16xi32>
        %parallel_loop3A_722 = tpu.bitcast %parallel_loop3A_721 : vector<16xi32> -> vector<16xf32>
        %parallel_loop3A_723 = arith.constant 5.000000e-01 : f32
        %parallel_loop3A_724 = vector.broadcast %parallel_loop3A_723 : f32 to vector<16xf32>
        %parallel_loop3A_725 = arith.mulf %parallel_loop3A_724, %parallel_loop3A_714 : vector<16xf32>
        %parallel_loop3A_726 = arith.mulf %parallel_loop3A_725, %parallel_loop3A_722 : vector<16xf32>
        %parallel_loop3A_727 = arith.mulf %parallel_loop3A_726, %parallel_loop3A_722 : vector<16xf32>
        %parallel_loop3A_728 = arith.constant 1.500000e+00 : f32
        %parallel_loop3A_729 = vector.broadcast %parallel_loop3A_728 : f32 to vector<16xf32>
        %parallel_loop3A_730 = arith.subf %parallel_loop3A_729, %parallel_loop3A_727 : vector<16xf32>
        %parallel_loop3A_731 = arith.mulf %parallel_loop3A_722, %parallel_loop3A_730 : vector<16xf32>
        %parallel_loop3A_732 = arith.constant 5.000000e-01 : f32
        %parallel_loop3A_733 = vector.broadcast %parallel_loop3A_732 : f32 to vector<16xf32>
        %parallel_loop3A_734 = arith.mulf %parallel_loop3A_733, %parallel_loop3A_714 : vector<16xf32>
        %parallel_loop3A_735 = arith.mulf %parallel_loop3A_734, %parallel_loop3A_731 : vector<16xf32>
        %parallel_loop3A_736 = arith.mulf %parallel_loop3A_735, %parallel_loop3A_731 : vector<16xf32>
        %parallel_loop3A_737 = arith.constant 1.500000e+00 : f32
        %parallel_loop3A_738 = vector.broadcast %parallel_loop3A_737 : f32 to vector<16xf32>
        %parallel_loop3A_739 = arith.subf %parallel_loop3A_738, %parallel_loop3A_736 : vector<16xf32>
        %parallel_loop3A_740 = arith.mulf %parallel_loop3A_731, %parallel_loop3A_739 : vector<16xf32>
        %parallel_loop3A_741 = arith.constant 5.000000e-01 : f32
        %parallel_loop3A_742 = vector.broadcast %parallel_loop3A_741 : f32 to vector<16xf32>
        %parallel_loop3A_743 = arith.mulf %parallel_loop3A_742, %parallel_loop3A_714 : vector<16xf32>
        %parallel_loop3A_744 = arith.mulf %parallel_loop3A_743, %parallel_loop3A_740 : vector<16xf32>
        %parallel_loop3A_745 = arith.mulf %parallel_loop3A_744, %parallel_loop3A_740 : vector<16xf32>
        %parallel_loop3A_746 = arith.constant 1.500000e+00 : f32
        %parallel_loop3A_747 = vector.broadcast %parallel_loop3A_746 : f32 to vector<16xf32>
        %parallel_loop3A_748 = arith.subf %parallel_loop3A_747, %parallel_loop3A_745 : vector<16xf32>
        %parallel_loop3A_749 = arith.mulf %parallel_loop3A_740, %parallel_loop3A_748 : vector<16xf32>
        %parallel_loop3A_750 = arith.mulf %parallel_loop3A_714, %parallel_loop3A_749 : vector<16xf32>
        %parallel_loop3A_751 = arith.constant 16 : i32
        %parallel_loop3A_752 = arith.muli %parallel_loop3A_648, %parallel_loop3A_751 : i32
        %parallel_loop3A_753 = arith.index_cast %parallel_loop3A_752 : i32 to index
        %parallel_loop3A_754 = tpu.vector_load %arg12[%parallel_loop3A_753] {strides = array<i32>} : memref<640xf32, #tpu.memory_space<vmem>>, vector<16xf32>,
        %parallel_loop3A_755 = arith.constant 16 : i32
        %parallel_loop3A_756 = arith.muli %parallel_loop3A_648, %parallel_loop3A_755 : i32
        %parallel_loop3A_757 = arith.index_cast %parallel_loop3A_756 : i32 to index
        %parallel_loop3A_758 = tpu.vector_load %arg13[%parallel_loop3A_757] {strides = array<i32>} : memref<640xf32, #tpu.memory_space<vmem>>, vector<16xf32>,
        %parallel_loop3A_759 = arith.subf %parallel_loop3A_750, %parallel_loop3A_758 : vector<16xf32>
        %parallel_loop3A_760 = arith.addf %parallel_loop3A_701, %parallel_loop3A_706 : vector<16xf32>
        %parallel_loop3A_761 = arith.constant 5.000000e-01 : f32
        %parallel_loop3A_762 = vector.broadcast %parallel_loop3A_761 : f32 to vector<16xf32>
        %parallel_loop3A_763 = arith.mulf %parallel_loop3A_760, %parallel_loop3A_762 : vector<16xf32>
        %parallel_loop3A_764 = arith.addf %parallel_loop3A_700, %parallel_loop3A_705 : vector<16xf32>
        %parallel_loop3A_765 = arith.constant 0.000000e+00 : f32
        %parallel_loop3A_766 = vector.broadcast %parallel_loop3A_765 : f32 to vector<16xf32>
        %parallel_loop3A_767 = arith.cmpf oeq, %parallel_loop3A_764, %parallel_loop3A_766 : vector<16xf32>
        %parallel_loop3A_768 = arith.constant 0x7F800000 : f32
        %parallel_loop3A_769 = vector.broadcast %parallel_loop3A_768 : f32 to vector<16xf32>
        %parallel_loop3A_770 = arith.select %parallel_loop3A_767, %parallel_loop3A_769, %parallel_loop3A_764 : vector<16xi1>, vector<16xf32>
        %parallel_loop3A_771 = arith.constant 0.000000e+00 : f32
        %parallel_loop3A_772 = vector.broadcast %parallel_loop3A_771 : f32 to vector<16xf32>
        %parallel_loop3A_773 = arith.subf %parallel_loop3A_772, %parallel_loop3A_759 : vector<16xf32>
        %parallel_loop3A_774 = arith.mulf %parallel_loop3A_763, %parallel_loop3A_754 : vector<16xf32>
        %parallel_loop3A_775 = arith.subf %parallel_loop3A_773, %parallel_loop3A_774 : vector<16xf32>
        %parallel_loop3A_776 = arith.addf %parallel_loop3A_770, %parallel_loop3A_763 : vector<16xf32>
        %parallel_loop3A_777 = arith.divf %parallel_loop3A_775, %parallel_loop3A_776 : vector<16xf32>
        %parallel_loop3A_778 = arith.addf %parallel_loop3A_754, %parallel_loop3A_777 : vector<16xf32>
        %parallel_loop3A_779 = arith.constant 16 : i32
        %parallel_loop3A_780 = arith.muli %parallel_loop3A_648, %parallel_loop3A_779 : i32
        %parallel_loop3A_781 = arith.index_cast %parallel_loop3A_780 : i32 to index
        %parallel_loop3A_782 = tpu.vector_load %arg14[%parallel_loop3A_781] {strides = array<i32>} : memref<640xf32, #tpu.memory_space<vmem>>, vector<16xf32>,
        tpu.vector_store %arg14[%parallel_loop3A_781], %parallel_loop3A_778 {strides = array<i32>} : memref<640xf32, #tpu.memory_space<vmem>>, vector<16xf32>,
        %parallel_loop3A_783 = arith.constant 0.000000e+00 : f32
        %parallel_loop3A_784 = vector.broadcast %parallel_loop3A_783 : f32 to vector<16xf32>
        %parallel_loop3A_785 = arith.cmpf ogt, %parallel_loop3A_714, %parallel_loop3A_784 : vector<16xf32>
        %parallel_loop3A_786 = arith.constant 0x7F800000 : f32
        %parallel_loop3A_787 = vector.broadcast %parallel_loop3A_786 : f32 to vector<16xf32>
        %parallel_loop3A_788 = arith.select %parallel_loop3A_785, %parallel_loop3A_749, %parallel_loop3A_787 : vector<16xi1>, vector<16xf32>
        %parallel_loop3A_789 = arith.mulf %parallel_loop3A_700, %parallel_loop3A_777 : vector<16xf32>
        %parallel_loop3A_790 = arith.mulf %parallel_loop3A_789, %parallel_loop3A_788 : vector<16xf32>
        %parallel_loop3A_791 = arith.mulf %parallel_loop3A_705, %parallel_loop3A_777 : vector<16xf32>
        %parallel_loop3A_792 = arith.mulf %parallel_loop3A_791, %parallel_loop3A_788 : vector<16xf32>
        %parallel_loop3A_793 = arith.constant 0.000000e+00 : f32
        %parallel_loop3A_794 = vector.broadcast %parallel_loop3A_793 : f32 to vector<16xf32>
        %parallel_loop3A_795 = arith.subf %parallel_loop3A_794, %parallel_loop3A_792 : vector<16xf32>
        %parallel_loop3A_796 = arith.mulf %parallel_loop3A_790, %parallel_loop3A_707 : vector<16xf32>
        tpu.vector_store_idx %arg15[%parallel_loop3A_696, %parallel_loop3A_692, %broadcast_in_dim3A_13], %parallel_loop3A_796 : memref<5x128x4xf32, #tpu.memory_space<vmem>>[vector<16xi32>, vector<16xi32>, vector<16xi32>], vector<16xf32>,
        %parallel_loop3A_797 = arith.mulf %parallel_loop3A_790, %parallel_loop3A_708 : vector<16xf32>
        tpu.vector_store_idx %arg15[%parallel_loop3A_696, %parallel_loop3A_692, %broadcast_in_dim3A_15], %parallel_loop3A_797 : memref<5x128x4xf32, #tpu.memory_space<vmem>>[vector<16xi32>, vector<16xi32>, vector<16xi32>], vector<16xf32>,
        %parallel_loop3A_798 = arith.mulf %parallel_loop3A_790, %parallel_loop3A_709 : vector<16xf32>
        tpu.vector_store_idx %arg15[%parallel_loop3A_696, %parallel_loop3A_692, %broadcast_in_dim3A_17], %parallel_loop3A_798 : memref<5x128x4xf32, #tpu.memory_space<vmem>>[vector<16xi32>, vector<16xi32>, vector<16xi32>], vector<16xf32>,
        %parallel_loop3A_799 = arith.mulf %parallel_loop3A_795, %parallel_loop3A_707 : vector<16xf32>
        tpu.vector_store_idx %arg16[%parallel_loop3A_696, %parallel_loop3A_692, %broadcast_in_dim3A_13], %parallel_loop3A_799 : memref<5x128x4xf32, #tpu.memory_space<vmem>>[vector<16xi32>, vector<16xi32>, vector<16xi32>], vector<16xf32>,
        %parallel_loop3A_800 = arith.mulf %parallel_loop3A_795, %parallel_loop3A_708 : vector<16xf32>
        tpu.vector_store_idx %arg16[%parallel_loop3A_696, %parallel_loop3A_692, %broadcast_in_dim3A_15], %parallel_loop3A_800 : memref<5x128x4xf32, #tpu.memory_space<vmem>>[vector<16xi32>, vector<16xi32>, vector<16xi32>], vector<16xf32>,
        %parallel_loop3A_801 = arith.mulf %parallel_loop3A_795, %parallel_loop3A_709 : vector<16xf32>
        tpu.vector_store_idx %arg16[%parallel_loop3A_696, %parallel_loop3A_692, %broadcast_in_dim3A_17], %parallel_loop3A_801 : memref<5x128x4xf32, #tpu.memory_space<vmem>>[vector<16xi32>, vector<16xi32>, vector<16xi32>], vector<16xf32>,
      } {sc.loop_unroll_factor = 2 : i64, sc.parallel_access}
      %mul3A_452 = arith.constant 32 : i32
      %mul3A_453 = arith.muli %mul3A_179, %mul3A_452 : i32
      %add3A_454 = arith.addi %mul3A_453, %add3A : i32
      %mul3A_455 = arith.constant 640 : i32
      %mul3A_456 = arith.muli %add3A_454, %mul3A_455 : i32
      %dma_start3A_457 = tpu.memref_slice %arg8[%mul3A_456] : memref<6400000xf32, #tpu.memory_space<hbm>> -> memref<640xf32, #tpu.memory_space<hbm>>
      %dma_start3A_458 = tpu.memref_slice %arg8[%mul3A_456] : memref<6400000xf32, #tpu.memory_space<hbm>> -> memref<640xf32, #tpu.memory_space<hbm>>
      tpu.enqueue_dma source(%arg14 : memref<640xf32, #tpu.memory_space<vmem>>) target(%dma_start3A_458 : memref<640xf32, #tpu.memory_space<hbm>>) target_semaphore(%arg18 : memref<!tpu.dma_semaphore, #tpu.memory_space<semaphore_mem>>)
      %run_scoped3A = arith.constant 0 : i32
      %run_scoped3A_459 = arith.constant 0 : i32
      "tpu.region"() ({
        %run_scoped3A_648 = tpu.sem_alloc : memref<!tpu.dma_semaphore, #tpu.memory_space<semaphore_mem>>
        %dma_start3A_649 = arith.constant 0 : i32
        %dma_start3A_650 = arith.constant 0 : i32
        %dma_start3A_651 = tpu.memref_slice %arg15[%run_scoped3A, %dma_start3A_649, %dma_start3A_650] : memref<5x128x4xf32, #tpu.memory_space<vmem>> -> memref<1x128x4xf32, #tpu.memory_space<vmem>>
        %dma_start3A_652 = tpu.memref_squeeze %dma_start3A_651 : memref<1x128x4xf32, #tpu.memory_space<vmem>> -> memref<128x4xf32, #tpu.memory_space<vmem>>
        %dma_start3A_653 = arith.constant 0 : i32
        %dma_start3A_654 = tpu.memref_slice %arg9[%run_scoped3A_459, %dma_start3A_653] : memref<10x128xi32, #tpu.memory_space<vmem>> -> memref<1x128xi32, #tpu.memory_space<vmem>>
        %dma_start3A_655 = tpu.memref_squeeze %dma_start3A_654 : memref<1x128xi32, #tpu.memory_space<vmem>> -> memref<128xi32, #tpu.memory_space<vmem>>
        %dma_start3A_656 = arith.constant 0 : i32
        %dma_start3A_657 = arith.constant 0 : i32
        %dma_start3A_658 = tpu.memref_slice %arg29[%dma_start3A_656, %dma_start3A_657] : memref<100000x4xf32, #tpu.memory_space<vmem_shared>> -> memref<100000x4xf32, #tpu.memory_space<vmem_shared>>
        tpu.enqueue_indirect_dma source(%dma_start3A_652 : memref<128x4xf32, #tpu.memory_space<vmem>>) target(%dma_start3A_658 : memref<100000x4xf32, #tpu.memory_space<vmem_shared>>) offsets(%dma_start3A_655 : memref<128xi32, #tpu.memory_space<vmem>>) semaphore(%run_scoped3A_648 : memref<!tpu.dma_semaphore, #tpu.memory_space<semaphore_mem>>) {add = true}
        %dma_wait3A_659 = arith.constant 0 : i32
        %dma_wait3A_660 = arith.constant 0 : i32
        %dma_wait3A_661 = tpu.memref_slice %arg15[%run_scoped3A, %dma_wait3A_659, %dma_wait3A_660] : memref<5x128x4xf32, #tpu.memory_space<vmem>> -> memref<1x128x4xf32, #tpu.memory_space<vmem>>
        %dma_wait3A_662 = tpu.memref_squeeze %dma_wait3A_661 : memref<1x128x4xf32, #tpu.memory_space<vmem>> -> memref<128x4xf32, #tpu.memory_space<vmem>>
        %dma_wait3A_663 = arith.constant 0 : i32
        %dma_wait3A_664 = tpu.memref_slice %arg9[%run_scoped3A_459, %dma_wait3A_663] : memref<10x128xi32, #tpu.memory_space<vmem>> -> memref<1x128xi32, #tpu.memory_space<vmem>>
        %dma_wait3A_665 = tpu.memref_squeeze %dma_wait3A_664 : memref<1x128xi32, #tpu.memory_space<vmem>> -> memref<128xi32, #tpu.memory_space<vmem>>
        %dma_wait3A_666 = arith.constant 0 : i32
        %dma_wait3A_667 = arith.constant 0 : i32
        %dma_wait3A_668 = tpu.memref_slice %arg29[%dma_wait3A_666, %dma_wait3A_667] : memref<100000x4xf32, #tpu.memory_space<vmem_shared>> -> memref<100000x4xf32, #tpu.memory_space<vmem_shared>>
        tpu.wait_indirect_dma semaphore(%run_scoped3A_648 : memref<!tpu.dma_semaphore, #tpu.memory_space<semaphore_mem>>) src(%dma_wait3A_662 : memref<128x4xf32, #tpu.memory_space<vmem>>) dst(%dma_wait3A_668 : memref<100000x4xf32, #tpu.memory_space<vmem_shared>>)
        tpu.yield
      }) : () -> ()
      %run_scoped3A_460 = arith.constant 0 : i32
      %run_scoped3A_461 = arith.constant 5 : i32
      "tpu.region"() ({
        %run_scoped3A_648 = tpu.sem_alloc : memref<!tpu.dma_semaphore, #tpu.memory_space<semaphore_mem>>
        %dma_start3A_649 = arith.constant 0 : i32
        %dma_start3A_650 = arith.constant 0 : i32
        %dma_start3A_651 = tpu.memref_slice %arg16[%run_scoped3A_460, %dma_start3A_649, %dma_start3A_650] : memref<5x128x4xf32, #tpu.memory_space<vmem>> -> memref<1x128x4xf32, #tpu.memory_space<vmem>>
        %dma_start3A_652 = tpu.memref_squeeze %dma_start3A_651 : memref<1x128x4xf32, #tpu.memory_space<vmem>> -> memref<128x4xf32, #tpu.memory_space<vmem>>
        %dma_start3A_653 = arith.constant 0 : i32
        %dma_start3A_654 = tpu.memref_slice %arg9[%run_scoped3A_461, %dma_start3A_653] : memref<10x128xi32, #tpu.memory_space<vmem>> -> memref<1x128xi32, #tpu.memory_space<vmem>>
        %dma_start3A_655 = tpu.memref_squeeze %dma_start3A_654 : memref<1x128xi32, #tpu.memory_space<vmem>> -> memref<128xi32, #tpu.memory_space<vmem>>
        %dma_start3A_656 = arith.constant 0 : i32
        %dma_start3A_657 = arith.constant 0 : i32
        %dma_start3A_658 = tpu.memref_slice %arg29[%dma_start3A_656, %dma_start3A_657] : memref<100000x4xf32, #tpu.memory_space<vmem_shared>> -> memref<100000x4xf32, #tpu.memory_space<vmem_shared>>
        tpu.enqueue_indirect_dma source(%dma_start3A_652 : memref<128x4xf32, #tpu.memory_space<vmem>>) target(%dma_start3A_658 : memref<100000x4xf32, #tpu.memory_space<vmem_shared>>) offsets(%dma_start3A_655 : memref<128xi32, #tpu.memory_space<vmem>>) semaphore(%run_scoped3A_648 : memref<!tpu.dma_semaphore, #tpu.memory_space<semaphore_mem>>) {add = true}
        %dma_wait3A_659 = arith.constant 0 : i32
        %dma_wait3A_660 = arith.constant 0 : i32
        %dma_wait3A_661 = tpu.memref_slice %arg16[%run_scoped3A_460, %dma_wait3A_659, %dma_wait3A_660] : memref<5x128x4xf32, #tpu.memory_space<vmem>> -> memref<1x128x4xf32, #tpu.memory_space<vmem>>
        %dma_wait3A_662 = tpu.memref_squeeze %dma_wait3A_661 : memref<1x128x4xf32, #tpu.memory_space<vmem>> -> memref<128x4xf32, #tpu.memory_space<vmem>>
        %dma_wait3A_663 = arith.constant 0 : i32
        %dma_wait3A_664 = tpu.memref_slice %arg9[%run_scoped3A_461, %dma_wait3A_663] : memref<10x128xi32, #tpu.memory_space<vmem>> -> memref<1x128xi32, #tpu.memory_space<vmem>>
        %dma_wait3A_665 = tpu.memref_squeeze %dma_wait3A_664 : memref<1x128xi32, #tpu.memory_space<vmem>> -> memref<128xi32, #tpu.memory_space<vmem>>
        %dma_wait3A_666 = arith.constant 0 : i32
        %dma_wait3A_667 = arith.constant 0 : i32
        %dma_wait3A_668 = tpu.memref_slice %arg29[%dma_wait3A_666, %dma_wait3A_667] : memref<100000x4xf32, #tpu.memory_space<vmem_shared>> -> memref<100000x4xf32, #tpu.memory_space<vmem_shared>>
        tpu.wait_indirect_dma semaphore(%run_scoped3A_648 : memref<!tpu.dma_semaphore, #tpu.memory_space<semaphore_mem>>) src(%dma_wait3A_662 : memref<128x4xf32, #tpu.memory_space<vmem>>) dst(%dma_wait3A_668 : memref<100000x4xf32, #tpu.memory_space<vmem_shared>>)
        tpu.yield
      }) : () -> ()
      %run_scoped3A_462 = arith.constant 1 : i32
      %run_scoped3A_463 = arith.constant 1 : i32
      "tpu.region"() ({
        %run_scoped3A_648 = tpu.sem_alloc : memref<!tpu.dma_semaphore, #tpu.memory_space<semaphore_mem>>
        %dma_start3A_649 = arith.constant 0 : i32
        %dma_start3A_650 = arith.constant 0 : i32
        %dma_start3A_651 = tpu.memref_slice %arg15[%run_scoped3A_462, %dma_start3A_649, %dma_start3A_650] : memref<5x128x4xf32, #tpu.memory_space<vmem>> -> memref<1x128x4xf32, #tpu.memory_space<vmem>>
        %dma_start3A_652 = tpu.memref_squeeze %dma_start3A_651 : memref<1x128x4xf32, #tpu.memory_space<vmem>> -> memref<128x4xf32, #tpu.memory_space<vmem>>
        %dma_start3A_653 = arith.constant 0 : i32
        %dma_start3A_654 = tpu.memref_slice %arg9[%run_scoped3A_463, %dma_start3A_653] : memref<10x128xi32, #tpu.memory_space<vmem>> -> memref<1x128xi32, #tpu.memory_space<vmem>>
        %dma_start3A_655 = tpu.memref_squeeze %dma_start3A_654 : memref<1x128xi32, #tpu.memory_space<vmem>> -> memref<128xi32, #tpu.memory_space<vmem>>
        %dma_start3A_656 = arith.constant 0 : i32
        %dma_start3A_657 = arith.constant 0 : i32
        %dma_start3A_658 = tpu.memref_slice %arg29[%dma_start3A_656, %dma_start3A_657] : memref<100000x4xf32, #tpu.memory_space<vmem_shared>> -> memref<100000x4xf32, #tpu.memory_space<vmem_shared>>
        tpu.enqueue_indirect_dma source(%dma_start3A_652 : memref<128x4xf32, #tpu.memory_space<vmem>>) target(%dma_start3A_658 : memref<100000x4xf32, #tpu.memory_space<vmem_shared>>) offsets(%dma_start3A_655 : memref<128xi32, #tpu.memory_space<vmem>>) semaphore(%run_scoped3A_648 : memref<!tpu.dma_semaphore, #tpu.memory_space<semaphore_mem>>) {add = true}
        %dma_wait3A_659 = arith.constant 0 : i32
        %dma_wait3A_660 = arith.constant 0 : i32
        %dma_wait3A_661 = tpu.memref_slice %arg15[%run_scoped3A_462, %dma_wait3A_659, %dma_wait3A_660] : memref<5x128x4xf32, #tpu.memory_space<vmem>> -> memref<1x128x4xf32, #tpu.memory_space<vmem>>
        %dma_wait3A_662 = tpu.memref_squeeze %dma_wait3A_661 : memref<1x128x4xf32, #tpu.memory_space<vmem>> -> memref<128x4xf32, #tpu.memory_space<vmem>>
        %dma_wait3A_663 = arith.constant 0 : i32
        %dma_wait3A_664 = tpu.memref_slice %arg9[%run_scoped3A_463, %dma_wait3A_663] : memref<10x128xi32, #tpu.memory_space<vmem>> -> memref<1x128xi32, #tpu.memory_space<vmem>>
        %dma_wait3A_665 = tpu.memref_squeeze %dma_wait3A_664 : memref<1x128xi32, #tpu.memory_space<vmem>> -> memref<128xi32, #tpu.memory_space<vmem>>
        %dma_wait3A_666 = arith.constant 0 : i32
        %dma_wait3A_667 = arith.constant 0 : i32
        %dma_wait3A_668 = tpu.memref_slice %arg29[%dma_wait3A_666, %dma_wait3A_667] : memref<100000x4xf32, #tpu.memory_space<vmem_shared>> -> memref<100000x4xf32, #tpu.memory_space<vmem_shared>>
        tpu.wait_indirect_dma semaphore(%run_scoped3A_648 : memref<!tpu.dma_semaphore, #tpu.memory_space<semaphore_mem>>) src(%dma_wait3A_662 : memref<128x4xf32, #tpu.memory_space<vmem>>) dst(%dma_wait3A_668 : memref<100000x4xf32, #tpu.memory_space<vmem_shared>>)
        tpu.yield
      }) : () -> ()
      %run_scoped3A_464 = arith.constant 1 : i32
      %run_scoped3A_465 = arith.constant 6 : i32
      "tpu.region"() ({
        %run_scoped3A_648 = tpu.sem_alloc : memref<!tpu.dma_semaphore, #tpu.memory_space<semaphore_mem>>
        %dma_start3A_649 = arith.constant 0 : i32
        %dma_start3A_650 = arith.constant 0 : i32
        %dma_start3A_651 = tpu.memref_slice %arg16[%run_scoped3A_464, %dma_start3A_649, %dma_start3A_650] : memref<5x128x4xf32, #tpu.memory_space<vmem>> -> memref<1x128x4xf32, #tpu.memory_space<vmem>>
        %dma_start3A_652 = tpu.memref_squeeze %dma_start3A_651 : memref<1x128x4xf32, #tpu.memory_space<vmem>> -> memref<128x4xf32, #tpu.memory_space<vmem>>
        %dma_start3A_653 = arith.constant 0 : i32
        %dma_start3A_654 = tpu.memref_slice %arg9[%run_scoped3A_465, %dma_start3A_653] : memref<10x128xi32, #tpu.memory_space<vmem>> -> memref<1x128xi32, #tpu.memory_space<vmem>>
        %dma_start3A_655 = tpu.memref_squeeze %dma_start3A_654 : memref<1x128xi32, #tpu.memory_space<vmem>> -> memref<128xi32, #tpu.memory_space<vmem>>
        %dma_start3A_656 = arith.constant 0 : i32
        %dma_start3A_657 = arith.constant 0 : i32
        %dma_start3A_658 = tpu.memref_slice %arg29[%dma_start3A_656, %dma_start3A_657] : memref<100000x4xf32, #tpu.memory_space<vmem_shared>> -> memref<100000x4xf32, #tpu.memory_space<vmem_shared>>
        tpu.enqueue_indirect_dma source(%dma_start3A_652 : memref<128x4xf32, #tpu.memory_space<vmem>>) target(%dma_start3A_658 : memref<100000x4xf32, #tpu.memory_space<vmem_shared>>) offsets(%dma_start3A_655 : memref<128xi32, #tpu.memory_space<vmem>>) semaphore(%run_scoped3A_648 : memref<!tpu.dma_semaphore, #tpu.memory_space<semaphore_mem>>) {add = true}
        %dma_wait3A_659 = arith.constant 0 : i32
        %dma_wait3A_660 = arith.constant 0 : i32
        %dma_wait3A_661 = tpu.memref_slice %arg16[%run_scoped3A_464, %dma_wait3A_659, %dma_wait3A_660] : memref<5x128x4xf32, #tpu.memory_space<vmem>> -> memref<1x128x4xf32, #tpu.memory_space<vmem>>
        %dma_wait3A_662 = tpu.memref_squeeze %dma_wait3A_661 : memref<1x128x4xf32, #tpu.memory_space<vmem>> -> memref<128x4xf32, #tpu.memory_space<vmem>>
        %dma_wait3A_663 = arith.constant 0 : i32
        %dma_wait3A_664 = tpu.memref_slice %arg9[%run_scoped3A_465, %dma_wait3A_663] : memref<10x128xi32, #tpu.memory_space<vmem>> -> memref<1x128xi32, #tpu.memory_space<vmem>>
        %dma_wait3A_665 = tpu.memref_squeeze %dma_wait3A_664 : memref<1x128xi32, #tpu.memory_space<vmem>> -> memref<128xi32, #tpu.memory_space<vmem>>
        %dma_wait3A_666 = arith.constant 0 : i32
        %dma_wait3A_667 = arith.constant 0 : i32
        %dma_wait3A_668 = tpu.memref_slice %arg29[%dma_wait3A_666, %dma_wait3A_667] : memref<100000x4xf32, #tpu.memory_space<vmem_shared>> -> memref<100000x4xf32, #tpu.memory_space<vmem_shared>>
        tpu.wait_indirect_dma semaphore(%run_scoped3A_648 : memref<!tpu.dma_semaphore, #tpu.memory_space<semaphore_mem>>) src(%dma_wait3A_662 : memref<128x4xf32, #tpu.memory_space<vmem>>) dst(%dma_wait3A_668 : memref<100000x4xf32, #tpu.memory_space<vmem_shared>>)
        tpu.yield
      }) : () -> ()
      %run_scoped3A_466 = arith.constant 2 : i32
      %run_scoped3A_467 = arith.constant 2 : i32
      "tpu.region"() ({
        %run_scoped3A_648 = tpu.sem_alloc : memref<!tpu.dma_semaphore, #tpu.memory_space<semaphore_mem>>
        %dma_start3A_649 = arith.constant 0 : i32
        %dma_start3A_650 = arith.constant 0 : i32
        %dma_start3A_651 = tpu.memref_slice %arg15[%run_scoped3A_466, %dma_start3A_649, %dma_start3A_650] : memref<5x128x4xf32, #tpu.memory_space<vmem>> -> memref<1x128x4xf32, #tpu.memory_space<vmem>>
        %dma_start3A_652 = tpu.memref_squeeze %dma_start3A_651 : memref<1x128x4xf32, #tpu.memory_space<vmem>> -> memref<128x4xf32, #tpu.memory_space<vmem>>
        %dma_start3A_653 = arith.constant 0 : i32
        %dma_start3A_654 = tpu.memref_slice %arg9[%run_scoped3A_467, %dma_start3A_653] : memref<10x128xi32, #tpu.memory_space<vmem>> -> memref<1x128xi32, #tpu.memory_space<vmem>>
        %dma_start3A_655 = tpu.memref_squeeze %dma_start3A_654 : memref<1x128xi32, #tpu.memory_space<vmem>> -> memref<128xi32, #tpu.memory_space<vmem>>
        %dma_start3A_656 = arith.constant 0 : i32
        %dma_start3A_657 = arith.constant 0 : i32
        %dma_start3A_658 = tpu.memref_slice %arg29[%dma_start3A_656, %dma_start3A_657] : memref<100000x4xf32, #tpu.memory_space<vmem_shared>> -> memref<100000x4xf32, #tpu.memory_space<vmem_shared>>
        tpu.enqueue_indirect_dma source(%dma_start3A_652 : memref<128x4xf32, #tpu.memory_space<vmem>>) target(%dma_start3A_658 : memref<100000x4xf32, #tpu.memory_space<vmem_shared>>) offsets(%dma_start3A_655 : memref<128xi32, #tpu.memory_space<vmem>>) semaphore(%run_scoped3A_648 : memref<!tpu.dma_semaphore, #tpu.memory_space<semaphore_mem>>) {add = true}
        %dma_wait3A_659 = arith.constant 0 : i32
        %dma_wait3A_660 = arith.constant 0 : i32
        %dma_wait3A_661 = tpu.memref_slice %arg15[%run_scoped3A_466, %dma_wait3A_659, %dma_wait3A_660] : memref<5x128x4xf32, #tpu.memory_space<vmem>> -> memref<1x128x4xf32, #tpu.memory_space<vmem>>
        %dma_wait3A_662 = tpu.memref_squeeze %dma_wait3A_661 : memref<1x128x4xf32, #tpu.memory_space<vmem>> -> memref<128x4xf32, #tpu.memory_space<vmem>>
        %dma_wait3A_663 = arith.constant 0 : i32
        %dma_wait3A_664 = tpu.memref_slice %arg9[%run_scoped3A_467, %dma_wait3A_663] : memref<10x128xi32, #tpu.memory_space<vmem>> -> memref<1x128xi32, #tpu.memory_space<vmem>>
        %dma_wait3A_665 = tpu.memref_squeeze %dma_wait3A_664 : memref<1x128xi32, #tpu.memory_space<vmem>> -> memref<128xi32, #tpu.memory_space<vmem>>
        %dma_wait3A_666 = arith.constant 0 : i32
        %dma_wait3A_667 = arith.constant 0 : i32
        %dma_wait3A_668 = tpu.memref_slice %arg29[%dma_wait3A_666, %dma_wait3A_667] : memref<100000x4xf32, #tpu.memory_space<vmem_shared>> -> memref<100000x4xf32, #tpu.memory_space<vmem_shared>>
        tpu.wait_indirect_dma semaphore(%run_scoped3A_648 : memref<!tpu.dma_semaphore, #tpu.memory_space<semaphore_mem>>) src(%dma_wait3A_662 : memref<128x4xf32, #tpu.memory_space<vmem>>) dst(%dma_wait3A_668 : memref<100000x4xf32, #tpu.memory_space<vmem_shared>>)
        tpu.yield
      }) : () -> ()
      %run_scoped3A_468 = arith.constant 2 : i32
      %run_scoped3A_469 = arith.constant 7 : i32
      "tpu.region"() ({
        %run_scoped3A_648 = tpu.sem_alloc : memref<!tpu.dma_semaphore, #tpu.memory_space<semaphore_mem>>
        %dma_start3A_649 = arith.constant 0 : i32
        %dma_start3A_650 = arith.constant 0 : i32
        %dma_start3A_651 = tpu.memref_slice %arg16[%run_scoped3A_468, %dma_start3A_649, %dma_start3A_650] : memref<5x128x4xf32, #tpu.memory_space<vmem>> -> memref<1x128x4xf32, #tpu.memory_space<vmem>>
        %dma_start3A_652 = tpu.memref_squeeze %dma_start3A_651 : memref<1x128x4xf32, #tpu.memory_space<vmem>> -> memref<128x4xf32, #tpu.memory_space<vmem>>
        %dma_start3A_653 = arith.constant 0 : i32
        %dma_start3A_654 = tpu.memref_slice %arg9[%run_scoped3A_469, %dma_start3A_653] : memref<10x128xi32, #tpu.memory_space<vmem>> -> memref<1x128xi32, #tpu.memory_space<vmem>>
        %dma_start3A_655 = tpu.memref_squeeze %dma_start3A_654 : memref<1x128xi32, #tpu.memory_space<vmem>> -> memref<128xi32, #tpu.memory_space<vmem>>
        %dma_start3A_656 = arith.constant 0 : i32
        %dma_start3A_657 = arith.constant 0 : i32
        %dma_start3A_658 = tpu.memref_slice %arg29[%dma_start3A_656, %dma_start3A_657] : memref<100000x4xf32, #tpu.memory_space<vmem_shared>> -> memref<100000x4xf32, #tpu.memory_space<vmem_shared>>
        tpu.enqueue_indirect_dma source(%dma_start3A_652 : memref<128x4xf32, #tpu.memory_space<vmem>>) target(%dma_start3A_658 : memref<100000x4xf32, #tpu.memory_space<vmem_shared>>) offsets(%dma_start3A_655 : memref<128xi32, #tpu.memory_space<vmem>>) semaphore(%run_scoped3A_648 : memref<!tpu.dma_semaphore, #tpu.memory_space<semaphore_mem>>) {add = true}
        %dma_wait3A_659 = arith.constant 0 : i32
        %dma_wait3A_660 = arith.constant 0 : i32
        %dma_wait3A_661 = tpu.memref_slice %arg16[%run_scoped3A_468, %dma_wait3A_659, %dma_wait3A_660] : memref<5x128x4xf32, #tpu.memory_space<vmem>> -> memref<1x128x4xf32, #tpu.memory_space<vmem>>
        %dma_wait3A_662 = tpu.memref_squeeze %dma_wait3A_661 : memref<1x128x4xf32, #tpu.memory_space<vmem>> -> memref<128x4xf32, #tpu.memory_space<vmem>>
        %dma_wait3A_663 = arith.constant 0 : i32
        %dma_wait3A_664 = tpu.memref_slice %arg9[%run_scoped3A_469, %dma_wait3A_663] : memref<10x128xi32, #tpu.memory_space<vmem>> -> memref<1x128xi32, #tpu.memory_space<vmem>>
        %dma_wait3A_665 = tpu.memref_squeeze %dma_wait3A_664 : memref<1x128xi32, #tpu.memory_space<vmem>> -> memref<128xi32, #tpu.memory_space<vmem>>
        %dma_wait3A_666 = arith.constant 0 : i32
        %dma_wait3A_667 = arith.constant 0 : i32
        %dma_wait3A_668 = tpu.memref_slice %arg29[%dma_wait3A_666, %dma_wait3A_667] : memref<100000x4xf32, #tpu.memory_space<vmem_shared>> -> memref<100000x4xf32, #tpu.memory_space<vmem_shared>>
        tpu.wait_indirect_dma semaphore(%run_scoped3A_648 : memref<!tpu.dma_semaphore, #tpu.memory_space<semaphore_mem>>) src(%dma_wait3A_662 : memref<128x4xf32, #tpu.memory_space<vmem>>) dst(%dma_wait3A_668 : memref<100000x4xf32, #tpu.memory_space<vmem_shared>>)
        tpu.yield
      }) : () -> ()
      %run_scoped3A_470 = arith.constant 3 : i32
      %run_scoped3A_471 = arith.constant 3 : i32
      "tpu.region"() ({
        %run_scoped3A_648 = tpu.sem_alloc : memref<!tpu.dma_semaphore, #tpu.memory_space<semaphore_mem>>
        %dma_start3A_649 = arith.constant 0 : i32
        %dma_start3A_650 = arith.constant 0 : i32
        %dma_start3A_651 = tpu.memref_slice %arg15[%run_scoped3A_470, %dma_start3A_649, %dma_start3A_650] : memref<5x128x4xf32, #tpu.memory_space<vmem>> -> memref<1x128x4xf32, #tpu.memory_space<vmem>>
        %dma_start3A_652 = tpu.memref_squeeze %dma_start3A_651 : memref<1x128x4xf32, #tpu.memory_space<vmem>> -> memref<128x4xf32, #tpu.memory_space<vmem>>
        %dma_start3A_653 = arith.constant 0 : i32
        %dma_start3A_654 = tpu.memref_slice %arg9[%run_scoped3A_471, %dma_start3A_653] : memref<10x128xi32, #tpu.memory_space<vmem>> -> memref<1x128xi32, #tpu.memory_space<vmem>>
        %dma_start3A_655 = tpu.memref_squeeze %dma_start3A_654 : memref<1x128xi32, #tpu.memory_space<vmem>> -> memref<128xi32, #tpu.memory_space<vmem>>
        %dma_start3A_656 = arith.constant 0 : i32
        %dma_start3A_657 = arith.constant 0 : i32
        %dma_start3A_658 = tpu.memref_slice %arg29[%dma_start3A_656, %dma_start3A_657] : memref<100000x4xf32, #tpu.memory_space<vmem_shared>> -> memref<100000x4xf32, #tpu.memory_space<vmem_shared>>
        tpu.enqueue_indirect_dma source(%dma_start3A_652 : memref<128x4xf32, #tpu.memory_space<vmem>>) target(%dma_start3A_658 : memref<100000x4xf32, #tpu.memory_space<vmem_shared>>) offsets(%dma_start3A_655 : memref<128xi32, #tpu.memory_space<vmem>>) semaphore(%run_scoped3A_648 : memref<!tpu.dma_semaphore, #tpu.memory_space<semaphore_mem>>) {add = true}
        %dma_wait3A_659 = arith.constant 0 : i32
        %dma_wait3A_660 = arith.constant 0 : i32
        %dma_wait3A_661 = tpu.memref_slice %arg15[%run_scoped3A_470, %dma_wait3A_659, %dma_wait3A_660] : memref<5x128x4xf32, #tpu.memory_space<vmem>> -> memref<1x128x4xf32, #tpu.memory_space<vmem>>
        %dma_wait3A_662 = tpu.memref_squeeze %dma_wait3A_661 : memref<1x128x4xf32, #tpu.memory_space<vmem>> -> memref<128x4xf32, #tpu.memory_space<vmem>>
        %dma_wait3A_663 = arith.constant 0 : i32
        %dma_wait3A_664 = tpu.memref_slice %arg9[%run_scoped3A_471, %dma_wait3A_663] : memref<10x128xi32, #tpu.memory_space<vmem>> -> memref<1x128xi32, #tpu.memory_space<vmem>>
        %dma_wait3A_665 = tpu.memref_squeeze %dma_wait3A_664 : memref<1x128xi32, #tpu.memory_space<vmem>> -> memref<128xi32, #tpu.memory_space<vmem>>
        %dma_wait3A_666 = arith.constant 0 : i32
        %dma_wait3A_667 = arith.constant 0 : i32
        %dma_wait3A_668 = tpu.memref_slice %arg29[%dma_wait3A_666, %dma_wait3A_667] : memref<100000x4xf32, #tpu.memory_space<vmem_shared>> -> memref<100000x4xf32, #tpu.memory_space<vmem_shared>>
        tpu.wait_indirect_dma semaphore(%run_scoped3A_648 : memref<!tpu.dma_semaphore, #tpu.memory_space<semaphore_mem>>) src(%dma_wait3A_662 : memref<128x4xf32, #tpu.memory_space<vmem>>) dst(%dma_wait3A_668 : memref<100000x4xf32, #tpu.memory_space<vmem_shared>>)
        tpu.yield
      }) : () -> ()
      %run_scoped3A_472 = arith.constant 3 : i32
      %run_scoped3A_473 = arith.constant 8 : i32
      "tpu.region"() ({
        %run_scoped3A_648 = tpu.sem_alloc : memref<!tpu.dma_semaphore, #tpu.memory_space<semaphore_mem>>
        %dma_start3A_649 = arith.constant 0 : i32
        %dma_start3A_650 = arith.constant 0 : i32
        %dma_start3A_651 = tpu.memref_slice %arg16[%run_scoped3A_472, %dma_start3A_649, %dma_start3A_650] : memref<5x128x4xf32, #tpu.memory_space<vmem>> -> memref<1x128x4xf32, #tpu.memory_space<vmem>>
        %dma_start3A_652 = tpu.memref_squeeze %dma_start3A_651 : memref<1x128x4xf32, #tpu.memory_space<vmem>> -> memref<128x4xf32, #tpu.memory_space<vmem>>
        %dma_start3A_653 = arith.constant 0 : i32
        %dma_start3A_654 = tpu.memref_slice %arg9[%run_scoped3A_473, %dma_start3A_653] : memref<10x128xi32, #tpu.memory_space<vmem>> -> memref<1x128xi32, #tpu.memory_space<vmem>>
        %dma_start3A_655 = tpu.memref_squeeze %dma_start3A_654 : memref<1x128xi32, #tpu.memory_space<vmem>> -> memref<128xi32, #tpu.memory_space<vmem>>
        %dma_start3A_656 = arith.constant 0 : i32
        %dma_start3A_657 = arith.constant 0 : i32
        %dma_start3A_658 = tpu.memref_slice %arg29[%dma_start3A_656, %dma_start3A_657] : memref<100000x4xf32, #tpu.memory_space<vmem_shared>> -> memref<100000x4xf32, #tpu.memory_space<vmem_shared>>
        tpu.enqueue_indirect_dma source(%dma_start3A_652 : memref<128x4xf32, #tpu.memory_space<vmem>>) target(%dma_start3A_658 : memref<100000x4xf32, #tpu.memory_space<vmem_shared>>) offsets(%dma_start3A_655 : memref<128xi32, #tpu.memory_space<vmem>>) semaphore(%run_scoped3A_648 : memref<!tpu.dma_semaphore, #tpu.memory_space<semaphore_mem>>) {add = true}
        %dma_wait3A_659 = arith.constant 0 : i32
        %dma_wait3A_660 = arith.constant 0 : i32
        %dma_wait3A_661 = tpu.memref_slice %arg16[%run_scoped3A_472, %dma_wait3A_659, %dma_wait3A_660] : memref<5x128x4xf32, #tpu.memory_space<vmem>> -> memref<1x128x4xf32, #tpu.memory_space<vmem>>
        %dma_wait3A_662 = tpu.memref_squeeze %dma_wait3A_661 : memref<1x128x4xf32, #tpu.memory_space<vmem>> -> memref<128x4xf32, #tpu.memory_space<vmem>>
        %dma_wait3A_663 = arith.constant 0 : i32
        %dma_wait3A_664 = tpu.memref_slice %arg9[%run_scoped3A_473, %dma_wait3A_663] : memref<10x128xi32, #tpu.memory_space<vmem>> -> memref<1x128xi32, #tpu.memory_space<vmem>>
        %dma_wait3A_665 = tpu.memref_squeeze %dma_wait3A_664 : memref<1x128xi32, #tpu.memory_space<vmem>> -> memref<128xi32, #tpu.memory_space<vmem>>
        %dma_wait3A_666 = arith.constant 0 : i32
        %dma_wait3A_667 = arith.constant 0 : i32
        %dma_wait3A_668 = tpu.memref_slice %arg29[%dma_wait3A_666, %dma_wait3A_667] : memref<100000x4xf32, #tpu.memory_space<vmem_shared>> -> memref<100000x4xf32, #tpu.memory_space<vmem_shared>>
        tpu.wait_indirect_dma semaphore(%run_scoped3A_648 : memref<!tpu.dma_semaphore, #tpu.memory_space<semaphore_mem>>) src(%dma_wait3A_662 : memref<128x4xf32, #tpu.memory_space<vmem>>) dst(%dma_wait3A_668 : memref<100000x4xf32, #tpu.memory_space<vmem_shared>>)
        tpu.yield
      }) : () -> ()
      %run_scoped3A_474 = arith.constant 4 : i32
      %run_scoped3A_475 = arith.constant 4 : i32
      "tpu.region"() ({
        %run_scoped3A_648 = tpu.sem_alloc : memref<!tpu.dma_semaphore, #tpu.memory_space<semaphore_mem>>
        %dma_start3A_649 = arith.constant 0 : i32
        %dma_start3A_650 = arith.constant 0 : i32
        %dma_start3A_651 = tpu.memref_slice %arg15[%run_scoped3A_474, %dma_start3A_649, %dma_start3A_650] : memref<5x128x4xf32, #tpu.memory_space<vmem>> -> memref<1x128x4xf32, #tpu.memory_space<vmem>>
        %dma_start3A_652 = tpu.memref_squeeze %dma_start3A_651 : memref<1x128x4xf32, #tpu.memory_space<vmem>> -> memref<128x4xf32, #tpu.memory_space<vmem>>
        %dma_start3A_653 = arith.constant 0 : i32
        %dma_start3A_654 = tpu.memref_slice %arg9[%run_scoped3A_475, %dma_start3A_653] : memref<10x128xi32, #tpu.memory_space<vmem>> -> memref<1x128xi32, #tpu.memory_space<vmem>>
        %dma_start3A_655 = tpu.memref_squeeze %dma_start3A_654 : memref<1x128xi32, #tpu.memory_space<vmem>> -> memref<128xi32, #tpu.memory_space<vmem>>
        %dma_start3A_656 = arith.constant 0 : i32
        %dma_start3A_657 = arith.constant 0 : i32
        %dma_start3A_658 = tpu.memref_slice %arg29[%dma_start3A_656, %dma_start3A_657] : memref<100000x4xf32, #tpu.memory_space<vmem_shared>> -> memref<100000x4xf32, #tpu.memory_space<vmem_shared>>
        tpu.enqueue_indirect_dma source(%dma_start3A_652 : memref<128x4xf32, #tpu.memory_space<vmem>>) target(%dma_start3A_658 : memref<100000x4xf32, #tpu.memory_space<vmem_shared>>) offsets(%dma_start3A_655 : memref<128xi32, #tpu.memory_space<vmem>>) semaphore(%run_scoped3A_648 : memref<!tpu.dma_semaphore, #tpu.memory_space<semaphore_mem>>) {add = true}
        %dma_wait3A_659 = arith.constant 0 : i32
        %dma_wait3A_660 = arith.constant 0 : i32
        %dma_wait3A_661 = tpu.memref_slice %arg15[%run_scoped3A_474, %dma_wait3A_659, %dma_wait3A_660] : memref<5x128x4xf32, #tpu.memory_space<vmem>> -> memref<1x128x4xf32, #tpu.memory_space<vmem>>
        %dma_wait3A_662 = tpu.memref_squeeze %dma_wait3A_661 : memref<1x128x4xf32, #tpu.memory_space<vmem>> -> memref<128x4xf32, #tpu.memory_space<vmem>>
        %dma_wait3A_663 = arith.constant 0 : i32
        %dma_wait3A_664 = tpu.memref_slice %arg9[%run_scoped3A_475, %dma_wait3A_663] : memref<10x128xi32, #tpu.memory_space<vmem>> -> memref<1x128xi32, #tpu.memory_space<vmem>>
        %dma_wait3A_665 = tpu.memref_squeeze %dma_wait3A_664 : memref<1x128xi32, #tpu.memory_space<vmem>> -> memref<128xi32, #tpu.memory_space<vmem>>
        %dma_wait3A_666 = arith.constant 0 : i32
        %dma_wait3A_667 = arith.constant 0 : i32
        %dma_wait3A_668 = tpu.memref_slice %arg29[%dma_wait3A_666, %dma_wait3A_667] : memref<100000x4xf32, #tpu.memory_space<vmem_shared>> -> memref<100000x4xf32, #tpu.memory_space<vmem_shared>>
        tpu.wait_indirect_dma semaphore(%run_scoped3A_648 : memref<!tpu.dma_semaphore, #tpu.memory_space<semaphore_mem>>) src(%dma_wait3A_662 : memref<128x4xf32, #tpu.memory_space<vmem>>) dst(%dma_wait3A_668 : memref<100000x4xf32, #tpu.memory_space<vmem_shared>>)
        tpu.yield
      }) : () -> ()
      %run_scoped3A_476 = arith.constant 4 : i32
      %run_scoped3A_477 = arith.constant 9 : i32
      "tpu.region"() ({
        %run_scoped3A_648 = tpu.sem_alloc : memref<!tpu.dma_semaphore, #tpu.memory_space<semaphore_mem>>
        %dma_start3A_649 = arith.constant 0 : i32
        %dma_start3A_650 = arith.constant 0 : i32
        %dma_start3A_651 = tpu.memref_slice %arg16[%run_scoped3A_476, %dma_start3A_649, %dma_start3A_650] : memref<5x128x4xf32, #tpu.memory_space<vmem>> -> memref<1x128x4xf32, #tpu.memory_space<vmem>>
        %dma_start3A_652 = tpu.memref_squeeze %dma_start3A_651 : memref<1x128x4xf32, #tpu.memory_space<vmem>> -> memref<128x4xf32, #tpu.memory_space<vmem>>
        %dma_start3A_653 = arith.constant 0 : i32
        %dma_start3A_654 = tpu.memref_slice %arg9[%run_scoped3A_477, %dma_start3A_653] : memref<10x128xi32, #tpu.memory_space<vmem>> -> memref<1x128xi32, #tpu.memory_space<vmem>>
        %dma_start3A_655 = tpu.memref_squeeze %dma_start3A_654 : memref<1x128xi32, #tpu.memory_space<vmem>> -> memref<128xi32, #tpu.memory_space<vmem>>
        %dma_start3A_656 = arith.constant 0 : i32
        %dma_start3A_657 = arith.constant 0 : i32
        %dma_start3A_658 = tpu.memref_slice %arg29[%dma_start3A_656, %dma_start3A_657] : memref<100000x4xf32, #tpu.memory_space<vmem_shared>> -> memref<100000x4xf32, #tpu.memory_space<vmem_shared>>
        tpu.enqueue_indirect_dma source(%dma_start3A_652 : memref<128x4xf32, #tpu.memory_space<vmem>>) target(%dma_start3A_658 : memref<100000x4xf32, #tpu.memory_space<vmem_shared>>) offsets(%dma_start3A_655 : memref<128xi32, #tpu.memory_space<vmem>>) semaphore(%run_scoped3A_648 : memref<!tpu.dma_semaphore, #tpu.memory_space<semaphore_mem>>) {add = true}
        %dma_wait3A_659 = arith.constant 0 : i32
        %dma_wait3A_660 = arith.constant 0 : i32
        %dma_wait3A_661 = tpu.memref_slice %arg16[%run_scoped3A_476, %dma_wait3A_659, %dma_wait3A_660] : memref<5x128x4xf32, #tpu.memory_space<vmem>> -> memref<1x128x4xf32, #tpu.memory_space<vmem>>
        %dma_wait3A_662 = tpu.memref_squeeze %dma_wait3A_661 : memref<1x128x4xf32, #tpu.memory_space<vmem>> -> memref<128x4xf32, #tpu.memory_space<vmem>>
        %dma_wait3A_663 = arith.constant 0 : i32
        %dma_wait3A_664 = tpu.memref_slice %arg9[%run_scoped3A_477, %dma_wait3A_663] : memref<10x128xi32, #tpu.memory_space<vmem>> -> memref<1x128xi32, #tpu.memory_space<vmem>>
        %dma_wait3A_665 = tpu.memref_squeeze %dma_wait3A_664 : memref<1x128xi32, #tpu.memory_space<vmem>> -> memref<128xi32, #tpu.memory_space<vmem>>
        %dma_wait3A_666 = arith.constant 0 : i32
        %dma_wait3A_667 = arith.constant 0 : i32
        %dma_wait3A_668 = tpu.memref_slice %arg29[%dma_wait3A_666, %dma_wait3A_667] : memref<100000x4xf32, #tpu.memory_space<vmem_shared>> -> memref<100000x4xf32, #tpu.memory_space<vmem_shared>>
        tpu.wait_indirect_dma semaphore(%run_scoped3A_648 : memref<!tpu.dma_semaphore, #tpu.memory_space<semaphore_mem>>) src(%dma_wait3A_662 : memref<128x4xf32, #tpu.memory_space<vmem>>) dst(%dma_wait3A_668 : memref<100000x4xf32, #tpu.memory_space<vmem_shared>>)
        tpu.yield
      }) : () -> ()
      %lt3A_478 = arith.constant 155 : i32
      %lt3A_479 = arith.cmpi slt, %scan3A_176, %lt3A_478 : i32
      %convert_element_type3A_480 = arith.extui %lt3A_479 : i1 to i32
      %cond3A_481 = arith.constant 0 : i32
      %cond3A_482 = arith.cmpi ne, %convert_element_type3A_480, %cond3A_481 : i32
      scf.if %cond3A_482 {
        %add3A_648 = arith.constant 2 : i32
        %add3A_649 = arith.addi %mul3A_179, %add3A_648 : i32
        %mul3A_650 = arith.constant 32 : i32
        %mul3A_651 = arith.muli %add3A_649, %mul3A_650 : i32
        %add3A_652 = arith.addi %mul3A_651, %add3A : i32
        %mul3A_653 = arith.constant 640 : i32
        %mul3A_654 = arith.muli %add3A_652, %mul3A_653 : i32
        %mul3A_655 = arith.constant 2 : i32
        %mul3A_656 = arith.muli %add3A_652, %mul3A_655 : i32
        %mul3A_657 = arith.constant 5 : i32
        %mul3A_658 = arith.muli %mul3A_656, %mul3A_657 : i32
        "tpu.region"() ({
          %run_scoped3A_783 = tpu.sem_alloc : memref<!tpu.dma_semaphore, #tpu.memory_space<semaphore_mem>>
          %dma_start3A_784 = arith.constant 0 : i32
          %dma_start3A_785 = tpu.memref_slice %arg3[%mul3A_658, %dma_start3A_784] : memref<100000x128xi32, #tpu.memory_space<hbm>> -> memref<10x128xi32, #tpu.memory_space<hbm>>
          %dma_start3A_786 = arith.constant 0 : i32
          %dma_start3A_787 = tpu.memref_slice %arg3[%mul3A_658, %dma_start3A_786] : memref<100000x128xi32, #tpu.memory_space<hbm>> -> memref<10x128xi32, #tpu.memory_space<hbm>>
          tpu.enqueue_dma source(%dma_start3A_787 : memref<10x128xi32, #tpu.memory_space<hbm>>) target(%arg9 : memref<10x128xi32, #tpu.memory_space<vmem>>) target_semaphore(%run_scoped3A_783 : memref<!tpu.dma_semaphore, #tpu.memory_space<semaphore_mem>>)
          %dma_wait3A_788 = arith.constant 0 : i32
          %dma_wait3A_789 = tpu.memref_slice %arg3[%mul3A_658, %dma_wait3A_788] : memref<100000x128xi32, #tpu.memory_space<hbm>> -> memref<10x128xi32, #tpu.memory_space<hbm>>
          %dma_wait3A_790 = arith.constant 0 : i32
          %dma_wait3A_791 = tpu.memref_slice %arg3[%mul3A_658, %dma_wait3A_790] : memref<100000x128xi32, #tpu.memory_space<hbm>> -> memref<10x128xi32, #tpu.memory_space<hbm>>
          tpu.wait_dma2 semaphore(%run_scoped3A_783 : memref<!tpu.dma_semaphore, #tpu.memory_space<semaphore_mem>>) src(%dma_wait3A_791 : memref<10x128xi32, #tpu.memory_space<hbm>>) dst(%arg9 : memref<10x128xi32, #tpu.memory_space<vmem>>)
          tpu.yield
        }) : () -> ()
        %dma_start3A_659 = tpu.memref_slice %arg4[%mul3A_654] : memref<6400000xf32, #tpu.memory_space<hbm>> -> memref<640xf32, #tpu.memory_space<hbm>>
        %dma_start3A_660 = tpu.memref_slice %arg4[%mul3A_654] : memref<6400000xf32, #tpu.memory_space<hbm>> -> memref<640xf32, #tpu.memory_space<hbm>>
        tpu.enqueue_dma source(%dma_start3A_660 : memref<640xf32, #tpu.memory_space<hbm>>) target(%arg12 : memref<640xf32, #tpu.memory_space<vmem>>) target_semaphore(%arg17 : memref<!tpu.dma_semaphore, #tpu.memory_space<semaphore_mem>>)
        %dma_start3A_661 = tpu.memref_slice %arg5[%mul3A_654] : memref<6400000xf32, #tpu.memory_space<hbm>> -> memref<640xf32, #tpu.memory_space<hbm>>
        %dma_start3A_662 = tpu.memref_slice %arg5[%mul3A_654] : memref<6400000xf32, #tpu.memory_space<hbm>> -> memref<640xf32, #tpu.memory_space<hbm>>
        tpu.enqueue_dma source(%dma_start3A_662 : memref<640xf32, #tpu.memory_space<hbm>>) target(%arg13 : memref<640xf32, #tpu.memory_space<vmem>>) target_semaphore(%arg17 : memref<!tpu.dma_semaphore, #tpu.memory_space<semaphore_mem>>)
        %dma_start3A_663 = arith.constant 0 : i32
        %dma_start3A_664 = arith.constant 0 : i32
        %dma_start3A_665 = arith.constant 0 : i32
        %dma_start3A_666 = arith.constant 0 : i32
        %dma_start3A_667 = tpu.memref_slice %arg10[%dma_start3A_664, %dma_start3A_665, %dma_start3A_666] : memref<5x128x8xf32, #tpu.memory_space<vmem>> -> memref<1x128x8xf32, #tpu.memory_space<vmem>>
        %dma_start3A_668 = tpu.memref_squeeze %dma_start3A_667 : memref<1x128x8xf32, #tpu.memory_space<vmem>> -> memref<128x8xf32, #tpu.memory_space<vmem>>
        %dma_start3A_669 = arith.constant 0 : i32
        %dma_start3A_670 = tpu.memref_slice %arg9[%dma_start3A_663, %dma_start3A_669] : memref<10x128xi32, #tpu.memory_space<vmem>> -> memref<1x128xi32, #tpu.memory_space<vmem>>
        %dma_start3A_671 = tpu.memref_squeeze %dma_start3A_670 : memref<1x128xi32, #tpu.memory_space<vmem>> -> memref<128xi32, #tpu.memory_space<vmem>>
        %dma_start3A_672 = arith.constant 0 : i32
        %dma_start3A_673 = arith.constant 0 : i32
        %dma_start3A_674 = tpu.memref_slice %arg2[%dma_start3A_672, %dma_start3A_673] : memref<100000x8xf32, #tpu.memory_space<hbm>> -> memref<100000x8xf32, #tpu.memory_space<hbm>>
        tpu.enqueue_indirect_dma source(%dma_start3A_674 : memref<100000x8xf32, #tpu.memory_space<hbm>>) target(%dma_start3A_668 : memref<128x8xf32, #tpu.memory_space<vmem>>) offsets(%dma_start3A_671 : memref<128xi32, #tpu.memory_space<vmem>>) semaphore(%arg17 : memref<!tpu.dma_semaphore, #tpu.memory_space<semaphore_mem>>)
        %dma_start3A_675 = arith.constant 5 : i32
        %dma_start3A_676 = arith.constant 0 : i32
        %dma_start3A_677 = arith.constant 0 : i32
        %dma_start3A_678 = arith.constant 0 : i32
        %dma_start3A_679 = tpu.memref_slice %arg11[%dma_start3A_676, %dma_start3A_677, %dma_start3A_678] : memref<5x128x8xf32, #tpu.memory_space<vmem>> -> memref<1x128x8xf32, #tpu.memory_space<vmem>>
        %dma_start3A_680 = tpu.memref_squeeze %dma_start3A_679 : memref<1x128x8xf32, #tpu.memory_space<vmem>> -> memref<128x8xf32, #tpu.memory_space<vmem>>
        %dma_start3A_681 = arith.constant 0 : i32
        %dma_start3A_682 = tpu.memref_slice %arg9[%dma_start3A_675, %dma_start3A_681] : memref<10x128xi32, #tpu.memory_space<vmem>> -> memref<1x128xi32, #tpu.memory_space<vmem>>
        %dma_start3A_683 = tpu.memref_squeeze %dma_start3A_682 : memref<1x128xi32, #tpu.memory_space<vmem>> -> memref<128xi32, #tpu.memory_space<vmem>>
        %dma_start3A_684 = arith.constant 0 : i32
        %dma_start3A_685 = arith.constant 0 : i32
        %dma_start3A_686 = tpu.memref_slice %arg2[%dma_start3A_684, %dma_start3A_685] : memref<100000x8xf32, #tpu.memory_space<hbm>> -> memref<100000x8xf32, #tpu.memory_space<hbm>>
        tpu.enqueue_indirect_dma source(%dma_start3A_686 : memref<100000x8xf32, #tpu.memory_space<hbm>>) target(%dma_start3A_680 : memref<128x8xf32, #tpu.memory_space<vmem>>) offsets(%dma_start3A_683 : memref<128xi32, #tpu.memory_space<vmem>>) semaphore(%arg17 : memref<!tpu.dma_semaphore, #tpu.memory_space<semaphore_mem>>)
        %dma_start3A_687 = arith.constant 1 : i32
        %dma_start3A_688 = arith.constant 1 : i32
        %dma_start3A_689 = arith.constant 0 : i32
        %dma_start3A_690 = arith.constant 0 : i32
        %dma_start3A_691 = tpu.memref_slice %arg10[%dma_start3A_688, %dma_start3A_689, %dma_start3A_690] : memref<5x128x8xf32, #tpu.memory_space<vmem>> -> memref<1x128x8xf32, #tpu.memory_space<vmem>>
        %dma_start3A_692 = tpu.memref_squeeze %dma_start3A_691 : memref<1x128x8xf32, #tpu.memory_space<vmem>> -> memref<128x8xf32, #tpu.memory_space<vmem>>
        %dma_start3A_693 = arith.constant 0 : i32
        %dma_start3A_694 = tpu.memref_slice %arg9[%dma_start3A_687, %dma_start3A_693] : memref<10x128xi32, #tpu.memory_space<vmem>> -> memref<1x128xi32, #tpu.memory_space<vmem>>
        %dma_start3A_695 = tpu.memref_squeeze %dma_start3A_694 : memref<1x128xi32, #tpu.memory_space<vmem>> -> memref<128xi32, #tpu.memory_space<vmem>>
        %dma_start3A_696 = arith.constant 0 : i32
        %dma_start3A_697 = arith.constant 0 : i32
        %dma_start3A_698 = tpu.memref_slice %arg2[%dma_start3A_696, %dma_start3A_697] : memref<100000x8xf32, #tpu.memory_space<hbm>> -> memref<100000x8xf32, #tpu.memory_space<hbm>>
        tpu.enqueue_indirect_dma source(%dma_start3A_698 : memref<100000x8xf32, #tpu.memory_space<hbm>>) target(%dma_start3A_692 : memref<128x8xf32, #tpu.memory_space<vmem>>) offsets(%dma_start3A_695 : memref<128xi32, #tpu.memory_space<vmem>>) semaphore(%arg17 : memref<!tpu.dma_semaphore, #tpu.memory_space<semaphore_mem>>)
        %dma_start3A_699 = arith.constant 6 : i32
        %dma_start3A_700 = arith.constant 1 : i32
        %dma_start3A_701 = arith.constant 0 : i32
        %dma_start3A_702 = arith.constant 0 : i32
        %dma_start3A_703 = tpu.memref_slice %arg11[%dma_start3A_700, %dma_start3A_701, %dma_start3A_702] : memref<5x128x8xf32, #tpu.memory_space<vmem>> -> memref<1x128x8xf32, #tpu.memory_space<vmem>>
        %dma_start3A_704 = tpu.memref_squeeze %dma_start3A_703 : memref<1x128x8xf32, #tpu.memory_space<vmem>> -> memref<128x8xf32, #tpu.memory_space<vmem>>
        %dma_start3A_705 = arith.constant 0 : i32
        %dma_start3A_706 = tpu.memref_slice %arg9[%dma_start3A_699, %dma_start3A_705] : memref<10x128xi32, #tpu.memory_space<vmem>> -> memref<1x128xi32, #tpu.memory_space<vmem>>
        %dma_start3A_707 = tpu.memref_squeeze %dma_start3A_706 : memref<1x128xi32, #tpu.memory_space<vmem>> -> memref<128xi32, #tpu.memory_space<vmem>>
        %dma_start3A_708 = arith.constant 0 : i32
        %dma_start3A_709 = arith.constant 0 : i32
        %dma_start3A_710 = tpu.memref_slice %arg2[%dma_start3A_708, %dma_start3A_709] : memref<100000x8xf32, #tpu.memory_space<hbm>> -> memref<100000x8xf32, #tpu.memory_space<hbm>>
        tpu.enqueue_indirect_dma source(%dma_start3A_710 : memref<100000x8xf32, #tpu.memory_space<hbm>>) target(%dma_start3A_704 : memref<128x8xf32, #tpu.memory_space<vmem>>) offsets(%dma_start3A_707 : memref<128xi32, #tpu.memory_space<vmem>>) semaphore(%arg17 : memref<!tpu.dma_semaphore, #tpu.memory_space<semaphore_mem>>)
        %dma_start3A_711 = arith.constant 2 : i32
        %dma_start3A_712 = arith.constant 2 : i32
        %dma_start3A_713 = arith.constant 0 : i32
        %dma_start3A_714 = arith.constant 0 : i32
        %dma_start3A_715 = tpu.memref_slice %arg10[%dma_start3A_712, %dma_start3A_713, %dma_start3A_714] : memref<5x128x8xf32, #tpu.memory_space<vmem>> -> memref<1x128x8xf32, #tpu.memory_space<vmem>>
        %dma_start3A_716 = tpu.memref_squeeze %dma_start3A_715 : memref<1x128x8xf32, #tpu.memory_space<vmem>> -> memref<128x8xf32, #tpu.memory_space<vmem>>
        %dma_start3A_717 = arith.constant 0 : i32
        %dma_start3A_718 = tpu.memref_slice %arg9[%dma_start3A_711, %dma_start3A_717] : memref<10x128xi32, #tpu.memory_space<vmem>> -> memref<1x128xi32, #tpu.memory_space<vmem>>
        %dma_start3A_719 = tpu.memref_squeeze %dma_start3A_718 : memref<1x128xi32, #tpu.memory_space<vmem>> -> memref<128xi32, #tpu.memory_space<vmem>>
        %dma_start3A_720 = arith.constant 0 : i32
        %dma_start3A_721 = arith.constant 0 : i32
        %dma_start3A_722 = tpu.memref_slice %arg2[%dma_start3A_720, %dma_start3A_721] : memref<100000x8xf32, #tpu.memory_space<hbm>> -> memref<100000x8xf32, #tpu.memory_space<hbm>>
        tpu.enqueue_indirect_dma source(%dma_start3A_722 : memref<100000x8xf32, #tpu.memory_space<hbm>>) target(%dma_start3A_716 : memref<128x8xf32, #tpu.memory_space<vmem>>) offsets(%dma_start3A_719 : memref<128xi32, #tpu.memory_space<vmem>>) semaphore(%arg17 : memref<!tpu.dma_semaphore, #tpu.memory_space<semaphore_mem>>)
        %dma_start3A_723 = arith.constant 7 : i32
        %dma_start3A_724 = arith.constant 2 : i32
        %dma_start3A_725 = arith.constant 0 : i32
        %dma_start3A_726 = arith.constant 0 : i32
        %dma_start3A_727 = tpu.memref_slice %arg11[%dma_start3A_724, %dma_start3A_725, %dma_start3A_726] : memref<5x128x8xf32, #tpu.memory_space<vmem>> -> memref<1x128x8xf32, #tpu.memory_space<vmem>>
        %dma_start3A_728 = tpu.memref_squeeze %dma_start3A_727 : memref<1x128x8xf32, #tpu.memory_space<vmem>> -> memref<128x8xf32, #tpu.memory_space<vmem>>
        %dma_start3A_729 = arith.constant 0 : i32
        %dma_start3A_730 = tpu.memref_slice %arg9[%dma_start3A_723, %dma_start3A_729] : memref<10x128xi32, #tpu.memory_space<vmem>> -> memref<1x128xi32, #tpu.memory_space<vmem>>
        %dma_start3A_731 = tpu.memref_squeeze %dma_start3A_730 : memref<1x128xi32, #tpu.memory_space<vmem>> -> memref<128xi32, #tpu.memory_space<vmem>>
        %dma_start3A_732 = arith.constant 0 : i32
        %dma_start3A_733 = arith.constant 0 : i32
        %dma_start3A_734 = tpu.memref_slice %arg2[%dma_start3A_732, %dma_start3A_733] : memref<100000x8xf32, #tpu.memory_space<hbm>> -> memref<100000x8xf32, #tpu.memory_space<hbm>>
        tpu.enqueue_indirect_dma source(%dma_start3A_734 : memref<100000x8xf32, #tpu.memory_space<hbm>>) target(%dma_start3A_728 : memref<128x8xf32, #tpu.memory_space<vmem>>) offsets(%dma_start3A_731 : memref<128xi32, #tpu.memory_space<vmem>>) semaphore(%arg17 : memref<!tpu.dma_semaphore, #tpu.memory_space<semaphore_mem>>)
        %dma_start3A_735 = arith.constant 3 : i32
        %dma_start3A_736 = arith.constant 3 : i32
        %dma_start3A_737 = arith.constant 0 : i32
        %dma_start3A_738 = arith.constant 0 : i32
        %dma_start3A_739 = tpu.memref_slice %arg10[%dma_start3A_736, %dma_start3A_737, %dma_start3A_738] : memref<5x128x8xf32, #tpu.memory_space<vmem>> -> memref<1x128x8xf32, #tpu.memory_space<vmem>>
        %dma_start3A_740 = tpu.memref_squeeze %dma_start3A_739 : memref<1x128x8xf32, #tpu.memory_space<vmem>> -> memref<128x8xf32, #tpu.memory_space<vmem>>
        %dma_start3A_741 = arith.constant 0 : i32
        %dma_start3A_742 = tpu.memref_slice %arg9[%dma_start3A_735, %dma_start3A_741] : memref<10x128xi32, #tpu.memory_space<vmem>> -> memref<1x128xi32, #tpu.memory_space<vmem>>
        %dma_start3A_743 = tpu.memref_squeeze %dma_start3A_742 : memref<1x128xi32, #tpu.memory_space<vmem>> -> memref<128xi32, #tpu.memory_space<vmem>>
        %dma_start3A_744 = arith.constant 0 : i32
        %dma_start3A_745 = arith.constant 0 : i32
        %dma_start3A_746 = tpu.memref_slice %arg2[%dma_start3A_744, %dma_start3A_745] : memref<100000x8xf32, #tpu.memory_space<hbm>> -> memref<100000x8xf32, #tpu.memory_space<hbm>>
        tpu.enqueue_indirect_dma source(%dma_start3A_746 : memref<100000x8xf32, #tpu.memory_space<hbm>>) target(%dma_start3A_740 : memref<128x8xf32, #tpu.memory_space<vmem>>) offsets(%dma_start3A_743 : memref<128xi32, #tpu.memory_space<vmem>>) semaphore(%arg17 : memref<!tpu.dma_semaphore, #tpu.memory_space<semaphore_mem>>)
        %dma_start3A_747 = arith.constant 8 : i32
        %dma_start3A_748 = arith.constant 3 : i32
        %dma_start3A_749 = arith.constant 0 : i32
        %dma_start3A_750 = arith.constant 0 : i32
        %dma_start3A_751 = tpu.memref_slice %arg11[%dma_start3A_748, %dma_start3A_749, %dma_start3A_750] : memref<5x128x8xf32, #tpu.memory_space<vmem>> -> memref<1x128x8xf32, #tpu.memory_space<vmem>>
        %dma_start3A_752 = tpu.memref_squeeze %dma_start3A_751 : memref<1x128x8xf32, #tpu.memory_space<vmem>> -> memref<128x8xf32, #tpu.memory_space<vmem>>
        %dma_start3A_753 = arith.constant 0 : i32
        %dma_start3A_754 = tpu.memref_slice %arg9[%dma_start3A_747, %dma_start3A_753] : memref<10x128xi32, #tpu.memory_space<vmem>> -> memref<1x128xi32, #tpu.memory_space<vmem>>
        %dma_start3A_755 = tpu.memref_squeeze %dma_start3A_754 : memref<1x128xi32, #tpu.memory_space<vmem>> -> memref<128xi32, #tpu.memory_space<vmem>>
        %dma_start3A_756 = arith.constant 0 : i32
        %dma_start3A_757 = arith.constant 0 : i32
        %dma_start3A_758 = tpu.memref_slice %arg2[%dma_start3A_756, %dma_start3A_757] : memref<100000x8xf32, #tpu.memory_space<hbm>> -> memref<100000x8xf32, #tpu.memory_space<hbm>>
        tpu.enqueue_indirect_dma source(%dma_start3A_758 : memref<100000x8xf32, #tpu.memory_space<hbm>>) target(%dma_start3A_752 : memref<128x8xf32, #tpu.memory_space<vmem>>) offsets(%dma_start3A_755 : memref<128xi32, #tpu.memory_space<vmem>>) semaphore(%arg17 : memref<!tpu.dma_semaphore, #tpu.memory_space<semaphore_mem>>)
        %dma_start3A_759 = arith.constant 4 : i32
        %dma_start3A_760 = arith.constant 4 : i32
        %dma_start3A_761 = arith.constant 0 : i32
        %dma_start3A_762 = arith.constant 0 : i32
        %dma_start3A_763 = tpu.memref_slice %arg10[%dma_start3A_760, %dma_start3A_761, %dma_start3A_762] : memref<5x128x8xf32, #tpu.memory_space<vmem>> -> memref<1x128x8xf32, #tpu.memory_space<vmem>>
        %dma_start3A_764 = tpu.memref_squeeze %dma_start3A_763 : memref<1x128x8xf32, #tpu.memory_space<vmem>> -> memref<128x8xf32, #tpu.memory_space<vmem>>
        %dma_start3A_765 = arith.constant 0 : i32
        %dma_start3A_766 = tpu.memref_slice %arg9[%dma_start3A_759, %dma_start3A_765] : memref<10x128xi32, #tpu.memory_space<vmem>> -> memref<1x128xi32, #tpu.memory_space<vmem>>
        %dma_start3A_767 = tpu.memref_squeeze %dma_start3A_766 : memref<1x128xi32, #tpu.memory_space<vmem>> -> memref<128xi32, #tpu.memory_space<vmem>>
        %dma_start3A_768 = arith.constant 0 : i32
        %dma_start3A_769 = arith.constant 0 : i32
        %dma_start3A_770 = tpu.memref_slice %arg2[%dma_start3A_768, %dma_start3A_769] : memref<100000x8xf32, #tpu.memory_space<hbm>> -> memref<100000x8xf32, #tpu.memory_space<hbm>>
        tpu.enqueue_indirect_dma source(%dma_start3A_770 : memref<100000x8xf32, #tpu.memory_space<hbm>>) target(%dma_start3A_764 : memref<128x8xf32, #tpu.memory_space<vmem>>) offsets(%dma_start3A_767 : memref<128xi32, #tpu.memory_space<vmem>>) semaphore(%arg17 : memref<!tpu.dma_semaphore, #tpu.memory_space<semaphore_mem>>)
        %dma_start3A_771 = arith.constant 9 : i32
        %dma_start3A_772 = arith.constant 4 : i32
        %dma_start3A_773 = arith.constant 0 : i32
        %dma_start3A_774 = arith.constant 0 : i32
        %dma_start3A_775 = tpu.memref_slice %arg11[%dma_start3A_772, %dma_start3A_773, %dma_start3A_774] : memref<5x128x8xf32, #tpu.memory_space<vmem>> -> memref<1x128x8xf32, #tpu.memory_space<vmem>>
        %dma_start3A_776 = tpu.memref_squeeze %dma_start3A_775 : memref<1x128x8xf32, #tpu.memory_space<vmem>> -> memref<128x8xf32, #tpu.memory_space<vmem>>
        %dma_start3A_777 = arith.constant 0 : i32
        %dma_start3A_778 = tpu.memref_slice %arg9[%dma_start3A_771, %dma_start3A_777] : memref<10x128xi32, #tpu.memory_space<vmem>> -> memref<1x128xi32, #tpu.memory_space<vmem>>
        %dma_start3A_779 = tpu.memref_squeeze %dma_start3A_778 : memref<1x128xi32, #tpu.memory_space<vmem>> -> memref<128xi32, #tpu.memory_space<vmem>>
        %dma_start3A_780 = arith.constant 0 : i32
        %dma_start3A_781 = arith.constant 0 : i32
        %dma_start3A_782 = tpu.memref_slice %arg2[%dma_start3A_780, %dma_start3A_781] : memref<100000x8xf32, #tpu.memory_space<hbm>> -> memref<100000x8xf32, #tpu.memory_space<hbm>>
        tpu.enqueue_indirect_dma source(%dma_start3A_782 : memref<100000x8xf32, #tpu.memory_space<hbm>>) target(%dma_start3A_776 : memref<128x8xf32, #tpu.memory_space<vmem>>) offsets(%dma_start3A_779 : memref<128xi32, #tpu.memory_space<vmem>>) semaphore(%arg17 : memref<!tpu.dma_semaphore, #tpu.memory_space<semaphore_mem>>)
      } else {
      }
      %mul3A_483 = arith.constant 32 : i32
      %mul3A_484 = arith.muli %add3A_183, %mul3A_483 : i32
      %add3A_485 = arith.addi %mul3A_484, %add3A : i32
      %mul3A_486 = arith.constant 640 : i32
      %mul3A_487 = arith.muli %add3A_485, %mul3A_486 : i32
      %dma_wait3A_488 = tpu.memref_slice %arg4[%mul3A_487] : memref<6400000xf32, #tpu.memory_space<hbm>> -> memref<640xf32, #tpu.memory_space<hbm>>
      %dma_wait3A_489 = tpu.memref_slice %arg4[%mul3A_487] : memref<6400000xf32, #tpu.memory_space<hbm>> -> memref<640xf32, #tpu.memory_space<hbm>>
      tpu.wait_dma2 semaphore(%arg27 : memref<!tpu.dma_semaphore, #tpu.memory_space<semaphore_mem>>) src(%dma_wait3A_489 : memref<640xf32, #tpu.memory_space<hbm>>) dst(%arg22 : memref<640xf32, #tpu.memory_space<vmem>>)
      %dma_wait3A_490 = tpu.memref_slice %arg5[%mul3A_487] : memref<6400000xf32, #tpu.memory_space<hbm>> -> memref<640xf32, #tpu.memory_space<hbm>>
      %dma_wait3A_491 = tpu.memref_slice %arg5[%mul3A_487] : memref<6400000xf32, #tpu.memory_space<hbm>> -> memref<640xf32, #tpu.memory_space<hbm>>
      tpu.wait_dma2 semaphore(%arg27 : memref<!tpu.dma_semaphore, #tpu.memory_space<semaphore_mem>>) src(%dma_wait3A_491 : memref<640xf32, #tpu.memory_space<hbm>>) dst(%arg23 : memref<640xf32, #tpu.memory_space<vmem>>)
      %dma_wait3A_492 = arith.constant 0 : i32
      %dma_wait3A_493 = arith.constant 0 : i32
      %dma_wait3A_494 = arith.constant 0 : i32
      %dma_wait3A_495 = arith.constant 0 : i32
      %dma_wait3A_496 = tpu.memref_slice %arg20[%dma_wait3A_493, %dma_wait3A_494, %dma_wait3A_495] : memref<5x128x8xf32, #tpu.memory_space<vmem>> -> memref<1x128x8xf32, #tpu.memory_space<vmem>>
      %dma_wait3A_497 = tpu.memref_squeeze %dma_wait3A_496 : memref<1x128x8xf32, #tpu.memory_space<vmem>> -> memref<128x8xf32, #tpu.memory_space<vmem>>
      %dma_wait3A_498 = arith.constant 0 : i32
      %dma_wait3A_499 = tpu.memref_slice %arg19[%dma_wait3A_492, %dma_wait3A_498] : memref<10x128xi32, #tpu.memory_space<vmem>> -> memref<1x128xi32, #tpu.memory_space<vmem>>
      %dma_wait3A_500 = tpu.memref_squeeze %dma_wait3A_499 : memref<1x128xi32, #tpu.memory_space<vmem>> -> memref<128xi32, #tpu.memory_space<vmem>>
      %dma_wait3A_501 = arith.constant 0 : i32
      %dma_wait3A_502 = arith.constant 0 : i32
      %dma_wait3A_503 = tpu.memref_slice %arg2[%dma_wait3A_501, %dma_wait3A_502] : memref<100000x8xf32, #tpu.memory_space<hbm>> -> memref<100000x8xf32, #tpu.memory_space<hbm>>
      tpu.wait_indirect_dma semaphore(%arg27 : memref<!tpu.dma_semaphore, #tpu.memory_space<semaphore_mem>>) src(%dma_wait3A_503 : memref<100000x8xf32, #tpu.memory_space<hbm>>) dst(%dma_wait3A_497 : memref<128x8xf32, #tpu.memory_space<vmem>>)
      %dma_wait3A_504 = arith.constant 5 : i32
      %dma_wait3A_505 = arith.constant 0 : i32
      %dma_wait3A_506 = arith.constant 0 : i32
      %dma_wait3A_507 = arith.constant 0 : i32
      %dma_wait3A_508 = tpu.memref_slice %arg21[%dma_wait3A_505, %dma_wait3A_506, %dma_wait3A_507] : memref<5x128x8xf32, #tpu.memory_space<vmem>> -> memref<1x128x8xf32, #tpu.memory_space<vmem>>
      %dma_wait3A_509 = tpu.memref_squeeze %dma_wait3A_508 : memref<1x128x8xf32, #tpu.memory_space<vmem>> -> memref<128x8xf32, #tpu.memory_space<vmem>>
      %dma_wait3A_510 = arith.constant 0 : i32
      %dma_wait3A_511 = tpu.memref_slice %arg19[%dma_wait3A_504, %dma_wait3A_510] : memref<10x128xi32, #tpu.memory_space<vmem>> -> memref<1x128xi32, #tpu.memory_space<vmem>>
      %dma_wait3A_512 = tpu.memref_squeeze %dma_wait3A_511 : memref<1x128xi32, #tpu.memory_space<vmem>> -> memref<128xi32, #tpu.memory_space<vmem>>
      %dma_wait3A_513 = arith.constant 0 : i32
      %dma_wait3A_514 = arith.constant 0 : i32
      %dma_wait3A_515 = tpu.memref_slice %arg2[%dma_wait3A_513, %dma_wait3A_514] : memref<100000x8xf32, #tpu.memory_space<hbm>> -> memref<100000x8xf32, #tpu.memory_space<hbm>>
      tpu.wait_indirect_dma semaphore(%arg27 : memref<!tpu.dma_semaphore, #tpu.memory_space<semaphore_mem>>) src(%dma_wait3A_515 : memref<100000x8xf32, #tpu.memory_space<hbm>>) dst(%dma_wait3A_509 : memref<128x8xf32, #tpu.memory_space<vmem>>)
      %dma_wait3A_516 = arith.constant 1 : i32
      %dma_wait3A_517 = arith.constant 1 : i32
      %dma_wait3A_518 = arith.constant 0 : i32
      %dma_wait3A_519 = arith.constant 0 : i32
      %dma_wait3A_520 = tpu.memref_slice %arg20[%dma_wait3A_517, %dma_wait3A_518, %dma_wait3A_519] : memref<5x128x8xf32, #tpu.memory_space<vmem>> -> memref<1x128x8xf32, #tpu.memory_space<vmem>>
      %dma_wait3A_521 = tpu.memref_squeeze %dma_wait3A_520 : memref<1x128x8xf32, #tpu.memory_space<vmem>> -> memref<128x8xf32, #tpu.memory_space<vmem>>
      %dma_wait3A_522 = arith.constant 0 : i32
      %dma_wait3A_523 = tpu.memref_slice %arg19[%dma_wait3A_516, %dma_wait3A_522] : memref<10x128xi32, #tpu.memory_space<vmem>> -> memref<1x128xi32, #tpu.memory_space<vmem>>
      %dma_wait3A_524 = tpu.memref_squeeze %dma_wait3A_523 : memref<1x128xi32, #tpu.memory_space<vmem>> -> memref<128xi32, #tpu.memory_space<vmem>>
      %dma_wait3A_525 = arith.constant 0 : i32
      %dma_wait3A_526 = arith.constant 0 : i32
      %dma_wait3A_527 = tpu.memref_slice %arg2[%dma_wait3A_525, %dma_wait3A_526] : memref<100000x8xf32, #tpu.memory_space<hbm>> -> memref<100000x8xf32, #tpu.memory_space<hbm>>
      tpu.wait_indirect_dma semaphore(%arg27 : memref<!tpu.dma_semaphore, #tpu.memory_space<semaphore_mem>>) src(%dma_wait3A_527 : memref<100000x8xf32, #tpu.memory_space<hbm>>) dst(%dma_wait3A_521 : memref<128x8xf32, #tpu.memory_space<vmem>>)
      %dma_wait3A_528 = arith.constant 6 : i32
      %dma_wait3A_529 = arith.constant 1 : i32
      %dma_wait3A_530 = arith.constant 0 : i32
      %dma_wait3A_531 = arith.constant 0 : i32
      %dma_wait3A_532 = tpu.memref_slice %arg21[%dma_wait3A_529, %dma_wait3A_530, %dma_wait3A_531] : memref<5x128x8xf32, #tpu.memory_space<vmem>> -> memref<1x128x8xf32, #tpu.memory_space<vmem>>
      %dma_wait3A_533 = tpu.memref_squeeze %dma_wait3A_532 : memref<1x128x8xf32, #tpu.memory_space<vmem>> -> memref<128x8xf32, #tpu.memory_space<vmem>>
      %dma_wait3A_534 = arith.constant 0 : i32
      %dma_wait3A_535 = tpu.memref_slice %arg19[%dma_wait3A_528, %dma_wait3A_534] : memref<10x128xi32, #tpu.memory_space<vmem>> -> memref<1x128xi32, #tpu.memory_space<vmem>>
      %dma_wait3A_536 = tpu.memref_squeeze %dma_wait3A_535 : memref<1x128xi32, #tpu.memory_space<vmem>> -> memref<128xi32, #tpu.memory_space<vmem>>
      %dma_wait3A_537 = arith.constant 0 : i32
      %dma_wait3A_538 = arith.constant 0 : i32
      %dma_wait3A_539 = tpu.memref_slice %arg2[%dma_wait3A_537, %dma_wait3A_538] : memref<100000x8xf32, #tpu.memory_space<hbm>> -> memref<100000x8xf32, #tpu.memory_space<hbm>>
      tpu.wait_indirect_dma semaphore(%arg27 : memref<!tpu.dma_semaphore, #tpu.memory_space<semaphore_mem>>) src(%dma_wait3A_539 : memref<100000x8xf32, #tpu.memory_space<hbm>>) dst(%dma_wait3A_533 : memref<128x8xf32, #tpu.memory_space<vmem>>)
      %dma_wait3A_540 = arith.constant 2 : i32
      %dma_wait3A_541 = arith.constant 2 : i32
      %dma_wait3A_542 = arith.constant 0 : i32
      %dma_wait3A_543 = arith.constant 0 : i32
      %dma_wait3A_544 = tpu.memref_slice %arg20[%dma_wait3A_541, %dma_wait3A_542, %dma_wait3A_543] : memref<5x128x8xf32, #tpu.memory_space<vmem>> -> memref<1x128x8xf32, #tpu.memory_space<vmem>>
      %dma_wait3A_545 = tpu.memref_squeeze %dma_wait3A_544 : memref<1x128x8xf32, #tpu.memory_space<vmem>> -> memref<128x8xf32, #tpu.memory_space<vmem>>
      %dma_wait3A_546 = arith.constant 0 : i32
      %dma_wait3A_547 = tpu.memref_slice %arg19[%dma_wait3A_540, %dma_wait3A_546] : memref<10x128xi32, #tpu.memory_space<vmem>> -> memref<1x128xi32, #tpu.memory_space<vmem>>
      %dma_wait3A_548 = tpu.memref_squeeze %dma_wait3A_547 : memref<1x128xi32, #tpu.memory_space<vmem>> -> memref<128xi32, #tpu.memory_space<vmem>>
      %dma_wait3A_549 = arith.constant 0 : i32
      %dma_wait3A_550 = arith.constant 0 : i32
      %dma_wait3A_551 = tpu.memref_slice %arg2[%dma_wait3A_549, %dma_wait3A_550] : memref<100000x8xf32, #tpu.memory_space<hbm>> -> memref<100000x8xf32, #tpu.memory_space<hbm>>
      tpu.wait_indirect_dma semaphore(%arg27 : memref<!tpu.dma_semaphore, #tpu.memory_space<semaphore_mem>>) src(%dma_wait3A_551 : memref<100000x8xf32, #tpu.memory_space<hbm>>) dst(%dma_wait3A_545 : memref<128x8xf32, #tpu.memory_space<vmem>>)
      %dma_wait3A_552 = arith.constant 7 : i32
      %dma_wait3A_553 = arith.constant 2 : i32
      %dma_wait3A_554 = arith.constant 0 : i32
      %dma_wait3A_555 = arith.constant 0 : i32
      %dma_wait3A_556 = tpu.memref_slice %arg21[%dma_wait3A_553, %dma_wait3A_554, %dma_wait3A_555] : memref<5x128x8xf32, #tpu.memory_space<vmem>> -> memref<1x128x8xf32, #tpu.memory_space<vmem>>
      %dma_wait3A_557 = tpu.memref_squeeze %dma_wait3A_556 : memref<1x128x8xf32, #tpu.memory_space<vmem>> -> memref<128x8xf32, #tpu.memory_space<vmem>>
      %dma_wait3A_558 = arith.constant 0 : i32
      %dma_wait3A_559 = tpu.memref_slice %arg19[%dma_wait3A_552, %dma_wait3A_558] : memref<10x128xi32, #tpu.memory_space<vmem>> -> memref<1x128xi32, #tpu.memory_space<vmem>>
      %dma_wait3A_560 = tpu.memref_squeeze %dma_wait3A_559 : memref<1x128xi32, #tpu.memory_space<vmem>> -> memref<128xi32, #tpu.memory_space<vmem>>
      %dma_wait3A_561 = arith.constant 0 : i32
      %dma_wait3A_562 = arith.constant 0 : i32
      %dma_wait3A_563 = tpu.memref_slice %arg2[%dma_wait3A_561, %dma_wait3A_562] : memref<100000x8xf32, #tpu.memory_space<hbm>> -> memref<100000x8xf32, #tpu.memory_space<hbm>>
      tpu.wait_indirect_dma semaphore(%arg27 : memref<!tpu.dma_semaphore, #tpu.memory_space<semaphore_mem>>) src(%dma_wait3A_563 : memref<100000x8xf32, #tpu.memory_space<hbm>>) dst(%dma_wait3A_557 : memref<128x8xf32, #tpu.memory_space<vmem>>)
      %dma_wait3A_564 = arith.constant 3 : i32
      %dma_wait3A_565 = arith.constant 3 : i32
      %dma_wait3A_566 = arith.constant 0 : i32
      %dma_wait3A_567 = arith.constant 0 : i32
      %dma_wait3A_568 = tpu.memref_slice %arg20[%dma_wait3A_565, %dma_wait3A_566, %dma_wait3A_567] : memref<5x128x8xf32, #tpu.memory_space<vmem>> -> memref<1x128x8xf32, #tpu.memory_space<vmem>>
      %dma_wait3A_569 = tpu.memref_squeeze %dma_wait3A_568 : memref<1x128x8xf32, #tpu.memory_space<vmem>> -> memref<128x8xf32, #tpu.memory_space<vmem>>
      %dma_wait3A_570 = arith.constant 0 : i32
      %dma_wait3A_571 = tpu.memref_slice %arg19[%dma_wait3A_564, %dma_wait3A_570] : memref<10x128xi32, #tpu.memory_space<vmem>> -> memref<1x128xi32, #tpu.memory_space<vmem>>
      %dma_wait3A_572 = tpu.memref_squeeze %dma_wait3A_571 : memref<1x128xi32, #tpu.memory_space<vmem>> -> memref<128xi32, #tpu.memory_space<vmem>>
      %dma_wait3A_573 = arith.constant 0 : i32
      %dma_wait3A_574 = arith.constant 0 : i32
      %dma_wait3A_575 = tpu.memref_slice %arg2[%dma_wait3A_573, %dma_wait3A_574] : memref<100000x8xf32, #tpu.memory_space<hbm>> -> memref<100000x8xf32, #tpu.memory_space<hbm>>
      tpu.wait_indirect_dma semaphore(%arg27 : memref<!tpu.dma_semaphore, #tpu.memory_space<semaphore_mem>>) src(%dma_wait3A_575 : memref<100000x8xf32, #tpu.memory_space<hbm>>) dst(%dma_wait3A_569 : memref<128x8xf32, #tpu.memory_space<vmem>>)
      %dma_wait3A_576 = arith.constant 8 : i32
      %dma_wait3A_577 = arith.constant 3 : i32
      %dma_wait3A_578 = arith.constant 0 : i32
      %dma_wait3A_579 = arith.constant 0 : i32
      %dma_wait3A_580 = tpu.memref_slice %arg21[%dma_wait3A_577, %dma_wait3A_578, %dma_wait3A_579] : memref<5x128x8xf32, #tpu.memory_space<vmem>> -> memref<1x128x8xf32, #tpu.memory_space<vmem>>
      %dma_wait3A_581 = tpu.memref_squeeze %dma_wait3A_580 : memref<1x128x8xf32, #tpu.memory_space<vmem>> -> memref<128x8xf32, #tpu.memory_space<vmem>>
      %dma_wait3A_582 = arith.constant 0 : i32
      %dma_wait3A_583 = tpu.memref_slice %arg19[%dma_wait3A_576, %dma_wait3A_582] : memref<10x128xi32, #tpu.memory_space<vmem>> -> memref<1x128xi32, #tpu.memory_space<vmem>>
      %dma_wait3A_584 = tpu.memref_squeeze %dma_wait3A_583 : memref<1x128xi32, #tpu.memory_space<vmem>> -> memref<128xi32, #tpu.memory_space<vmem>>
      %dma_wait3A_585 = arith.constant 0 : i32
      %dma_wait3A_586 = arith.constant 0 : i32
      %dma_wait3A_587 = tpu.memref_slice %arg2[%dma_wait3A_585, %dma_wait3A_586] : memref<100000x8xf32, #tpu.memory_space<hbm>> -> memref<100000x8xf32, #tpu.memory_space<hbm>>
      tpu.wait_indirect_dma semaphore(%arg27 : memref<!tpu.dma_semaphore, #tpu.memory_space<semaphore_mem>>) src(%dma_wait3A_587 : memref<100000x8xf32, #tpu.memory_space<hbm>>) dst(%dma_wait3A_581 : memref<128x8xf32, #tpu.memory_space<vmem>>)
      %dma_wait3A_588 = arith.constant 4 : i32
      %dma_wait3A_589 = arith.constant 4 : i32
      %dma_wait3A_590 = arith.constant 0 : i32
      %dma_wait3A_591 = arith.constant 0 : i32
      %dma_wait3A_592 = tpu.memref_slice %arg20[%dma_wait3A_589, %dma_wait3A_590, %dma_wait3A_591] : memref<5x128x8xf32, #tpu.memory_space<vmem>> -> memref<1x128x8xf32, #tpu.memory_space<vmem>>
      %dma_wait3A_593 = tpu.memref_squeeze %dma_wait3A_592 : memref<1x128x8xf32, #tpu.memory_space<vmem>> -> memref<128x8xf32, #tpu.memory_space<vmem>>
      %dma_wait3A_594 = arith.constant 0 : i32
      %dma_wait3A_595 = tpu.memref_slice %arg19[%dma_wait3A_588, %dma_wait3A_594] : memref<10x128xi32, #tpu.memory_space<vmem>> -> memref<1x128xi32, #tpu.memory_space<vmem>>
      %dma_wait3A_596 = tpu.memref_squeeze %dma_wait3A_595 : memref<1x128xi32, #tpu.memory_space<vmem>> -> memref<128xi32, #tpu.memory_space<vmem>>
      %dma_wait3A_597 = arith.constant 0 : i32
      %dma_wait3A_598 = arith.constant 0 : i32
      %dma_wait3A_599 = tpu.memref_slice %arg2[%dma_wait3A_597, %dma_wait3A_598] : memref<100000x8xf32, #tpu.memory_space<hbm>> -> memref<100000x8xf32, #tpu.memory_space<hbm>>
      tpu.wait_indirect_dma semaphore(%arg27 : memref<!tpu.dma_semaphore, #tpu.memory_space<semaphore_mem>>) src(%dma_wait3A_599 : memref<100000x8xf32, #tpu.memory_space<hbm>>) dst(%dma_wait3A_593 : memref<128x8xf32, #tpu.memory_space<vmem>>)
      %dma_wait3A_600 = arith.constant 9 : i32
      %dma_wait3A_601 = arith.constant 4 : i32
      %dma_wait3A_602 = arith.constant 0 : i32
      %dma_wait3A_603 = arith.constant 0 : i32
      %dma_wait3A_604 = tpu.memref_slice %arg21[%dma_wait3A_601, %dma_wait3A_602, %dma_wait3A_603] : memref<5x128x8xf32, #tpu.memory_space<vmem>> -> memref<1x128x8xf32, #tpu.memory_space<vmem>>
      %dma_wait3A_605 = tpu.memref_squeeze %dma_wait3A_604 : memref<1x128x8xf32, #tpu.memory_space<vmem>> -> memref<128x8xf32, #tpu.memory_space<vmem>>
      %dma_wait3A_606 = arith.constant 0 : i32
      %dma_wait3A_607 = tpu.memref_slice %arg19[%dma_wait3A_600, %dma_wait3A_606] : memref<10x128xi32, #tpu.memory_space<vmem>> -> memref<1x128xi32, #tpu.memory_space<vmem>>
      %dma_wait3A_608 = tpu.memref_squeeze %dma_wait3A_607 : memref<1x128xi32, #tpu.memory_space<vmem>> -> memref<128xi32, #tpu.memory_space<vmem>>
      %dma_wait3A_609 = arith.constant 0 : i32
      %dma_wait3A_610 = arith.constant 0 : i32
      %dma_wait3A_611 = tpu.memref_slice %arg2[%dma_wait3A_609, %dma_wait3A_610] : memref<100000x8xf32, #tpu.memory_space<hbm>> -> memref<100000x8xf32, #tpu.memory_space<hbm>>
      tpu.wait_indirect_dma semaphore(%arg27 : memref<!tpu.dma_semaphore, #tpu.memory_space<semaphore_mem>>) src(%dma_wait3A_611 : memref<100000x8xf32, #tpu.memory_space<hbm>>) dst(%dma_wait3A_605 : memref<128x8xf32, #tpu.memory_space<vmem>>)
      %ge3A_612 = arith.constant 1 : i32
      %ge3A_613 = arith.cmpi sge, %scan3A_176, %ge3A_612 : i32
      %convert_element_type3A_614 = arith.extui %ge3A_613 : i1 to i32
      %cond3A_615 = arith.constant 0 : i32
      %cond3A_616 = arith.cmpi ne, %convert_element_type3A_614, %cond3A_615 : i32
      scf.if %cond3A_616 {
        %sub3A = arith.constant 2 : i32
        %sub3A_648 = arith.subi %add3A_183, %sub3A : i32
        %mul3A_649 = arith.constant 32 : i32
        %mul3A_650 = arith.muli %sub3A_648, %mul3A_649 : i32
        %add3A_651 = arith.addi %mul3A_650, %add3A : i32
        %mul3A_652 = arith.constant 640 : i32
        %mul3A_653 = arith.muli %add3A_651, %mul3A_652 : i32
        %dma_wait3A_654 = tpu.memref_slice %arg8[%mul3A_653] : memref<6400000xf32, #tpu.memory_space<hbm>> -> memref<640xf32, #tpu.memory_space<hbm>>
        %dma_wait3A_655 = tpu.memref_slice %arg8[%mul3A_653] : memref<6400000xf32, #tpu.memory_space<hbm>> -> memref<640xf32, #tpu.memory_space<hbm>>
        tpu.wait_dma2 semaphore(%arg28 : memref<!tpu.dma_semaphore, #tpu.memory_space<semaphore_mem>>) src(%arg24 : memref<640xf32, #tpu.memory_space<vmem>>) dst(%dma_wait3A_655 : memref<640xf32, #tpu.memory_space<hbm>>)
      } else {
      }
      %parallel_loop3A_617 = arith.constant 0 : i32
      %parallel_loop3A_618 = arith.constant 40 : i32
      %parallel_loop3A_619 = arith.constant 1 : i32
      scf.for %parallel_loop3A_648 = %parallel_loop3A_617 to %parallel_loop3A_618 step %parallel_loop3A_619  : i32 {
        %parallel_loop3A_649 = arith.constant 8 : i32
        %parallel_loop3A_650 = arith.divsi %parallel_loop3A_648, %parallel_loop3A_649 : i32
        %parallel_loop3A_651 = arith.constant 0 : i32
        %parallel_loop3A_652 = arith.cmpi sgt, %parallel_loop3A_648, %parallel_loop3A_651 : i32
        %parallel_loop3A_653 = arith.extui %parallel_loop3A_652 : i1 to i32
        %parallel_loop3A_654 = arith.constant 0 : i32
        %parallel_loop3A_655 = arith.cmpi slt, %parallel_loop3A_648, %parallel_loop3A_654 : i32
        %parallel_loop3A_656 = arith.extui %parallel_loop3A_655 : i1 to i32
        %parallel_loop3A_657 = arith.subi %parallel_loop3A_653, %parallel_loop3A_656 : i32
        %parallel_loop3A_658 = arith.constant 0 : i32
        %parallel_loop3A_659 = arith.cmpi sgt, %parallel_loop3A_649, %parallel_loop3A_658 : i32
        %parallel_loop3A_660 = arith.extui %parallel_loop3A_659 : i1 to i32
        %parallel_loop3A_661 = arith.constant 0 : i32
        %parallel_loop3A_662 = arith.cmpi slt, %parallel_loop3A_649, %parallel_loop3A_661 : i32
        %parallel_loop3A_663 = arith.extui %parallel_loop3A_662 : i1 to i32
        %parallel_loop3A_664 = arith.subi %parallel_loop3A_660, %parallel_loop3A_663 : i32
        %parallel_loop3A_665 = arith.cmpi ne, %parallel_loop3A_657, %parallel_loop3A_664 : i32
        %parallel_loop3A_666 = arith.remsi %parallel_loop3A_648, %parallel_loop3A_649 : i32
        %parallel_loop3A_667 = arith.constant 0 : i32
        %parallel_loop3A_668 = arith.cmpi ne, %parallel_loop3A_666, %parallel_loop3A_667 : i32
        %parallel_loop3A_669 = arith.andi %parallel_loop3A_665, %parallel_loop3A_668 : i1
        %parallel_loop3A_670 = arith.constant 1 : i32
        %parallel_loop3A_671 = arith.subi %parallel_loop3A_650, %parallel_loop3A_670 : i32
        %parallel_loop3A_672 = arith.select %parallel_loop3A_669, %parallel_loop3A_671, %parallel_loop3A_650 : i32
        %parallel_loop3A_673 = arith.constant 8 : i32
        %parallel_loop3A_674 = arith.constant 0 : i32
        %parallel_loop3A_675 = arith.cmpi eq, %parallel_loop3A_673, %parallel_loop3A_674 : i32
        %parallel_loop3A_676 = arith.constant 1 : i32
        %parallel_loop3A_677 = arith.select %parallel_loop3A_675, %parallel_loop3A_676, %parallel_loop3A_673 : i32
        %parallel_loop3A_678 = arith.remsi %parallel_loop3A_648, %parallel_loop3A_677 : i32
        %parallel_loop3A_679 = arith.constant 0 : i32
        %parallel_loop3A_680 = arith.cmpi ne, %parallel_loop3A_678, %parallel_loop3A_679 : i32
        %parallel_loop3A_681 = arith.constant 0 : i32
        %parallel_loop3A_682 = arith.cmpi slt, %parallel_loop3A_678, %parallel_loop3A_681 : i32
        %parallel_loop3A_683 = arith.constant 0 : i32
        %parallel_loop3A_684 = arith.cmpi slt, %parallel_loop3A_677, %parallel_loop3A_683 : i32
        %parallel_loop3A_685 = arith.xori %parallel_loop3A_682, %parallel_loop3A_684 : i1
        %parallel_loop3A_686 = arith.andi %parallel_loop3A_685, %parallel_loop3A_680 : i1
        %parallel_loop3A_687 = arith.addi %parallel_loop3A_678, %parallel_loop3A_677 : i32
        %parallel_loop3A_688 = arith.select %parallel_loop3A_686, %parallel_loop3A_687, %parallel_loop3A_678 : i32
        %parallel_loop3A_689 = arith.constant 16 : i32
        %parallel_loop3A_690 = arith.muli %parallel_loop3A_688, %parallel_loop3A_689 : i32
        %parallel_loop3A_691 = vector.broadcast %parallel_loop3A_690 : i32 to vector<16xi32>
        %parallel_loop3A_692 = arith.addi %iota3A, %parallel_loop3A_691 : vector<16xi32>
        %parallel_loop3A_693 = arith.constant 0 : i32
        %parallel_loop3A_694 = vector.broadcast %parallel_loop3A_693 : i32 to vector<16xi32>
        %parallel_loop3A_695 = vector.broadcast %parallel_loop3A_672 : i32 to vector<16xi32>
        %parallel_loop3A_696 = arith.addi %parallel_loop3A_694, %parallel_loop3A_695 : vector<16xi32>
        %parallel_loop3A_697 = tpu.vector_load_idx %arg20[%parallel_loop3A_696, %parallel_loop3A_692, %broadcast_in_dim3A_3] : memref<5x128x8xf32, #tpu.memory_space<vmem>>[vector<16xi32>, vector<16xi32>, vector<16xi32>], vector<16xf32>,
        %parallel_loop3A_698 = tpu.vector_load_idx %arg20[%parallel_loop3A_696, %parallel_loop3A_692, %broadcast_in_dim3A_5] : memref<5x128x8xf32, #tpu.memory_space<vmem>>[vector<16xi32>, vector<16xi32>, vector<16xi32>], vector<16xf32>,
        %parallel_loop3A_699 = tpu.vector_load_idx %arg20[%parallel_loop3A_696, %parallel_loop3A_692, %broadcast_in_dim3A_7] : memref<5x128x8xf32, #tpu.memory_space<vmem>>[vector<16xi32>, vector<16xi32>, vector<16xi32>], vector<16xf32>,
        %parallel_loop3A_700 = tpu.vector_load_idx %arg20[%parallel_loop3A_696, %parallel_loop3A_692, %broadcast_in_dim3A_9] : memref<5x128x8xf32, #tpu.memory_space<vmem>>[vector<16xi32>, vector<16xi32>, vector<16xi32>], vector<16xf32>,
        %parallel_loop3A_701 = tpu.vector_load_idx %arg20[%parallel_loop3A_696, %parallel_loop3A_692, %broadcast_in_dim3A_11] : memref<5x128x8xf32, #tpu.memory_space<vmem>>[vector<16xi32>, vector<16xi32>, vector<16xi32>], vector<16xf32>,
        %parallel_loop3A_702 = tpu.vector_load_idx %arg21[%parallel_loop3A_696, %parallel_loop3A_692, %broadcast_in_dim3A_3] : memref<5x128x8xf32, #tpu.memory_space<vmem>>[vector<16xi32>, vector<16xi32>, vector<16xi32>], vector<16xf32>,
        %parallel_loop3A_703 = tpu.vector_load_idx %arg21[%parallel_loop3A_696, %parallel_loop3A_692, %broadcast_in_dim3A_5] : memref<5x128x8xf32, #tpu.memory_space<vmem>>[vector<16xi32>, vector<16xi32>, vector<16xi32>], vector<16xf32>,
        %parallel_loop3A_704 = tpu.vector_load_idx %arg21[%parallel_loop3A_696, %parallel_loop3A_692, %broadcast_in_dim3A_7] : memref<5x128x8xf32, #tpu.memory_space<vmem>>[vector<16xi32>, vector<16xi32>, vector<16xi32>], vector<16xf32>,
        %parallel_loop3A_705 = tpu.vector_load_idx %arg21[%parallel_loop3A_696, %parallel_loop3A_692, %broadcast_in_dim3A_9] : memref<5x128x8xf32, #tpu.memory_space<vmem>>[vector<16xi32>, vector<16xi32>, vector<16xi32>], vector<16xf32>,
        %parallel_loop3A_706 = tpu.vector_load_idx %arg21[%parallel_loop3A_696, %parallel_loop3A_692, %broadcast_in_dim3A_11] : memref<5x128x8xf32, #tpu.memory_space<vmem>>[vector<16xi32>, vector<16xi32>, vector<16xi32>], vector<16xf32>,
        %parallel_loop3A_707 = arith.subf %parallel_loop3A_697, %parallel_loop3A_702 : vector<16xf32>
        %parallel_loop3A_708 = arith.subf %parallel_loop3A_698, %parallel_loop3A_703 : vector<16xf32>
        %parallel_loop3A_709 = arith.subf %parallel_loop3A_699, %parallel_loop3A_704 : vector<16xf32>
        %parallel_loop3A_710 = arith.mulf %parallel_loop3A_707, %parallel_loop3A_707 : vector<16xf32>
        %parallel_loop3A_711 = arith.mulf %parallel_loop3A_708, %parallel_loop3A_708 : vector<16xf32>
        %parallel_loop3A_712 = arith.addf %parallel_loop3A_710, %parallel_loop3A_711 : vector<16xf32>
        %parallel_loop3A_713 = arith.mulf %parallel_loop3A_709, %parallel_loop3A_709 : vector<16xf32>
        %parallel_loop3A_714 = arith.addf %parallel_loop3A_712, %parallel_loop3A_713 : vector<16xf32>
        %parallel_loop3A_715 = tpu.bitcast %parallel_loop3A_714 : vector<16xf32> -> vector<16xi32>
        %parallel_loop3A_716 = arith.constant 1 : i32
        %parallel_loop3A_717 = vector.broadcast %parallel_loop3A_716 : i32 to vector<16xi32>
        %parallel_loop3A_718 = arith.shrui %parallel_loop3A_715, %parallel_loop3A_717 : vector<16xi32>
        %parallel_loop3A_719 = arith.constant 1597463007 : i32
        %parallel_loop3A_720 = vector.broadcast %parallel_loop3A_719 : i32 to vector<16xi32>
        %parallel_loop3A_721 = arith.subi %parallel_loop3A_720, %parallel_loop3A_718 : vector<16xi32>
        %parallel_loop3A_722 = tpu.bitcast %parallel_loop3A_721 : vector<16xi32> -> vector<16xf32>
        %parallel_loop3A_723 = arith.constant 5.000000e-01 : f32
        %parallel_loop3A_724 = vector.broadcast %parallel_loop3A_723 : f32 to vector<16xf32>
        %parallel_loop3A_725 = arith.mulf %parallel_loop3A_724, %parallel_loop3A_714 : vector<16xf32>
        %parallel_loop3A_726 = arith.mulf %parallel_loop3A_725, %parallel_loop3A_722 : vector<16xf32>
        %parallel_loop3A_727 = arith.mulf %parallel_loop3A_726, %parallel_loop3A_722 : vector<16xf32>
        %parallel_loop3A_728 = arith.constant 1.500000e+00 : f32
        %parallel_loop3A_729 = vector.broadcast %parallel_loop3A_728 : f32 to vector<16xf32>
        %parallel_loop3A_730 = arith.subf %parallel_loop3A_729, %parallel_loop3A_727 : vector<16xf32>
        %parallel_loop3A_731 = arith.mulf %parallel_loop3A_722, %parallel_loop3A_730 : vector<16xf32>
        %parallel_loop3A_732 = arith.constant 5.000000e-01 : f32
        %parallel_loop3A_733 = vector.broadcast %parallel_loop3A_732 : f32 to vector<16xf32>
        %parallel_loop3A_734 = arith.mulf %parallel_loop3A_733, %parallel_loop3A_714 : vector<16xf32>
        %parallel_loop3A_735 = arith.mulf %parallel_loop3A_734, %parallel_loop3A_731 : vector<16xf32>
        %parallel_loop3A_736 = arith.mulf %parallel_loop3A_735, %parallel_loop3A_731 : vector<16xf32>
        %parallel_loop3A_737 = arith.constant 1.500000e+00 : f32
        %parallel_loop3A_738 = vector.broadcast %parallel_loop3A_737 : f32 to vector<16xf32>
        %parallel_loop3A_739 = arith.subf %parallel_loop3A_738, %parallel_loop3A_736 : vector<16xf32>
        %parallel_loop3A_740 = arith.mulf %parallel_loop3A_731, %parallel_loop3A_739 : vector<16xf32>
        %parallel_loop3A_741 = arith.constant 5.000000e-01 : f32
        %parallel_loop3A_742 = vector.broadcast %parallel_loop3A_741 : f32 to vector<16xf32>
        %parallel_loop3A_743 = arith.mulf %parallel_loop3A_742, %parallel_loop3A_714 : vector<16xf32>
        %parallel_loop3A_744 = arith.mulf %parallel_loop3A_743, %parallel_loop3A_740 : vector<16xf32>
        %parallel_loop3A_745 = arith.mulf %parallel_loop3A_744, %parallel_loop3A_740 : vector<16xf32>
        %parallel_loop3A_746 = arith.constant 1.500000e+00 : f32
        %parallel_loop3A_747 = vector.broadcast %parallel_loop3A_746 : f32 to vector<16xf32>
        %parallel_loop3A_748 = arith.subf %parallel_loop3A_747, %parallel_loop3A_745 : vector<16xf32>
        %parallel_loop3A_749 = arith.mulf %parallel_loop3A_740, %parallel_loop3A_748 : vector<16xf32>
        %parallel_loop3A_750 = arith.mulf %parallel_loop3A_714, %parallel_loop3A_749 : vector<16xf32>
        %parallel_loop3A_751 = arith.constant 16 : i32
        %parallel_loop3A_752 = arith.muli %parallel_loop3A_648, %parallel_loop3A_751 : i32
        %parallel_loop3A_753 = arith.index_cast %parallel_loop3A_752 : i32 to index
        %parallel_loop3A_754 = tpu.vector_load %arg22[%parallel_loop3A_753] {strides = array<i32>} : memref<640xf32, #tpu.memory_space<vmem>>, vector<16xf32>,
        %parallel_loop3A_755 = arith.constant 16 : i32
        %parallel_loop3A_756 = arith.muli %parallel_loop3A_648, %parallel_loop3A_755 : i32
        %parallel_loop3A_757 = arith.index_cast %parallel_loop3A_756 : i32 to index
        %parallel_loop3A_758 = tpu.vector_load %arg23[%parallel_loop3A_757] {strides = array<i32>} : memref<640xf32, #tpu.memory_space<vmem>>, vector<16xf32>,
        %parallel_loop3A_759 = arith.subf %parallel_loop3A_750, %parallel_loop3A_758 : vector<16xf32>
        %parallel_loop3A_760 = arith.addf %parallel_loop3A_701, %parallel_loop3A_706 : vector<16xf32>
        %parallel_loop3A_761 = arith.constant 5.000000e-01 : f32
        %parallel_loop3A_762 = vector.broadcast %parallel_loop3A_761 : f32 to vector<16xf32>
        %parallel_loop3A_763 = arith.mulf %parallel_loop3A_760, %parallel_loop3A_762 : vector<16xf32>
        %parallel_loop3A_764 = arith.addf %parallel_loop3A_700, %parallel_loop3A_705 : vector<16xf32>
        %parallel_loop3A_765 = arith.constant 0.000000e+00 : f32
        %parallel_loop3A_766 = vector.broadcast %parallel_loop3A_765 : f32 to vector<16xf32>
        %parallel_loop3A_767 = arith.cmpf oeq, %parallel_loop3A_764, %parallel_loop3A_766 : vector<16xf32>
        %parallel_loop3A_768 = arith.constant 0x7F800000 : f32
        %parallel_loop3A_769 = vector.broadcast %parallel_loop3A_768 : f32 to vector<16xf32>
        %parallel_loop3A_770 = arith.select %parallel_loop3A_767, %parallel_loop3A_769, %parallel_loop3A_764 : vector<16xi1>, vector<16xf32>
        %parallel_loop3A_771 = arith.constant 0.000000e+00 : f32
        %parallel_loop3A_772 = vector.broadcast %parallel_loop3A_771 : f32 to vector<16xf32>
        %parallel_loop3A_773 = arith.subf %parallel_loop3A_772, %parallel_loop3A_759 : vector<16xf32>
        %parallel_loop3A_774 = arith.mulf %parallel_loop3A_763, %parallel_loop3A_754 : vector<16xf32>
        %parallel_loop3A_775 = arith.subf %parallel_loop3A_773, %parallel_loop3A_774 : vector<16xf32>
        %parallel_loop3A_776 = arith.addf %parallel_loop3A_770, %parallel_loop3A_763 : vector<16xf32>
        %parallel_loop3A_777 = arith.divf %parallel_loop3A_775, %parallel_loop3A_776 : vector<16xf32>
        %parallel_loop3A_778 = arith.addf %parallel_loop3A_754, %parallel_loop3A_777 : vector<16xf32>
        %parallel_loop3A_779 = arith.constant 16 : i32
        %parallel_loop3A_780 = arith.muli %parallel_loop3A_648, %parallel_loop3A_779 : i32
        %parallel_loop3A_781 = arith.index_cast %parallel_loop3A_780 : i32 to index
        %parallel_loop3A_782 = tpu.vector_load %arg24[%parallel_loop3A_781] {strides = array<i32>} : memref<640xf32, #tpu.memory_space<vmem>>, vector<16xf32>,
        tpu.vector_store %arg24[%parallel_loop3A_781], %parallel_loop3A_778 {strides = array<i32>} : memref<640xf32, #tpu.memory_space<vmem>>, vector<16xf32>,
        %parallel_loop3A_783 = arith.constant 0.000000e+00 : f32
        %parallel_loop3A_784 = vector.broadcast %parallel_loop3A_783 : f32 to vector<16xf32>
        %parallel_loop3A_785 = arith.cmpf ogt, %parallel_loop3A_714, %parallel_loop3A_784 : vector<16xf32>
        %parallel_loop3A_786 = arith.constant 0x7F800000 : f32
        %parallel_loop3A_787 = vector.broadcast %parallel_loop3A_786 : f32 to vector<16xf32>
        %parallel_loop3A_788 = arith.select %parallel_loop3A_785, %parallel_loop3A_749, %parallel_loop3A_787 : vector<16xi1>, vector<16xf32>
        %parallel_loop3A_789 = arith.mulf %parallel_loop3A_700, %parallel_loop3A_777 : vector<16xf32>
        %parallel_loop3A_790 = arith.mulf %parallel_loop3A_789, %parallel_loop3A_788 : vector<16xf32>
        %parallel_loop3A_791 = arith.mulf %parallel_loop3A_705, %parallel_loop3A_777 : vector<16xf32>
        %parallel_loop3A_792 = arith.mulf %parallel_loop3A_791, %parallel_loop3A_788 : vector<16xf32>
        %parallel_loop3A_793 = arith.constant 0.000000e+00 : f32
        %parallel_loop3A_794 = vector.broadcast %parallel_loop3A_793 : f32 to vector<16xf32>
        %parallel_loop3A_795 = arith.subf %parallel_loop3A_794, %parallel_loop3A_792 : vector<16xf32>
        %parallel_loop3A_796 = arith.mulf %parallel_loop3A_790, %parallel_loop3A_707 : vector<16xf32>
        tpu.vector_store_idx %arg25[%parallel_loop3A_696, %parallel_loop3A_692, %broadcast_in_dim3A_13], %parallel_loop3A_796 : memref<5x128x4xf32, #tpu.memory_space<vmem>>[vector<16xi32>, vector<16xi32>, vector<16xi32>], vector<16xf32>,
        %parallel_loop3A_797 = arith.mulf %parallel_loop3A_790, %parallel_loop3A_708 : vector<16xf32>
        tpu.vector_store_idx %arg25[%parallel_loop3A_696, %parallel_loop3A_692, %broadcast_in_dim3A_15], %parallel_loop3A_797 : memref<5x128x4xf32, #tpu.memory_space<vmem>>[vector<16xi32>, vector<16xi32>, vector<16xi32>], vector<16xf32>,
        %parallel_loop3A_798 = arith.mulf %parallel_loop3A_790, %parallel_loop3A_709 : vector<16xf32>
        tpu.vector_store_idx %arg25[%parallel_loop3A_696, %parallel_loop3A_692, %broadcast_in_dim3A_17], %parallel_loop3A_798 : memref<5x128x4xf32, #tpu.memory_space<vmem>>[vector<16xi32>, vector<16xi32>, vector<16xi32>], vector<16xf32>,
        %parallel_loop3A_799 = arith.mulf %parallel_loop3A_795, %parallel_loop3A_707 : vector<16xf32>
        tpu.vector_store_idx %arg26[%parallel_loop3A_696, %parallel_loop3A_692, %broadcast_in_dim3A_13], %parallel_loop3A_799 : memref<5x128x4xf32, #tpu.memory_space<vmem>>[vector<16xi32>, vector<16xi32>, vector<16xi32>], vector<16xf32>,
        %parallel_loop3A_800 = arith.mulf %parallel_loop3A_795, %parallel_loop3A_708 : vector<16xf32>
        tpu.vector_store_idx %arg26[%parallel_loop3A_696, %parallel_loop3A_692, %broadcast_in_dim3A_15], %parallel_loop3A_800 : memref<5x128x4xf32, #tpu.memory_space<vmem>>[vector<16xi32>, vector<16xi32>, vector<16xi32>], vector<16xf32>,
        %parallel_loop3A_801 = arith.mulf %parallel_loop3A_795, %parallel_loop3A_709 : vector<16xf32>
        tpu.vector_store_idx %arg26[%parallel_loop3A_696, %parallel_loop3A_692, %broadcast_in_dim3A_17], %parallel_loop3A_801 : memref<5x128x4xf32, #tpu.memory_space<vmem>>[vector<16xi32>, vector<16xi32>, vector<16xi32>], vector<16xf32>,
      } {sc.loop_unroll_factor = 2 : i64, sc.parallel_access}
      %mul3A_620 = arith.constant 32 : i32
      %mul3A_621 = arith.muli %add3A_183, %mul3A_620 : i32
      %add3A_622 = arith.addi %mul3A_621, %add3A : i32
      %mul3A_623 = arith.constant 640 : i32
      %mul3A_624 = arith.muli %add3A_622, %mul3A_623 : i32
      %dma_start3A_625 = tpu.memref_slice %arg8[%mul3A_624] : memref<6400000xf32, #tpu.memory_space<hbm>> -> memref<640xf32, #tpu.memory_space<hbm>>
      %dma_start3A_626 = tpu.memref_slice %arg8[%mul3A_624] : memref<6400000xf32, #tpu.memory_space<hbm>> -> memref<640xf32, #tpu.memory_space<hbm>>
      tpu.enqueue_dma source(%arg24 : memref<640xf32, #tpu.memory_space<vmem>>) target(%dma_start3A_626 : memref<640xf32, #tpu.memory_space<hbm>>) target_semaphore(%arg28 : memref<!tpu.dma_semaphore, #tpu.memory_space<semaphore_mem>>)
      %run_scoped3A_627 = arith.constant 0 : i32
      %run_scoped3A_628 = arith.constant 0 : i32
      "tpu.region"() ({
        %run_scoped3A_648 = tpu.sem_alloc : memref<!tpu.dma_semaphore, #tpu.memory_space<semaphore_mem>>
        %dma_start3A_649 = arith.constant 0 : i32
        %dma_start3A_650 = arith.constant 0 : i32
        %dma_start3A_651 = tpu.memref_slice %arg25[%run_scoped3A_627, %dma_start3A_649, %dma_start3A_650] : memref<5x128x4xf32, #tpu.memory_space<vmem>> -> memref<1x128x4xf32, #tpu.memory_space<vmem>>
        %dma_start3A_652 = tpu.memref_squeeze %dma_start3A_651 : memref<1x128x4xf32, #tpu.memory_space<vmem>> -> memref<128x4xf32, #tpu.memory_space<vmem>>
        %dma_start3A_653 = arith.constant 0 : i32
        %dma_start3A_654 = tpu.memref_slice %arg19[%run_scoped3A_628, %dma_start3A_653] : memref<10x128xi32, #tpu.memory_space<vmem>> -> memref<1x128xi32, #tpu.memory_space<vmem>>
        %dma_start3A_655 = tpu.memref_squeeze %dma_start3A_654 : memref<1x128xi32, #tpu.memory_space<vmem>> -> memref<128xi32, #tpu.memory_space<vmem>>
        %dma_start3A_656 = arith.constant 0 : i32
        %dma_start3A_657 = arith.constant 0 : i32
        %dma_start3A_658 = tpu.memref_slice %arg29[%dma_start3A_656, %dma_start3A_657] : memref<100000x4xf32, #tpu.memory_space<vmem_shared>> -> memref<100000x4xf32, #tpu.memory_space<vmem_shared>>
        tpu.enqueue_indirect_dma source(%dma_start3A_652 : memref<128x4xf32, #tpu.memory_space<vmem>>) target(%dma_start3A_658 : memref<100000x4xf32, #tpu.memory_space<vmem_shared>>) offsets(%dma_start3A_655 : memref<128xi32, #tpu.memory_space<vmem>>) semaphore(%run_scoped3A_648 : memref<!tpu.dma_semaphore, #tpu.memory_space<semaphore_mem>>) {add = true}
        %dma_wait3A_659 = arith.constant 0 : i32
        %dma_wait3A_660 = arith.constant 0 : i32
        %dma_wait3A_661 = tpu.memref_slice %arg25[%run_scoped3A_627, %dma_wait3A_659, %dma_wait3A_660] : memref<5x128x4xf32, #tpu.memory_space<vmem>> -> memref<1x128x4xf32, #tpu.memory_space<vmem>>
        %dma_wait3A_662 = tpu.memref_squeeze %dma_wait3A_661 : memref<1x128x4xf32, #tpu.memory_space<vmem>> -> memref<128x4xf32, #tpu.memory_space<vmem>>
        %dma_wait3A_663 = arith.constant 0 : i32
        %dma_wait3A_664 = tpu.memref_slice %arg19[%run_scoped3A_628, %dma_wait3A_663] : memref<10x128xi32, #tpu.memory_space<vmem>> -> memref<1x128xi32, #tpu.memory_space<vmem>>
        %dma_wait3A_665 = tpu.memref_squeeze %dma_wait3A_664 : memref<1x128xi32, #tpu.memory_space<vmem>> -> memref<128xi32, #tpu.memory_space<vmem>>
        %dma_wait3A_666 = arith.constant 0 : i32
        %dma_wait3A_667 = arith.constant 0 : i32
        %dma_wait3A_668 = tpu.memref_slice %arg29[%dma_wait3A_666, %dma_wait3A_667] : memref<100000x4xf32, #tpu.memory_space<vmem_shared>> -> memref<100000x4xf32, #tpu.memory_space<vmem_shared>>
        tpu.wait_indirect_dma semaphore(%run_scoped3A_648 : memref<!tpu.dma_semaphore, #tpu.memory_space<semaphore_mem>>) src(%dma_wait3A_662 : memref<128x4xf32, #tpu.memory_space<vmem>>) dst(%dma_wait3A_668 : memref<100000x4xf32, #tpu.memory_space<vmem_shared>>)
        tpu.yield
      }) : () -> ()
      %run_scoped3A_629 = arith.constant 0 : i32
      %run_scoped3A_630 = arith.constant 5 : i32
      "tpu.region"() ({
        %run_scoped3A_648 = tpu.sem_alloc : memref<!tpu.dma_semaphore, #tpu.memory_space<semaphore_mem>>
        %dma_start3A_649 = arith.constant 0 : i32
        %dma_start3A_650 = arith.constant 0 : i32
        %dma_start3A_651 = tpu.memref_slice %arg26[%run_scoped3A_629, %dma_start3A_649, %dma_start3A_650] : memref<5x128x4xf32, #tpu.memory_space<vmem>> -> memref<1x128x4xf32, #tpu.memory_space<vmem>>
        %dma_start3A_652 = tpu.memref_squeeze %dma_start3A_651 : memref<1x128x4xf32, #tpu.memory_space<vmem>> -> memref<128x4xf32, #tpu.memory_space<vmem>>
        %dma_start3A_653 = arith.constant 0 : i32
        %dma_start3A_654 = tpu.memref_slice %arg19[%run_scoped3A_630, %dma_start3A_653] : memref<10x128xi32, #tpu.memory_space<vmem>> -> memref<1x128xi32, #tpu.memory_space<vmem>>
        %dma_start3A_655 = tpu.memref_squeeze %dma_start3A_654 : memref<1x128xi32, #tpu.memory_space<vmem>> -> memref<128xi32, #tpu.memory_space<vmem>>
        %dma_start3A_656 = arith.constant 0 : i32
        %dma_start3A_657 = arith.constant 0 : i32
        %dma_start3A_658 = tpu.memref_slice %arg29[%dma_start3A_656, %dma_start3A_657] : memref<100000x4xf32, #tpu.memory_space<vmem_shared>> -> memref<100000x4xf32, #tpu.memory_space<vmem_shared>>
        tpu.enqueue_indirect_dma source(%dma_start3A_652 : memref<128x4xf32, #tpu.memory_space<vmem>>) target(%dma_start3A_658 : memref<100000x4xf32, #tpu.memory_space<vmem_shared>>) offsets(%dma_start3A_655 : memref<128xi32, #tpu.memory_space<vmem>>) semaphore(%run_scoped3A_648 : memref<!tpu.dma_semaphore, #tpu.memory_space<semaphore_mem>>) {add = true}
        %dma_wait3A_659 = arith.constant 0 : i32
        %dma_wait3A_660 = arith.constant 0 : i32
        %dma_wait3A_661 = tpu.memref_slice %arg26[%run_scoped3A_629, %dma_wait3A_659, %dma_wait3A_660] : memref<5x128x4xf32, #tpu.memory_space<vmem>> -> memref<1x128x4xf32, #tpu.memory_space<vmem>>
        %dma_wait3A_662 = tpu.memref_squeeze %dma_wait3A_661 : memref<1x128x4xf32, #tpu.memory_space<vmem>> -> memref<128x4xf32, #tpu.memory_space<vmem>>
        %dma_wait3A_663 = arith.constant 0 : i32
        %dma_wait3A_664 = tpu.memref_slice %arg19[%run_scoped3A_630, %dma_wait3A_663] : memref<10x128xi32, #tpu.memory_space<vmem>> -> memref<1x128xi32, #tpu.memory_space<vmem>>
        %dma_wait3A_665 = tpu.memref_squeeze %dma_wait3A_664 : memref<1x128xi32, #tpu.memory_space<vmem>> -> memref<128xi32, #tpu.memory_space<vmem>>
        %dma_wait3A_666 = arith.constant 0 : i32
        %dma_wait3A_667 = arith.constant 0 : i32
        %dma_wait3A_668 = tpu.memref_slice %arg29[%dma_wait3A_666, %dma_wait3A_667] : memref<100000x4xf32, #tpu.memory_space<vmem_shared>> -> memref<100000x4xf32, #tpu.memory_space<vmem_shared>>
        tpu.wait_indirect_dma semaphore(%run_scoped3A_648 : memref<!tpu.dma_semaphore, #tpu.memory_space<semaphore_mem>>) src(%dma_wait3A_662 : memref<128x4xf32, #tpu.memory_space<vmem>>) dst(%dma_wait3A_668 : memref<100000x4xf32, #tpu.memory_space<vmem_shared>>)
        tpu.yield
      }) : () -> ()
      %run_scoped3A_631 = arith.constant 1 : i32
      %run_scoped3A_632 = arith.constant 1 : i32
      "tpu.region"() ({
        %run_scoped3A_648 = tpu.sem_alloc : memref<!tpu.dma_semaphore, #tpu.memory_space<semaphore_mem>>
        %dma_start3A_649 = arith.constant 0 : i32
        %dma_start3A_650 = arith.constant 0 : i32
        %dma_start3A_651 = tpu.memref_slice %arg25[%run_scoped3A_631, %dma_start3A_649, %dma_start3A_650] : memref<5x128x4xf32, #tpu.memory_space<vmem>> -> memref<1x128x4xf32, #tpu.memory_space<vmem>>
        %dma_start3A_652 = tpu.memref_squeeze %dma_start3A_651 : memref<1x128x4xf32, #tpu.memory_space<vmem>> -> memref<128x4xf32, #tpu.memory_space<vmem>>
        %dma_start3A_653 = arith.constant 0 : i32
        %dma_start3A_654 = tpu.memref_slice %arg19[%run_scoped3A_632, %dma_start3A_653] : memref<10x128xi32, #tpu.memory_space<vmem>> -> memref<1x128xi32, #tpu.memory_space<vmem>>
        %dma_start3A_655 = tpu.memref_squeeze %dma_start3A_654 : memref<1x128xi32, #tpu.memory_space<vmem>> -> memref<128xi32, #tpu.memory_space<vmem>>
        %dma_start3A_656 = arith.constant 0 : i32
        %dma_start3A_657 = arith.constant 0 : i32
        %dma_start3A_658 = tpu.memref_slice %arg29[%dma_start3A_656, %dma_start3A_657] : memref<100000x4xf32, #tpu.memory_space<vmem_shared>> -> memref<100000x4xf32, #tpu.memory_space<vmem_shared>>
        tpu.enqueue_indirect_dma source(%dma_start3A_652 : memref<128x4xf32, #tpu.memory_space<vmem>>) target(%dma_start3A_658 : memref<100000x4xf32, #tpu.memory_space<vmem_shared>>) offsets(%dma_start3A_655 : memref<128xi32, #tpu.memory_space<vmem>>) semaphore(%run_scoped3A_648 : memref<!tpu.dma_semaphore, #tpu.memory_space<semaphore_mem>>) {add = true}
        %dma_wait3A_659 = arith.constant 0 : i32
        %dma_wait3A_660 = arith.constant 0 : i32
        %dma_wait3A_661 = tpu.memref_slice %arg25[%run_scoped3A_631, %dma_wait3A_659, %dma_wait3A_660] : memref<5x128x4xf32, #tpu.memory_space<vmem>> -> memref<1x128x4xf32, #tpu.memory_space<vmem>>
        %dma_wait3A_662 = tpu.memref_squeeze %dma_wait3A_661 : memref<1x128x4xf32, #tpu.memory_space<vmem>> -> memref<128x4xf32, #tpu.memory_space<vmem>>
        %dma_wait3A_663 = arith.constant 0 : i32
        %dma_wait3A_664 = tpu.memref_slice %arg19[%run_scoped3A_632, %dma_wait3A_663] : memref<10x128xi32, #tpu.memory_space<vmem>> -> memref<1x128xi32, #tpu.memory_space<vmem>>
        %dma_wait3A_665 = tpu.memref_squeeze %dma_wait3A_664 : memref<1x128xi32, #tpu.memory_space<vmem>> -> memref<128xi32, #tpu.memory_space<vmem>>
        %dma_wait3A_666 = arith.constant 0 : i32
        %dma_wait3A_667 = arith.constant 0 : i32
        %dma_wait3A_668 = tpu.memref_slice %arg29[%dma_wait3A_666, %dma_wait3A_667] : memref<100000x4xf32, #tpu.memory_space<vmem_shared>> -> memref<100000x4xf32, #tpu.memory_space<vmem_shared>>
        tpu.wait_indirect_dma semaphore(%run_scoped3A_648 : memref<!tpu.dma_semaphore, #tpu.memory_space<semaphore_mem>>) src(%dma_wait3A_662 : memref<128x4xf32, #tpu.memory_space<vmem>>) dst(%dma_wait3A_668 : memref<100000x4xf32, #tpu.memory_space<vmem_shared>>)
        tpu.yield
      }) : () -> ()
      %run_scoped3A_633 = arith.constant 1 : i32
      %run_scoped3A_634 = arith.constant 6 : i32
      "tpu.region"() ({
        %run_scoped3A_648 = tpu.sem_alloc : memref<!tpu.dma_semaphore, #tpu.memory_space<semaphore_mem>>
        %dma_start3A_649 = arith.constant 0 : i32
        %dma_start3A_650 = arith.constant 0 : i32
        %dma_start3A_651 = tpu.memref_slice %arg26[%run_scoped3A_633, %dma_start3A_649, %dma_start3A_650] : memref<5x128x4xf32, #tpu.memory_space<vmem>> -> memref<1x128x4xf32, #tpu.memory_space<vmem>>
        %dma_start3A_652 = tpu.memref_squeeze %dma_start3A_651 : memref<1x128x4xf32, #tpu.memory_space<vmem>> -> memref<128x4xf32, #tpu.memory_space<vmem>>
        %dma_start3A_653 = arith.constant 0 : i32
        %dma_start3A_654 = tpu.memref_slice %arg19[%run_scoped3A_634, %dma_start3A_653] : memref<10x128xi32, #tpu.memory_space<vmem>> -> memref<1x128xi32, #tpu.memory_space<vmem>>
        %dma_start3A_655 = tpu.memref_squeeze %dma_start3A_654 : memref<1x128xi32, #tpu.memory_space<vmem>> -> memref<128xi32, #tpu.memory_space<vmem>>
        %dma_start3A_656 = arith.constant 0 : i32
        %dma_start3A_657 = arith.constant 0 : i32
        %dma_start3A_658 = tpu.memref_slice %arg29[%dma_start3A_656, %dma_start3A_657] : memref<100000x4xf32, #tpu.memory_space<vmem_shared>> -> memref<100000x4xf32, #tpu.memory_space<vmem_shared>>
        tpu.enqueue_indirect_dma source(%dma_start3A_652 : memref<128x4xf32, #tpu.memory_space<vmem>>) target(%dma_start3A_658 : memref<100000x4xf32, #tpu.memory_space<vmem_shared>>) offsets(%dma_start3A_655 : memref<128xi32, #tpu.memory_space<vmem>>) semaphore(%run_scoped3A_648 : memref<!tpu.dma_semaphore, #tpu.memory_space<semaphore_mem>>) {add = true}
        %dma_wait3A_659 = arith.constant 0 : i32
        %dma_wait3A_660 = arith.constant 0 : i32
        %dma_wait3A_661 = tpu.memref_slice %arg26[%run_scoped3A_633, %dma_wait3A_659, %dma_wait3A_660] : memref<5x128x4xf32, #tpu.memory_space<vmem>> -> memref<1x128x4xf32, #tpu.memory_space<vmem>>
        %dma_wait3A_662 = tpu.memref_squeeze %dma_wait3A_661 : memref<1x128x4xf32, #tpu.memory_space<vmem>> -> memref<128x4xf32, #tpu.memory_space<vmem>>
        %dma_wait3A_663 = arith.constant 0 : i32
        %dma_wait3A_664 = tpu.memref_slice %arg19[%run_scoped3A_634, %dma_wait3A_663] : memref<10x128xi32, #tpu.memory_space<vmem>> -> memref<1x128xi32, #tpu.memory_space<vmem>>
        %dma_wait3A_665 = tpu.memref_squeeze %dma_wait3A_664 : memref<1x128xi32, #tpu.memory_space<vmem>> -> memref<128xi32, #tpu.memory_space<vmem>>
        %dma_wait3A_666 = arith.constant 0 : i32
        %dma_wait3A_667 = arith.constant 0 : i32
        %dma_wait3A_668 = tpu.memref_slice %arg29[%dma_wait3A_666, %dma_wait3A_667] : memref<100000x4xf32, #tpu.memory_space<vmem_shared>> -> memref<100000x4xf32, #tpu.memory_space<vmem_shared>>
        tpu.wait_indirect_dma semaphore(%run_scoped3A_648 : memref<!tpu.dma_semaphore, #tpu.memory_space<semaphore_mem>>) src(%dma_wait3A_662 : memref<128x4xf32, #tpu.memory_space<vmem>>) dst(%dma_wait3A_668 : memref<100000x4xf32, #tpu.memory_space<vmem_shared>>)
        tpu.yield
      }) : () -> ()
      %run_scoped3A_635 = arith.constant 2 : i32
      %run_scoped3A_636 = arith.constant 2 : i32
      "tpu.region"() ({
        %run_scoped3A_648 = tpu.sem_alloc : memref<!tpu.dma_semaphore, #tpu.memory_space<semaphore_mem>>
        %dma_start3A_649 = arith.constant 0 : i32
        %dma_start3A_650 = arith.constant 0 : i32
        %dma_start3A_651 = tpu.memref_slice %arg25[%run_scoped3A_635, %dma_start3A_649, %dma_start3A_650] : memref<5x128x4xf32, #tpu.memory_space<vmem>> -> memref<1x128x4xf32, #tpu.memory_space<vmem>>
        %dma_start3A_652 = tpu.memref_squeeze %dma_start3A_651 : memref<1x128x4xf32, #tpu.memory_space<vmem>> -> memref<128x4xf32, #tpu.memory_space<vmem>>
        %dma_start3A_653 = arith.constant 0 : i32
        %dma_start3A_654 = tpu.memref_slice %arg19[%run_scoped3A_636, %dma_start3A_653] : memref<10x128xi32, #tpu.memory_space<vmem>> -> memref<1x128xi32, #tpu.memory_space<vmem>>
        %dma_start3A_655 = tpu.memref_squeeze %dma_start3A_654 : memref<1x128xi32, #tpu.memory_space<vmem>> -> memref<128xi32, #tpu.memory_space<vmem>>
        %dma_start3A_656 = arith.constant 0 : i32
        %dma_start3A_657 = arith.constant 0 : i32
        %dma_start3A_658 = tpu.memref_slice %arg29[%dma_start3A_656, %dma_start3A_657] : memref<100000x4xf32, #tpu.memory_space<vmem_shared>> -> memref<100000x4xf32, #tpu.memory_space<vmem_shared>>
        tpu.enqueue_indirect_dma source(%dma_start3A_652 : memref<128x4xf32, #tpu.memory_space<vmem>>) target(%dma_start3A_658 : memref<100000x4xf32, #tpu.memory_space<vmem_shared>>) offsets(%dma_start3A_655 : memref<128xi32, #tpu.memory_space<vmem>>) semaphore(%run_scoped3A_648 : memref<!tpu.dma_semaphore, #tpu.memory_space<semaphore_mem>>) {add = true}
        %dma_wait3A_659 = arith.constant 0 : i32
        %dma_wait3A_660 = arith.constant 0 : i32
        %dma_wait3A_661 = tpu.memref_slice %arg25[%run_scoped3A_635, %dma_wait3A_659, %dma_wait3A_660] : memref<5x128x4xf32, #tpu.memory_space<vmem>> -> memref<1x128x4xf32, #tpu.memory_space<vmem>>
        %dma_wait3A_662 = tpu.memref_squeeze %dma_wait3A_661 : memref<1x128x4xf32, #tpu.memory_space<vmem>> -> memref<128x4xf32, #tpu.memory_space<vmem>>
        %dma_wait3A_663 = arith.constant 0 : i32
        %dma_wait3A_664 = tpu.memref_slice %arg19[%run_scoped3A_636, %dma_wait3A_663] : memref<10x128xi32, #tpu.memory_space<vmem>> -> memref<1x128xi32, #tpu.memory_space<vmem>>
        %dma_wait3A_665 = tpu.memref_squeeze %dma_wait3A_664 : memref<1x128xi32, #tpu.memory_space<vmem>> -> memref<128xi32, #tpu.memory_space<vmem>>
        %dma_wait3A_666 = arith.constant 0 : i32
        %dma_wait3A_667 = arith.constant 0 : i32
        %dma_wait3A_668 = tpu.memref_slice %arg29[%dma_wait3A_666, %dma_wait3A_667] : memref<100000x4xf32, #tpu.memory_space<vmem_shared>> -> memref<100000x4xf32, #tpu.memory_space<vmem_shared>>
        tpu.wait_indirect_dma semaphore(%run_scoped3A_648 : memref<!tpu.dma_semaphore, #tpu.memory_space<semaphore_mem>>) src(%dma_wait3A_662 : memref<128x4xf32, #tpu.memory_space<vmem>>) dst(%dma_wait3A_668 : memref<100000x4xf32, #tpu.memory_space<vmem_shared>>)
        tpu.yield
      }) : () -> ()
      %run_scoped3A_637 = arith.constant 2 : i32
      %run_scoped3A_638 = arith.constant 7 : i32
      "tpu.region"() ({
        %run_scoped3A_648 = tpu.sem_alloc : memref<!tpu.dma_semaphore, #tpu.memory_space<semaphore_mem>>
        %dma_start3A_649 = arith.constant 0 : i32
        %dma_start3A_650 = arith.constant 0 : i32
        %dma_start3A_651 = tpu.memref_slice %arg26[%run_scoped3A_637, %dma_start3A_649, %dma_start3A_650] : memref<5x128x4xf32, #tpu.memory_space<vmem>> -> memref<1x128x4xf32, #tpu.memory_space<vmem>>
        %dma_start3A_652 = tpu.memref_squeeze %dma_start3A_651 : memref<1x128x4xf32, #tpu.memory_space<vmem>> -> memref<128x4xf32, #tpu.memory_space<vmem>>
        %dma_start3A_653 = arith.constant 0 : i32
        %dma_start3A_654 = tpu.memref_slice %arg19[%run_scoped3A_638, %dma_start3A_653] : memref<10x128xi32, #tpu.memory_space<vmem>> -> memref<1x128xi32, #tpu.memory_space<vmem>>
        %dma_start3A_655 = tpu.memref_squeeze %dma_start3A_654 : memref<1x128xi32, #tpu.memory_space<vmem>> -> memref<128xi32, #tpu.memory_space<vmem>>
        %dma_start3A_656 = arith.constant 0 : i32
        %dma_start3A_657 = arith.constant 0 : i32
        %dma_start3A_658 = tpu.memref_slice %arg29[%dma_start3A_656, %dma_start3A_657] : memref<100000x4xf32, #tpu.memory_space<vmem_shared>> -> memref<100000x4xf32, #tpu.memory_space<vmem_shared>>
        tpu.enqueue_indirect_dma source(%dma_start3A_652 : memref<128x4xf32, #tpu.memory_space<vmem>>) target(%dma_start3A_658 : memref<100000x4xf32, #tpu.memory_space<vmem_shared>>) offsets(%dma_start3A_655 : memref<128xi32, #tpu.memory_space<vmem>>) semaphore(%run_scoped3A_648 : memref<!tpu.dma_semaphore, #tpu.memory_space<semaphore_mem>>) {add = true}
        %dma_wait3A_659 = arith.constant 0 : i32
        %dma_wait3A_660 = arith.constant 0 : i32
        %dma_wait3A_661 = tpu.memref_slice %arg26[%run_scoped3A_637, %dma_wait3A_659, %dma_wait3A_660] : memref<5x128x4xf32, #tpu.memory_space<vmem>> -> memref<1x128x4xf32, #tpu.memory_space<vmem>>
        %dma_wait3A_662 = tpu.memref_squeeze %dma_wait3A_661 : memref<1x128x4xf32, #tpu.memory_space<vmem>> -> memref<128x4xf32, #tpu.memory_space<vmem>>
        %dma_wait3A_663 = arith.constant 0 : i32
        %dma_wait3A_664 = tpu.memref_slice %arg19[%run_scoped3A_638, %dma_wait3A_663] : memref<10x128xi32, #tpu.memory_space<vmem>> -> memref<1x128xi32, #tpu.memory_space<vmem>>
        %dma_wait3A_665 = tpu.memref_squeeze %dma_wait3A_664 : memref<1x128xi32, #tpu.memory_space<vmem>> -> memref<128xi32, #tpu.memory_space<vmem>>
        %dma_wait3A_666 = arith.constant 0 : i32
        %dma_wait3A_667 = arith.constant 0 : i32
        %dma_wait3A_668 = tpu.memref_slice %arg29[%dma_wait3A_666, %dma_wait3A_667] : memref<100000x4xf32, #tpu.memory_space<vmem_shared>> -> memref<100000x4xf32, #tpu.memory_space<vmem_shared>>
        tpu.wait_indirect_dma semaphore(%run_scoped3A_648 : memref<!tpu.dma_semaphore, #tpu.memory_space<semaphore_mem>>) src(%dma_wait3A_662 : memref<128x4xf32, #tpu.memory_space<vmem>>) dst(%dma_wait3A_668 : memref<100000x4xf32, #tpu.memory_space<vmem_shared>>)
        tpu.yield
      }) : () -> ()
      %run_scoped3A_639 = arith.constant 3 : i32
      %run_scoped3A_640 = arith.constant 3 : i32
      "tpu.region"() ({
        %run_scoped3A_648 = tpu.sem_alloc : memref<!tpu.dma_semaphore, #tpu.memory_space<semaphore_mem>>
        %dma_start3A_649 = arith.constant 0 : i32
        %dma_start3A_650 = arith.constant 0 : i32
        %dma_start3A_651 = tpu.memref_slice %arg25[%run_scoped3A_639, %dma_start3A_649, %dma_start3A_650] : memref<5x128x4xf32, #tpu.memory_space<vmem>> -> memref<1x128x4xf32, #tpu.memory_space<vmem>>
        %dma_start3A_652 = tpu.memref_squeeze %dma_start3A_651 : memref<1x128x4xf32, #tpu.memory_space<vmem>> -> memref<128x4xf32, #tpu.memory_space<vmem>>
        %dma_start3A_653 = arith.constant 0 : i32
        %dma_start3A_654 = tpu.memref_slice %arg19[%run_scoped3A_640, %dma_start3A_653] : memref<10x128xi32, #tpu.memory_space<vmem>> -> memref<1x128xi32, #tpu.memory_space<vmem>>
        %dma_start3A_655 = tpu.memref_squeeze %dma_start3A_654 : memref<1x128xi32, #tpu.memory_space<vmem>> -> memref<128xi32, #tpu.memory_space<vmem>>
        %dma_start3A_656 = arith.constant 0 : i32
        %dma_start3A_657 = arith.constant 0 : i32
        %dma_start3A_658 = tpu.memref_slice %arg29[%dma_start3A_656, %dma_start3A_657] : memref<100000x4xf32, #tpu.memory_space<vmem_shared>> -> memref<100000x4xf32, #tpu.memory_space<vmem_shared>>
        tpu.enqueue_indirect_dma source(%dma_start3A_652 : memref<128x4xf32, #tpu.memory_space<vmem>>) target(%dma_start3A_658 : memref<100000x4xf32, #tpu.memory_space<vmem_shared>>) offsets(%dma_start3A_655 : memref<128xi32, #tpu.memory_space<vmem>>) semaphore(%run_scoped3A_648 : memref<!tpu.dma_semaphore, #tpu.memory_space<semaphore_mem>>) {add = true}
        %dma_wait3A_659 = arith.constant 0 : i32
        %dma_wait3A_660 = arith.constant 0 : i32
        %dma_wait3A_661 = tpu.memref_slice %arg25[%run_scoped3A_639, %dma_wait3A_659, %dma_wait3A_660] : memref<5x128x4xf32, #tpu.memory_space<vmem>> -> memref<1x128x4xf32, #tpu.memory_space<vmem>>
        %dma_wait3A_662 = tpu.memref_squeeze %dma_wait3A_661 : memref<1x128x4xf32, #tpu.memory_space<vmem>> -> memref<128x4xf32, #tpu.memory_space<vmem>>
        %dma_wait3A_663 = arith.constant 0 : i32
        %dma_wait3A_664 = tpu.memref_slice %arg19[%run_scoped3A_640, %dma_wait3A_663] : memref<10x128xi32, #tpu.memory_space<vmem>> -> memref<1x128xi32, #tpu.memory_space<vmem>>
        %dma_wait3A_665 = tpu.memref_squeeze %dma_wait3A_664 : memref<1x128xi32, #tpu.memory_space<vmem>> -> memref<128xi32, #tpu.memory_space<vmem>>
        %dma_wait3A_666 = arith.constant 0 : i32
        %dma_wait3A_667 = arith.constant 0 : i32
        %dma_wait3A_668 = tpu.memref_slice %arg29[%dma_wait3A_666, %dma_wait3A_667] : memref<100000x4xf32, #tpu.memory_space<vmem_shared>> -> memref<100000x4xf32, #tpu.memory_space<vmem_shared>>
        tpu.wait_indirect_dma semaphore(%run_scoped3A_648 : memref<!tpu.dma_semaphore, #tpu.memory_space<semaphore_mem>>) src(%dma_wait3A_662 : memref<128x4xf32, #tpu.memory_space<vmem>>) dst(%dma_wait3A_668 : memref<100000x4xf32, #tpu.memory_space<vmem_shared>>)
        tpu.yield
      }) : () -> ()
      %run_scoped3A_641 = arith.constant 3 : i32
      %run_scoped3A_642 = arith.constant 8 : i32
      "tpu.region"() ({
        %run_scoped3A_648 = tpu.sem_alloc : memref<!tpu.dma_semaphore, #tpu.memory_space<semaphore_mem>>
        %dma_start3A_649 = arith.constant 0 : i32
        %dma_start3A_650 = arith.constant 0 : i32
        %dma_start3A_651 = tpu.memref_slice %arg26[%run_scoped3A_641, %dma_start3A_649, %dma_start3A_650] : memref<5x128x4xf32, #tpu.memory_space<vmem>> -> memref<1x128x4xf32, #tpu.memory_space<vmem>>
        %dma_start3A_652 = tpu.memref_squeeze %dma_start3A_651 : memref<1x128x4xf32, #tpu.memory_space<vmem>> -> memref<128x4xf32, #tpu.memory_space<vmem>>
        %dma_start3A_653 = arith.constant 0 : i32
        %dma_start3A_654 = tpu.memref_slice %arg19[%run_scoped3A_642, %dma_start3A_653] : memref<10x128xi32, #tpu.memory_space<vmem>> -> memref<1x128xi32, #tpu.memory_space<vmem>>
        %dma_start3A_655 = tpu.memref_squeeze %dma_start3A_654 : memref<1x128xi32, #tpu.memory_space<vmem>> -> memref<128xi32, #tpu.memory_space<vmem>>
        %dma_start3A_656 = arith.constant 0 : i32
        %dma_start3A_657 = arith.constant 0 : i32
        %dma_start3A_658 = tpu.memref_slice %arg29[%dma_start3A_656, %dma_start3A_657] : memref<100000x4xf32, #tpu.memory_space<vmem_shared>> -> memref<100000x4xf32, #tpu.memory_space<vmem_shared>>
        tpu.enqueue_indirect_dma source(%dma_start3A_652 : memref<128x4xf32, #tpu.memory_space<vmem>>) target(%dma_start3A_658 : memref<100000x4xf32, #tpu.memory_space<vmem_shared>>) offsets(%dma_start3A_655 : memref<128xi32, #tpu.memory_space<vmem>>) semaphore(%run_scoped3A_648 : memref<!tpu.dma_semaphore, #tpu.memory_space<semaphore_mem>>) {add = true}
        %dma_wait3A_659 = arith.constant 0 : i32
        %dma_wait3A_660 = arith.constant 0 : i32
        %dma_wait3A_661 = tpu.memref_slice %arg26[%run_scoped3A_641, %dma_wait3A_659, %dma_wait3A_660] : memref<5x128x4xf32, #tpu.memory_space<vmem>> -> memref<1x128x4xf32, #tpu.memory_space<vmem>>
        %dma_wait3A_662 = tpu.memref_squeeze %dma_wait3A_661 : memref<1x128x4xf32, #tpu.memory_space<vmem>> -> memref<128x4xf32, #tpu.memory_space<vmem>>
        %dma_wait3A_663 = arith.constant 0 : i32
        %dma_wait3A_664 = tpu.memref_slice %arg19[%run_scoped3A_642, %dma_wait3A_663] : memref<10x128xi32, #tpu.memory_space<vmem>> -> memref<1x128xi32, #tpu.memory_space<vmem>>
        %dma_wait3A_665 = tpu.memref_squeeze %dma_wait3A_664 : memref<1x128xi32, #tpu.memory_space<vmem>> -> memref<128xi32, #tpu.memory_space<vmem>>
        %dma_wait3A_666 = arith.constant 0 : i32
        %dma_wait3A_667 = arith.constant 0 : i32
        %dma_wait3A_668 = tpu.memref_slice %arg29[%dma_wait3A_666, %dma_wait3A_667] : memref<100000x4xf32, #tpu.memory_space<vmem_shared>> -> memref<100000x4xf32, #tpu.memory_space<vmem_shared>>
        tpu.wait_indirect_dma semaphore(%run_scoped3A_648 : memref<!tpu.dma_semaphore, #tpu.memory_space<semaphore_mem>>) src(%dma_wait3A_662 : memref<128x4xf32, #tpu.memory_space<vmem>>) dst(%dma_wait3A_668 : memref<100000x4xf32, #tpu.memory_space<vmem_shared>>)
        tpu.yield
      }) : () -> ()
      %run_scoped3A_643 = arith.constant 4 : i32
      %run_scoped3A_644 = arith.constant 4 : i32
      "tpu.region"() ({
        %run_scoped3A_648 = tpu.sem_alloc : memref<!tpu.dma_semaphore, #tpu.memory_space<semaphore_mem>>
        %dma_start3A_649 = arith.constant 0 : i32
        %dma_start3A_650 = arith.constant 0 : i32
        %dma_start3A_651 = tpu.memref_slice %arg25[%run_scoped3A_643, %dma_start3A_649, %dma_start3A_650] : memref<5x128x4xf32, #tpu.memory_space<vmem>> -> memref<1x128x4xf32, #tpu.memory_space<vmem>>
        %dma_start3A_652 = tpu.memref_squeeze %dma_start3A_651 : memref<1x128x4xf32, #tpu.memory_space<vmem>> -> memref<128x4xf32, #tpu.memory_space<vmem>>
        %dma_start3A_653 = arith.constant 0 : i32
        %dma_start3A_654 = tpu.memref_slice %arg19[%run_scoped3A_644, %dma_start3A_653] : memref<10x128xi32, #tpu.memory_space<vmem>> -> memref<1x128xi32, #tpu.memory_space<vmem>>
        %dma_start3A_655 = tpu.memref_squeeze %dma_start3A_654 : memref<1x128xi32, #tpu.memory_space<vmem>> -> memref<128xi32, #tpu.memory_space<vmem>>
        %dma_start3A_656 = arith.constant 0 : i32
        %dma_start3A_657 = arith.constant 0 : i32
        %dma_start3A_658 = tpu.memref_slice %arg29[%dma_start3A_656, %dma_start3A_657] : memref<100000x4xf32, #tpu.memory_space<vmem_shared>> -> memref<100000x4xf32, #tpu.memory_space<vmem_shared>>
        tpu.enqueue_indirect_dma source(%dma_start3A_652 : memref<128x4xf32, #tpu.memory_space<vmem>>) target(%dma_start3A_658 : memref<100000x4xf32, #tpu.memory_space<vmem_shared>>) offsets(%dma_start3A_655 : memref<128xi32, #tpu.memory_space<vmem>>) semaphore(%run_scoped3A_648 : memref<!tpu.dma_semaphore, #tpu.memory_space<semaphore_mem>>) {add = true}
        %dma_wait3A_659 = arith.constant 0 : i32
        %dma_wait3A_660 = arith.constant 0 : i32
        %dma_wait3A_661 = tpu.memref_slice %arg25[%run_scoped3A_643, %dma_wait3A_659, %dma_wait3A_660] : memref<5x128x4xf32, #tpu.memory_space<vmem>> -> memref<1x128x4xf32, #tpu.memory_space<vmem>>
        %dma_wait3A_662 = tpu.memref_squeeze %dma_wait3A_661 : memref<1x128x4xf32, #tpu.memory_space<vmem>> -> memref<128x4xf32, #tpu.memory_space<vmem>>
        %dma_wait3A_663 = arith.constant 0 : i32
        %dma_wait3A_664 = tpu.memref_slice %arg19[%run_scoped3A_644, %dma_wait3A_663] : memref<10x128xi32, #tpu.memory_space<vmem>> -> memref<1x128xi32, #tpu.memory_space<vmem>>
        %dma_wait3A_665 = tpu.memref_squeeze %dma_wait3A_664 : memref<1x128xi32, #tpu.memory_space<vmem>> -> memref<128xi32, #tpu.memory_space<vmem>>
        %dma_wait3A_666 = arith.constant 0 : i32
        %dma_wait3A_667 = arith.constant 0 : i32
        %dma_wait3A_668 = tpu.memref_slice %arg29[%dma_wait3A_666, %dma_wait3A_667] : memref<100000x4xf32, #tpu.memory_space<vmem_shared>> -> memref<100000x4xf32, #tpu.memory_space<vmem_shared>>
        tpu.wait_indirect_dma semaphore(%run_scoped3A_648 : memref<!tpu.dma_semaphore, #tpu.memory_space<semaphore_mem>>) src(%dma_wait3A_662 : memref<128x4xf32, #tpu.memory_space<vmem>>) dst(%dma_wait3A_668 : memref<100000x4xf32, #tpu.memory_space<vmem_shared>>)
        tpu.yield
      }) : () -> ()
      %run_scoped3A_645 = arith.constant 4 : i32
      %run_scoped3A_646 = arith.constant 9 : i32
      "tpu.region"() ({
        %run_scoped3A_648 = tpu.sem_alloc : memref<!tpu.dma_semaphore, #tpu.memory_space<semaphore_mem>>
        %dma_start3A_649 = arith.constant 0 : i32
        %dma_start3A_650 = arith.constant 0 : i32
        %dma_start3A_651 = tpu.memref_slice %arg26[%run_scoped3A_645, %dma_start3A_649, %dma_start3A_650] : memref<5x128x4xf32, #tpu.memory_space<vmem>> -> memref<1x128x4xf32, #tpu.memory_space<vmem>>
        %dma_start3A_652 = tpu.memref_squeeze %dma_start3A_651 : memref<1x128x4xf32, #tpu.memory_space<vmem>> -> memref<128x4xf32, #tpu.memory_space<vmem>>
        %dma_start3A_653 = arith.constant 0 : i32
        %dma_start3A_654 = tpu.memref_slice %arg19[%run_scoped3A_646, %dma_start3A_653] : memref<10x128xi32, #tpu.memory_space<vmem>> -> memref<1x128xi32, #tpu.memory_space<vmem>>
        %dma_start3A_655 = tpu.memref_squeeze %dma_start3A_654 : memref<1x128xi32, #tpu.memory_space<vmem>> -> memref<128xi32, #tpu.memory_space<vmem>>
        %dma_start3A_656 = arith.constant 0 : i32
        %dma_start3A_657 = arith.constant 0 : i32
        %dma_start3A_658 = tpu.memref_slice %arg29[%dma_start3A_656, %dma_start3A_657] : memref<100000x4xf32, #tpu.memory_space<vmem_shared>> -> memref<100000x4xf32, #tpu.memory_space<vmem_shared>>
        tpu.enqueue_indirect_dma source(%dma_start3A_652 : memref<128x4xf32, #tpu.memory_space<vmem>>) target(%dma_start3A_658 : memref<100000x4xf32, #tpu.memory_space<vmem_shared>>) offsets(%dma_start3A_655 : memref<128xi32, #tpu.memory_space<vmem>>) semaphore(%run_scoped3A_648 : memref<!tpu.dma_semaphore, #tpu.memory_space<semaphore_mem>>) {add = true}
        %dma_wait3A_659 = arith.constant 0 : i32
        %dma_wait3A_660 = arith.constant 0 : i32
        %dma_wait3A_661 = tpu.memref_slice %arg26[%run_scoped3A_645, %dma_wait3A_659, %dma_wait3A_660] : memref<5x128x4xf32, #tpu.memory_space<vmem>> -> memref<1x128x4xf32, #tpu.memory_space<vmem>>
        %dma_wait3A_662 = tpu.memref_squeeze %dma_wait3A_661 : memref<1x128x4xf32, #tpu.memory_space<vmem>> -> memref<128x4xf32, #tpu.memory_space<vmem>>
        %dma_wait3A_663 = arith.constant 0 : i32
        %dma_wait3A_664 = tpu.memref_slice %arg19[%run_scoped3A_646, %dma_wait3A_663] : memref<10x128xi32, #tpu.memory_space<vmem>> -> memref<1x128xi32, #tpu.memory_space<vmem>>
        %dma_wait3A_665 = tpu.memref_squeeze %dma_wait3A_664 : memref<1x128xi32, #tpu.memory_space<vmem>> -> memref<128xi32, #tpu.memory_space<vmem>>
        %dma_wait3A_666 = arith.constant 0 : i32
        %dma_wait3A_667 = arith.constant 0 : i32
        %dma_wait3A_668 = tpu.memref_slice %arg29[%dma_wait3A_666, %dma_wait3A_667] : memref<100000x4xf32, #tpu.memory_space<vmem_shared>> -> memref<100000x4xf32, #tpu.memory_space<vmem_shared>>
        tpu.wait_indirect_dma semaphore(%run_scoped3A_648 : memref<!tpu.dma_semaphore, #tpu.memory_space<semaphore_mem>>) src(%dma_wait3A_662 : memref<128x4xf32, #tpu.memory_space<vmem>>) dst(%dma_wait3A_668 : memref<100000x4xf32, #tpu.memory_space<vmem_shared>>)
        tpu.yield
      }) : () -> ()
      %scan3A_647 = arith.constant 0 : i32
      scf.yield %scan3A_647 : i32
    }
    %scan3A_154 = arith.constant 156 : i32
    %add3A_155 = arith.constant 9920 : i32
    %add3A_156 = arith.addi %add3A_155, %add3A : i32
    %mul3A_157 = arith.constant 640 : i32
    %mul3A_158 = arith.muli %add3A_156, %mul3A_157 : i32
    %dma_wait3A = tpu.memref_slice %arg8[%mul3A_158] : memref<6400000xf32, #tpu.memory_space<hbm>> -> memref<640xf32, #tpu.memory_space<hbm>>
    %dma_wait3A_159 = tpu.memref_slice %arg8[%mul3A_158] : memref<6400000xf32, #tpu.memory_space<hbm>> -> memref<640xf32, #tpu.memory_space<hbm>>
    tpu.wait_dma2 semaphore(%arg18 : memref<!tpu.dma_semaphore, #tpu.memory_space<semaphore_mem>>) src(%arg14 : memref<640xf32, #tpu.memory_space<vmem>>) dst(%dma_wait3A_159 : memref<640xf32, #tpu.memory_space<hbm>>)
    %add3A_160 = arith.constant 9952 : i32
    %add3A_161 = arith.addi %add3A_160, %add3A : i32
    %mul3A_162 = arith.constant 640 : i32
    %mul3A_163 = arith.muli %add3A_161, %mul3A_162 : i32
    %dma_wait3A_164 = tpu.memref_slice %arg8[%mul3A_163] : memref<6400000xf32, #tpu.memory_space<hbm>> -> memref<640xf32, #tpu.memory_space<hbm>>
    %dma_wait3A_165 = tpu.memref_slice %arg8[%mul3A_163] : memref<6400000xf32, #tpu.memory_space<hbm>> -> memref<640xf32, #tpu.memory_space<hbm>>
    tpu.wait_dma2 semaphore(%arg28 : memref<!tpu.dma_semaphore, #tpu.memory_space<semaphore_mem>>) src(%arg24 : memref<640xf32, #tpu.memory_space<vmem>>) dst(%dma_wait3A_165 : memref<640xf32, #tpu.memory_space<hbm>>)
    %lt3A = arith.constant 16 : i32
    %lt3A_166 = arith.cmpi slt, %add3A, %lt3A : i32
    %convert_element_type3A_167 = arith.extui %lt3A_166 : i1 to i32
    %cond3A_168 = arith.constant 0 : i32
    %cond3A_169 = arith.cmpi ne, %convert_element_type3A_167, %cond3A_168 : i32
    scf.if %cond3A_169 {
      %add3A_176 = arith.constant 9984 : i32
      %add3A_177 = arith.addi %add3A_176, %add3A : i32
      %mul3A_178 = arith.constant 640 : i32
      %mul3A_179 = arith.muli %add3A_177, %mul3A_178 : i32
      %mul3A_180 = arith.constant 2 : i32
      %mul3A_181 = arith.muli %add3A_177, %mul3A_180 : i32
      %mul3A_182 = arith.constant 5 : i32
      %mul3A_183 = arith.muli %mul3A_181, %mul3A_182 : i32
      "tpu.region"() ({
        %run_scoped3A_463 = tpu.sem_alloc : memref<!tpu.dma_semaphore, #tpu.memory_space<semaphore_mem>>
        %dma_start3A_464 = arith.constant 0 : i32
        %dma_start3A_465 = tpu.memref_slice %arg3[%mul3A_183, %dma_start3A_464] : memref<100000x128xi32, #tpu.memory_space<hbm>> -> memref<10x128xi32, #tpu.memory_space<hbm>>
        %dma_start3A_466 = arith.constant 0 : i32
        %dma_start3A_467 = tpu.memref_slice %arg3[%mul3A_183, %dma_start3A_466] : memref<100000x128xi32, #tpu.memory_space<hbm>> -> memref<10x128xi32, #tpu.memory_space<hbm>>
        tpu.enqueue_dma source(%dma_start3A_467 : memref<10x128xi32, #tpu.memory_space<hbm>>) target(%arg9 : memref<10x128xi32, #tpu.memory_space<vmem>>) target_semaphore(%run_scoped3A_463 : memref<!tpu.dma_semaphore, #tpu.memory_space<semaphore_mem>>)
        %dma_wait3A_468 = arith.constant 0 : i32
        %dma_wait3A_469 = tpu.memref_slice %arg3[%mul3A_183, %dma_wait3A_468] : memref<100000x128xi32, #tpu.memory_space<hbm>> -> memref<10x128xi32, #tpu.memory_space<hbm>>
        %dma_wait3A_470 = arith.constant 0 : i32
        %dma_wait3A_471 = tpu.memref_slice %arg3[%mul3A_183, %dma_wait3A_470] : memref<100000x128xi32, #tpu.memory_space<hbm>> -> memref<10x128xi32, #tpu.memory_space<hbm>>
        tpu.wait_dma2 semaphore(%run_scoped3A_463 : memref<!tpu.dma_semaphore, #tpu.memory_space<semaphore_mem>>) src(%dma_wait3A_471 : memref<10x128xi32, #tpu.memory_space<hbm>>) dst(%arg9 : memref<10x128xi32, #tpu.memory_space<vmem>>)
        tpu.yield
      }) : () -> ()
      %dma_start3A_184 = tpu.memref_slice %arg4[%mul3A_179] : memref<6400000xf32, #tpu.memory_space<hbm>> -> memref<640xf32, #tpu.memory_space<hbm>>
      %dma_start3A_185 = tpu.memref_slice %arg4[%mul3A_179] : memref<6400000xf32, #tpu.memory_space<hbm>> -> memref<640xf32, #tpu.memory_space<hbm>>
      tpu.enqueue_dma source(%dma_start3A_185 : memref<640xf32, #tpu.memory_space<hbm>>) target(%arg12 : memref<640xf32, #tpu.memory_space<vmem>>) target_semaphore(%arg17 : memref<!tpu.dma_semaphore, #tpu.memory_space<semaphore_mem>>)
      %dma_start3A_186 = tpu.memref_slice %arg5[%mul3A_179] : memref<6400000xf32, #tpu.memory_space<hbm>> -> memref<640xf32, #tpu.memory_space<hbm>>
      %dma_start3A_187 = tpu.memref_slice %arg5[%mul3A_179] : memref<6400000xf32, #tpu.memory_space<hbm>> -> memref<640xf32, #tpu.memory_space<hbm>>
      tpu.enqueue_dma source(%dma_start3A_187 : memref<640xf32, #tpu.memory_space<hbm>>) target(%arg13 : memref<640xf32, #tpu.memory_space<vmem>>) target_semaphore(%arg17 : memref<!tpu.dma_semaphore, #tpu.memory_space<semaphore_mem>>)
      %dma_start3A_188 = arith.constant 0 : i32
      %dma_start3A_189 = arith.constant 0 : i32
      %dma_start3A_190 = arith.constant 0 : i32
      %dma_start3A_191 = arith.constant 0 : i32
      %dma_start3A_192 = tpu.memref_slice %arg10[%dma_start3A_189, %dma_start3A_190, %dma_start3A_191] : memref<5x128x8xf32, #tpu.memory_space<vmem>> -> memref<1x128x8xf32, #tpu.memory_space<vmem>>
      %dma_start3A_193 = tpu.memref_squeeze %dma_start3A_192 : memref<1x128x8xf32, #tpu.memory_space<vmem>> -> memref<128x8xf32, #tpu.memory_space<vmem>>
      %dma_start3A_194 = arith.constant 0 : i32
      %dma_start3A_195 = tpu.memref_slice %arg9[%dma_start3A_188, %dma_start3A_194] : memref<10x128xi32, #tpu.memory_space<vmem>> -> memref<1x128xi32, #tpu.memory_space<vmem>>
      %dma_start3A_196 = tpu.memref_squeeze %dma_start3A_195 : memref<1x128xi32, #tpu.memory_space<vmem>> -> memref<128xi32, #tpu.memory_space<vmem>>
      %dma_start3A_197 = arith.constant 0 : i32
      %dma_start3A_198 = arith.constant 0 : i32
      %dma_start3A_199 = tpu.memref_slice %arg2[%dma_start3A_197, %dma_start3A_198] : memref<100000x8xf32, #tpu.memory_space<hbm>> -> memref<100000x8xf32, #tpu.memory_space<hbm>>
      tpu.enqueue_indirect_dma source(%dma_start3A_199 : memref<100000x8xf32, #tpu.memory_space<hbm>>) target(%dma_start3A_193 : memref<128x8xf32, #tpu.memory_space<vmem>>) offsets(%dma_start3A_196 : memref<128xi32, #tpu.memory_space<vmem>>) semaphore(%arg17 : memref<!tpu.dma_semaphore, #tpu.memory_space<semaphore_mem>>)
      %dma_start3A_200 = arith.constant 5 : i32
      %dma_start3A_201 = arith.constant 0 : i32
      %dma_start3A_202 = arith.constant 0 : i32
      %dma_start3A_203 = arith.constant 0 : i32
      %dma_start3A_204 = tpu.memref_slice %arg11[%dma_start3A_201, %dma_start3A_202, %dma_start3A_203] : memref<5x128x8xf32, #tpu.memory_space<vmem>> -> memref<1x128x8xf32, #tpu.memory_space<vmem>>
      %dma_start3A_205 = tpu.memref_squeeze %dma_start3A_204 : memref<1x128x8xf32, #tpu.memory_space<vmem>> -> memref<128x8xf32, #tpu.memory_space<vmem>>
      %dma_start3A_206 = arith.constant 0 : i32
      %dma_start3A_207 = tpu.memref_slice %arg9[%dma_start3A_200, %dma_start3A_206] : memref<10x128xi32, #tpu.memory_space<vmem>> -> memref<1x128xi32, #tpu.memory_space<vmem>>
      %dma_start3A_208 = tpu.memref_squeeze %dma_start3A_207 : memref<1x128xi32, #tpu.memory_space<vmem>> -> memref<128xi32, #tpu.memory_space<vmem>>
      %dma_start3A_209 = arith.constant 0 : i32
      %dma_start3A_210 = arith.constant 0 : i32
      %dma_start3A_211 = tpu.memref_slice %arg2[%dma_start3A_209, %dma_start3A_210] : memref<100000x8xf32, #tpu.memory_space<hbm>> -> memref<100000x8xf32, #tpu.memory_space<hbm>>
      tpu.enqueue_indirect_dma source(%dma_start3A_211 : memref<100000x8xf32, #tpu.memory_space<hbm>>) target(%dma_start3A_205 : memref<128x8xf32, #tpu.memory_space<vmem>>) offsets(%dma_start3A_208 : memref<128xi32, #tpu.memory_space<vmem>>) semaphore(%arg17 : memref<!tpu.dma_semaphore, #tpu.memory_space<semaphore_mem>>)
      %dma_start3A_212 = arith.constant 1 : i32
      %dma_start3A_213 = arith.constant 1 : i32
      %dma_start3A_214 = arith.constant 0 : i32
      %dma_start3A_215 = arith.constant 0 : i32
      %dma_start3A_216 = tpu.memref_slice %arg10[%dma_start3A_213, %dma_start3A_214, %dma_start3A_215] : memref<5x128x8xf32, #tpu.memory_space<vmem>> -> memref<1x128x8xf32, #tpu.memory_space<vmem>>
      %dma_start3A_217 = tpu.memref_squeeze %dma_start3A_216 : memref<1x128x8xf32, #tpu.memory_space<vmem>> -> memref<128x8xf32, #tpu.memory_space<vmem>>
      %dma_start3A_218 = arith.constant 0 : i32
      %dma_start3A_219 = tpu.memref_slice %arg9[%dma_start3A_212, %dma_start3A_218] : memref<10x128xi32, #tpu.memory_space<vmem>> -> memref<1x128xi32, #tpu.memory_space<vmem>>
      %dma_start3A_220 = tpu.memref_squeeze %dma_start3A_219 : memref<1x128xi32, #tpu.memory_space<vmem>> -> memref<128xi32, #tpu.memory_space<vmem>>
      %dma_start3A_221 = arith.constant 0 : i32
      %dma_start3A_222 = arith.constant 0 : i32
      %dma_start3A_223 = tpu.memref_slice %arg2[%dma_start3A_221, %dma_start3A_222] : memref<100000x8xf32, #tpu.memory_space<hbm>> -> memref<100000x8xf32, #tpu.memory_space<hbm>>
      tpu.enqueue_indirect_dma source(%dma_start3A_223 : memref<100000x8xf32, #tpu.memory_space<hbm>>) target(%dma_start3A_217 : memref<128x8xf32, #tpu.memory_space<vmem>>) offsets(%dma_start3A_220 : memref<128xi32, #tpu.memory_space<vmem>>) semaphore(%arg17 : memref<!tpu.dma_semaphore, #tpu.memory_space<semaphore_mem>>)
      %dma_start3A_224 = arith.constant 6 : i32
      %dma_start3A_225 = arith.constant 1 : i32
      %dma_start3A_226 = arith.constant 0 : i32
      %dma_start3A_227 = arith.constant 0 : i32
      %dma_start3A_228 = tpu.memref_slice %arg11[%dma_start3A_225, %dma_start3A_226, %dma_start3A_227] : memref<5x128x8xf32, #tpu.memory_space<vmem>> -> memref<1x128x8xf32, #tpu.memory_space<vmem>>
      %dma_start3A_229 = tpu.memref_squeeze %dma_start3A_228 : memref<1x128x8xf32, #tpu.memory_space<vmem>> -> memref<128x8xf32, #tpu.memory_space<vmem>>
      %dma_start3A_230 = arith.constant 0 : i32
      %dma_start3A_231 = tpu.memref_slice %arg9[%dma_start3A_224, %dma_start3A_230] : memref<10x128xi32, #tpu.memory_space<vmem>> -> memref<1x128xi32, #tpu.memory_space<vmem>>
      %dma_start3A_232 = tpu.memref_squeeze %dma_start3A_231 : memref<1x128xi32, #tpu.memory_space<vmem>> -> memref<128xi32, #tpu.memory_space<vmem>>
      %dma_start3A_233 = arith.constant 0 : i32
      %dma_start3A_234 = arith.constant 0 : i32
      %dma_start3A_235 = tpu.memref_slice %arg2[%dma_start3A_233, %dma_start3A_234] : memref<100000x8xf32, #tpu.memory_space<hbm>> -> memref<100000x8xf32, #tpu.memory_space<hbm>>
      tpu.enqueue_indirect_dma source(%dma_start3A_235 : memref<100000x8xf32, #tpu.memory_space<hbm>>) target(%dma_start3A_229 : memref<128x8xf32, #tpu.memory_space<vmem>>) offsets(%dma_start3A_232 : memref<128xi32, #tpu.memory_space<vmem>>) semaphore(%arg17 : memref<!tpu.dma_semaphore, #tpu.memory_space<semaphore_mem>>)
      %dma_start3A_236 = arith.constant 2 : i32
      %dma_start3A_237 = arith.constant 2 : i32
      %dma_start3A_238 = arith.constant 0 : i32
      %dma_start3A_239 = arith.constant 0 : i32
      %dma_start3A_240 = tpu.memref_slice %arg10[%dma_start3A_237, %dma_start3A_238, %dma_start3A_239] : memref<5x128x8xf32, #tpu.memory_space<vmem>> -> memref<1x128x8xf32, #tpu.memory_space<vmem>>
      %dma_start3A_241 = tpu.memref_squeeze %dma_start3A_240 : memref<1x128x8xf32, #tpu.memory_space<vmem>> -> memref<128x8xf32, #tpu.memory_space<vmem>>
      %dma_start3A_242 = arith.constant 0 : i32
      %dma_start3A_243 = tpu.memref_slice %arg9[%dma_start3A_236, %dma_start3A_242] : memref<10x128xi32, #tpu.memory_space<vmem>> -> memref<1x128xi32, #tpu.memory_space<vmem>>
      %dma_start3A_244 = tpu.memref_squeeze %dma_start3A_243 : memref<1x128xi32, #tpu.memory_space<vmem>> -> memref<128xi32, #tpu.memory_space<vmem>>
      %dma_start3A_245 = arith.constant 0 : i32
      %dma_start3A_246 = arith.constant 0 : i32
      %dma_start3A_247 = tpu.memref_slice %arg2[%dma_start3A_245, %dma_start3A_246] : memref<100000x8xf32, #tpu.memory_space<hbm>> -> memref<100000x8xf32, #tpu.memory_space<hbm>>
      tpu.enqueue_indirect_dma source(%dma_start3A_247 : memref<100000x8xf32, #tpu.memory_space<hbm>>) target(%dma_start3A_241 : memref<128x8xf32, #tpu.memory_space<vmem>>) offsets(%dma_start3A_244 : memref<128xi32, #tpu.memory_space<vmem>>) semaphore(%arg17 : memref<!tpu.dma_semaphore, #tpu.memory_space<semaphore_mem>>)
      %dma_start3A_248 = arith.constant 7 : i32
      %dma_start3A_249 = arith.constant 2 : i32
      %dma_start3A_250 = arith.constant 0 : i32
      %dma_start3A_251 = arith.constant 0 : i32
      %dma_start3A_252 = tpu.memref_slice %arg11[%dma_start3A_249, %dma_start3A_250, %dma_start3A_251] : memref<5x128x8xf32, #tpu.memory_space<vmem>> -> memref<1x128x8xf32, #tpu.memory_space<vmem>>
      %dma_start3A_253 = tpu.memref_squeeze %dma_start3A_252 : memref<1x128x8xf32, #tpu.memory_space<vmem>> -> memref<128x8xf32, #tpu.memory_space<vmem>>
      %dma_start3A_254 = arith.constant 0 : i32
      %dma_start3A_255 = tpu.memref_slice %arg9[%dma_start3A_248, %dma_start3A_254] : memref<10x128xi32, #tpu.memory_space<vmem>> -> memref<1x128xi32, #tpu.memory_space<vmem>>
      %dma_start3A_256 = tpu.memref_squeeze %dma_start3A_255 : memref<1x128xi32, #tpu.memory_space<vmem>> -> memref<128xi32, #tpu.memory_space<vmem>>
      %dma_start3A_257 = arith.constant 0 : i32
      %dma_start3A_258 = arith.constant 0 : i32
      %dma_start3A_259 = tpu.memref_slice %arg2[%dma_start3A_257, %dma_start3A_258] : memref<100000x8xf32, #tpu.memory_space<hbm>> -> memref<100000x8xf32, #tpu.memory_space<hbm>>
      tpu.enqueue_indirect_dma source(%dma_start3A_259 : memref<100000x8xf32, #tpu.memory_space<hbm>>) target(%dma_start3A_253 : memref<128x8xf32, #tpu.memory_space<vmem>>) offsets(%dma_start3A_256 : memref<128xi32, #tpu.memory_space<vmem>>) semaphore(%arg17 : memref<!tpu.dma_semaphore, #tpu.memory_space<semaphore_mem>>)
      %dma_start3A_260 = arith.constant 3 : i32
      %dma_start3A_261 = arith.constant 3 : i32
      %dma_start3A_262 = arith.constant 0 : i32
      %dma_start3A_263 = arith.constant 0 : i32
      %dma_start3A_264 = tpu.memref_slice %arg10[%dma_start3A_261, %dma_start3A_262, %dma_start3A_263] : memref<5x128x8xf32, #tpu.memory_space<vmem>> -> memref<1x128x8xf32, #tpu.memory_space<vmem>>
      %dma_start3A_265 = tpu.memref_squeeze %dma_start3A_264 : memref<1x128x8xf32, #tpu.memory_space<vmem>> -> memref<128x8xf32, #tpu.memory_space<vmem>>
      %dma_start3A_266 = arith.constant 0 : i32
      %dma_start3A_267 = tpu.memref_slice %arg9[%dma_start3A_260, %dma_start3A_266] : memref<10x128xi32, #tpu.memory_space<vmem>> -> memref<1x128xi32, #tpu.memory_space<vmem>>
      %dma_start3A_268 = tpu.memref_squeeze %dma_start3A_267 : memref<1x128xi32, #tpu.memory_space<vmem>> -> memref<128xi32, #tpu.memory_space<vmem>>
      %dma_start3A_269 = arith.constant 0 : i32
      %dma_start3A_270 = arith.constant 0 : i32
      %dma_start3A_271 = tpu.memref_slice %arg2[%dma_start3A_269, %dma_start3A_270] : memref<100000x8xf32, #tpu.memory_space<hbm>> -> memref<100000x8xf32, #tpu.memory_space<hbm>>
      tpu.enqueue_indirect_dma source(%dma_start3A_271 : memref<100000x8xf32, #tpu.memory_space<hbm>>) target(%dma_start3A_265 : memref<128x8xf32, #tpu.memory_space<vmem>>) offsets(%dma_start3A_268 : memref<128xi32, #tpu.memory_space<vmem>>) semaphore(%arg17 : memref<!tpu.dma_semaphore, #tpu.memory_space<semaphore_mem>>)
      %dma_start3A_272 = arith.constant 8 : i32
      %dma_start3A_273 = arith.constant 3 : i32
      %dma_start3A_274 = arith.constant 0 : i32
      %dma_start3A_275 = arith.constant 0 : i32
      %dma_start3A_276 = tpu.memref_slice %arg11[%dma_start3A_273, %dma_start3A_274, %dma_start3A_275] : memref<5x128x8xf32, #tpu.memory_space<vmem>> -> memref<1x128x8xf32, #tpu.memory_space<vmem>>
      %dma_start3A_277 = tpu.memref_squeeze %dma_start3A_276 : memref<1x128x8xf32, #tpu.memory_space<vmem>> -> memref<128x8xf32, #tpu.memory_space<vmem>>
      %dma_start3A_278 = arith.constant 0 : i32
      %dma_start3A_279 = tpu.memref_slice %arg9[%dma_start3A_272, %dma_start3A_278] : memref<10x128xi32, #tpu.memory_space<vmem>> -> memref<1x128xi32, #tpu.memory_space<vmem>>
      %dma_start3A_280 = tpu.memref_squeeze %dma_start3A_279 : memref<1x128xi32, #tpu.memory_space<vmem>> -> memref<128xi32, #tpu.memory_space<vmem>>
      %dma_start3A_281 = arith.constant 0 : i32
      %dma_start3A_282 = arith.constant 0 : i32
      %dma_start3A_283 = tpu.memref_slice %arg2[%dma_start3A_281, %dma_start3A_282] : memref<100000x8xf32, #tpu.memory_space<hbm>> -> memref<100000x8xf32, #tpu.memory_space<hbm>>
      tpu.enqueue_indirect_dma source(%dma_start3A_283 : memref<100000x8xf32, #tpu.memory_space<hbm>>) target(%dma_start3A_277 : memref<128x8xf32, #tpu.memory_space<vmem>>) offsets(%dma_start3A_280 : memref<128xi32, #tpu.memory_space<vmem>>) semaphore(%arg17 : memref<!tpu.dma_semaphore, #tpu.memory_space<semaphore_mem>>)
      %dma_start3A_284 = arith.constant 4 : i32
      %dma_start3A_285 = arith.constant 4 : i32
      %dma_start3A_286 = arith.constant 0 : i32
      %dma_start3A_287 = arith.constant 0 : i32
      %dma_start3A_288 = tpu.memref_slice %arg10[%dma_start3A_285, %dma_start3A_286, %dma_start3A_287] : memref<5x128x8xf32, #tpu.memory_space<vmem>> -> memref<1x128x8xf32, #tpu.memory_space<vmem>>
      %dma_start3A_289 = tpu.memref_squeeze %dma_start3A_288 : memref<1x128x8xf32, #tpu.memory_space<vmem>> -> memref<128x8xf32, #tpu.memory_space<vmem>>
      %dma_start3A_290 = arith.constant 0 : i32
      %dma_start3A_291 = tpu.memref_slice %arg9[%dma_start3A_284, %dma_start3A_290] : memref<10x128xi32, #tpu.memory_space<vmem>> -> memref<1x128xi32, #tpu.memory_space<vmem>>
      %dma_start3A_292 = tpu.memref_squeeze %dma_start3A_291 : memref<1x128xi32, #tpu.memory_space<vmem>> -> memref<128xi32, #tpu.memory_space<vmem>>
      %dma_start3A_293 = arith.constant 0 : i32
      %dma_start3A_294 = arith.constant 0 : i32
      %dma_start3A_295 = tpu.memref_slice %arg2[%dma_start3A_293, %dma_start3A_294] : memref<100000x8xf32, #tpu.memory_space<hbm>> -> memref<100000x8xf32, #tpu.memory_space<hbm>>
      tpu.enqueue_indirect_dma source(%dma_start3A_295 : memref<100000x8xf32, #tpu.memory_space<hbm>>) target(%dma_start3A_289 : memref<128x8xf32, #tpu.memory_space<vmem>>) offsets(%dma_start3A_292 : memref<128xi32, #tpu.memory_space<vmem>>) semaphore(%arg17 : memref<!tpu.dma_semaphore, #tpu.memory_space<semaphore_mem>>)
      %dma_start3A_296 = arith.constant 9 : i32
      %dma_start3A_297 = arith.constant 4 : i32
      %dma_start3A_298 = arith.constant 0 : i32
      %dma_start3A_299 = arith.constant 0 : i32
      %dma_start3A_300 = tpu.memref_slice %arg11[%dma_start3A_297, %dma_start3A_298, %dma_start3A_299] : memref<5x128x8xf32, #tpu.memory_space<vmem>> -> memref<1x128x8xf32, #tpu.memory_space<vmem>>
      %dma_start3A_301 = tpu.memref_squeeze %dma_start3A_300 : memref<1x128x8xf32, #tpu.memory_space<vmem>> -> memref<128x8xf32, #tpu.memory_space<vmem>>
      %dma_start3A_302 = arith.constant 0 : i32
      %dma_start3A_303 = tpu.memref_slice %arg9[%dma_start3A_296, %dma_start3A_302] : memref<10x128xi32, #tpu.memory_space<vmem>> -> memref<1x128xi32, #tpu.memory_space<vmem>>
      %dma_start3A_304 = tpu.memref_squeeze %dma_start3A_303 : memref<1x128xi32, #tpu.memory_space<vmem>> -> memref<128xi32, #tpu.memory_space<vmem>>
      %dma_start3A_305 = arith.constant 0 : i32
      %dma_start3A_306 = arith.constant 0 : i32
      %dma_start3A_307 = tpu.memref_slice %arg2[%dma_start3A_305, %dma_start3A_306] : memref<100000x8xf32, #tpu.memory_space<hbm>> -> memref<100000x8xf32, #tpu.memory_space<hbm>>
      tpu.enqueue_indirect_dma source(%dma_start3A_307 : memref<100000x8xf32, #tpu.memory_space<hbm>>) target(%dma_start3A_301 : memref<128x8xf32, #tpu.memory_space<vmem>>) offsets(%dma_start3A_304 : memref<128xi32, #tpu.memory_space<vmem>>) semaphore(%arg17 : memref<!tpu.dma_semaphore, #tpu.memory_space<semaphore_mem>>)
      %mul3A_308 = arith.constant 640 : i32
      %mul3A_309 = arith.muli %add3A_177, %mul3A_308 : i32
      %dma_wait3A_310 = tpu.memref_slice %arg4[%mul3A_309] : memref<6400000xf32, #tpu.memory_space<hbm>> -> memref<640xf32, #tpu.memory_space<hbm>>
      %dma_wait3A_311 = tpu.memref_slice %arg4[%mul3A_309] : memref<6400000xf32, #tpu.memory_space<hbm>> -> memref<640xf32, #tpu.memory_space<hbm>>
      tpu.wait_dma2 semaphore(%arg17 : memref<!tpu.dma_semaphore, #tpu.memory_space<semaphore_mem>>) src(%dma_wait3A_311 : memref<640xf32, #tpu.memory_space<hbm>>) dst(%arg12 : memref<640xf32, #tpu.memory_space<vmem>>)
      %dma_wait3A_312 = tpu.memref_slice %arg5[%mul3A_309] : memref<6400000xf32, #tpu.memory_space<hbm>> -> memref<640xf32, #tpu.memory_space<hbm>>
      %dma_wait3A_313 = tpu.memref_slice %arg5[%mul3A_309] : memref<6400000xf32, #tpu.memory_space<hbm>> -> memref<640xf32, #tpu.memory_space<hbm>>
      tpu.wait_dma2 semaphore(%arg17 : memref<!tpu.dma_semaphore, #tpu.memory_space<semaphore_mem>>) src(%dma_wait3A_313 : memref<640xf32, #tpu.memory_space<hbm>>) dst(%arg13 : memref<640xf32, #tpu.memory_space<vmem>>)
      %dma_wait3A_314 = arith.constant 0 : i32
      %dma_wait3A_315 = arith.constant 0 : i32
      %dma_wait3A_316 = arith.constant 0 : i32
      %dma_wait3A_317 = arith.constant 0 : i32
      %dma_wait3A_318 = tpu.memref_slice %arg10[%dma_wait3A_315, %dma_wait3A_316, %dma_wait3A_317] : memref<5x128x8xf32, #tpu.memory_space<vmem>> -> memref<1x128x8xf32, #tpu.memory_space<vmem>>
      %dma_wait3A_319 = tpu.memref_squeeze %dma_wait3A_318 : memref<1x128x8xf32, #tpu.memory_space<vmem>> -> memref<128x8xf32, #tpu.memory_space<vmem>>
      %dma_wait3A_320 = arith.constant 0 : i32
      %dma_wait3A_321 = tpu.memref_slice %arg9[%dma_wait3A_314, %dma_wait3A_320] : memref<10x128xi32, #tpu.memory_space<vmem>> -> memref<1x128xi32, #tpu.memory_space<vmem>>
      %dma_wait3A_322 = tpu.memref_squeeze %dma_wait3A_321 : memref<1x128xi32, #tpu.memory_space<vmem>> -> memref<128xi32, #tpu.memory_space<vmem>>
      %dma_wait3A_323 = arith.constant 0 : i32
      %dma_wait3A_324 = arith.constant 0 : i32
      %dma_wait3A_325 = tpu.memref_slice %arg2[%dma_wait3A_323, %dma_wait3A_324] : memref<100000x8xf32, #tpu.memory_space<hbm>> -> memref<100000x8xf32, #tpu.memory_space<hbm>>
      tpu.wait_indirect_dma semaphore(%arg17 : memref<!tpu.dma_semaphore, #tpu.memory_space<semaphore_mem>>) src(%dma_wait3A_325 : memref<100000x8xf32, #tpu.memory_space<hbm>>) dst(%dma_wait3A_319 : memref<128x8xf32, #tpu.memory_space<vmem>>)
      %dma_wait3A_326 = arith.constant 5 : i32
      %dma_wait3A_327 = arith.constant 0 : i32
      %dma_wait3A_328 = arith.constant 0 : i32
      %dma_wait3A_329 = arith.constant 0 : i32
      %dma_wait3A_330 = tpu.memref_slice %arg11[%dma_wait3A_327, %dma_wait3A_328, %dma_wait3A_329] : memref<5x128x8xf32, #tpu.memory_space<vmem>> -> memref<1x128x8xf32, #tpu.memory_space<vmem>>
      %dma_wait3A_331 = tpu.memref_squeeze %dma_wait3A_330 : memref<1x128x8xf32, #tpu.memory_space<vmem>> -> memref<128x8xf32, #tpu.memory_space<vmem>>
      %dma_wait3A_332 = arith.constant 0 : i32
      %dma_wait3A_333 = tpu.memref_slice %arg9[%dma_wait3A_326, %dma_wait3A_332] : memref<10x128xi32, #tpu.memory_space<vmem>> -> memref<1x128xi32, #tpu.memory_space<vmem>>
      %dma_wait3A_334 = tpu.memref_squeeze %dma_wait3A_333 : memref<1x128xi32, #tpu.memory_space<vmem>> -> memref<128xi32, #tpu.memory_space<vmem>>
      %dma_wait3A_335 = arith.constant 0 : i32
      %dma_wait3A_336 = arith.constant 0 : i32
      %dma_wait3A_337 = tpu.memref_slice %arg2[%dma_wait3A_335, %dma_wait3A_336] : memref<100000x8xf32, #tpu.memory_space<hbm>> -> memref<100000x8xf32, #tpu.memory_space<hbm>>
      tpu.wait_indirect_dma semaphore(%arg17 : memref<!tpu.dma_semaphore, #tpu.memory_space<semaphore_mem>>) src(%dma_wait3A_337 : memref<100000x8xf32, #tpu.memory_space<hbm>>) dst(%dma_wait3A_331 : memref<128x8xf32, #tpu.memory_space<vmem>>)
      %dma_wait3A_338 = arith.constant 1 : i32
      %dma_wait3A_339 = arith.constant 1 : i32
      %dma_wait3A_340 = arith.constant 0 : i32
      %dma_wait3A_341 = arith.constant 0 : i32
      %dma_wait3A_342 = tpu.memref_slice %arg10[%dma_wait3A_339, %dma_wait3A_340, %dma_wait3A_341] : memref<5x128x8xf32, #tpu.memory_space<vmem>> -> memref<1x128x8xf32, #tpu.memory_space<vmem>>
      %dma_wait3A_343 = tpu.memref_squeeze %dma_wait3A_342 : memref<1x128x8xf32, #tpu.memory_space<vmem>> -> memref<128x8xf32, #tpu.memory_space<vmem>>
      %dma_wait3A_344 = arith.constant 0 : i32
      %dma_wait3A_345 = tpu.memref_slice %arg9[%dma_wait3A_338, %dma_wait3A_344] : memref<10x128xi32, #tpu.memory_space<vmem>> -> memref<1x128xi32, #tpu.memory_space<vmem>>
      %dma_wait3A_346 = tpu.memref_squeeze %dma_wait3A_345 : memref<1x128xi32, #tpu.memory_space<vmem>> -> memref<128xi32, #tpu.memory_space<vmem>>
      %dma_wait3A_347 = arith.constant 0 : i32
      %dma_wait3A_348 = arith.constant 0 : i32
      %dma_wait3A_349 = tpu.memref_slice %arg2[%dma_wait3A_347, %dma_wait3A_348] : memref<100000x8xf32, #tpu.memory_space<hbm>> -> memref<100000x8xf32, #tpu.memory_space<hbm>>
      tpu.wait_indirect_dma semaphore(%arg17 : memref<!tpu.dma_semaphore, #tpu.memory_space<semaphore_mem>>) src(%dma_wait3A_349 : memref<100000x8xf32, #tpu.memory_space<hbm>>) dst(%dma_wait3A_343 : memref<128x8xf32, #tpu.memory_space<vmem>>)
      %dma_wait3A_350 = arith.constant 6 : i32
      %dma_wait3A_351 = arith.constant 1 : i32
      %dma_wait3A_352 = arith.constant 0 : i32
      %dma_wait3A_353 = arith.constant 0 : i32
      %dma_wait3A_354 = tpu.memref_slice %arg11[%dma_wait3A_351, %dma_wait3A_352, %dma_wait3A_353] : memref<5x128x8xf32, #tpu.memory_space<vmem>> -> memref<1x128x8xf32, #tpu.memory_space<vmem>>
      %dma_wait3A_355 = tpu.memref_squeeze %dma_wait3A_354 : memref<1x128x8xf32, #tpu.memory_space<vmem>> -> memref<128x8xf32, #tpu.memory_space<vmem>>
      %dma_wait3A_356 = arith.constant 0 : i32
      %dma_wait3A_357 = tpu.memref_slice %arg9[%dma_wait3A_350, %dma_wait3A_356] : memref<10x128xi32, #tpu.memory_space<vmem>> -> memref<1x128xi32, #tpu.memory_space<vmem>>
      %dma_wait3A_358 = tpu.memref_squeeze %dma_wait3A_357 : memref<1x128xi32, #tpu.memory_space<vmem>> -> memref<128xi32, #tpu.memory_space<vmem>>
      %dma_wait3A_359 = arith.constant 0 : i32
      %dma_wait3A_360 = arith.constant 0 : i32
      %dma_wait3A_361 = tpu.memref_slice %arg2[%dma_wait3A_359, %dma_wait3A_360] : memref<100000x8xf32, #tpu.memory_space<hbm>> -> memref<100000x8xf32, #tpu.memory_space<hbm>>
      tpu.wait_indirect_dma semaphore(%arg17 : memref<!tpu.dma_semaphore, #tpu.memory_space<semaphore_mem>>) src(%dma_wait3A_361 : memref<100000x8xf32, #tpu.memory_space<hbm>>) dst(%dma_wait3A_355 : memref<128x8xf32, #tpu.memory_space<vmem>>)
      %dma_wait3A_362 = arith.constant 2 : i32
      %dma_wait3A_363 = arith.constant 2 : i32
      %dma_wait3A_364 = arith.constant 0 : i32
      %dma_wait3A_365 = arith.constant 0 : i32
      %dma_wait3A_366 = tpu.memref_slice %arg10[%dma_wait3A_363, %dma_wait3A_364, %dma_wait3A_365] : memref<5x128x8xf32, #tpu.memory_space<vmem>> -> memref<1x128x8xf32, #tpu.memory_space<vmem>>
      %dma_wait3A_367 = tpu.memref_squeeze %dma_wait3A_366 : memref<1x128x8xf32, #tpu.memory_space<vmem>> -> memref<128x8xf32, #tpu.memory_space<vmem>>
      %dma_wait3A_368 = arith.constant 0 : i32
      %dma_wait3A_369 = tpu.memref_slice %arg9[%dma_wait3A_362, %dma_wait3A_368] : memref<10x128xi32, #tpu.memory_space<vmem>> -> memref<1x128xi32, #tpu.memory_space<vmem>>
      %dma_wait3A_370 = tpu.memref_squeeze %dma_wait3A_369 : memref<1x128xi32, #tpu.memory_space<vmem>> -> memref<128xi32, #tpu.memory_space<vmem>>
      %dma_wait3A_371 = arith.constant 0 : i32
      %dma_wait3A_372 = arith.constant 0 : i32
      %dma_wait3A_373 = tpu.memref_slice %arg2[%dma_wait3A_371, %dma_wait3A_372] : memref<100000x8xf32, #tpu.memory_space<hbm>> -> memref<100000x8xf32, #tpu.memory_space<hbm>>
      tpu.wait_indirect_dma semaphore(%arg17 : memref<!tpu.dma_semaphore, #tpu.memory_space<semaphore_mem>>) src(%dma_wait3A_373 : memref<100000x8xf32, #tpu.memory_space<hbm>>) dst(%dma_wait3A_367 : memref<128x8xf32, #tpu.memory_space<vmem>>)
      %dma_wait3A_374 = arith.constant 7 : i32
      %dma_wait3A_375 = arith.constant 2 : i32
      %dma_wait3A_376 = arith.constant 0 : i32
      %dma_wait3A_377 = arith.constant 0 : i32
      %dma_wait3A_378 = tpu.memref_slice %arg11[%dma_wait3A_375, %dma_wait3A_376, %dma_wait3A_377] : memref<5x128x8xf32, #tpu.memory_space<vmem>> -> memref<1x128x8xf32, #tpu.memory_space<vmem>>
      %dma_wait3A_379 = tpu.memref_squeeze %dma_wait3A_378 : memref<1x128x8xf32, #tpu.memory_space<vmem>> -> memref<128x8xf32, #tpu.memory_space<vmem>>
      %dma_wait3A_380 = arith.constant 0 : i32
      %dma_wait3A_381 = tpu.memref_slice %arg9[%dma_wait3A_374, %dma_wait3A_380] : memref<10x128xi32, #tpu.memory_space<vmem>> -> memref<1x128xi32, #tpu.memory_space<vmem>>
      %dma_wait3A_382 = tpu.memref_squeeze %dma_wait3A_381 : memref<1x128xi32, #tpu.memory_space<vmem>> -> memref<128xi32, #tpu.memory_space<vmem>>
      %dma_wait3A_383 = arith.constant 0 : i32
      %dma_wait3A_384 = arith.constant 0 : i32
      %dma_wait3A_385 = tpu.memref_slice %arg2[%dma_wait3A_383, %dma_wait3A_384] : memref<100000x8xf32, #tpu.memory_space<hbm>> -> memref<100000x8xf32, #tpu.memory_space<hbm>>
      tpu.wait_indirect_dma semaphore(%arg17 : memref<!tpu.dma_semaphore, #tpu.memory_space<semaphore_mem>>) src(%dma_wait3A_385 : memref<100000x8xf32, #tpu.memory_space<hbm>>) dst(%dma_wait3A_379 : memref<128x8xf32, #tpu.memory_space<vmem>>)
      %dma_wait3A_386 = arith.constant 3 : i32
      %dma_wait3A_387 = arith.constant 3 : i32
      %dma_wait3A_388 = arith.constant 0 : i32
      %dma_wait3A_389 = arith.constant 0 : i32
      %dma_wait3A_390 = tpu.memref_slice %arg10[%dma_wait3A_387, %dma_wait3A_388, %dma_wait3A_389] : memref<5x128x8xf32, #tpu.memory_space<vmem>> -> memref<1x128x8xf32, #tpu.memory_space<vmem>>
      %dma_wait3A_391 = tpu.memref_squeeze %dma_wait3A_390 : memref<1x128x8xf32, #tpu.memory_space<vmem>> -> memref<128x8xf32, #tpu.memory_space<vmem>>
      %dma_wait3A_392 = arith.constant 0 : i32
      %dma_wait3A_393 = tpu.memref_slice %arg9[%dma_wait3A_386, %dma_wait3A_392] : memref<10x128xi32, #tpu.memory_space<vmem>> -> memref<1x128xi32, #tpu.memory_space<vmem>>
      %dma_wait3A_394 = tpu.memref_squeeze %dma_wait3A_393 : memref<1x128xi32, #tpu.memory_space<vmem>> -> memref<128xi32, #tpu.memory_space<vmem>>
      %dma_wait3A_395 = arith.constant 0 : i32
      %dma_wait3A_396 = arith.constant 0 : i32
      %dma_wait3A_397 = tpu.memref_slice %arg2[%dma_wait3A_395, %dma_wait3A_396] : memref<100000x8xf32, #tpu.memory_space<hbm>> -> memref<100000x8xf32, #tpu.memory_space<hbm>>
      tpu.wait_indirect_dma semaphore(%arg17 : memref<!tpu.dma_semaphore, #tpu.memory_space<semaphore_mem>>) src(%dma_wait3A_397 : memref<100000x8xf32, #tpu.memory_space<hbm>>) dst(%dma_wait3A_391 : memref<128x8xf32, #tpu.memory_space<vmem>>)
      %dma_wait3A_398 = arith.constant 8 : i32
      %dma_wait3A_399 = arith.constant 3 : i32
      %dma_wait3A_400 = arith.constant 0 : i32
      %dma_wait3A_401 = arith.constant 0 : i32
      %dma_wait3A_402 = tpu.memref_slice %arg11[%dma_wait3A_399, %dma_wait3A_400, %dma_wait3A_401] : memref<5x128x8xf32, #tpu.memory_space<vmem>> -> memref<1x128x8xf32, #tpu.memory_space<vmem>>
      %dma_wait3A_403 = tpu.memref_squeeze %dma_wait3A_402 : memref<1x128x8xf32, #tpu.memory_space<vmem>> -> memref<128x8xf32, #tpu.memory_space<vmem>>
      %dma_wait3A_404 = arith.constant 0 : i32
      %dma_wait3A_405 = tpu.memref_slice %arg9[%dma_wait3A_398, %dma_wait3A_404] : memref<10x128xi32, #tpu.memory_space<vmem>> -> memref<1x128xi32, #tpu.memory_space<vmem>>
      %dma_wait3A_406 = tpu.memref_squeeze %dma_wait3A_405 : memref<1x128xi32, #tpu.memory_space<vmem>> -> memref<128xi32, #tpu.memory_space<vmem>>
      %dma_wait3A_407 = arith.constant 0 : i32
      %dma_wait3A_408 = arith.constant 0 : i32
      %dma_wait3A_409 = tpu.memref_slice %arg2[%dma_wait3A_407, %dma_wait3A_408] : memref<100000x8xf32, #tpu.memory_space<hbm>> -> memref<100000x8xf32, #tpu.memory_space<hbm>>
      tpu.wait_indirect_dma semaphore(%arg17 : memref<!tpu.dma_semaphore, #tpu.memory_space<semaphore_mem>>) src(%dma_wait3A_409 : memref<100000x8xf32, #tpu.memory_space<hbm>>) dst(%dma_wait3A_403 : memref<128x8xf32, #tpu.memory_space<vmem>>)
      %dma_wait3A_410 = arith.constant 4 : i32
      %dma_wait3A_411 = arith.constant 4 : i32
      %dma_wait3A_412 = arith.constant 0 : i32
      %dma_wait3A_413 = arith.constant 0 : i32
      %dma_wait3A_414 = tpu.memref_slice %arg10[%dma_wait3A_411, %dma_wait3A_412, %dma_wait3A_413] : memref<5x128x8xf32, #tpu.memory_space<vmem>> -> memref<1x128x8xf32, #tpu.memory_space<vmem>>
      %dma_wait3A_415 = tpu.memref_squeeze %dma_wait3A_414 : memref<1x128x8xf32, #tpu.memory_space<vmem>> -> memref<128x8xf32, #tpu.memory_space<vmem>>
      %dma_wait3A_416 = arith.constant 0 : i32
      %dma_wait3A_417 = tpu.memref_slice %arg9[%dma_wait3A_410, %dma_wait3A_416] : memref<10x128xi32, #tpu.memory_space<vmem>> -> memref<1x128xi32, #tpu.memory_space<vmem>>
      %dma_wait3A_418 = tpu.memref_squeeze %dma_wait3A_417 : memref<1x128xi32, #tpu.memory_space<vmem>> -> memref<128xi32, #tpu.memory_space<vmem>>
      %dma_wait3A_419 = arith.constant 0 : i32
      %dma_wait3A_420 = arith.constant 0 : i32
      %dma_wait3A_421 = tpu.memref_slice %arg2[%dma_wait3A_419, %dma_wait3A_420] : memref<100000x8xf32, #tpu.memory_space<hbm>> -> memref<100000x8xf32, #tpu.memory_space<hbm>>
      tpu.wait_indirect_dma semaphore(%arg17 : memref<!tpu.dma_semaphore, #tpu.memory_space<semaphore_mem>>) src(%dma_wait3A_421 : memref<100000x8xf32, #tpu.memory_space<hbm>>) dst(%dma_wait3A_415 : memref<128x8xf32, #tpu.memory_space<vmem>>)
      %dma_wait3A_422 = arith.constant 9 : i32
      %dma_wait3A_423 = arith.constant 4 : i32
      %dma_wait3A_424 = arith.constant 0 : i32
      %dma_wait3A_425 = arith.constant 0 : i32
      %dma_wait3A_426 = tpu.memref_slice %arg11[%dma_wait3A_423, %dma_wait3A_424, %dma_wait3A_425] : memref<5x128x8xf32, #tpu.memory_space<vmem>> -> memref<1x128x8xf32, #tpu.memory_space<vmem>>
      %dma_wait3A_427 = tpu.memref_squeeze %dma_wait3A_426 : memref<1x128x8xf32, #tpu.memory_space<vmem>> -> memref<128x8xf32, #tpu.memory_space<vmem>>
      %dma_wait3A_428 = arith.constant 0 : i32
      %dma_wait3A_429 = tpu.memref_slice %arg9[%dma_wait3A_422, %dma_wait3A_428] : memref<10x128xi32, #tpu.memory_space<vmem>> -> memref<1x128xi32, #tpu.memory_space<vmem>>
      %dma_wait3A_430 = tpu.memref_squeeze %dma_wait3A_429 : memref<1x128xi32, #tpu.memory_space<vmem>> -> memref<128xi32, #tpu.memory_space<vmem>>
      %dma_wait3A_431 = arith.constant 0 : i32
      %dma_wait3A_432 = arith.constant 0 : i32
      %dma_wait3A_433 = tpu.memref_slice %arg2[%dma_wait3A_431, %dma_wait3A_432] : memref<100000x8xf32, #tpu.memory_space<hbm>> -> memref<100000x8xf32, #tpu.memory_space<hbm>>
      tpu.wait_indirect_dma semaphore(%arg17 : memref<!tpu.dma_semaphore, #tpu.memory_space<semaphore_mem>>) src(%dma_wait3A_433 : memref<100000x8xf32, #tpu.memory_space<hbm>>) dst(%dma_wait3A_427 : memref<128x8xf32, #tpu.memory_space<vmem>>)
      %parallel_loop3A = arith.constant 0 : i32
      %parallel_loop3A_434 = arith.constant 40 : i32
      %parallel_loop3A_435 = arith.constant 1 : i32
      scf.for %parallel_loop3A_463 = %parallel_loop3A to %parallel_loop3A_434 step %parallel_loop3A_435  : i32 {
        %parallel_loop3A_464 = arith.constant 8 : i32
        %parallel_loop3A_465 = arith.divsi %parallel_loop3A_463, %parallel_loop3A_464 : i32
        %parallel_loop3A_466 = arith.constant 0 : i32
        %parallel_loop3A_467 = arith.cmpi sgt, %parallel_loop3A_463, %parallel_loop3A_466 : i32
        %parallel_loop3A_468 = arith.extui %parallel_loop3A_467 : i1 to i32
        %parallel_loop3A_469 = arith.constant 0 : i32
        %parallel_loop3A_470 = arith.cmpi slt, %parallel_loop3A_463, %parallel_loop3A_469 : i32
        %parallel_loop3A_471 = arith.extui %parallel_loop3A_470 : i1 to i32
        %parallel_loop3A_472 = arith.subi %parallel_loop3A_468, %parallel_loop3A_471 : i32
        %parallel_loop3A_473 = arith.constant 0 : i32
        %parallel_loop3A_474 = arith.cmpi sgt, %parallel_loop3A_464, %parallel_loop3A_473 : i32
        %parallel_loop3A_475 = arith.extui %parallel_loop3A_474 : i1 to i32
        %parallel_loop3A_476 = arith.constant 0 : i32
        %parallel_loop3A_477 = arith.cmpi slt, %parallel_loop3A_464, %parallel_loop3A_476 : i32
        %parallel_loop3A_478 = arith.extui %parallel_loop3A_477 : i1 to i32
        %parallel_loop3A_479 = arith.subi %parallel_loop3A_475, %parallel_loop3A_478 : i32
        %parallel_loop3A_480 = arith.cmpi ne, %parallel_loop3A_472, %parallel_loop3A_479 : i32
        %parallel_loop3A_481 = arith.remsi %parallel_loop3A_463, %parallel_loop3A_464 : i32
        %parallel_loop3A_482 = arith.constant 0 : i32
        %parallel_loop3A_483 = arith.cmpi ne, %parallel_loop3A_481, %parallel_loop3A_482 : i32
        %parallel_loop3A_484 = arith.andi %parallel_loop3A_480, %parallel_loop3A_483 : i1
        %parallel_loop3A_485 = arith.constant 1 : i32
        %parallel_loop3A_486 = arith.subi %parallel_loop3A_465, %parallel_loop3A_485 : i32
        %parallel_loop3A_487 = arith.select %parallel_loop3A_484, %parallel_loop3A_486, %parallel_loop3A_465 : i32
        %parallel_loop3A_488 = arith.constant 8 : i32
        %parallel_loop3A_489 = arith.constant 0 : i32
        %parallel_loop3A_490 = arith.cmpi eq, %parallel_loop3A_488, %parallel_loop3A_489 : i32
        %parallel_loop3A_491 = arith.constant 1 : i32
        %parallel_loop3A_492 = arith.select %parallel_loop3A_490, %parallel_loop3A_491, %parallel_loop3A_488 : i32
        %parallel_loop3A_493 = arith.remsi %parallel_loop3A_463, %parallel_loop3A_492 : i32
        %parallel_loop3A_494 = arith.constant 0 : i32
        %parallel_loop3A_495 = arith.cmpi ne, %parallel_loop3A_493, %parallel_loop3A_494 : i32
        %parallel_loop3A_496 = arith.constant 0 : i32
        %parallel_loop3A_497 = arith.cmpi slt, %parallel_loop3A_493, %parallel_loop3A_496 : i32
        %parallel_loop3A_498 = arith.constant 0 : i32
        %parallel_loop3A_499 = arith.cmpi slt, %parallel_loop3A_492, %parallel_loop3A_498 : i32
        %parallel_loop3A_500 = arith.xori %parallel_loop3A_497, %parallel_loop3A_499 : i1
        %parallel_loop3A_501 = arith.andi %parallel_loop3A_500, %parallel_loop3A_495 : i1
        %parallel_loop3A_502 = arith.addi %parallel_loop3A_493, %parallel_loop3A_492 : i32
        %parallel_loop3A_503 = arith.select %parallel_loop3A_501, %parallel_loop3A_502, %parallel_loop3A_493 : i32
        %parallel_loop3A_504 = arith.constant 16 : i32
        %parallel_loop3A_505 = arith.muli %parallel_loop3A_503, %parallel_loop3A_504 : i32
        %parallel_loop3A_506 = vector.broadcast %parallel_loop3A_505 : i32 to vector<16xi32>
        %parallel_loop3A_507 = arith.addi %iota3A, %parallel_loop3A_506 : vector<16xi32>
        %parallel_loop3A_508 = arith.constant 0 : i32
        %parallel_loop3A_509 = vector.broadcast %parallel_loop3A_508 : i32 to vector<16xi32>
        %parallel_loop3A_510 = vector.broadcast %parallel_loop3A_487 : i32 to vector<16xi32>
        %parallel_loop3A_511 = arith.addi %parallel_loop3A_509, %parallel_loop3A_510 : vector<16xi32>
        %parallel_loop3A_512 = tpu.vector_load_idx %arg10[%parallel_loop3A_511, %parallel_loop3A_507, %broadcast_in_dim3A_3] : memref<5x128x8xf32, #tpu.memory_space<vmem>>[vector<16xi32>, vector<16xi32>, vector<16xi32>], vector<16xf32>,
        %parallel_loop3A_513 = tpu.vector_load_idx %arg10[%parallel_loop3A_511, %parallel_loop3A_507, %broadcast_in_dim3A_5] : memref<5x128x8xf32, #tpu.memory_space<vmem>>[vector<16xi32>, vector<16xi32>, vector<16xi32>], vector<16xf32>,
        %parallel_loop3A_514 = tpu.vector_load_idx %arg10[%parallel_loop3A_511, %parallel_loop3A_507, %broadcast_in_dim3A_7] : memref<5x128x8xf32, #tpu.memory_space<vmem>>[vector<16xi32>, vector<16xi32>, vector<16xi32>], vector<16xf32>,
        %parallel_loop3A_515 = tpu.vector_load_idx %arg10[%parallel_loop3A_511, %parallel_loop3A_507, %broadcast_in_dim3A_9] : memref<5x128x8xf32, #tpu.memory_space<vmem>>[vector<16xi32>, vector<16xi32>, vector<16xi32>], vector<16xf32>,
        %parallel_loop3A_516 = tpu.vector_load_idx %arg10[%parallel_loop3A_511, %parallel_loop3A_507, %broadcast_in_dim3A_11] : memref<5x128x8xf32, #tpu.memory_space<vmem>>[vector<16xi32>, vector<16xi32>, vector<16xi32>], vector<16xf32>,
        %parallel_loop3A_517 = tpu.vector_load_idx %arg11[%parallel_loop3A_511, %parallel_loop3A_507, %broadcast_in_dim3A_3] : memref<5x128x8xf32, #tpu.memory_space<vmem>>[vector<16xi32>, vector<16xi32>, vector<16xi32>], vector<16xf32>,
        %parallel_loop3A_518 = tpu.vector_load_idx %arg11[%parallel_loop3A_511, %parallel_loop3A_507, %broadcast_in_dim3A_5] : memref<5x128x8xf32, #tpu.memory_space<vmem>>[vector<16xi32>, vector<16xi32>, vector<16xi32>], vector<16xf32>,
        %parallel_loop3A_519 = tpu.vector_load_idx %arg11[%parallel_loop3A_511, %parallel_loop3A_507, %broadcast_in_dim3A_7] : memref<5x128x8xf32, #tpu.memory_space<vmem>>[vector<16xi32>, vector<16xi32>, vector<16xi32>], vector<16xf32>,
        %parallel_loop3A_520 = tpu.vector_load_idx %arg11[%parallel_loop3A_511, %parallel_loop3A_507, %broadcast_in_dim3A_9] : memref<5x128x8xf32, #tpu.memory_space<vmem>>[vector<16xi32>, vector<16xi32>, vector<16xi32>], vector<16xf32>,
        %parallel_loop3A_521 = tpu.vector_load_idx %arg11[%parallel_loop3A_511, %parallel_loop3A_507, %broadcast_in_dim3A_11] : memref<5x128x8xf32, #tpu.memory_space<vmem>>[vector<16xi32>, vector<16xi32>, vector<16xi32>], vector<16xf32>,
        %parallel_loop3A_522 = arith.subf %parallel_loop3A_512, %parallel_loop3A_517 : vector<16xf32>
        %parallel_loop3A_523 = arith.subf %parallel_loop3A_513, %parallel_loop3A_518 : vector<16xf32>
        %parallel_loop3A_524 = arith.subf %parallel_loop3A_514, %parallel_loop3A_519 : vector<16xf32>
        %parallel_loop3A_525 = arith.mulf %parallel_loop3A_522, %parallel_loop3A_522 : vector<16xf32>
        %parallel_loop3A_526 = arith.mulf %parallel_loop3A_523, %parallel_loop3A_523 : vector<16xf32>
        %parallel_loop3A_527 = arith.addf %parallel_loop3A_525, %parallel_loop3A_526 : vector<16xf32>
        %parallel_loop3A_528 = arith.mulf %parallel_loop3A_524, %parallel_loop3A_524 : vector<16xf32>
        %parallel_loop3A_529 = arith.addf %parallel_loop3A_527, %parallel_loop3A_528 : vector<16xf32>
        %parallel_loop3A_530 = tpu.bitcast %parallel_loop3A_529 : vector<16xf32> -> vector<16xi32>
        %parallel_loop3A_531 = arith.constant 1 : i32
        %parallel_loop3A_532 = vector.broadcast %parallel_loop3A_531 : i32 to vector<16xi32>
        %parallel_loop3A_533 = arith.shrui %parallel_loop3A_530, %parallel_loop3A_532 : vector<16xi32>
        %parallel_loop3A_534 = arith.constant 1597463007 : i32
        %parallel_loop3A_535 = vector.broadcast %parallel_loop3A_534 : i32 to vector<16xi32>
        %parallel_loop3A_536 = arith.subi %parallel_loop3A_535, %parallel_loop3A_533 : vector<16xi32>
        %parallel_loop3A_537 = tpu.bitcast %parallel_loop3A_536 : vector<16xi32> -> vector<16xf32>
        %parallel_loop3A_538 = arith.constant 5.000000e-01 : f32
        %parallel_loop3A_539 = vector.broadcast %parallel_loop3A_538 : f32 to vector<16xf32>
        %parallel_loop3A_540 = arith.mulf %parallel_loop3A_539, %parallel_loop3A_529 : vector<16xf32>
        %parallel_loop3A_541 = arith.mulf %parallel_loop3A_540, %parallel_loop3A_537 : vector<16xf32>
        %parallel_loop3A_542 = arith.mulf %parallel_loop3A_541, %parallel_loop3A_537 : vector<16xf32>
        %parallel_loop3A_543 = arith.constant 1.500000e+00 : f32
        %parallel_loop3A_544 = vector.broadcast %parallel_loop3A_543 : f32 to vector<16xf32>
        %parallel_loop3A_545 = arith.subf %parallel_loop3A_544, %parallel_loop3A_542 : vector<16xf32>
        %parallel_loop3A_546 = arith.mulf %parallel_loop3A_537, %parallel_loop3A_545 : vector<16xf32>
        %parallel_loop3A_547 = arith.constant 5.000000e-01 : f32
        %parallel_loop3A_548 = vector.broadcast %parallel_loop3A_547 : f32 to vector<16xf32>
        %parallel_loop3A_549 = arith.mulf %parallel_loop3A_548, %parallel_loop3A_529 : vector<16xf32>
        %parallel_loop3A_550 = arith.mulf %parallel_loop3A_549, %parallel_loop3A_546 : vector<16xf32>
        %parallel_loop3A_551 = arith.mulf %parallel_loop3A_550, %parallel_loop3A_546 : vector<16xf32>
        %parallel_loop3A_552 = arith.constant 1.500000e+00 : f32
        %parallel_loop3A_553 = vector.broadcast %parallel_loop3A_552 : f32 to vector<16xf32>
        %parallel_loop3A_554 = arith.subf %parallel_loop3A_553, %parallel_loop3A_551 : vector<16xf32>
        %parallel_loop3A_555 = arith.mulf %parallel_loop3A_546, %parallel_loop3A_554 : vector<16xf32>
        %parallel_loop3A_556 = arith.constant 5.000000e-01 : f32
        %parallel_loop3A_557 = vector.broadcast %parallel_loop3A_556 : f32 to vector<16xf32>
        %parallel_loop3A_558 = arith.mulf %parallel_loop3A_557, %parallel_loop3A_529 : vector<16xf32>
        %parallel_loop3A_559 = arith.mulf %parallel_loop3A_558, %parallel_loop3A_555 : vector<16xf32>
        %parallel_loop3A_560 = arith.mulf %parallel_loop3A_559, %parallel_loop3A_555 : vector<16xf32>
        %parallel_loop3A_561 = arith.constant 1.500000e+00 : f32
        %parallel_loop3A_562 = vector.broadcast %parallel_loop3A_561 : f32 to vector<16xf32>
        %parallel_loop3A_563 = arith.subf %parallel_loop3A_562, %parallel_loop3A_560 : vector<16xf32>
        %parallel_loop3A_564 = arith.mulf %parallel_loop3A_555, %parallel_loop3A_563 : vector<16xf32>
        %parallel_loop3A_565 = arith.mulf %parallel_loop3A_529, %parallel_loop3A_564 : vector<16xf32>
        %parallel_loop3A_566 = arith.constant 16 : i32
        %parallel_loop3A_567 = arith.muli %parallel_loop3A_463, %parallel_loop3A_566 : i32
        %parallel_loop3A_568 = arith.index_cast %parallel_loop3A_567 : i32 to index
        %parallel_loop3A_569 = tpu.vector_load %arg12[%parallel_loop3A_568] {strides = array<i32>} : memref<640xf32, #tpu.memory_space<vmem>>, vector<16xf32>,
        %parallel_loop3A_570 = arith.constant 16 : i32
        %parallel_loop3A_571 = arith.muli %parallel_loop3A_463, %parallel_loop3A_570 : i32
        %parallel_loop3A_572 = arith.index_cast %parallel_loop3A_571 : i32 to index
        %parallel_loop3A_573 = tpu.vector_load %arg13[%parallel_loop3A_572] {strides = array<i32>} : memref<640xf32, #tpu.memory_space<vmem>>, vector<16xf32>,
        %parallel_loop3A_574 = arith.subf %parallel_loop3A_565, %parallel_loop3A_573 : vector<16xf32>
        %parallel_loop3A_575 = arith.addf %parallel_loop3A_516, %parallel_loop3A_521 : vector<16xf32>
        %parallel_loop3A_576 = arith.constant 5.000000e-01 : f32
        %parallel_loop3A_577 = vector.broadcast %parallel_loop3A_576 : f32 to vector<16xf32>
        %parallel_loop3A_578 = arith.mulf %parallel_loop3A_575, %parallel_loop3A_577 : vector<16xf32>
        %parallel_loop3A_579 = arith.addf %parallel_loop3A_515, %parallel_loop3A_520 : vector<16xf32>
        %parallel_loop3A_580 = arith.constant 0.000000e+00 : f32
        %parallel_loop3A_581 = vector.broadcast %parallel_loop3A_580 : f32 to vector<16xf32>
        %parallel_loop3A_582 = arith.cmpf oeq, %parallel_loop3A_579, %parallel_loop3A_581 : vector<16xf32>
        %parallel_loop3A_583 = arith.constant 0x7F800000 : f32
        %parallel_loop3A_584 = vector.broadcast %parallel_loop3A_583 : f32 to vector<16xf32>
        %parallel_loop3A_585 = arith.select %parallel_loop3A_582, %parallel_loop3A_584, %parallel_loop3A_579 : vector<16xi1>, vector<16xf32>
        %parallel_loop3A_586 = arith.constant 0.000000e+00 : f32
        %parallel_loop3A_587 = vector.broadcast %parallel_loop3A_586 : f32 to vector<16xf32>
        %parallel_loop3A_588 = arith.subf %parallel_loop3A_587, %parallel_loop3A_574 : vector<16xf32>
        %parallel_loop3A_589 = arith.mulf %parallel_loop3A_578, %parallel_loop3A_569 : vector<16xf32>
        %parallel_loop3A_590 = arith.subf %parallel_loop3A_588, %parallel_loop3A_589 : vector<16xf32>
        %parallel_loop3A_591 = arith.addf %parallel_loop3A_585, %parallel_loop3A_578 : vector<16xf32>
        %parallel_loop3A_592 = arith.divf %parallel_loop3A_590, %parallel_loop3A_591 : vector<16xf32>
        %parallel_loop3A_593 = arith.addf %parallel_loop3A_569, %parallel_loop3A_592 : vector<16xf32>
        %parallel_loop3A_594 = arith.constant 16 : i32
        %parallel_loop3A_595 = arith.muli %parallel_loop3A_463, %parallel_loop3A_594 : i32
        %parallel_loop3A_596 = arith.index_cast %parallel_loop3A_595 : i32 to index
        %parallel_loop3A_597 = tpu.vector_load %arg14[%parallel_loop3A_596] {strides = array<i32>} : memref<640xf32, #tpu.memory_space<vmem>>, vector<16xf32>,
        tpu.vector_store %arg14[%parallel_loop3A_596], %parallel_loop3A_593 {strides = array<i32>} : memref<640xf32, #tpu.memory_space<vmem>>, vector<16xf32>,
        %parallel_loop3A_598 = arith.constant 0.000000e+00 : f32
        %parallel_loop3A_599 = vector.broadcast %parallel_loop3A_598 : f32 to vector<16xf32>
        %parallel_loop3A_600 = arith.cmpf ogt, %parallel_loop3A_529, %parallel_loop3A_599 : vector<16xf32>
        %parallel_loop3A_601 = arith.constant 0x7F800000 : f32
        %parallel_loop3A_602 = vector.broadcast %parallel_loop3A_601 : f32 to vector<16xf32>
        %parallel_loop3A_603 = arith.select %parallel_loop3A_600, %parallel_loop3A_564, %parallel_loop3A_602 : vector<16xi1>, vector<16xf32>
        %parallel_loop3A_604 = arith.mulf %parallel_loop3A_515, %parallel_loop3A_592 : vector<16xf32>
        %parallel_loop3A_605 = arith.mulf %parallel_loop3A_604, %parallel_loop3A_603 : vector<16xf32>
        %parallel_loop3A_606 = arith.mulf %parallel_loop3A_520, %parallel_loop3A_592 : vector<16xf32>
        %parallel_loop3A_607 = arith.mulf %parallel_loop3A_606, %parallel_loop3A_603 : vector<16xf32>
        %parallel_loop3A_608 = arith.constant 0.000000e+00 : f32
        %parallel_loop3A_609 = vector.broadcast %parallel_loop3A_608 : f32 to vector<16xf32>
        %parallel_loop3A_610 = arith.subf %parallel_loop3A_609, %parallel_loop3A_607 : vector<16xf32>
        %parallel_loop3A_611 = arith.mulf %parallel_loop3A_605, %parallel_loop3A_522 : vector<16xf32>
        tpu.vector_store_idx %arg15[%parallel_loop3A_511, %parallel_loop3A_507, %broadcast_in_dim3A_13], %parallel_loop3A_611 : memref<5x128x4xf32, #tpu.memory_space<vmem>>[vector<16xi32>, vector<16xi32>, vector<16xi32>], vector<16xf32>,
        %parallel_loop3A_612 = arith.mulf %parallel_loop3A_605, %parallel_loop3A_523 : vector<16xf32>
        tpu.vector_store_idx %arg15[%parallel_loop3A_511, %parallel_loop3A_507, %broadcast_in_dim3A_15], %parallel_loop3A_612 : memref<5x128x4xf32, #tpu.memory_space<vmem>>[vector<16xi32>, vector<16xi32>, vector<16xi32>], vector<16xf32>,
        %parallel_loop3A_613 = arith.mulf %parallel_loop3A_605, %parallel_loop3A_524 : vector<16xf32>
        tpu.vector_store_idx %arg15[%parallel_loop3A_511, %parallel_loop3A_507, %broadcast_in_dim3A_17], %parallel_loop3A_613 : memref<5x128x4xf32, #tpu.memory_space<vmem>>[vector<16xi32>, vector<16xi32>, vector<16xi32>], vector<16xf32>,
        %parallel_loop3A_614 = arith.mulf %parallel_loop3A_610, %parallel_loop3A_522 : vector<16xf32>
        tpu.vector_store_idx %arg16[%parallel_loop3A_511, %parallel_loop3A_507, %broadcast_in_dim3A_13], %parallel_loop3A_614 : memref<5x128x4xf32, #tpu.memory_space<vmem>>[vector<16xi32>, vector<16xi32>, vector<16xi32>], vector<16xf32>,
        %parallel_loop3A_615 = arith.mulf %parallel_loop3A_610, %parallel_loop3A_523 : vector<16xf32>
        tpu.vector_store_idx %arg16[%parallel_loop3A_511, %parallel_loop3A_507, %broadcast_in_dim3A_15], %parallel_loop3A_615 : memref<5x128x4xf32, #tpu.memory_space<vmem>>[vector<16xi32>, vector<16xi32>, vector<16xi32>], vector<16xf32>,
        %parallel_loop3A_616 = arith.mulf %parallel_loop3A_610, %parallel_loop3A_524 : vector<16xf32>
        tpu.vector_store_idx %arg16[%parallel_loop3A_511, %parallel_loop3A_507, %broadcast_in_dim3A_17], %parallel_loop3A_616 : memref<5x128x4xf32, #tpu.memory_space<vmem>>[vector<16xi32>, vector<16xi32>, vector<16xi32>], vector<16xf32>,
      } {sc.loop_unroll_factor = 2 : i64, sc.parallel_access}
      %mul3A_436 = arith.constant 640 : i32
      %mul3A_437 = arith.muli %add3A_177, %mul3A_436 : i32
      %dma_start3A_438 = tpu.memref_slice %arg8[%mul3A_437] : memref<6400000xf32, #tpu.memory_space<hbm>> -> memref<640xf32, #tpu.memory_space<hbm>>
      %dma_start3A_439 = tpu.memref_slice %arg8[%mul3A_437] : memref<6400000xf32, #tpu.memory_space<hbm>> -> memref<640xf32, #tpu.memory_space<hbm>>
      tpu.enqueue_dma source(%arg14 : memref<640xf32, #tpu.memory_space<vmem>>) target(%dma_start3A_439 : memref<640xf32, #tpu.memory_space<hbm>>) target_semaphore(%arg18 : memref<!tpu.dma_semaphore, #tpu.memory_space<semaphore_mem>>)
      %run_scoped3A = arith.constant 0 : i32
      %run_scoped3A_440 = arith.constant 0 : i32
      "tpu.region"() ({
        %run_scoped3A_463 = tpu.sem_alloc : memref<!tpu.dma_semaphore, #tpu.memory_space<semaphore_mem>>
        %dma_start3A_464 = arith.constant 0 : i32
        %dma_start3A_465 = arith.constant 0 : i32
        %dma_start3A_466 = tpu.memref_slice %arg15[%run_scoped3A, %dma_start3A_464, %dma_start3A_465] : memref<5x128x4xf32, #tpu.memory_space<vmem>> -> memref<1x128x4xf32, #tpu.memory_space<vmem>>
        %dma_start3A_467 = tpu.memref_squeeze %dma_start3A_466 : memref<1x128x4xf32, #tpu.memory_space<vmem>> -> memref<128x4xf32, #tpu.memory_space<vmem>>
        %dma_start3A_468 = arith.constant 0 : i32
        %dma_start3A_469 = tpu.memref_slice %arg9[%run_scoped3A_440, %dma_start3A_468] : memref<10x128xi32, #tpu.memory_space<vmem>> -> memref<1x128xi32, #tpu.memory_space<vmem>>
        %dma_start3A_470 = tpu.memref_squeeze %dma_start3A_469 : memref<1x128xi32, #tpu.memory_space<vmem>> -> memref<128xi32, #tpu.memory_space<vmem>>
        %dma_start3A_471 = arith.constant 0 : i32
        %dma_start3A_472 = arith.constant 0 : i32
        %dma_start3A_473 = tpu.memref_slice %arg29[%dma_start3A_471, %dma_start3A_472] : memref<100000x4xf32, #tpu.memory_space<vmem_shared>> -> memref<100000x4xf32, #tpu.memory_space<vmem_shared>>
        tpu.enqueue_indirect_dma source(%dma_start3A_467 : memref<128x4xf32, #tpu.memory_space<vmem>>) target(%dma_start3A_473 : memref<100000x4xf32, #tpu.memory_space<vmem_shared>>) offsets(%dma_start3A_470 : memref<128xi32, #tpu.memory_space<vmem>>) semaphore(%run_scoped3A_463 : memref<!tpu.dma_semaphore, #tpu.memory_space<semaphore_mem>>) {add = true}
        %dma_wait3A_474 = arith.constant 0 : i32
        %dma_wait3A_475 = arith.constant 0 : i32
        %dma_wait3A_476 = tpu.memref_slice %arg15[%run_scoped3A, %dma_wait3A_474, %dma_wait3A_475] : memref<5x128x4xf32, #tpu.memory_space<vmem>> -> memref<1x128x4xf32, #tpu.memory_space<vmem>>
        %dma_wait3A_477 = tpu.memref_squeeze %dma_wait3A_476 : memref<1x128x4xf32, #tpu.memory_space<vmem>> -> memref<128x4xf32, #tpu.memory_space<vmem>>
        %dma_wait3A_478 = arith.constant 0 : i32
        %dma_wait3A_479 = tpu.memref_slice %arg9[%run_scoped3A_440, %dma_wait3A_478] : memref<10x128xi32, #tpu.memory_space<vmem>> -> memref<1x128xi32, #tpu.memory_space<vmem>>
        %dma_wait3A_480 = tpu.memref_squeeze %dma_wait3A_479 : memref<1x128xi32, #tpu.memory_space<vmem>> -> memref<128xi32, #tpu.memory_space<vmem>>
        %dma_wait3A_481 = arith.constant 0 : i32
        %dma_wait3A_482 = arith.constant 0 : i32
        %dma_wait3A_483 = tpu.memref_slice %arg29[%dma_wait3A_481, %dma_wait3A_482] : memref<100000x4xf32, #tpu.memory_space<vmem_shared>> -> memref<100000x4xf32, #tpu.memory_space<vmem_shared>>
        tpu.wait_indirect_dma semaphore(%run_scoped3A_463 : memref<!tpu.dma_semaphore, #tpu.memory_space<semaphore_mem>>) src(%dma_wait3A_477 : memref<128x4xf32, #tpu.memory_space<vmem>>) dst(%dma_wait3A_483 : memref<100000x4xf32, #tpu.memory_space<vmem_shared>>)
        tpu.yield
      }) : () -> ()
      %run_scoped3A_441 = arith.constant 0 : i32
      %run_scoped3A_442 = arith.constant 5 : i32
      "tpu.region"() ({
        %run_scoped3A_463 = tpu.sem_alloc : memref<!tpu.dma_semaphore, #tpu.memory_space<semaphore_mem>>
        %dma_start3A_464 = arith.constant 0 : i32
        %dma_start3A_465 = arith.constant 0 : i32
        %dma_start3A_466 = tpu.memref_slice %arg16[%run_scoped3A_441, %dma_start3A_464, %dma_start3A_465] : memref<5x128x4xf32, #tpu.memory_space<vmem>> -> memref<1x128x4xf32, #tpu.memory_space<vmem>>
        %dma_start3A_467 = tpu.memref_squeeze %dma_start3A_466 : memref<1x128x4xf32, #tpu.memory_space<vmem>> -> memref<128x4xf32, #tpu.memory_space<vmem>>
        %dma_start3A_468 = arith.constant 0 : i32
        %dma_start3A_469 = tpu.memref_slice %arg9[%run_scoped3A_442, %dma_start3A_468] : memref<10x128xi32, #tpu.memory_space<vmem>> -> memref<1x128xi32, #tpu.memory_space<vmem>>
        %dma_start3A_470 = tpu.memref_squeeze %dma_start3A_469 : memref<1x128xi32, #tpu.memory_space<vmem>> -> memref<128xi32, #tpu.memory_space<vmem>>
        %dma_start3A_471 = arith.constant 0 : i32
        %dma_start3A_472 = arith.constant 0 : i32
        %dma_start3A_473 = tpu.memref_slice %arg29[%dma_start3A_471, %dma_start3A_472] : memref<100000x4xf32, #tpu.memory_space<vmem_shared>> -> memref<100000x4xf32, #tpu.memory_space<vmem_shared>>
        tpu.enqueue_indirect_dma source(%dma_start3A_467 : memref<128x4xf32, #tpu.memory_space<vmem>>) target(%dma_start3A_473 : memref<100000x4xf32, #tpu.memory_space<vmem_shared>>) offsets(%dma_start3A_470 : memref<128xi32, #tpu.memory_space<vmem>>) semaphore(%run_scoped3A_463 : memref<!tpu.dma_semaphore, #tpu.memory_space<semaphore_mem>>) {add = true}
        %dma_wait3A_474 = arith.constant 0 : i32
        %dma_wait3A_475 = arith.constant 0 : i32
        %dma_wait3A_476 = tpu.memref_slice %arg16[%run_scoped3A_441, %dma_wait3A_474, %dma_wait3A_475] : memref<5x128x4xf32, #tpu.memory_space<vmem>> -> memref<1x128x4xf32, #tpu.memory_space<vmem>>
        %dma_wait3A_477 = tpu.memref_squeeze %dma_wait3A_476 : memref<1x128x4xf32, #tpu.memory_space<vmem>> -> memref<128x4xf32, #tpu.memory_space<vmem>>
        %dma_wait3A_478 = arith.constant 0 : i32
        %dma_wait3A_479 = tpu.memref_slice %arg9[%run_scoped3A_442, %dma_wait3A_478] : memref<10x128xi32, #tpu.memory_space<vmem>> -> memref<1x128xi32, #tpu.memory_space<vmem>>
        %dma_wait3A_480 = tpu.memref_squeeze %dma_wait3A_479 : memref<1x128xi32, #tpu.memory_space<vmem>> -> memref<128xi32, #tpu.memory_space<vmem>>
        %dma_wait3A_481 = arith.constant 0 : i32
        %dma_wait3A_482 = arith.constant 0 : i32
        %dma_wait3A_483 = tpu.memref_slice %arg29[%dma_wait3A_481, %dma_wait3A_482] : memref<100000x4xf32, #tpu.memory_space<vmem_shared>> -> memref<100000x4xf32, #tpu.memory_space<vmem_shared>>
        tpu.wait_indirect_dma semaphore(%run_scoped3A_463 : memref<!tpu.dma_semaphore, #tpu.memory_space<semaphore_mem>>) src(%dma_wait3A_477 : memref<128x4xf32, #tpu.memory_space<vmem>>) dst(%dma_wait3A_483 : memref<100000x4xf32, #tpu.memory_space<vmem_shared>>)
        tpu.yield
      }) : () -> ()
      %run_scoped3A_443 = arith.constant 1 : i32
      %run_scoped3A_444 = arith.constant 1 : i32
      "tpu.region"() ({
        %run_scoped3A_463 = tpu.sem_alloc : memref<!tpu.dma_semaphore, #tpu.memory_space<semaphore_mem>>
        %dma_start3A_464 = arith.constant 0 : i32
        %dma_start3A_465 = arith.constant 0 : i32
        %dma_start3A_466 = tpu.memref_slice %arg15[%run_scoped3A_443, %dma_start3A_464, %dma_start3A_465] : memref<5x128x4xf32, #tpu.memory_space<vmem>> -> memref<1x128x4xf32, #tpu.memory_space<vmem>>
        %dma_start3A_467 = tpu.memref_squeeze %dma_start3A_466 : memref<1x128x4xf32, #tpu.memory_space<vmem>> -> memref<128x4xf32, #tpu.memory_space<vmem>>
        %dma_start3A_468 = arith.constant 0 : i32
        %dma_start3A_469 = tpu.memref_slice %arg9[%run_scoped3A_444, %dma_start3A_468] : memref<10x128xi32, #tpu.memory_space<vmem>> -> memref<1x128xi32, #tpu.memory_space<vmem>>
        %dma_start3A_470 = tpu.memref_squeeze %dma_start3A_469 : memref<1x128xi32, #tpu.memory_space<vmem>> -> memref<128xi32, #tpu.memory_space<vmem>>
        %dma_start3A_471 = arith.constant 0 : i32
        %dma_start3A_472 = arith.constant 0 : i32
        %dma_start3A_473 = tpu.memref_slice %arg29[%dma_start3A_471, %dma_start3A_472] : memref<100000x4xf32, #tpu.memory_space<vmem_shared>> -> memref<100000x4xf32, #tpu.memory_space<vmem_shared>>
        tpu.enqueue_indirect_dma source(%dma_start3A_467 : memref<128x4xf32, #tpu.memory_space<vmem>>) target(%dma_start3A_473 : memref<100000x4xf32, #tpu.memory_space<vmem_shared>>) offsets(%dma_start3A_470 : memref<128xi32, #tpu.memory_space<vmem>>) semaphore(%run_scoped3A_463 : memref<!tpu.dma_semaphore, #tpu.memory_space<semaphore_mem>>) {add = true}
        %dma_wait3A_474 = arith.constant 0 : i32
        %dma_wait3A_475 = arith.constant 0 : i32
        %dma_wait3A_476 = tpu.memref_slice %arg15[%run_scoped3A_443, %dma_wait3A_474, %dma_wait3A_475] : memref<5x128x4xf32, #tpu.memory_space<vmem>> -> memref<1x128x4xf32, #tpu.memory_space<vmem>>
        %dma_wait3A_477 = tpu.memref_squeeze %dma_wait3A_476 : memref<1x128x4xf32, #tpu.memory_space<vmem>> -> memref<128x4xf32, #tpu.memory_space<vmem>>
        %dma_wait3A_478 = arith.constant 0 : i32
        %dma_wait3A_479 = tpu.memref_slice %arg9[%run_scoped3A_444, %dma_wait3A_478] : memref<10x128xi32, #tpu.memory_space<vmem>> -> memref<1x128xi32, #tpu.memory_space<vmem>>
        %dma_wait3A_480 = tpu.memref_squeeze %dma_wait3A_479 : memref<1x128xi32, #tpu.memory_space<vmem>> -> memref<128xi32, #tpu.memory_space<vmem>>
        %dma_wait3A_481 = arith.constant 0 : i32
        %dma_wait3A_482 = arith.constant 0 : i32
        %dma_wait3A_483 = tpu.memref_slice %arg29[%dma_wait3A_481, %dma_wait3A_482] : memref<100000x4xf32, #tpu.memory_space<vmem_shared>> -> memref<100000x4xf32, #tpu.memory_space<vmem_shared>>
        tpu.wait_indirect_dma semaphore(%run_scoped3A_463 : memref<!tpu.dma_semaphore, #tpu.memory_space<semaphore_mem>>) src(%dma_wait3A_477 : memref<128x4xf32, #tpu.memory_space<vmem>>) dst(%dma_wait3A_483 : memref<100000x4xf32, #tpu.memory_space<vmem_shared>>)
        tpu.yield
      }) : () -> ()
      %run_scoped3A_445 = arith.constant 1 : i32
      %run_scoped3A_446 = arith.constant 6 : i32
      "tpu.region"() ({
        %run_scoped3A_463 = tpu.sem_alloc : memref<!tpu.dma_semaphore, #tpu.memory_space<semaphore_mem>>
        %dma_start3A_464 = arith.constant 0 : i32
        %dma_start3A_465 = arith.constant 0 : i32
        %dma_start3A_466 = tpu.memref_slice %arg16[%run_scoped3A_445, %dma_start3A_464, %dma_start3A_465] : memref<5x128x4xf32, #tpu.memory_space<vmem>> -> memref<1x128x4xf32, #tpu.memory_space<vmem>>
        %dma_start3A_467 = tpu.memref_squeeze %dma_start3A_466 : memref<1x128x4xf32, #tpu.memory_space<vmem>> -> memref<128x4xf32, #tpu.memory_space<vmem>>
        %dma_start3A_468 = arith.constant 0 : i32
        %dma_start3A_469 = tpu.memref_slice %arg9[%run_scoped3A_446, %dma_start3A_468] : memref<10x128xi32, #tpu.memory_space<vmem>> -> memref<1x128xi32, #tpu.memory_space<vmem>>
        %dma_start3A_470 = tpu.memref_squeeze %dma_start3A_469 : memref<1x128xi32, #tpu.memory_space<vmem>> -> memref<128xi32, #tpu.memory_space<vmem>>
        %dma_start3A_471 = arith.constant 0 : i32
        %dma_start3A_472 = arith.constant 0 : i32
        %dma_start3A_473 = tpu.memref_slice %arg29[%dma_start3A_471, %dma_start3A_472] : memref<100000x4xf32, #tpu.memory_space<vmem_shared>> -> memref<100000x4xf32, #tpu.memory_space<vmem_shared>>
        tpu.enqueue_indirect_dma source(%dma_start3A_467 : memref<128x4xf32, #tpu.memory_space<vmem>>) target(%dma_start3A_473 : memref<100000x4xf32, #tpu.memory_space<vmem_shared>>) offsets(%dma_start3A_470 : memref<128xi32, #tpu.memory_space<vmem>>) semaphore(%run_scoped3A_463 : memref<!tpu.dma_semaphore, #tpu.memory_space<semaphore_mem>>) {add = true}
        %dma_wait3A_474 = arith.constant 0 : i32
        %dma_wait3A_475 = arith.constant 0 : i32
        %dma_wait3A_476 = tpu.memref_slice %arg16[%run_scoped3A_445, %dma_wait3A_474, %dma_wait3A_475] : memref<5x128x4xf32, #tpu.memory_space<vmem>> -> memref<1x128x4xf32, #tpu.memory_space<vmem>>
        %dma_wait3A_477 = tpu.memref_squeeze %dma_wait3A_476 : memref<1x128x4xf32, #tpu.memory_space<vmem>> -> memref<128x4xf32, #tpu.memory_space<vmem>>
        %dma_wait3A_478 = arith.constant 0 : i32
        %dma_wait3A_479 = tpu.memref_slice %arg9[%run_scoped3A_446, %dma_wait3A_478] : memref<10x128xi32, #tpu.memory_space<vmem>> -> memref<1x128xi32, #tpu.memory_space<vmem>>
        %dma_wait3A_480 = tpu.memref_squeeze %dma_wait3A_479 : memref<1x128xi32, #tpu.memory_space<vmem>> -> memref<128xi32, #tpu.memory_space<vmem>>
        %dma_wait3A_481 = arith.constant 0 : i32
        %dma_wait3A_482 = arith.constant 0 : i32
        %dma_wait3A_483 = tpu.memref_slice %arg29[%dma_wait3A_481, %dma_wait3A_482] : memref<100000x4xf32, #tpu.memory_space<vmem_shared>> -> memref<100000x4xf32, #tpu.memory_space<vmem_shared>>
        tpu.wait_indirect_dma semaphore(%run_scoped3A_463 : memref<!tpu.dma_semaphore, #tpu.memory_space<semaphore_mem>>) src(%dma_wait3A_477 : memref<128x4xf32, #tpu.memory_space<vmem>>) dst(%dma_wait3A_483 : memref<100000x4xf32, #tpu.memory_space<vmem_shared>>)
        tpu.yield
      }) : () -> ()
      %run_scoped3A_447 = arith.constant 2 : i32
      %run_scoped3A_448 = arith.constant 2 : i32
      "tpu.region"() ({
        %run_scoped3A_463 = tpu.sem_alloc : memref<!tpu.dma_semaphore, #tpu.memory_space<semaphore_mem>>
        %dma_start3A_464 = arith.constant 0 : i32
        %dma_start3A_465 = arith.constant 0 : i32
        %dma_start3A_466 = tpu.memref_slice %arg15[%run_scoped3A_447, %dma_start3A_464, %dma_start3A_465] : memref<5x128x4xf32, #tpu.memory_space<vmem>> -> memref<1x128x4xf32, #tpu.memory_space<vmem>>
        %dma_start3A_467 = tpu.memref_squeeze %dma_start3A_466 : memref<1x128x4xf32, #tpu.memory_space<vmem>> -> memref<128x4xf32, #tpu.memory_space<vmem>>
        %dma_start3A_468 = arith.constant 0 : i32
        %dma_start3A_469 = tpu.memref_slice %arg9[%run_scoped3A_448, %dma_start3A_468] : memref<10x128xi32, #tpu.memory_space<vmem>> -> memref<1x128xi32, #tpu.memory_space<vmem>>
        %dma_start3A_470 = tpu.memref_squeeze %dma_start3A_469 : memref<1x128xi32, #tpu.memory_space<vmem>> -> memref<128xi32, #tpu.memory_space<vmem>>
        %dma_start3A_471 = arith.constant 0 : i32
        %dma_start3A_472 = arith.constant 0 : i32
        %dma_start3A_473 = tpu.memref_slice %arg29[%dma_start3A_471, %dma_start3A_472] : memref<100000x4xf32, #tpu.memory_space<vmem_shared>> -> memref<100000x4xf32, #tpu.memory_space<vmem_shared>>
        tpu.enqueue_indirect_dma source(%dma_start3A_467 : memref<128x4xf32, #tpu.memory_space<vmem>>) target(%dma_start3A_473 : memref<100000x4xf32, #tpu.memory_space<vmem_shared>>) offsets(%dma_start3A_470 : memref<128xi32, #tpu.memory_space<vmem>>) semaphore(%run_scoped3A_463 : memref<!tpu.dma_semaphore, #tpu.memory_space<semaphore_mem>>) {add = true}
        %dma_wait3A_474 = arith.constant 0 : i32
        %dma_wait3A_475 = arith.constant 0 : i32
        %dma_wait3A_476 = tpu.memref_slice %arg15[%run_scoped3A_447, %dma_wait3A_474, %dma_wait3A_475] : memref<5x128x4xf32, #tpu.memory_space<vmem>> -> memref<1x128x4xf32, #tpu.memory_space<vmem>>
        %dma_wait3A_477 = tpu.memref_squeeze %dma_wait3A_476 : memref<1x128x4xf32, #tpu.memory_space<vmem>> -> memref<128x4xf32, #tpu.memory_space<vmem>>
        %dma_wait3A_478 = arith.constant 0 : i32
        %dma_wait3A_479 = tpu.memref_slice %arg9[%run_scoped3A_448, %dma_wait3A_478] : memref<10x128xi32, #tpu.memory_space<vmem>> -> memref<1x128xi32, #tpu.memory_space<vmem>>
        %dma_wait3A_480 = tpu.memref_squeeze %dma_wait3A_479 : memref<1x128xi32, #tpu.memory_space<vmem>> -> memref<128xi32, #tpu.memory_space<vmem>>
        %dma_wait3A_481 = arith.constant 0 : i32
        %dma_wait3A_482 = arith.constant 0 : i32
        %dma_wait3A_483 = tpu.memref_slice %arg29[%dma_wait3A_481, %dma_wait3A_482] : memref<100000x4xf32, #tpu.memory_space<vmem_shared>> -> memref<100000x4xf32, #tpu.memory_space<vmem_shared>>
        tpu.wait_indirect_dma semaphore(%run_scoped3A_463 : memref<!tpu.dma_semaphore, #tpu.memory_space<semaphore_mem>>) src(%dma_wait3A_477 : memref<128x4xf32, #tpu.memory_space<vmem>>) dst(%dma_wait3A_483 : memref<100000x4xf32, #tpu.memory_space<vmem_shared>>)
        tpu.yield
      }) : () -> ()
      %run_scoped3A_449 = arith.constant 2 : i32
      %run_scoped3A_450 = arith.constant 7 : i32
      "tpu.region"() ({
        %run_scoped3A_463 = tpu.sem_alloc : memref<!tpu.dma_semaphore, #tpu.memory_space<semaphore_mem>>
        %dma_start3A_464 = arith.constant 0 : i32
        %dma_start3A_465 = arith.constant 0 : i32
        %dma_start3A_466 = tpu.memref_slice %arg16[%run_scoped3A_449, %dma_start3A_464, %dma_start3A_465] : memref<5x128x4xf32, #tpu.memory_space<vmem>> -> memref<1x128x4xf32, #tpu.memory_space<vmem>>
        %dma_start3A_467 = tpu.memref_squeeze %dma_start3A_466 : memref<1x128x4xf32, #tpu.memory_space<vmem>> -> memref<128x4xf32, #tpu.memory_space<vmem>>
        %dma_start3A_468 = arith.constant 0 : i32
        %dma_start3A_469 = tpu.memref_slice %arg9[%run_scoped3A_450, %dma_start3A_468] : memref<10x128xi32, #tpu.memory_space<vmem>> -> memref<1x128xi32, #tpu.memory_space<vmem>>
        %dma_start3A_470 = tpu.memref_squeeze %dma_start3A_469 : memref<1x128xi32, #tpu.memory_space<vmem>> -> memref<128xi32, #tpu.memory_space<vmem>>
        %dma_start3A_471 = arith.constant 0 : i32
        %dma_start3A_472 = arith.constant 0 : i32
        %dma_start3A_473 = tpu.memref_slice %arg29[%dma_start3A_471, %dma_start3A_472] : memref<100000x4xf32, #tpu.memory_space<vmem_shared>> -> memref<100000x4xf32, #tpu.memory_space<vmem_shared>>
        tpu.enqueue_indirect_dma source(%dma_start3A_467 : memref<128x4xf32, #tpu.memory_space<vmem>>) target(%dma_start3A_473 : memref<100000x4xf32, #tpu.memory_space<vmem_shared>>) offsets(%dma_start3A_470 : memref<128xi32, #tpu.memory_space<vmem>>) semaphore(%run_scoped3A_463 : memref<!tpu.dma_semaphore, #tpu.memory_space<semaphore_mem>>) {add = true}
        %dma_wait3A_474 = arith.constant 0 : i32
        %dma_wait3A_475 = arith.constant 0 : i32
        %dma_wait3A_476 = tpu.memref_slice %arg16[%run_scoped3A_449, %dma_wait3A_474, %dma_wait3A_475] : memref<5x128x4xf32, #tpu.memory_space<vmem>> -> memref<1x128x4xf32, #tpu.memory_space<vmem>>
        %dma_wait3A_477 = tpu.memref_squeeze %dma_wait3A_476 : memref<1x128x4xf32, #tpu.memory_space<vmem>> -> memref<128x4xf32, #tpu.memory_space<vmem>>
        %dma_wait3A_478 = arith.constant 0 : i32
        %dma_wait3A_479 = tpu.memref_slice %arg9[%run_scoped3A_450, %dma_wait3A_478] : memref<10x128xi32, #tpu.memory_space<vmem>> -> memref<1x128xi32, #tpu.memory_space<vmem>>
        %dma_wait3A_480 = tpu.memref_squeeze %dma_wait3A_479 : memref<1x128xi32, #tpu.memory_space<vmem>> -> memref<128xi32, #tpu.memory_space<vmem>>
        %dma_wait3A_481 = arith.constant 0 : i32
        %dma_wait3A_482 = arith.constant 0 : i32
        %dma_wait3A_483 = tpu.memref_slice %arg29[%dma_wait3A_481, %dma_wait3A_482] : memref<100000x4xf32, #tpu.memory_space<vmem_shared>> -> memref<100000x4xf32, #tpu.memory_space<vmem_shared>>
        tpu.wait_indirect_dma semaphore(%run_scoped3A_463 : memref<!tpu.dma_semaphore, #tpu.memory_space<semaphore_mem>>) src(%dma_wait3A_477 : memref<128x4xf32, #tpu.memory_space<vmem>>) dst(%dma_wait3A_483 : memref<100000x4xf32, #tpu.memory_space<vmem_shared>>)
        tpu.yield
      }) : () -> ()
      %run_scoped3A_451 = arith.constant 3 : i32
      %run_scoped3A_452 = arith.constant 3 : i32
      "tpu.region"() ({
        %run_scoped3A_463 = tpu.sem_alloc : memref<!tpu.dma_semaphore, #tpu.memory_space<semaphore_mem>>
        %dma_start3A_464 = arith.constant 0 : i32
        %dma_start3A_465 = arith.constant 0 : i32
        %dma_start3A_466 = tpu.memref_slice %arg15[%run_scoped3A_451, %dma_start3A_464, %dma_start3A_465] : memref<5x128x4xf32, #tpu.memory_space<vmem>> -> memref<1x128x4xf32, #tpu.memory_space<vmem>>
        %dma_start3A_467 = tpu.memref_squeeze %dma_start3A_466 : memref<1x128x4xf32, #tpu.memory_space<vmem>> -> memref<128x4xf32, #tpu.memory_space<vmem>>
        %dma_start3A_468 = arith.constant 0 : i32
        %dma_start3A_469 = tpu.memref_slice %arg9[%run_scoped3A_452, %dma_start3A_468] : memref<10x128xi32, #tpu.memory_space<vmem>> -> memref<1x128xi32, #tpu.memory_space<vmem>>
        %dma_start3A_470 = tpu.memref_squeeze %dma_start3A_469 : memref<1x128xi32, #tpu.memory_space<vmem>> -> memref<128xi32, #tpu.memory_space<vmem>>
        %dma_start3A_471 = arith.constant 0 : i32
        %dma_start3A_472 = arith.constant 0 : i32
        %dma_start3A_473 = tpu.memref_slice %arg29[%dma_start3A_471, %dma_start3A_472] : memref<100000x4xf32, #tpu.memory_space<vmem_shared>> -> memref<100000x4xf32, #tpu.memory_space<vmem_shared>>
        tpu.enqueue_indirect_dma source(%dma_start3A_467 : memref<128x4xf32, #tpu.memory_space<vmem>>) target(%dma_start3A_473 : memref<100000x4xf32, #tpu.memory_space<vmem_shared>>) offsets(%dma_start3A_470 : memref<128xi32, #tpu.memory_space<vmem>>) semaphore(%run_scoped3A_463 : memref<!tpu.dma_semaphore, #tpu.memory_space<semaphore_mem>>) {add = true}
        %dma_wait3A_474 = arith.constant 0 : i32
        %dma_wait3A_475 = arith.constant 0 : i32
        %dma_wait3A_476 = tpu.memref_slice %arg15[%run_scoped3A_451, %dma_wait3A_474, %dma_wait3A_475] : memref<5x128x4xf32, #tpu.memory_space<vmem>> -> memref<1x128x4xf32, #tpu.memory_space<vmem>>
        %dma_wait3A_477 = tpu.memref_squeeze %dma_wait3A_476 : memref<1x128x4xf32, #tpu.memory_space<vmem>> -> memref<128x4xf32, #tpu.memory_space<vmem>>
        %dma_wait3A_478 = arith.constant 0 : i32
        %dma_wait3A_479 = tpu.memref_slice %arg9[%run_scoped3A_452, %dma_wait3A_478] : memref<10x128xi32, #tpu.memory_space<vmem>> -> memref<1x128xi32, #tpu.memory_space<vmem>>
        %dma_wait3A_480 = tpu.memref_squeeze %dma_wait3A_479 : memref<1x128xi32, #tpu.memory_space<vmem>> -> memref<128xi32, #tpu.memory_space<vmem>>
        %dma_wait3A_481 = arith.constant 0 : i32
        %dma_wait3A_482 = arith.constant 0 : i32
        %dma_wait3A_483 = tpu.memref_slice %arg29[%dma_wait3A_481, %dma_wait3A_482] : memref<100000x4xf32, #tpu.memory_space<vmem_shared>> -> memref<100000x4xf32, #tpu.memory_space<vmem_shared>>
        tpu.wait_indirect_dma semaphore(%run_scoped3A_463 : memref<!tpu.dma_semaphore, #tpu.memory_space<semaphore_mem>>) src(%dma_wait3A_477 : memref<128x4xf32, #tpu.memory_space<vmem>>) dst(%dma_wait3A_483 : memref<100000x4xf32, #tpu.memory_space<vmem_shared>>)
        tpu.yield
      }) : () -> ()
      %run_scoped3A_453 = arith.constant 3 : i32
      %run_scoped3A_454 = arith.constant 8 : i32
      "tpu.region"() ({
        %run_scoped3A_463 = tpu.sem_alloc : memref<!tpu.dma_semaphore, #tpu.memory_space<semaphore_mem>>
        %dma_start3A_464 = arith.constant 0 : i32
        %dma_start3A_465 = arith.constant 0 : i32
        %dma_start3A_466 = tpu.memref_slice %arg16[%run_scoped3A_453, %dma_start3A_464, %dma_start3A_465] : memref<5x128x4xf32, #tpu.memory_space<vmem>> -> memref<1x128x4xf32, #tpu.memory_space<vmem>>
        %dma_start3A_467 = tpu.memref_squeeze %dma_start3A_466 : memref<1x128x4xf32, #tpu.memory_space<vmem>> -> memref<128x4xf32, #tpu.memory_space<vmem>>
        %dma_start3A_468 = arith.constant 0 : i32
        %dma_start3A_469 = tpu.memref_slice %arg9[%run_scoped3A_454, %dma_start3A_468] : memref<10x128xi32, #tpu.memory_space<vmem>> -> memref<1x128xi32, #tpu.memory_space<vmem>>
        %dma_start3A_470 = tpu.memref_squeeze %dma_start3A_469 : memref<1x128xi32, #tpu.memory_space<vmem>> -> memref<128xi32, #tpu.memory_space<vmem>>
        %dma_start3A_471 = arith.constant 0 : i32
        %dma_start3A_472 = arith.constant 0 : i32
        %dma_start3A_473 = tpu.memref_slice %arg29[%dma_start3A_471, %dma_start3A_472] : memref<100000x4xf32, #tpu.memory_space<vmem_shared>> -> memref<100000x4xf32, #tpu.memory_space<vmem_shared>>
        tpu.enqueue_indirect_dma source(%dma_start3A_467 : memref<128x4xf32, #tpu.memory_space<vmem>>) target(%dma_start3A_473 : memref<100000x4xf32, #tpu.memory_space<vmem_shared>>) offsets(%dma_start3A_470 : memref<128xi32, #tpu.memory_space<vmem>>) semaphore(%run_scoped3A_463 : memref<!tpu.dma_semaphore, #tpu.memory_space<semaphore_mem>>) {add = true}
        %dma_wait3A_474 = arith.constant 0 : i32
        %dma_wait3A_475 = arith.constant 0 : i32
        %dma_wait3A_476 = tpu.memref_slice %arg16[%run_scoped3A_453, %dma_wait3A_474, %dma_wait3A_475] : memref<5x128x4xf32, #tpu.memory_space<vmem>> -> memref<1x128x4xf32, #tpu.memory_space<vmem>>
        %dma_wait3A_477 = tpu.memref_squeeze %dma_wait3A_476 : memref<1x128x4xf32, #tpu.memory_space<vmem>> -> memref<128x4xf32, #tpu.memory_space<vmem>>
        %dma_wait3A_478 = arith.constant 0 : i32
        %dma_wait3A_479 = tpu.memref_slice %arg9[%run_scoped3A_454, %dma_wait3A_478] : memref<10x128xi32, #tpu.memory_space<vmem>> -> memref<1x128xi32, #tpu.memory_space<vmem>>
        %dma_wait3A_480 = tpu.memref_squeeze %dma_wait3A_479 : memref<1x128xi32, #tpu.memory_space<vmem>> -> memref<128xi32, #tpu.memory_space<vmem>>
        %dma_wait3A_481 = arith.constant 0 : i32
        %dma_wait3A_482 = arith.constant 0 : i32
        %dma_wait3A_483 = tpu.memref_slice %arg29[%dma_wait3A_481, %dma_wait3A_482] : memref<100000x4xf32, #tpu.memory_space<vmem_shared>> -> memref<100000x4xf32, #tpu.memory_space<vmem_shared>>
        tpu.wait_indirect_dma semaphore(%run_scoped3A_463 : memref<!tpu.dma_semaphore, #tpu.memory_space<semaphore_mem>>) src(%dma_wait3A_477 : memref<128x4xf32, #tpu.memory_space<vmem>>) dst(%dma_wait3A_483 : memref<100000x4xf32, #tpu.memory_space<vmem_shared>>)
        tpu.yield
      }) : () -> ()
      %run_scoped3A_455 = arith.constant 4 : i32
      %run_scoped3A_456 = arith.constant 4 : i32
      "tpu.region"() ({
        %run_scoped3A_463 = tpu.sem_alloc : memref<!tpu.dma_semaphore, #tpu.memory_space<semaphore_mem>>
        %dma_start3A_464 = arith.constant 0 : i32
        %dma_start3A_465 = arith.constant 0 : i32
        %dma_start3A_466 = tpu.memref_slice %arg15[%run_scoped3A_455, %dma_start3A_464, %dma_start3A_465] : memref<5x128x4xf32, #tpu.memory_space<vmem>> -> memref<1x128x4xf32, #tpu.memory_space<vmem>>
        %dma_start3A_467 = tpu.memref_squeeze %dma_start3A_466 : memref<1x128x4xf32, #tpu.memory_space<vmem>> -> memref<128x4xf32, #tpu.memory_space<vmem>>
        %dma_start3A_468 = arith.constant 0 : i32
        %dma_start3A_469 = tpu.memref_slice %arg9[%run_scoped3A_456, %dma_start3A_468] : memref<10x128xi32, #tpu.memory_space<vmem>> -> memref<1x128xi32, #tpu.memory_space<vmem>>
        %dma_start3A_470 = tpu.memref_squeeze %dma_start3A_469 : memref<1x128xi32, #tpu.memory_space<vmem>> -> memref<128xi32, #tpu.memory_space<vmem>>
        %dma_start3A_471 = arith.constant 0 : i32
        %dma_start3A_472 = arith.constant 0 : i32
        %dma_start3A_473 = tpu.memref_slice %arg29[%dma_start3A_471, %dma_start3A_472] : memref<100000x4xf32, #tpu.memory_space<vmem_shared>> -> memref<100000x4xf32, #tpu.memory_space<vmem_shared>>
        tpu.enqueue_indirect_dma source(%dma_start3A_467 : memref<128x4xf32, #tpu.memory_space<vmem>>) target(%dma_start3A_473 : memref<100000x4xf32, #tpu.memory_space<vmem_shared>>) offsets(%dma_start3A_470 : memref<128xi32, #tpu.memory_space<vmem>>) semaphore(%run_scoped3A_463 : memref<!tpu.dma_semaphore, #tpu.memory_space<semaphore_mem>>) {add = true}
        %dma_wait3A_474 = arith.constant 0 : i32
        %dma_wait3A_475 = arith.constant 0 : i32
        %dma_wait3A_476 = tpu.memref_slice %arg15[%run_scoped3A_455, %dma_wait3A_474, %dma_wait3A_475] : memref<5x128x4xf32, #tpu.memory_space<vmem>> -> memref<1x128x4xf32, #tpu.memory_space<vmem>>
        %dma_wait3A_477 = tpu.memref_squeeze %dma_wait3A_476 : memref<1x128x4xf32, #tpu.memory_space<vmem>> -> memref<128x4xf32, #tpu.memory_space<vmem>>
        %dma_wait3A_478 = arith.constant 0 : i32
        %dma_wait3A_479 = tpu.memref_slice %arg9[%run_scoped3A_456, %dma_wait3A_478] : memref<10x128xi32, #tpu.memory_space<vmem>> -> memref<1x128xi32, #tpu.memory_space<vmem>>
        %dma_wait3A_480 = tpu.memref_squeeze %dma_wait3A_479 : memref<1x128xi32, #tpu.memory_space<vmem>> -> memref<128xi32, #tpu.memory_space<vmem>>
        %dma_wait3A_481 = arith.constant 0 : i32
        %dma_wait3A_482 = arith.constant 0 : i32
        %dma_wait3A_483 = tpu.memref_slice %arg29[%dma_wait3A_481, %dma_wait3A_482] : memref<100000x4xf32, #tpu.memory_space<vmem_shared>> -> memref<100000x4xf32, #tpu.memory_space<vmem_shared>>
        tpu.wait_indirect_dma semaphore(%run_scoped3A_463 : memref<!tpu.dma_semaphore, #tpu.memory_space<semaphore_mem>>) src(%dma_wait3A_477 : memref<128x4xf32, #tpu.memory_space<vmem>>) dst(%dma_wait3A_483 : memref<100000x4xf32, #tpu.memory_space<vmem_shared>>)
        tpu.yield
      }) : () -> ()
      %run_scoped3A_457 = arith.constant 4 : i32
      %run_scoped3A_458 = arith.constant 9 : i32
      "tpu.region"() ({
        %run_scoped3A_463 = tpu.sem_alloc : memref<!tpu.dma_semaphore, #tpu.memory_space<semaphore_mem>>
        %dma_start3A_464 = arith.constant 0 : i32
        %dma_start3A_465 = arith.constant 0 : i32
        %dma_start3A_466 = tpu.memref_slice %arg16[%run_scoped3A_457, %dma_start3A_464, %dma_start3A_465] : memref<5x128x4xf32, #tpu.memory_space<vmem>> -> memref<1x128x4xf32, #tpu.memory_space<vmem>>
        %dma_start3A_467 = tpu.memref_squeeze %dma_start3A_466 : memref<1x128x4xf32, #tpu.memory_space<vmem>> -> memref<128x4xf32, #tpu.memory_space<vmem>>
        %dma_start3A_468 = arith.constant 0 : i32
        %dma_start3A_469 = tpu.memref_slice %arg9[%run_scoped3A_458, %dma_start3A_468] : memref<10x128xi32, #tpu.memory_space<vmem>> -> memref<1x128xi32, #tpu.memory_space<vmem>>
        %dma_start3A_470 = tpu.memref_squeeze %dma_start3A_469 : memref<1x128xi32, #tpu.memory_space<vmem>> -> memref<128xi32, #tpu.memory_space<vmem>>
        %dma_start3A_471 = arith.constant 0 : i32
        %dma_start3A_472 = arith.constant 0 : i32
        %dma_start3A_473 = tpu.memref_slice %arg29[%dma_start3A_471, %dma_start3A_472] : memref<100000x4xf32, #tpu.memory_space<vmem_shared>> -> memref<100000x4xf32, #tpu.memory_space<vmem_shared>>
        tpu.enqueue_indirect_dma source(%dma_start3A_467 : memref<128x4xf32, #tpu.memory_space<vmem>>) target(%dma_start3A_473 : memref<100000x4xf32, #tpu.memory_space<vmem_shared>>) offsets(%dma_start3A_470 : memref<128xi32, #tpu.memory_space<vmem>>) semaphore(%run_scoped3A_463 : memref<!tpu.dma_semaphore, #tpu.memory_space<semaphore_mem>>) {add = true}
        %dma_wait3A_474 = arith.constant 0 : i32
        %dma_wait3A_475 = arith.constant 0 : i32
        %dma_wait3A_476 = tpu.memref_slice %arg16[%run_scoped3A_457, %dma_wait3A_474, %dma_wait3A_475] : memref<5x128x4xf32, #tpu.memory_space<vmem>> -> memref<1x128x4xf32, #tpu.memory_space<vmem>>
        %dma_wait3A_477 = tpu.memref_squeeze %dma_wait3A_476 : memref<1x128x4xf32, #tpu.memory_space<vmem>> -> memref<128x4xf32, #tpu.memory_space<vmem>>
        %dma_wait3A_478 = arith.constant 0 : i32
        %dma_wait3A_479 = tpu.memref_slice %arg9[%run_scoped3A_458, %dma_wait3A_478] : memref<10x128xi32, #tpu.memory_space<vmem>> -> memref<1x128xi32, #tpu.memory_space<vmem>>
        %dma_wait3A_480 = tpu.memref_squeeze %dma_wait3A_479 : memref<1x128xi32, #tpu.memory_space<vmem>> -> memref<128xi32, #tpu.memory_space<vmem>>
        %dma_wait3A_481 = arith.constant 0 : i32
        %dma_wait3A_482 = arith.constant 0 : i32
        %dma_wait3A_483 = tpu.memref_slice %arg29[%dma_wait3A_481, %dma_wait3A_482] : memref<100000x4xf32, #tpu.memory_space<vmem_shared>> -> memref<100000x4xf32, #tpu.memory_space<vmem_shared>>
        tpu.wait_indirect_dma semaphore(%run_scoped3A_463 : memref<!tpu.dma_semaphore, #tpu.memory_space<semaphore_mem>>) src(%dma_wait3A_477 : memref<128x4xf32, #tpu.memory_space<vmem>>) dst(%dma_wait3A_483 : memref<100000x4xf32, #tpu.memory_space<vmem_shared>>)
        tpu.yield
      }) : () -> ()
      %mul3A_459 = arith.constant 640 : i32
      %mul3A_460 = arith.muli %add3A_177, %mul3A_459 : i32
      %dma_wait3A_461 = tpu.memref_slice %arg8[%mul3A_460] : memref<6400000xf32, #tpu.memory_space<hbm>> -> memref<640xf32, #tpu.memory_space<hbm>>
      %dma_wait3A_462 = tpu.memref_slice %arg8[%mul3A_460] : memref<6400000xf32, #tpu.memory_space<hbm>> -> memref<640xf32, #tpu.memory_space<hbm>>
      tpu.wait_dma2 semaphore(%arg18 : memref<!tpu.dma_semaphore, #tpu.memory_space<semaphore_mem>>) src(%arg14 : memref<640xf32, #tpu.memory_space<vmem>>) dst(%dma_wait3A_462 : memref<640xf32, #tpu.memory_space<hbm>>)
    } else {
    }
    %barrier3A_170 = arith.constant 0 : index
    tpu.barrier barrier_id(%barrier3A_170)
    %eq3A_171 = arith.constant 0 : i32
    %eq3A_172 = arith.cmpi eq, %arg1, %eq3A_171 : i32
    %convert_element_type3A_173 = arith.extui %eq3A_172 : i1 to i32
    %cond3A_174 = arith.constant 0 : i32
    %cond3A_175 = arith.cmpi ne, %convert_element_type3A_173, %cond3A_174 : i32
    scf.if %cond3A_175 {
      "tpu.region"() ({
        %run_scoped3A = tpu.sem_alloc : memref<!tpu.dma_semaphore, #tpu.memory_space<semaphore_mem>>
        %dma_start3A_176 = arith.constant 0 : i32
        %dma_start3A_177 = arith.constant 0 : i32
        %dma_start3A_178 = tpu.memref_slice %arg7[%arg0, %dma_start3A_176, %dma_start3A_177] : memref<2x100000x4xf32, #tpu.memory_space<hbm>> -> memref<1x100000x4xf32, #tpu.memory_space<hbm>>
        %dma_start3A_179 = tpu.memref_squeeze %dma_start3A_178 : memref<1x100000x4xf32, #tpu.memory_space<hbm>> -> memref<100000x4xf32, #tpu.memory_space<hbm>>
        tpu.enqueue_dma source(%arg29 : memref<100000x4xf32, #tpu.memory_space<vmem_shared>>) target(%dma_start3A_179 : memref<100000x4xf32, #tpu.memory_space<hbm>>) target_semaphore(%run_scoped3A : memref<!tpu.dma_semaphore, #tpu.memory_space<semaphore_mem>>)
        %dma_wait3A_180 = arith.constant 0 : i32
        %dma_wait3A_181 = arith.constant 0 : i32
        %dma_wait3A_182 = tpu.memref_slice %arg7[%arg0, %dma_wait3A_180, %dma_wait3A_181] : memref<2x100000x4xf32, #tpu.memory_space<hbm>> -> memref<1x100000x4xf32, #tpu.memory_space<hbm>>
        %dma_wait3A_183 = tpu.memref_squeeze %dma_wait3A_182 : memref<1x100000x4xf32, #tpu.memory_space<hbm>> -> memref<100000x4xf32, #tpu.memory_space<hbm>>
        tpu.wait_dma2 semaphore(%run_scoped3A : memref<!tpu.dma_semaphore, #tpu.memory_space<semaphore_mem>>) src(%arg29 : memref<100000x4xf32, #tpu.memory_space<vmem_shared>>) dst(%dma_wait3A_183 : memref<100000x4xf32, #tpu.memory_space<hbm>>)
        tpu.yield
      }) : () -> ()
    } else {
    }
    return
  }
}

module attributes {stable_mosaic.version = 14 : i64} {
  func.func @_combine_body(%arg0: memref<3125x128xf32, #tpu.memory_space<vmem>>, %arg1: memref<3125x128xf32, #tpu.memory_space<vmem>>, %arg2: memref<3125x128xf32, #tpu.memory_space<vmem>>, %arg3: memref<3125x128xf32, #tpu.memory_space<vmem>>) attributes {dimension_semantics = [], scalar_prefetch = 0 : i64, scratch_operands = 0 : i64, tpu.core_type = #tpu.core_type<tc>} {
    %get3A = arith.constant 0 : index
    %get3A_0 = arith.constant 0 : index
    %get3A_1 = vector.load %arg0[%get3A, %get3A_0] : memref<3125x128xf32, #tpu.memory_space<vmem>>, vector<3125x128xf32>
    %get3A_2 = arith.constant 0 : index
    %get3A_3 = arith.constant 0 : index
    %get3A_4 = vector.load %arg1[%get3A_2, %get3A_3] : memref<3125x128xf32, #tpu.memory_space<vmem>>, vector<3125x128xf32>
    %add3A = arith.addf %get3A_1, %get3A_4 : vector<3125x128xf32>
    %get3A_5 = arith.constant 0 : index
    %get3A_6 = arith.constant 0 : index
    %get3A_7 = vector.load %arg2[%get3A_5, %get3A_6] : memref<3125x128xf32, #tpu.memory_space<vmem>>, vector<3125x128xf32>
    %add3A_8 = arith.addf %add3A, %get3A_7 : vector<3125x128xf32>
    %swap3A = arith.constant 0 : index
    %swap3A_9 = arith.constant 0 : index
    %swap3A_10 = vector.load %arg3[%swap3A, %swap3A_9] : memref<3125x128xf32, #tpu.memory_space<vmem>>, vector<3125x128xf32>
    tpu.vector_store %arg3[%swap3A, %swap3A_9], %add3A_8 {strides = array<i32>} : memref<3125x128xf32, #tpu.memory_space<vmem>>, vector<3125x128xf32>,
    return
  }
}

</mosaic_0001>

<sc_bundles>
// kernel: kernel.4.cloned.1.call-start
scs
__scs_entry_jumppad:
0x0: {  	(pc) =	sbr.rel $0x88, $3  }
0x1: {  	(tag) =	ssettag $0x0;
	lr =	simm.s32 $0x1  }
0x2: {  	[smem:$0x3F9B] =	sst lr;
	_ =	strace $0xD0000000  }
0x3: {  	_ = 	snop  }
0x4: {  	_ = 	snop  }
0x5: {  	_ = 	snop  }
0x6: {  	_ = 	snop  }
0x7: {  	_ = 	snop  }
__scs_overlays_trampoline_lowered:
0x8: {  	[smem:$0x3FAA] =	sst s0  }
0x9: {  	[smem:$0x3FAB] =	sst s1  }
0xa: {  	[smem:$0x3FAC] =	sst s2  }
0xb: {  	[smem:$0x3FAD] =	sst s3  }
0xc: {  	[smem:$0x3FAE] =	sst s4  }
0xd: {  	[smem:$0x3FAF] =	sst s5  }
0xe: {  	[smem:$0x3FB0] =	sst s6  }
0xf: {  	[smem:$0x3FB1] =	sst s7  }
0x10: {  	[smem:$0x3FB2] =	sst s8  }
0x11: {  	[smem:$0x3FB3] =	sst s9;
	s0 =	simm.s32 @!p0 $0x0  }
0x12: {  	s1 =	sld [smem:$0x3F99];
	s0 =	simm.s32 @p0 $0x1  }
0x13: {  	[smem:$0x3FB4] =	sst s0;
	s0 =	simm.s32 @!p1 $0x0  }
0x14: {  	s2 =	sld [smem:$0x3F98];
	s0 =	simm.s32 @p1 $0x1  }
0x15: {  	[smem:$0x3FB5] =	sst s0;
	s0 =	simm.s32 @!p2 $0x0  }
0x16: {  	s3 =	sld [smem:$0x3FDB];
	s0 =	simm.s32 @p2 $0x1  }
0x17: {  	s4 =	simm.s32 $0x1BF5;
	[smem:$0x3FB7] =	sst s0  }
0x18: {  	s0 =	sld [smem:$0x3F9A];
	_ =	swait.ge [sflag:s4], $0x0  }
0x19: {  	s7 =	sld [smem:$0x3F9B]  }
0x1a: {  	s8 =	sadd.s32 $0xFFFFE003, lr  }
0x1b: {  	s9 =	sadd.s32 $0xFFFFFEF7, lr;
	s5 =	simm.s32 $0xFFFFFFFF;
	p2 =	slt.u32 s8, $0xFFFFF086  }
0x1c: {  	p1 =	slt.u32 s9, $0xF7A;
	s5 =	simm.s32 @!p2 $0x0  }
0x1d: {  	s5 =	simm.s32 @p1 $0x1;
	p0 =	seq.s32 s7, s2  }
0x1e: {  	s7 =	smul.u32 @!p0 $0xF7A, s2;
	p2 =	seq.s32 @!p0 s5, $0x0  }
0x1f: {  	s9 =	smul.u32 $0xF7A, s1;
	s8 =	simm.s32 @!p0 $0x1BF5;
	p2 =	por !p2, p0  }
0x20: {  	[sflag:s8] =	ssyncset.s32 @!p0 $0xFFFFF086;
	s6 =	sadd.s32 @!p0 s3, s7;
	s7 =	simm.s32 @!p0 $0x108  }
0x21: {  	s3 =	sadd.s32 s3, s9;
	s6 =	sadd.s32 @!p0 $0x88, s6;
	s7 =	simm.s32 @p2 $0x1082  }
0x22: {  	[simem:s7], [sflag:s8] =	dma.local @!p0 [hbm:s6], $0xF7A  }
0x23: {  	s9 =	sor.u32 $0xD0000000, s2;
	s6 =	simm.s32 $0x108;
	_ =	swait.ge @!p0 [sflag:s8], $0x0  }
0x24: {  	s3 =	sadd.s32 $0x88, s3;
	s6 =	simm.s32 @!p1 $0x1082;
	[sflag:s4] =	ssyncset.s32 $0xFFFFF086  }
0x25: {  	[simem:s6], [sflag:s4] =	dma.local [hbm:s3], $0xF7A  }
0x26: {  	[smem:$0x3F9B] =	sst s1;
	(tag) =	ssettag s2;
	_ =	strace s9  }
0x27: {  	s1 =	sld [smem:$0x3FAB]  }
0x28: {  	s2 =	sld [smem:$0x3FAC]  }
0x29: {  	s4 =	sld [smem:$0x3FAE]  }
0x2a: {  	p0 =	seq.s32 s5, $0x0;
	s5 =	sld [smem:$0x3FAF]  }
0x2b: {  	s6 =	sld [smem:$0x3FB0]  }
0x2c: {  	s7 =	sld [smem:$0x3FB1]  }
0x2d: {  	s3 =	simm.s32 $0x108;
	s8 =	sld [smem:$0x3FB2]  }
0x2e: {  	s3 =	simm.s32 @!p0 $0x1082;
	s9 =	sld [smem:$0x3FB3]  }
0x2f: {  	lr =	sadd.s32 s0, s3;
	s0 =	sld [smem:$0x3FAA]  }
0x30: {  	s3 =	sld [smem:$0x3FAD]  }
0x31: {  	[smem:$0x3FB6] =	sst s10  }
0x32: {  	s10 =	sld [smem:$0x3FB4];
	_ =	sdelay $0x3  }
0x33: {  	p0 =	seq.s32 s10, $0x1;
	s10 =	sld [smem:$0x3FB6];
	_ =	sdelay $0x3  }
0x34: {  	[smem:$0x3FB6] =	sst s10  }
0x35: {  	s10 =	sld [smem:$0x3FB5];
	_ =	sdelay $0x3  }
0x36: {  	p1 =	seq.s32 s10, $0x1;
	s10 =	sld [smem:$0x3FB6];
	_ =	sdelay $0x3  }
0x37: {  	[smem:$0x3FB6] =	sst s10  }
0x38: {  	s10 =	sld [smem:$0x3FB7]  }
0x39: {  	_ = 	snop;
	(pc) =	sbr.ind lr, $3  }
0x3a: {  	_ = 	snop  }
0x3b: {  	_ = 	snop  }
0x3c: {  	p2 =	seq.s32 s10, $0x1;
	s10 =	sld [smem:$0x3FB6]  }
0x3d: {  	_ =	shalt  }
0x3e: {  	_ =	shalt  }
0x3f: {  	_ =	shalt  }
0x40: {  	_ =	shalt  }
0x41: {  	_ =	shalt  }
0x42: {  	_ =	shalt  }
0x43: {  	_ =	shalt  }
0x44: {  	_ =	shalt  }
0x45: {  	_ =	shalt  }
0x46: {  	_ =	shalt  }
0x47: {  	_ =	shalt  }
0x48: {  	_ =	shalt  }
0x49: {  	_ =	shalt  }
0x4a: {  	_ =	shalt  }
0x4b: {  	_ =	shalt  }
0x4c: {  	_ =	shalt  }
0x4d: {  	_ =	shalt  }
0x4e: {  	_ =	shalt  }
0x4f: {  	_ =	shalt  }
0x50: {  	_ =	shalt  }
0x51: {  	_ =	shalt  }
0x52: {  	_ =	shalt  }
0x53: {  	_ =	shalt  }
0x54: {  	_ =	shalt  }
0x55: {  	_ =	shalt  }
0x56: {  	_ =	shalt  }
0x57: {  	_ =	shalt  }
0x58: {  	_ =	shalt  }
0x59: {  	_ =	shalt  }
0x5a: {  	_ =	shalt  }
0x5b: {  	_ =	shalt  }
0x5c: {  	_ =	shalt  }
0x5d: {  	_ =	shalt  }
0x5e: {  	_ =	shalt  }
0x5f: {  	_ =	shalt  }
0x60: {  	_ =	shalt  }
0x61: {  	_ =	shalt  }
0x62: {  	_ =	shalt  }
0x63: {  	_ =	shalt  }
0x64: {  	_ =	shalt  }
0x65: {  	_ =	shalt  }
0x66: {  	_ =	shalt  }
0x67: {  	_ =	shalt  }
0x68: {  	_ =	shalt  }
0x69: {  	_ =	shalt  }
0x6a: {  	_ =	shalt  }
0x6b: {  	_ =	shalt  }
0x6c: {  	_ =	shalt  }
0x6d: {  	_ =	shalt  }
0x6e: {  	_ =	shalt  }
0x6f: {  	_ =	shalt  }
0x70: {  	_ =	shalt  }
0x71: {  	_ =	shalt  }
0x72: {  	_ =	shalt  }
0x73: {  	_ =	shalt  }
0x74: {  	_ =	shalt  }
0x75: {  	_ =	shalt  }
0x76: {  	_ =	shalt  }
0x77: {  	_ =	shalt  }
0x78: {  	_ =	shalt  }
0x79: {  	_ =	shalt  }
0x7a: {  	_ =	shalt  }
0x7b: {  	_ =	shalt  }
0x7c: {  	_ =	shalt  }
0x7d: {  	_ =	shalt  }
0x7e: {  	_ =	shalt  }
0x7f: {  	_ =	shalt  }
0x80: {  	_ =	shalt  }
0x81: {  	_ =	shalt  }
0x82: {  	_ =	shalt  }
0x83: {  	_ =	shalt  }
0x84: {  	_ =	shalt  }
0x85: {  	_ =	shalt  }
0x86: {  	_ =	shalt  }
0x87: {  	_ =	shalt  }
.Lfunc_end0:
.L_simem_size_0:
called_computation.1_lowered:
.L_overlay_start_0:
0x88: {  	s2 =	sld [smem:$0x3FD9]  }
0x89: {  	s3 =	sld [smem:$0x3FFE];
	_ =	sdelay $0x1  }
0x8a: {  	s1 =	srdreg.scid  }
0x8b: {  	s0 =	sand.u32 $0x1, s1  }
0x8c: {  	s14 =	sshll.u32 s0, $0xA;
	s2 =	sadd.s32 s3, s2  }
0x8d: {  	s2 =	sadd.s32 s2, s14  }
0x8e: {  	[smem:$0x3FC2] =	sst s2  }
0x8f: {  	_ = 	snop  }
0x90: {  	s2 =	sld [smem:$0x3FD0];
	_ =	sdelay $0x1  }
0x91: {  	s15 =	sld [smem:$0x3FC8]  }
0x92: {  	s5 =	simm.s32 $0xA;
	s6 =	simm.s32 $0x10;
	s4 =	sld [smem:$0x3FC4]  }
0x93: {  	[smem:s6], [sflag:s5] =	dma.local [hbm:s2], $0x1  }
0x94: {  	_ =	swait.eq [sflag:s5], $0x1  }
0x95: {  	[sflag:s5] =	ssyncset.done $0x0  }
0x96: {  	[sflag:s5] =	ssyncadd.s32 $0xFFFFFFFF  }
0x97: {  	s16 =	sld [smem:$0x11];
	(tm) =	ssettm $0x1  }
0x98: {  	s17 =	sld [smem:$0x3FFB];
	_ =	sdelay $0x3  }
0x99: {  	_ =	strace s17  }
0x9a: {  	s5 =	sld [smem:$0x3FFC];
	_ =	sdelay $0x3  }
0x9b: {  	_ =	strace s5  }
0x9c: {  	s5 =	sld [smem:$0x3FFD];
	_ =	sdelay $0x3  }
0x9d: {  	_ =	strace s5  }
0x9e: {  	_ =	strace $0x8FFFFFFF  }
0x9f: {  	s18 =	sld [smem:$0x3FDB];
	_ =	sdelay $0x1  }
0xa0: {  	s19 =	simm.s32 $_scs_section_size  }
0xa1: {  	s7 =	simm.s32 $_size__tile_overlayer_lowered;
	s8 =	simm.s32 $_tile_overlayer_lowered  }
0xa2: {  	s22 =	simm.s32 $0x1BFF;
	s21 =	sshll.u32 s8, $0x1;
	s5 =	sadd.s32 s19, s18  }
0xa3: {  	s9 =	simm.s32 $0x0;
	s20 =	sshll.u32 s7, $0x1;
	s7 =	sadd.s32 s21, s5  }
0xa4: {  	[timem:s9], [sflag:s22] =	dma.local [hbm:s7], s20  }
0xa5: {  	_ =	swait.ge [sflag:s22], s20  }
0xa6: {  	s6 =	ssub.s32 $0x0, s20;
	[sflag:s22] =	ssyncset.done $0x0  }
0xa7: {  	[sflag:s22] =	ssyncadd.s32 s6;
	_ =	sdelay $0x1  }
0xa8: {  	s23 =	simm.s32 $0x1B8B  }
0xa9: {  	_ =	swait.ge [sflag:s23], $0x1  }
0xaa: {  	[sflag:s23] =	ssyncset.done $0x0  }
0xab: {  	s25 =	simm.s32 $0x1B8E;
	s24 =	sld [smem:$0x3FFE];
	[sflag:s23] =	ssyncadd.s32 $0xFFFFFFFF  }
0xac: {  	s26 =	simm.s32 $execute0_lowered;
	[smem:$0x3FD2] =	sst s25  }
0xad: {  	s7 =	sshll.u32 s26, $0x1;
	_ =	strace $0x80000049;
	[dreg:$0x1] =	wrdreg $0xFFFFFFFF  }
0xae: {  	s28 =	simm.s32 $_size_execute0_lowered;
	s5 =	sadd.s32 s5, s7;
	[dreg:$0x0] =	wrdreg $0x0  }
0xaf: {  	s7 =	sshll.u32 s28, $0x1;
	[dreg:$0x2] =	wrdreg s5  }
0xb0: {  	[dreg:$0x3] =	wrdreg s7  }
0xb1: {  	[dreg:$0x4] =	wrdreg $0xC0  }
0xb2: {  	_ =	task [dreg:s9], $0x5FFFF  }
0xb3: {  	[dreg:$0x1] =	wrdreg $0xFFFFFFFF  }
0xb4: {  	[dreg:$0x0] =	wrdreg $0x60  }
0xb5: {  	[dreg:$0x2] =	wrdreg s24  }
0xb6: {  	[dreg:$0x3] =	wrdreg s15  }
0xb7: {  	[dreg:$0x4] =	wrdreg s4  }
0xb8: {  	[dreg:$0x5] =	wrdreg s16  }
0xb9: {  	[dreg:$0x6] =	wrdreg $0xB9000  }
0xba: {  	[dreg:$0x7] =	wrdreg $0x9  }
0xbb: {  	_ =	task.clear_ibuf [dreg:s9], $0x8FFFF;
	_ =	strace $0x90000049  }
0xbc: {  	s29 =	simm.s32 $0x9;
	_ =	strace $0x8000004B  }
0xbd: {  	_ =	swait.ge [sflag:s29], $0x1  }
0xbe: {  	[sflag:s29] =	ssyncadd.s32 $0xFFFFFFFF  }
0xbf: {  	_ =	strace $0x9000004B  }
0xc0: {  	_ =	sfence  }
0xc1: {  	s30 =	sld [smem:$0x0];
	_ =	sdelay $0x2  }
0xc2: {  	s31 =	sshll.u32 s1, $0xD;
	s1 =	sshrl.u32 s1, $0x2  }
0xc3: {  	s3 =	sand.u32 $0x4000, s31;
	s1 =	sadd.s32 s1, s30  }
0xc4: {  	s0 =	sor.u32 s3, s0;
	s1 =	sshll.u32 s1, $0x11  }
0xc5: {  	s0 =	sor.u32 s1, s0  }
0xc6: {  	s0 =	sadd.s32 $0x8F2B, s0  }
0xc7: {  	[sflag:s0] =	ssyncadd.remote.s32 $0x1  }
0xc8: {  	_ =	sfence.sel $0xFFFF  }
0xc9: {  	[dreg:$0x0] =	wrdreg $0xFFFFFFFF;
	(pc) =	sbr.abs _section_cstart, $3  }
0xca: {  	[dreg:$0x1] =	wrdreg $0xFFFFFFFF  }
0xcb: {  	_ =	task.clear_ibuf [dreg:s9], $0x2FFFF;
	_ =	strace $0x9FFFFFFF  }
0xcc: {  	(tm) =	ssettm $0x7FFFFFFF  }
0xcd: {  	_ =	shalt  }
tec
execute0_lowered:
.L_overlay_start_1:
0x0: {  	(tag) =	ssettag $0x1  }
0x1: {  	s0 =	rddreg [dreg:$0x0]  }
0x2: {  	s20 =	rddreg [dreg:$0x1]  }
0x3: {  	s5 =	rddreg [dreg:$0x2]  }
0x4: {  	s13 =	rddreg [dreg:$0x3]  }
0x5: {  	s4 =	rddreg [dreg:$0x4];
	s3 =	simm.s32 $0x0;
	s1 =	srdreg.scid  }
0x6: {  	s2 =	stileid.u32;
	s28 =	simm.s32 $0x1900;
	s16 =	simm.s32 $0x6180  }
0x7: {  	s15 =	simm.s32 $0x3480;
	s29 =	simm.s32 $0x9100;
	[smem:$0x7FF] =	sst s3  }
0x8: {  	s1 =	sand.u32 $0x1, s1;
	s17 =	sshll.u32 s2, $0x1;
	s7 =	sadd.s32 $0x66A000, s0  }
0x9: {  	s8 =	sadd.s32 $0x4E3600, s0;
	s11 =	sadd.s32 $0x682800, s0;
	p0 =	sne.s32 s2, $0x0  }
0xa: {  	p1 =	slt.u32 s2, $0x8;
	s2 =	simm.s32 $0x0;
	_ =	strace $0x8000004A  }
0xb: {  	s6 =	smul.u32 $0x186A0, s1;
	s14 =	sor.u32 s1, s17;
	s1 =	ssub.s32 $0x2, s1  }
0xc: {  	[dreg:$0x7] =	wrdreg s11;
	s17 =	simm.s32 $0x4880;
	s3 =	smul.u32 $0xA0, s14  }
0xd: {  	s9 =	smul.u32 $0x50, s14;
	s10 =	sor.u32 $0x2700, s14;
	s18 =	sshrl.u32 s1, $0x1  }
0xe: {  	[dreg:$0x6] =	wrdreg s14;
	s23 =	sor.u32 $0x40, s14;
	s14 =	simm.s32 $0xA500  }
0xf: {  	s12 =	smul.u32 $0xA0, s10;
	[dreg:$0xb] =	wrdreg s23;
	s3 =	sadd.s32 s8, s3  }
0x10: {  	s0 =	sadd.s32 s6, s0;
	s21 =	sadd.s32 s20, s9;
	[dreg:$0x8] =	wrdreg s3  }
0x11: {  	s1 =	ssub.s32 s1, s18;
	s22 =	sadd.s32 s5, s9;
	[dreg:$0x9] =	wrdreg s21  }
0x12: {  	s19 =	smul.u32 $0x50, s10;
	s0 =	sadd.s32 $0x1600, s0;
	[dreg:$0xa] =	wrdreg s22  }
0x13: {  	s18 =	simm.s32 $0x5C80;
	s31 =	smax.u32 s1, $0x1;
	[dreg:$0x10] =	wrdreg s0  }
0x14: {  	s10 =	simm.s32 $0x7580;
	s24 =	sadd.s32 s8, s12;
	[dreg:$0x11] =	wrdreg s31  }
0x15: {  	s25 =	sadd.s32 s20, s19;
	s26 =	sadd.s32 s5, s19;
	[dreg:$0xc] =	wrdreg s24  }
.Ltmp0:
0x16: {  	s30 =	sadd.s32 s13, s19;
	[dreg:$0xd] =	wrdreg s25;
	(pc) =	sbr.rel .LBB2_1-.Ltmp0, $4  }
0x17: {  	v0 =	vlaneseq.u32;
	s0 =	sshrl.u32 @!p0 s4, $0x3;
	s21 =	simm.s32 $0x5;
	[dreg:$0xe] =	wrdreg s26  }
0x18: {  	v61 =	vmul.u32 $0x8, v0;
	s13 =	simm.s32 $0x5F00;
	s19 =	simm.s32 $0x5D00;
	[dreg:$0xf] =	wrdreg s30  }
0x19: {  	s12 =	simm.s32 $0x5F80;
	s22 =	simm.s32 $0x3;
	[dreg:$0x12] =	wrdreg s0  }
0x1a: {  	[tilespmem:$0x1FFF0] =	vst v61;
	s24 =	simm.s32 $0x80;
	s25 =	simm.s32 $0x500;
	s0 =	simm.s32 $0x1  }
.LBB2_8:
0x1b: {  	[bflag:$0x0] =	sbarrier.arrive $0xFFFF  }
0x1c: {  	s2 =	rddreg [dreg:$0x13]  }
.LBB2_12:
0x1d: {  	s2 =	sadd.s32 $0x1, s2;
	s1 =	rddreg [dreg:$0x11]  }
0x1e: {  	p2 =	sne.s32 s2, s1  }
.Ltmp1:
0x1f: {  	_ = 	snop;
	(pc) =	sbr.rel @!p2 .LBB2_13-.Ltmp1, $1  }
0x20: {  	_ =	sdelay $0x3  }
.LBB2_1:
0x21: {  	[dreg:$0x13] =	wrdreg s2  }
0x22: {  	s2 =	rddreg [dreg:$0x7]  }
0x23: {  	s1 =	simm.s32 @!p0 $0x1C05;
	s3 =	rddreg [dreg:$0x12]  }
0x24: {  	[spmem:s3], [sflag:s1] =	dma.local @!p0 [hbm:s2], $0x186A0  }
0x25: {  	s1 =	simm.s32 @!p0 $0x5  }
0x26: {  	_ =	swait.ge @!p0 [sflag:s1], $0x186A0  }
0x27: {  	[sflag:s1] =	ssyncset.done @!p0 $0x0  }
0x28: {  	[sflag:s1] =	ssyncadd.s32 @!p0 $0xFFFE7960  }
0x29: {  	[bflag:$0x0] =	sbarrier.arrive $0xFFFF  }
0x2a: {  	s23 =	simm.s32 $0x0;
	s9 =	rddreg [dreg:$0x8]  }
0x2b: {  	[tilespmem:s23], [sflag:$0x5] =	stream.linear.gather [hbm4b:s9+s23], $0x500, $0x38;
	[tilespmem:$0x11AA8] =	vst v63  }
0x2c: {  	_ =	swait.ge [sflag:s21], $0x500  }
0x2d: {  	[sflag:s21] =	ssyncset.done $0x0  }
0x2e: {  	s26 =	simm.s32 $0x2D00;
	s11 =	rddreg [dreg:$0x9];
	[sflag:s21] =	ssyncadd.s32 $0xFFFFFB00  }
0x2f: {  	[tilespmem:s26], [sflag:$0x1] =	stream.linear.gather [hbm4b:s11+s23], $0x280, $0x38;
	[tilespmem:$0x11AA8] =	vst v63  }
0x30: {  	s31 =	simm.s32 $0x2F80;
	s30 =	rddreg [dreg:$0xa]  }
0x31: {  	[tilespmem:s31], [sflag:$0x1] =	stream.linear.gather [hbm4b:s30+s23], $0x280, $0x38;
	[tilespmem:$0x11AA8] =	vst v63  }
0x32: {  	_ = 	snop  }
0x33: {  	[tilespmem:s25], [sflag:$0x1] =	stream.indirect.gather [hbm4b:s7+s24], $0x8, s23, s24, $0xb8;
	[tilespmem:$0x11AA8] =	vst v63  }
0x34: {  	s3 =	simm.s32 $0x280  }
0x35: {  	[tilespmem:s28], [sflag:$0x1] =	stream.indirect.gather [hbm4b:s7+s24], $0x8, s3, s24, $0xb8;
	[tilespmem:$0x11AA8] =	vst v63  }
0x36: {  	s5 =	simm.s32 $0x900  }
0x37: {  	[tilespmem:s5], [sflag:$0x1] =	stream.indirect.gather [hbm4b:s7+s24], $0x8, s24, s24, $0xb8;
	[tilespmem:$0x11AA8] =	vst v63  }
0x38: {  	s6 =	simm.s32 $0x300;
	s9 =	simm.s32 $0x1D00  }
0x39: {  	[tilespmem:s9], [sflag:$0x1] =	stream.indirect.gather [hbm4b:s7+s24], $0x8, s6, s24, $0xb8;
	[tilespmem:$0x11AA8] =	vst v63  }
0x3a: {  	s11 =	simm.s32 $0x100;
	s26 =	simm.s32 $0xD00  }
0x3b: {  	[tilespmem:s26], [sflag:$0x1] =	stream.indirect.gather [hbm4b:s7+s24], $0x8, s11, s24, $0xb8;
	[tilespmem:$0x11AA8] =	vst v63  }
0x3c: {  	s30 =	simm.s32 $0x380;
	s31 =	simm.s32 $0x2100  }
0x3d: {  	[tilespmem:s31], [sflag:$0x1] =	stream.indirect.gather [hbm4b:s7+s24], $0x8, s30, s24, $0xb8;
	[tilespmem:$0x11AA8] =	vst v63  }
0x3e: {  	s3 =	simm.s32 $0x180;
	s5 =	simm.s32 $0x1100  }
0x3f: {  	[tilespmem:s5], [sflag:$0x1] =	stream.indirect.gather [hbm4b:s7+s24], $0x8, s3, s24, $0xb8;
	[tilespmem:$0x11AA8] =	vst v63  }
0x40: {  	s6 =	simm.s32 $0x400;
	s9 =	simm.s32 $0x2500  }
0x41: {  	[tilespmem:s9], [sflag:$0x1] =	stream.indirect.gather [hbm4b:s7+s24], $0x8, s6, s24, $0xb8;
	[tilespmem:$0x11AA8] =	vst v63  }
0x42: {  	s11 =	simm.s32 $0x200;
	s26 =	simm.s32 $0x1500  }
0x43: {  	[tilespmem:s26], [sflag:$0x1] =	stream.indirect.gather [hbm4b:s7+s24], $0x8, s11, s24, $0xb8;
	[tilespmem:$0x11AA8] =	vst v63  }
0x44: {  	s1 =	simm.s32 $0x0;
	s30 =	simm.s32 $0x480;
	s31 =	simm.s32 $0x2900  }
0x45: {  	[tilespmem:s31], [sflag:$0x1] =	stream.indirect.gather [hbm4b:s7+s24], $0x8, s30, s24, $0xb8;
	[tilespmem:$0x11AA8] =	vst v63  }
.LBB2_2:
0x46: {  	s2 =	sshll.u32 s1, $0x6;
	s3 =	rddreg [dreg:$0x6]  }
0x47: {  	s6 =	sor.u32 s3, s2  }
0x48: {  	s3 =	sor.u32 $0x20, s6  }
0x49: {  	s9 =	smul.u32 $0xA0, s3;
	_ =	sdelay $0x1  }
0x4a: {  	s9 =	sadd.s32 s8, s9  }
0x4b: {  	[tilespmem:s18], [sflag:$0x5] =	stream.linear.gather [hbm4b:s9+s23], $0x500, $0x38;
	[tilespmem:$0x11AA8] =	vst v63  }
0x4c: {  	s3 =	smul.u32 $0x50, s3;
	_ =	swait.ge [sflag:s21], $0x500  }
0x4d: {  	[sflag:s21] =	ssyncset.done $0x0  }
0x4e: {  	s11 =	simm.s32 $0x8980;
	s9 =	sadd.s32 s20, s3;
	[sflag:s21] =	ssyncadd.s32 $0xFFFFFB00  }
0x4f: {  	[tilespmem:s11], [sflag:$0x3] =	stream.linear.gather [hbm4b:s9+s23], $0x280, $0x38;
	[tilespmem:$0x11AA8] =	vst v63  }
0x50: {  	s11 =	rddreg [dreg:$0x2]  }
0x51: {  	s9 =	sadd.s32 s11, s3;
	s11 =	simm.s32 $0x8C00  }
0x52: {  	[tilespmem:s11], [sflag:$0x3] =	stream.linear.gather [hbm4b:s9+s23], $0x280, $0x38;
	[tilespmem:$0x11AA8] =	vst v63  }
0x53: {  	s5 =	smov.u32 s8;
	s8 =	simm.s32 $0x5C80  }
0x54: {  	[tilespmem:s16], [sflag:$0x3] =	stream.indirect.gather [hbm4b:s7+s24], $0x8, s8, s24, $0xb8;
	[tilespmem:$0x11AA8] =	vst v63  }
0x55: {  	_ = 	snop  }
0x56: {  	[tilespmem:s10], [sflag:$0x3] =	stream.indirect.gather [hbm4b:s7+s24], $0x8, s13, s24, $0xb8;
	[tilespmem:$0x11AA8] =	vst v63  }
0x57: {  	s23 =	simm.s32 $0x6580  }
0x58: {  	[tilespmem:s23], [sflag:$0x3] =	stream.indirect.gather [hbm4b:s7+s24], $0x8, s19, s24, $0xb8;
	[tilespmem:$0x11AA8] =	vst v63  }
0x59: {  	s8 =	simm.s32 $0x7980  }
0x5a: {  	[tilespmem:s8], [sflag:$0x3] =	stream.indirect.gather [hbm4b:s7+s24], $0x8, s12, s24, $0xb8;
	[tilespmem:$0x11AA8] =	vst v63  }
0x5b: {  	s30 =	simm.s32 $0x5D80;
	s11 =	simm.s32 $0x6980  }
0x5c: {  	[tilespmem:s11], [sflag:$0x3] =	stream.indirect.gather [hbm4b:s7+s24], $0x8, s30, s24, $0xb8;
	[tilespmem:$0x11AA8] =	vst v63  }
0x5d: {  	s12 =	simm.s32 $0x7D80;
	s30 =	simm.s32 $0x6000  }
0x5e: {  	[tilespmem:s12], [sflag:$0x3] =	stream.indirect.gather [hbm4b:s7+s24], $0x8, s30, s24, $0xb8;
	[tilespmem:$0x11AA8] =	vst v63  }
0x5f: {  	s18 =	simm.s32 $0x5E00;
	s13 =	simm.s32 $0x6D80  }
0x60: {  	[tilespmem:s13], [sflag:$0x3] =	stream.indirect.gather [hbm4b:s7+s24], $0x8, s18, s24, $0xb8;
	[tilespmem:$0x11AA8] =	vst v63  }
0x61: {  	s31 =	simm.s32 $0x6080;
	s19 =	simm.s32 $0x8180  }
0x62: {  	[tilespmem:s19], [sflag:$0x3] =	stream.indirect.gather [hbm4b:s7+s24], $0x8, s31, s24, $0xb8;
	[tilespmem:$0x11AA8] =	vst v63  }
0x63: {  	s26 =	simm.s32 $0x5E80;
	s23 =	simm.s32 $0x7180  }
0x64: {  	[tilespmem:s23], [sflag:$0x3] =	stream.indirect.gather [hbm4b:s7+s24], $0x8, s26, s24, $0xb8;
	[tilespmem:$0x11AA8] =	vst v63  }
0x65: {  	s31 =	simm.s32 $0x8580;
	s26 =	simm.s32 $0x6100  }
0x66: {  	[tilespmem:s31], [sflag:$0x3] =	stream.indirect.gather [hbm4b:s7+s24], $0x8, s26, s24, $0xb8;
	[tilespmem:$0x11AA8] =	vst v63  }
0x67: {  	_ =	swait.ge [sflag:s0], $0x280  }
0x68: {  	[sflag:s0] =	ssyncset.done $0x0  }
0x69: {  	[sflag:s0] =	ssyncadd.s32 $0xFFFFFD80  }
0x6a: {  	_ =	swait.ge [sflag:s0], $0x280  }
0x6b: {  	[sflag:s0] =	ssyncset.done $0x0  }
0x6c: {  	[sflag:s0] =	ssyncadd.s32 $0xFFFFFD80  }
0x6d: {  	_ =	swait.ge [sflag:s0], $0x400  }
0x6e: {  	[sflag:s0] =	ssyncset.done $0x0  }
0x6f: {  	[sflag:s0] =	ssyncadd.s32 $0xFFFFFC00  }
0x70: {  	_ =	swait.ge [sflag:s0], $0x400  }
0x71: {  	[sflag:s0] =	ssyncset.done $0x0  }
0x72: {  	[sflag:s0] =	ssyncadd.s32 $0xFFFFFC00  }
0x73: {  	_ =	swait.ge [sflag:s0], $0x400  }
0x74: {  	[sflag:s0] =	ssyncset.done $0x0  }
0x75: {  	[sflag:s0] =	ssyncadd.s32 $0xFFFFFC00  }
0x76: {  	_ =	swait.ge [sflag:s0], $0x400  }
0x77: {  	[sflag:s0] =	ssyncset.done $0x0  }
0x78: {  	[sflag:s0] =	ssyncadd.s32 $0xFFFFFC00  }
0x79: {  	_ =	swait.ge [sflag:s0], $0x400  }
0x7a: {  	[sflag:s0] =	ssyncset.done $0x0  }
0x7b: {  	[sflag:s0] =	ssyncadd.s32 $0xFFFFFC00  }
0x7c: {  	_ =	swait.ge [sflag:s0], $0x400  }
0x7d: {  	[sflag:s0] =	ssyncset.done $0x0  }
0x7e: {  	[sflag:s0] =	ssyncadd.s32 $0xFFFFFC00  }
0x7f: {  	_ =	swait.ge [sflag:s0], $0x400  }
0x80: {  	[sflag:s0] =	ssyncset.done $0x0  }
0x81: {  	[sflag:s0] =	ssyncadd.s32 $0xFFFFFC00  }
0x82: {  	_ =	swait.ge [sflag:s0], $0x400  }
0x83: {  	[sflag:s0] =	ssyncset.done $0x0  }
0x84: {  	s8 =	simm.s32 $0x0;
	[sflag:s0] =	ssyncadd.s32 $0xFFFFFC00  }
0x85: {  	s9 =	sand.u32 $0x60, s8;
	_ =	swait.ge [sflag:s0], $0x400  }
0x86: {  	v1 =	vmov s9;
	[sflag:s0] =	ssyncset.done $0x0  }
0x87: {  	s11 =	simm.s32 $0x0;
	v1 =	vshll.u32 v1, $0x3;
	[sflag:s0] =	ssyncadd.s32 $0xFFFFFC00  }
0x88: {  	s9 =	sand.u32 $0xFFFFFC00, s11;
	v1 =	vor.u32 v61, v1;
	_ =	swait.ge [sflag:s0], $0x400  }
0x89: {  	p2 =	seq.s32 s1, $0x0;
	v22 =	vor.u32 s9, v1;
	[sflag:s0] =	ssyncset.done $0x0  }
0x8a: {  	s11 =	simm.s32 @!p2 $0x2;
	s12 =	simm.s32 $0x10;
	[sflag:s0] =	ssyncadd.s32 $0xFFFFFC00  }
0x8b: {  	v19 =	vor.u32 $0x1, v22;
	s13 =	sand.u32 $0x70, s12;
	_ =	swait.ge @!p2 [sflag:s11], $0x280  }
0x8c: {  	v1 =	vmov s13;
	[sflag:s11] =	ssyncset.done @!p2 $0x0  }
0x8d: {  	v21 =	vor.u32 $0x2, v22;
	v1 =	vshll.u32 v1, $0x3;
	[sflag:s11] =	ssyncadd.s32 @!p2 $0xFFFFFD80  }
0x8e: {  	v1 =	vor.u32 v61, v1;
	v4 =	vld.idx.msk [tilespmem:v22+s25+$0x0], $0xffff  }
0x8f: {  	v2 =	vor.u32 s9, v1;
	v5 =	vld.idx.msk [tilespmem:v22+s28+$0x0], $0xffff  }
0x90: {  	v63 =	vor.u32 $0x1, v2;
	v6 =	vld.idx.msk [tilespmem:v19+s25+$0x0], $0xffff  }
0x91: {  	v7 =	vld.idx.msk [tilespmem:v19+s28+$0x0], $0xffff  }
0x92: {  	v8 =	vld.idx.msk [tilespmem:v21+s25+$0x0], $0xffff  }
0x93: {  	v9 =	vld.idx.msk [tilespmem:v21+s28+$0x0], $0xffff;
	_ =	sdelay $0x1  }
0x94: {  	v62 =	vor.u32 $0x2, v2;
	v10 =	vld.idx.msk [tilespmem:v63+s25+$0x0], $0xffff  }
0x95: {  	v14 =	vsub.f32 v4, v5;
	v4 =	vld.idx.msk [tilespmem:v63+s28+$0x0], $0xffff  }
0x96: {  	v13 =	vsub.f32 v6, v7;
	v5 =	vld.idx.msk [tilespmem:v2+s25+$0x0], $0xffff  }
0x97: {  	v18 =	vsub.f32 v8, v9;
	v8 =	vld.idx.msk [tilespmem:v2+s28+$0x0], $0xffff  }
0x98: {  	v6 =	vmul.f32 v14, v14;
	v7 =	vmul.f32 v13, v13  }
0x99: {  	v9 =	vld.idx.msk [tilespmem:v62+s25+$0x0], $0xffff  }
0x9a: {  	v11 =	vmul.f32 v18, v18;
	v6 =	vadd.f32 v7, v6;
	v7 =	vld.idx.msk [tilespmem:v62+s28+$0x0], $0xffff  }
0x9b: {  	v23 =	vsub.f32 v10, v4  }
0x9c: {  	v24 =	vsub.f32 v5, v8;
	v11 =	vadd.f32 v11, v6;
	v6 =	vor.u32 $0x3, v2  }
0x9d: {  	v8 =	vor.u32 $0x4, v2  }
0x9e: {  	v10 =	vmul.f32 v23, v23;
	v15 =	vmul.f32 v24, v24;
	v4 =	vshrl.u32 v11, $0x1  }
0x9f: {  	v5 =	vmul.f32 $5.000000000e-01, v11;
	v12 =	vsub.s32 $0x5F3759DF, v4;
	v4 =	vsub.f32 v9, v7;
	_ =	sdelay $0x1  }
0xa0: {  	v9 =	vadd.f32 v10, v15;
	v7 =	vmul.f32 v12, v5;
	v10 =	vmul.f32 v4, v4;
	v20 =	vld.idx.msk [tilespmem:v6+s25+$0x0], $0xffff  }
0xa1: {  	v25 =	vld.idx.msk [tilespmem:v6+s28+$0x0], $0xffff;
	v6 =	vor.u32 $0x3, v22  }
0xa2: {  	v7 =	vmul.f32 v12, v7;
	v27 =	vadd.f32 v10, v9;
	v9 =	vld.idx.msk [tilespmem:v8+s25+$0x0], $0xffff;
	v10 =	vor.u32 $0x4, v22  }
0xa3: {  	v8 =	vld.idx.msk [tilespmem:v8+s28+$0x0], $0xffff  }
0xa4: {  	v7 =	vsub.f32 $1.500000000e+00, v7  }
0xa5: {  	v15 =	vshrl.u32 v27, $0x1;
	v16 =	vmul.f32 $5.000000000e-01, v27  }
0xa6: {  	v7 =	vmul.f32 v12, v7;
	v12 =	vsub.s32 $0x5F3759DF, v15;
	v28 =	vld.idx.msk [tilespmem:v6+s25+$0x0], $0xffff  }
0xa7: {  	v15 =	vmul.f32 v12, v16;
	v29 =	vld.idx.msk [tilespmem:v10+s25+$0x0], $0xffff  }
0xa8: {  	v17 =	vmul.f32 v7, v5;
	v8 =	vadd.f32 v8, v9;
	v9 =	vld.idx.msk [tilespmem:v6+s28+$0x0], $0xffff  }
0xa9: {  	v26 =	vadd.f32 v25, v20;
	v6 =	vld.idx.msk [tilespmem:v10+s28+$0x0], $0xffff;
	v15 =	vmul.f32 v12, v15  }
0xaa: {  	s13 =	simm.s32 $0x20;
	v17 =	vmul.f32 v17, v7  }
0xab: {  	s9 =	sand.u32 $0x60, s13;
	vm0 =	veq.f32 v26, $0.0e+00;
	v10 =	vsub.f32 $1.500000000e+00, v15  }
0xac: {  	v30 =	vmul.f32 $5.000000000e-01, v8;
	v15 =	vmov s9;
	v17 =	vsub.f32 $1.500000000e+00, v17  }
0xad: {  	s18 =	simm.s32 $0x100;
	s19 =	simm.s32 $0x30;
	v8 =	vsel vm0, $0x7F800000, v26;
	v15 =	vshll.u32 v15, $0x3;
	v10 =	vmul.f32 v12, v10  }
0xae: {  	s23 =	sand.u32 $0xFFFFFC00, s18;
	s31 =	sand.u32 $0x70, s19;
	v12 =	vor.u32 v61, v15;
	v6 =	vadd.f32 v6, v29;
	v15 =	vmul.f32 v17, v7  }
0xaf: {  	v7 =	vadd.f32 v30, v8;
	v26 =	vor.u32 s23, v12;
	v8 =	vmov s31  }
0xb0: {  	v17 =	vadd.f32 v9, v28;
	v12 =	vmul.f32 v10, v16;
	v5 =	vmul.f32 v15, v5  }
0xb1: {  	s8 =	simm.s32 $0x2D10;
	v31 =	vor.u32 $0x1, v26;
	v8 =	vshll.u32 v8, $0x3;
	v36 =	vor.u32 $0x2, v26  }
0xb2: {  	s12 =	simm.s32 $0x2F90;
	v32 =	vld [tilespmem:s8+$0xFFFFFFF0];
	v29 =	vmul.f32 $5.000000000e-01, v6;
	vm0 =	veq.f32 v17, $0.0e+00;
	v5 =	vmul.f32 v5, v15  }
0xb3: {  	v6 =	vld [tilespmem:s12+$0xFFFFFFF0];
	v8 =	vor.u32 v61, v8;
	(erf) = vrcp.f32 v7;
	v12 =	vmul.f32 v12, v10  }
0xb4: {  	v17 =	vsel vm0, $0x7F800000, v17;
	v33 =	vld.idx.msk [tilespmem:v26+s25+$0x0], $0xffff;
	v34 =	vsub.f32 $1.500000000e+00, v5;
	v5 =	vor.u32 s23, v8  }
0xb5: {  	v12 =	vsub.f32 $1.500000000e+00, v12;
	v8 =	vadd.f32 v29, v17;
	v17 =	vld.idx.msk [tilespmem:v26+s28+$0x0], $0xffff;
	v7 =	vor.u32 $0x1, v5  }
0xb6: {  	v56 =	vld.idx.msk [tilespmem:v31+s25+$0x0], $0xffff;
	v15 =	vmul.f32 v34, v15  }
0xb7: {  	(erf) = vrcp.f32 v8;
	v8 =	vmul.f32 v12, v10;
	v10 =	vld.idx.msk [tilespmem:v31+s28+$0x0], $0xffff  }
0xb8: {  	v39 =	vld.idx.msk [tilespmem:v36+s28+$0x0], $0xffff;
	v35 =	vmul.f32 v15, v11  }
0xb9: {  	v12 =	vld.idx.msk [tilespmem:v36+s25+$0x0], $0xffff;
	v16 =	vmul.f32 v8, v16  }
0xba: {  	v41 =	vld.idx.msk [tilespmem:v7+s25+$0x0], $0xffff;
	v35 =	vsub.f32 v6, v35;
	v6 =	vor.u32 $0x2, v5  }
0xbb: {  	v16 =	vmul.f32 v16, v8;
	v42 =	vld.idx.msk [tilespmem:v7+s28+$0x0], $0xffff  }
0xbc: {  	v29 =	vmul.f32 v29, v32;
	v37 =	vsub.f32 v33, v17;
	v57 =	vld.idx.msk [tilespmem:v5+s28+$0x0], $0xffff;
	v38 =	vsub.f32 v56, v10  }
0xbd: {  	v58 =	vor.u32 $0x3, v5;
	v10 =	vld.idx.msk [tilespmem:v5+s25+$0x0], $0xffff;
	v17 =	vadd.f32 $0.0e+00, v35;
	v16 =	vsub.f32 $1.500000000e+00, v16  }
0xbe: {  	v40 =	vsub.f32 v12, v39;
	v12 =	vmul.f32 v37, v37;
	v34 =	vmul.f32 v38, v38  }
0xbf: {  	v59 =	vor.u32 $0x4, v5;
	v35 =	vpop (erf);
	v17 =	vsub.f32 v17, v29;
	v43 =	vmul.f32 v16, v8;
	v44 =	vld.idx.msk [tilespmem:v6+s25+$0x0], $0xffff  }
0xc0: {  	v16 =	vmul.f32 v40, v40;
	v8 =	vpop (erf);
	v12 =	vadd.f32 v34, v12;
	v45 =	vld.idx.msk [tilespmem:v6+s28+$0x0], $0xffff;
	v0 =	vsub.f32 v41, v42  }
0xc1: {  	vm0 =	vgt.f32 v11, $0.0e+00;
	v17 =	vmul.f32 v17, v8;
	v60 =	vmul.f32 v43, v27  }
0xc2: {  	v10 =	vsub.f32 v10, v57;
	v29 =	vadd.f32 v16, v12;
	v54 =	vmul.f32 v0, v0  }
0xc3: {  	v15 =	vnsel vm0, $0x7F800000, v15;
	v12 =	vld.idx.msk [tilespmem:v58+s25+$0x0], $0xffff;
	[tilespmem:$0x1FFE0] =	vst v0;
	v11 =	vmul.f32 v17, v28;
	v1 =	vmul.f32 v17, v9  }
0xc4: {  	v55 =	vld.idx.msk [tilespmem:v59+s25+$0x0], $0xffff;
	v48 =	vmul.f32 v10, v10;
	v16 =	vshrl.u32 v29, $0x1;
	v28 =	vmul.f32 $5.000000000e-01, v29  }
0xc5: {  	v34 =	vld.idx.msk [tilespmem:v59+s28+$0x0], $0xffff;
	v16 =	vsub.s32 $0x5F3759DF, v16;
	v46 =	vmul.f32 v11, v15;
	v0 =	vsub.f32 v44, v45  }
0xc6: {  	v57 =	vor.u32 $0x3, v26;
	v15 =	vmul.f32 v1, v15;
	v47 =	vmul.f32 v16, v28  }
0xc7: {  	v9 =	vld.idx.msk [tilespmem:v58+s28+$0x0], $0xffff;
	v32 =	vadd.f32 v17, v32;
	v33 =	vadd.f32 v54, v48;
	v56 =	vmul.f32 v0, v0  }
0xc8: {  	v44 =	vmul.f32 v46, v14;
	v17 =	vmul.f32 v16, v47;
	v47 =	vsub.f32 $0.0e+00, v15  }
0xc9: {  	v49 =	vmul.f32 v46, v13;
	v15 =	vor.u32 $0x4, v26;
	v50 =	vadd.f32 v56, v33  }
0xca: {  	v58 =	vld [tilespmem:s12+$0x0];
	v17 =	vsub.f32 $1.500000000e+00, v17;
	v51 =	vmul.f32 v47, v14;
	v14 =	vadd.f32 v34, v55  }
0xcb: {  	v52 =	vmul.f32 v47, v13;
	v33 =	vshrl.u32 v50, $0x1;
	v34 =	vmul.f32 $5.000000000e-01, v50  }
0xcc: {  	s13 =	simm.s32 $0x40;
	v39 =	vld [tilespmem:s8+$0x0];
	v16 =	vmul.f32 v16, v17;
	v17 =	vadd.f32 v9, v12;
	v13 =	vsub.s32 $0x5F3759DF, v33  }
0xcd: {  	s9 =	sand.u32 $0x60, s13;
	v53 =	vld.idx.msk [tilespmem:v57+s25+$0x0], $0xffff;
	v41 =	vmul.f32 $5.000000000e-01, v14;
	v14 =	vmul.f32 v13, v34  }
0xce: {  	v45 =	vld.idx.msk [tilespmem:v57+s28+$0x0], $0xffff;
	v57 =	vmov s9;
	v59 =	vmul.f32 v16, v28;
	vm0 =	veq.f32 v17, $0.0e+00  }
0xcf: {  	v42 =	vsub.f32 v58, v60;
	v54 =	vld.idx.msk [tilespmem:v15+s25+$0x0], $0xffff;
	v17 =	vsel vm0, $0x7F800000, v17;
	v14 =	vmul.f32 v13, v14  }
0xd0: {  	v46 =	vmul.f32 v46, v18;
	v60 =	vld.idx.msk [tilespmem:v15+s28+$0x0], $0xffff;
	v33 =	vmul.f32 v59, v16;
	v17 =	vadd.f32 v41, v17  }
0xd1: {  	s18 =	simm.s32 $0x50;
	v30 =	vmul.f32 v30, v39;
	v15 =	vadd.f32 $0.0e+00, v42;
	v14 =	vsub.f32 $1.500000000e+00, v14  }
0xd2: {  	s19 =	sand.u32 $0x70, s18;
	s23 =	simm.s32 $0x200;
	v33 =	vsub.f32 $1.500000000e+00, v33;
	(erf) = vrcp.f32 v17;
	v17 =	vshll.u32 v57, $0x3  }
0xd3: {  	s11 =	sand.u32 $0xFFFFFC00, s23;
	v58 =	vmov s19;
	v17 =	vor.u32 v61, v17;
	v55 =	vmul.f32 v13, v14  }
0xd4: {  	v30 =	vsub.f32 v15, v30;
	v33 =	vmul.f32 v33, v16;
	v15 =	vor.u32 s11, v17  }
0xd5: {  	v16 =	vadd.f32 v60, v54;
	v17 =	vadd.f32 v45, v53;
	v59 =	vmul.f32 v55, v34  }
0xd6: {  	v14 =	vor.u32 $0x2, v15;
	v13 =	vmul.f32 v33, v28;
	v28 =	vshll.u32 v58, $0x3  }
0xd7: {  	s9 =	simm.s32 $0x2FB0;
	v48 =	vmul.f32 $5.000000000e-01, v16;
	vm0 =	veq.f32 v17, $0.0e+00;
	v16 =	vor.u32 $0x1, v15  }
0xd8: {  	s13 =	simm.s32 $0x2D30;
	v56 =	vld [tilespmem:s9+$0xFFFFFFF0];
	v17 =	vsel vm0, $0x7F800000, v17;
	v42 =	vmul.f32 v59, v55;
	v28 =	vor.u32 v61, v28  }
0xd9: {  	v54 =	vld [tilespmem:s13+$0xFFFFFFF0];
	v59 =	vmul.f32 v30, v35;
	vm0 =	vgt.f32 v27, $0.0e+00;
	v13 =	vmul.f32 v13, v33  }
0xda: {  	v58 =	vadd.f32 v48, v17;
	v60 =	vnsel vm0, $0x7F800000, v43;
	v30 =	vsub.f32 $1.500000000e+00, v42;
	v42 =	vld.idx.msk [tilespmem:v15+s28+$0x0], $0xffff  }
0xdb: {  	s31 =	simm.s32 $0x3210;
	v43 =	vmul.f32 v47, v18;
	v57 =	vsub.f32 $1.500000000e+00, v13;
	v13 =	vor.u32 s11, v28;
	v28 =	vld.idx.msk [tilespmem:v15+s25+$0x0], $0xffff  }
0xdc: {  	[tilespmem:s31+$0xFFFFFFF0] =	vst v32;
	v25 =	vmul.f32 v59, v25;
	(erf) = vrcp.f32 v58;
	v17 =	vor.u32 $0x1, v13;
	v47 =	vld.idx.msk [tilespmem:v16+s25+$0x0], $0xffff  }
0xdd: {  	[tilespmem:v22+s15+$0x0] =	vst.idx.msk $0xffff, v44;
	v30 =	vmul.f32 v30, v55;
	v44 =	vld.idx.msk [tilespmem:v16+s28+$0x0], $0xffff;
	v57 =	vmul.f32 v57, v33  }
0xde: {  	vm1 =	vgt.f32 v29, $0.0e+00;
	[tilespmem:v19+s15+$0x0] =	vst.idx.msk $0xffff, v49;
	v27 =	vld.idx.msk [tilespmem:v14+s25+$0x0], $0xffff;
	v25 =	vmul.f32 v25, v60  }
0xdf: {  	[tilespmem:v21+s15+$0x0] =	vst.idx.msk $0xffff, v46;
	v55 =	vld.idx.msk [tilespmem:v14+s28+$0x0], $0xffff;
	v34 =	vmul.f32 v30, v34;
	v33 =	vmul.f32 v57, v29  }
0xe0: {  	vm0 =	vgt.f32 v50, $0.0e+00;
	v20 =	vmul.f32 v59, v20;
	v48 =	vmul.f32 v48, v54;
	v46 =	vld.idx.msk [tilespmem:v13+s25+$0x0], $0xffff  }
0xe1: {  	v33 =	vsub.f32 v56, v33;
	v56 =	vsub.f32 $0.0e+00, v25;
	v58 =	vld.idx.msk [tilespmem:v17+s25+$0x0], $0xffff;
	v25 =	vmul.f32 v34, v30  }
0xe2: {  	v39 =	vadd.f32 v59, v39;
	v20 =	vmul.f32 v20, v60;
	v60 =	vld.idx.msk [tilespmem:v17+s28+$0x0], $0xffff;
	v32 =	vsub.f32 v47, v44  }
0xe3: {  	v18 =	vor.u32 $0x2, v13;
	v47 =	vld.idx.msk [tilespmem:v13+s28+$0x0], $0xffff;
	v34 =	vadd.f32 $0.0e+00, v33;
	v33 =	vsub.f32 v28, v42  }
0xe4: {  	[tilespmem:v22+s17+$0x0] =	vst.idx.msk $0xffff, v51;
	v49 =	vor.u32 $0x3, v13;
	v35 =	vmul.f32 v56, v24;
	v42 =	vsub.f32 $1.500000000e+00, v25  }
0xe5: {  	v28 =	vmul.f32 v56, v23;
	v25 =	vpop (erf);
	v44 =	vsub.f32 v34, v48;
	v48 =	vmul.f32 v33, v33  }
0xe6: {  	v34 =	vsub.f32 v27, v55;
	v42 =	vmul.f32 v42, v30;
	v30 =	vmul.f32 v56, v4;
	v27 =	vpop (erf)  }
0xe7: {  	[tilespmem:v19+s17+$0x0] =	vst.idx.msk $0xffff, v52;
	v51 =	vor.u32 $0x4, v13;
	v22 =	vmul.f32 v44, v27;
	v44 =	vmul.f32 v32, v32  }
0xe8: {  	v55 =	vld.idx.msk [tilespmem:v18+s25+$0x0], $0xffff;
	v56 =	vmul.f32 v20, v24;
	v19 =	vsub.f32 v46, v47;
	v27 =	vsub.f32 v58, v60  }
0xe9: {  	v29 =	vmul.f32 v34, v34;
	v24 =	vadd.f32 v44, v48;
	v44 =	vld.idx.msk [tilespmem:v18+s28+$0x0], $0xffff;
	v53 =	vmul.f32 v22, v53  }
0xea: {  	[tilespmem:v21+s17+$0x0] =	vst.idx.msk $0xffff, v43;
	v57 =	vnsel vm1, $0x7F800000, v57;
	v52 =	vmul.f32 v19, v19;
	v45 =	vmul.f32 v22, v45  }
0xeb: {  	v46 =	vmul.f32 v27, v27;
	v24 =	vadd.f32 v29, v24;
	v48 =	vmul.f32 v53, v57  }
0xec: {  	v58 =	vmul.f32 v42, v50;
	v60 =	vadd.f32 v22, v54;
	v43 =	vmul.f32 v45, v57  }
0xed: {  	[tilespmem:s31+$0x0] =	vst v39;
	v21 =	vld.idx.msk [tilespmem:v49+s25+$0x0], $0xffff;
	v45 =	vadd.f32 v46, v52;
	v57 =	vshrl.u32 v24, $0x1;
	v59 =	vmul.f32 v48, v37  }
0xee: {  	s11 =	simm.s32 $0x3230;
	v50 =	vld.idx.msk [tilespmem:v51+s25+$0x0], $0xffff;
	[tilespmem:v2+s15+$0x0] =	vst.idx.msk $0xffff, v56;
	v47 =	vmul.f32 $5.000000000e-01, v24;
	v43 =	vsub.f32 $0.0e+00, v43;
	v22 =	vsub.f32 v55, v44  }
0xef: {  	v29 =	vld.idx.msk [tilespmem:v49+s28+$0x0], $0xffff;
	[tilespmem:s11+$0xFFFFFFF0] =	vst v60;
	v53 =	vmul.f32 v48, v38;
	v48 =	vmul.f32 v48, v40;
	v49 =	vsub.s32 $0x5F3759DF, v57  }
0xf0: {  	v44 =	vld.idx.msk [tilespmem:v51+s28+$0x0], $0xffff;
	v46 =	vmul.f32 v49, v47;
	[tilespmem:v26+s15+$0x0] =	vst.idx.msk $0xffff, v59;
	v60 =	vmul.f32 v22, v22  }
0xf1: {  	v54 =	vmul.f32 v43, v37;
	v55 =	vmul.f32 v43, v38;
	[tilespmem:v31+s15+$0x0] =	vst.idx.msk $0xffff, v53  }
0xf2: {  	v39 =	vld [tilespmem:s13+$0x0];
	v46 =	vmul.f32 v49, v46;
	[tilespmem:v36+s15+$0x0] =	vst.idx.msk $0xffff, v48;
	v38 =	vadd.f32 v60, v45  }
0xf3: {  	v56 =	vld [tilespmem:s9+$0x0];
	v52 =	vor.u32 $0x4, v15;
	v57 =	vor.u32 $0x3, v15;
	[tilespmem:v26+s17+$0x0] =	vst.idx.msk $0xffff, v54  }
0xf4: {  	v26 =	vsub.f32 $1.500000000e+00, v46;
	[tilespmem:v31+s17+$0x0] =	vst.idx.msk $0xffff, v55;
	v55 =	vshrl.u32 v38, $0x1;
	v46 =	vmul.f32 $5.000000000e-01, v38  }
0xf5: {  	v40 =	vmul.f32 v43, v40;
	v60 =	vadd.f32 v44, v50;
	v50 =	vsub.s32 $0x5F3759DF, v55  }
0xf6: {  	v54 =	vadd.f32 v29, v21;
	v48 =	vmul.f32 v49, v26;
	v26 =	vmul.f32 v50, v46  }
0xf7: {  	v11 =	vmovc v0;
	v51 =	vmul.f32 v41, v39;
	v37 =	vnsel vm0, $0x7F800000, v42;
	v43 =	vmul.f32 v20, v23  }
0xf8: {  	v41 =	vld.idx.msk [tilespmem:v57+s28+$0x0], $0xffff;
	[tilespmem:v36+s17+$0x0] =	vst.idx.msk $0xffff, v40;
	vm0 =	veq.f32 v54, $0.0e+00;
	v31 =	vmul.f32 $5.000000000e-01, v60;
	v60 =	vsub.f32 v56, v58  }
0xf9: {  	v23 =	vmovc v17;
	v40 =	vld.idx.msk [tilespmem:v57+s25+$0x0], $0xffff;
	v36 =	vmovc v63;
	v59 =	vsel vm0, $0x7F800000, v54;
	vm0 =	vgt.f32 v38, $0.0e+00;
	v53 =	vmul.f32 v48, v47  }
0xfa: {  	s23 =	simm.s32 $0x70;
	s19 =	simm.s32 $0x4;
	v49 =	vld.idx.msk [tilespmem:v52+s25+$0x0], $0xffff;
	v42 =	vadd.f32 v31, v59;
	v44 =	vadd.f32 $0.0e+00, v60;
	v45 =	vmul.f32 v50, v26;
	v26 =	vmovc v7  }
.LBB2_3:
0xfb: {  	v0 =	vmov v7;
	v8 =	vmov v17;
	v17 =	vld.idx.msk [tilespmem:v52+s28+$0x0], $0xffff  }
0xfc: {  	s12 =	sadd.s32 $0xFFFFFFF0, s23;
	s31 =	sand.u32 $0x70, s23;
	v3 =	vmovc v2;
	v2 =	vmovc v6;
	v55 =	vmul.f32 v53, v48;
	(erf) = vrcp.f32 v42;
	v6 =	vmov v0;
	v0 =	vld [tilespmem:$0x1FFE0]  }
0xfd: {  	v7 =	vmovc v18;
	s12 =	sand.u32 $0x60, s12;
	v18 =	vmov s31;
	v1 =	vsub.f32 $1.500000000e+00, v45;
	v56 =	vsub.f32 v44, v51  }
0xfe: {  	s19 =	sadd.s32 $0x2, s19;
	v52 =	vmovc v32;
	[tilespmem:v63+s15+$0x0] =	vst.idx.msk $0xffff, v43;
	v60 =	vmov s12;
	v18 =	vshll.u32 v18, $0x3;
	v57 =	vsub.f32 $1.500000000e+00, v55  }
0xff: {  	v44 =	vmovc v28;
	v51 =	vmovc v33;
	s31 =	sshll.u32 s19, $0x7;
	v28 =	vshll.u32 v60, $0x3;
	v33 =	vmul.f32 v50, v1;
	v32 =	vmul.f32 v56, v25  }
0x100: {  	v45 =	vmovc v30;
	s12 =	sand.u32 $0xFFFFFC00, s31;
	v18 =	vor.u32 v61, v18;
	v28 =	vor.u32 v61, v28;
	v30 =	vmul.f32 v57, v48  }
0x101: {  	v48 =	vor.u32 s12, v28;
	v28 =	vadd.f32 v41, v40;
	v43 =	vmovc v0;
	v0 =	vmovc v27;
	v27 =	vadd.f32 v17, v49  }
0x102: {  	s13 =	sadd.s32 $0x20, s13;
	v55 =	vor.u32 s12, v18;
	v25 =	vmul.f32 v33, v46;
	v50 =	vor.u32 $0x1, v48  }
0x103: {  	v18 =	vmul.f32 v30, v47;
	v47 =	vld [tilespmem:s13+$0xFFFFFFF0];
	vm1 =	veq.f32 v28, $0.0e+00;
	v27 =	vmul.f32 $5.000000000e-01, v27  }
0x104: {  	s9 =	sadd.s32 $0x20, s9;
	v56 =	vmul.f32 v25, v33;
	v28 =	vsel vm1, $0x7F800000, v28  }
0x105: {  	v54 =	vmovc v35;
	v42 =	vmovc v62;
	v35 =	vld [tilespmem:s9+$0xFFFFFFF0];
	v49 =	vor.u32 $0x2, v48;
	v62 =	vmul.f32 v18, v30;
	v28 =	vadd.f32 v27, v28  }
0x106: {  	v53 =	vmovc v34;
	v61 =	vmul.f32 v32, v9;
	v17 =	vor.u32 $0x1, v55;
	v56 =	vsub.f32 $1.500000000e+00, v56;
	v57 =	vld.idx.msk [tilespmem:v48+s25+$0x0], $0xffff  }
0x107: {  	v58 =	vor.u32 $0x3, v55;
	v25 =	vpop (erf);
	v59 =	vld.idx.msk [tilespmem:v48+s28+$0x0], $0xffff;
	v34 =	vsub.f32 $1.500000000e+00, v62;
	(erf) = vrcp.f32 v28  }
0x108: {  	v28 =	vadd.f32 v32, v39;
	v39 =	vmul.f32 v56, v33;
	v56 =	vld.idx.msk [tilespmem:v50+s28+$0x0], $0xffff;
	v27 =	vmul.f32 v27, v47  }
0x109: {  	v9 =	vmovc v29;
	v60 =	vor.u32 $0x4, v55;
	v62 =	vmul.f32 v34, v30;
	v34 =	vld.idx.msk [tilespmem:v50+s25+$0x0], $0xffff;
	v30 =	vmul.f32 v61, v37  }
0x10a: {  	v18 =	vor.u32 $0x2, v55;
	v29 =	vld.idx.msk [tilespmem:v49+s25+$0x0], $0xffff;
	[tilespmem:s11+$0x0] =	vst v28;
	v28 =	vmul.f32 v32, v12;
	v32 =	vmul.f32 v39, v46  }
0x10b: {  	v12 =	vmovc v21;
	v21 =	vld.idx.msk [tilespmem:v49+s28+$0x0], $0xffff;
	v46 =	vmul.f32 v20, v4;
	v33 =	vmul.f32 v62, v24;
	v30 =	vsub.f32 $0.0e+00, v30  }
0x10c: {  	v4 =	vmovc v11;
	v11 =	vmov v22;
	v61 =	vld.idx.msk [tilespmem:v17+s25+$0x0], $0xffff;
	v20 =	vmul.f32 v28, v37;
	v32 =	vmul.f32 v32, v39  }
0x10d: {  	v22 =	vld.idx.msk [tilespmem:v17+s28+$0x0], $0xffff;
	[tilespmem:v42+s15+$0x0] =	vst.idx.msk $0xffff, v46;
	v33 =	vsub.f32 v35, v33;
	v35 =	vmul.f32 v30, v10  }
0x10e: {  	v37 =	vld.idx.msk [tilespmem:v55+s25+$0x0], $0xffff;
	v28 =	vmul.f32 v30, v43;
	v63 =	vsub.f32 $1.500000000e+00, v32;
	v32 =	vsub.f32 v34, v56  }
0x10f: {  	[tilespmem:$0x1FFE0] =	vst v0;
	v10 =	vmul.f32 v20, v10;
	v46 =	vadd.f32 $0.0e+00, v33;
	v33 =	vsub.f32 v57, v59;
	v57 =	vld.idx.msk [tilespmem:v55+s28+$0x0], $0xffff  }
0x110: {  	v30 =	vmul.f32 v30, v4;
	v56 =	vld.idx.msk [tilespmem:v18+s25+$0x0], $0xffff;
	v43 =	vmul.f32 v20, v43;
	v34 =	vsub.f32 v29, v21  }
0x111: {  	v21 =	vld.idx.msk [tilespmem:v58+s25+$0x0], $0xffff;
	v59 =	vmul.f32 v63, v39;
	v63 =	vmul.f32 v32, v32;
	v27 =	vsub.f32 v46, v27  }
0x112: {  	v29 =	vmul.f32 v33, v33;
	v46 =	vld.idx.msk [tilespmem:v18+s28+$0x0], $0xffff;
	v39 =	vpop (erf);
	[tilespmem:v5+s15+$0x0] =	vst.idx.msk $0xffff, v10;
	v0 =	vmul.f32 v34, v34  }
0x113: {  	vm1 =	vgt.f32 v24, $0.0e+00;
	v1 =	vld.idx.msk [tilespmem:v60+s25+$0x0], $0xffff;
	v10 =	vmovc v19;
	v39 =	vmul.f32 v27, v39;
	v27 =	vsub.f32 v61, v22  }
0x114: {  	v61 =	vmul.f32 v59, v38;
	v22 =	vadd.f32 v63, v29;
	v29 =	vld.idx.msk [tilespmem:v58+s28+$0x0], $0xffff;
	v19 =	vsub.f32 v37, v57  }
0x115: {  	v63 =	vmovc v6;
	v6 =	vmovc v7;
	v37 =	vnsel vm1, $0x7F800000, v62;
	v58 =	vmul.f32 v39, v40;
	v41 =	vmul.f32 v39, v41  }
0x116: {  	v40 =	vld.idx.msk [tilespmem:v60+s28+$0x0], $0xffff;
	v24 =	vadd.f32 v0, v22;
	v0 =	vmul.f32 v27, v27;
	v60 =	vadd.f32 v39, v47  }
0x117: {  	v7 =	vmovc v8;
	v57 =	vld [tilespmem:s9+$0x0];
	v22 =	vsub.f32 v56, v46;
	v38 =	vmul.f32 v58, v37;
	v37 =	vmul.f32 v41, v37  }
0x118: {  	v62 =	vmovc v2;
	v39 =	vld [tilespmem:s13+$0x0];
	[tilespmem:v3+s17+$0x0] =	vst.idx.msk $0xffff, v54;
	v58 =	vmul.f32 v19, v19;
	v41 =	vshrl.u32 v24, $0x1;
	v47 =	vmul.f32 $5.000000000e-01, v24  }
0x119: {  	s11 =	sadd.s32 $0x20, s11;
	v2 =	vmovc v5;
	[tilespmem:v36+s17+$0x0] =	vst.idx.msk $0xffff, v44;
	v41 =	vsub.s32 $0x5F3759DF, v41;
	v46 =	vmul.f32 v38, v51;
	v54 =	vsub.f32 $0.0e+00, v37  }
0x11a: {  	[tilespmem:s11+$0xFFFFFFF0] =	vst v60;
	v56 =	vmul.f32 v38, v52;
	v0 =	vadd.f32 v0, v58;
	v3 =	vmul.f32 v38, v53  }
0x11b: {  	v5 =	vmov v13;
	v60 =	vmul.f32 v41, v47;
	v58 =	vadd.f32 v29, v21;
	[tilespmem:v15+s15+$0x0] =	vst.idx.msk $0xffff, v46  }
0x11c: {  	v13 =	vmov v55;
	v46 =	vmul.f32 v54, v51;
	v51 =	vmul.f32 v22, v22;
	[tilespmem:v16+s15+$0x0] =	vst.idx.msk $0xffff, v56  }
0x11d: {  	v55 =	vor.u32 $0x3, v48;
	v60 =	vmul.f32 v41, v60;
	v56 =	vmul.f32 v54, v52;
	[tilespmem:v14+s15+$0x0] =	vst.idx.msk $0xffff, v3  }
0x11e: {  	v52 =	vor.u32 $0x4, v48;
	v3 =	vmul.f32 v54, v53;
	v38 =	vadd.f32 v51, v0;
	[tilespmem:v15+s17+$0x0] =	vst.idx.msk $0xffff, v46  }
0x11f: {  	p3 =	slt.u32 s19, $0x26;
	v37 =	vnsel vm0, $0x7F800000, v59;
	v59 =	vsub.f32 v57, v61;
	v0 =	vadd.f32 v40, v1;
	[tilespmem:v16+s17+$0x0] =	vst.idx.msk $0xffff, v56  }
.Ltmp2:
0x120: {  	v36 =	vmovc v26;
	v26 =	vmovc v23;
	v1 =	vsub.f32 $1.500000000e+00, v60;
	v46 =	vmul.f32 $5.000000000e-01, v38;
	[tilespmem:v14+s17+$0x0] =	vst.idx.msk $0xffff, v3;
	v3 =	vshrl.u32 v38, $0x1;
	(pc) =	sbr.rel @p3 .LBB2_3-.Ltmp2, $4  }
0x121: {  	v23 =	vmovc v17;
	v61 =	vld [tilespmem:$0x1FFF0];
	v51 =	vmul.f32 v31, v39;
	v31 =	vmul.f32 $5.000000000e-01, v0;
	v16 =	vmovc v50;
	v50 =	vsub.s32 $0x5F3759DF, v3  }
0x122: {  	vm0 =	veq.f32 v58, $0.0e+00;
	v15 =	vmovc v48;
	v48 =	vmul.f32 v41, v1;
	v40 =	vld.idx.msk [tilespmem:v55+s25+$0x0], $0xffff;
	v0 =	vmul.f32 v50, v46  }
0x123: {  	[tilespmem:v42+s17+$0x0] =	vst.idx.msk $0xffff, v45;
	v44 =	vadd.f32 $0.0e+00, v59;
	v1 =	vsel vm0, $0x7F800000, v58;
	vm0 =	vgt.f32 v38, $0.0e+00;
	v14 =	vmovc v49;
	v49 =	vld.idx.msk [tilespmem:v52+s25+$0x0], $0xffff  }
0x124: {  	s23 =	sadd.s32 $0x20, s23;
	v53 =	vmul.f32 v48, v47;
	v42 =	vadd.f32 v31, v1;
	v41 =	vld.idx.msk [tilespmem:v55+s28+$0x0], $0xffff;
	v45 =	vmul.f32 v50, v0  }
0x125: {  	_ =	sdelay $0x2  }
0x126: {  	v0 =	vmul.f32 v53, v48  }
0x127: {  	v1 =	vld.idx.msk [tilespmem:v52+s28+$0x0], $0xffff  }
0x128: {  	v0 =	vsub.f32 $1.500000000e+00, v0;
	_ =	sdelay $0x1  }
0x129: {  	v0 =	vmul.f32 v0, v48  }
0x12a: {  	v45 =	vsub.f32 $1.500000000e+00, v45  }
0x12b: {  	v55 =	vadd.f32 v41, v40;
	v1 =	vadd.f32 v1, v49;
	v47 =	vmul.f32 v0, v47  }
0x12c: {  	v45 =	vmul.f32 v50, v45  }
0x12d: {  	vm1 =	veq.f32 v55, $0.0e+00;
	v1 =	vmul.f32 $5.000000000e-01, v1;
	v47 =	vmul.f32 v47, v0  }
0x12e: {  	v56 =	vmul.f32 v45, v46;
	v48 =	vsel vm1, $0x7F800000, v55  }
0x12f: {  	s9 =	sadd.s32 $0x20, s9;
	v48 =	vadd.f32 v1, v48;
	v47 =	vsub.f32 $1.500000000e+00, v47  }
0x130: {  	(erf) = vrcp.f32 v42;
	v57 =	vld [tilespmem:s9+$0xFFFFFFF0];
	v49 =	vmul.f32 v56, v45  }
0x131: {  	s12 =	sadd.s32 $0x20, s13;
	(erf) = vrcp.f32 v48;
	v0 =	vmul.f32 v47, v0  }
0x132: {  	v58 =	vld [tilespmem:s12+$0xFFFFFFF0]  }
0x133: {  	v59 =	vsub.f32 $1.500000000e+00, v49;
	v60 =	vmul.f32 v0, v24;
	_ =	sdelay $0x1  }
0x134: {  	v45 =	vmul.f32 v59, v45;
	v42 =	vsub.f32 v57, v60  }
0x135: {  	v44 =	vsub.f32 v44, v51  }
0x136: {  	v1 =	vmul.f32 v1, v58;
	v49 =	vmul.f32 v45, v46;
	v42 =	vadd.f32 $0.0e+00, v42  }
0x137: {  	v25 =	vmul.f32 v44, v25  }
0x138: {  	v51 =	vpop (erf);
	v50 =	vmul.f32 v49, v45;
	v1 =	vsub.f32 v42, v1  }
0x139: {  	v12 =	vmul.f32 v25, v12;
	v53 =	vpop (erf)  }
0x13a: {  	v4 =	vmul.f32 v20, v4;
	v52 =	vsub.f32 $1.500000000e+00, v50;
	v1 =	vmul.f32 v1, v53  }
0x13b: {  	[tilespmem:v63+s15+$0x0] =	vst.idx.msk $0xffff, v43;
	v20 =	vld [tilespmem:s9+$0x0];
	v39 =	vadd.f32 v25, v39;
	v12 =	vmul.f32 v12, v37  }
0x13c: {  	[tilespmem:v62+s15+$0x0] =	vst.idx.msk $0xffff, v4;
	vm1 =	vgt.f32 v24, $0.0e+00;
	v42 =	vmul.f32 v52, v45;
	v3 =	vmul.f32 v1, v40  }
0x13d: {  	[tilespmem:v2+s17+$0x0] =	vst.idx.msk $0xffff, v35;
	v55 =	vmul.f32 v12, v10;
	v0 =	vnsel vm1, $0x7F800000, v0;
	v24 =	vmul.f32 v1, v41  }
0x13e: {  	[tilespmem:v36+s17+$0x0] =	vst.idx.msk $0xffff, v28;
	v38 =	vmul.f32 v42, v38;
	v3 =	vmul.f32 v3, v0  }
0x13f: {  	v54 =	vld [tilespmem:s12+$0x0];
	[tilespmem:s11+$0x0] =	vst v39;
	v1 =	vadd.f32 v1, v58;
	v0 =	vmul.f32 v24, v0  }
0x140: {  	s18 =	sadd.s32 $0x20, s11;
	[tilespmem:v5+s15+$0x0] =	vst.idx.msk $0xffff, v55;
	v4 =	vsub.f32 v20, v38;
	v20 =	vmul.f32 v3, v33  }
0x141: {  	[tilespmem:s18+$0xFFFFFFF0] =	vst v1;
	v0 =	vsub.f32 $0.0e+00, v0;
	v1 =	vmul.f32 v3, v32  }
0x142: {  	v3 =	vmul.f32 v3, v34;
	[tilespmem:v15+s15+$0x0] =	vst.idx.msk $0xffff, v20  }
0x143: {  	[tilespmem:v16+s15+$0x0] =	vst.idx.msk $0xffff, v1;
	v1 =	vmul.f32 v0, v33  }
0x144: {  	v2 =	vmul.f32 v31, v54;
	v4 =	vadd.f32 $0.0e+00, v4;
	[tilespmem:v14+s15+$0x0] =	vst.idx.msk $0xffff, v3;
	v3 =	vmul.f32 v0, v32  }
0x145: {  	v0 =	vmul.f32 v0, v34;
	[tilespmem:v15+s17+$0x0] =	vst.idx.msk $0xffff, v1  }
0x146: {  	v2 =	vsub.f32 v4, v2;
	[tilespmem:v16+s17+$0x0] =	vst.idx.msk $0xffff, v3  }
0x147: {  	[tilespmem:v14+s17+$0x0] =	vst.idx.msk $0xffff, v0  }
0x148: {  	v1 =	vmul.f32 v2, v51;
	v2 =	vmul.f32 v25, v9;
	v9 =	vld [tilespmem:$0x1FFE0];
	_ =	sdelay $0x3  }
0x149: {  	v0 =	vmul.f32 v1, v21  }
0x14a: {  	v3 =	vnsel vm0, $0x7F800000, v42;
	v2 =	vmul.f32 v2, v37;
	v4 =	vmul.f32 v12, v9  }
0x14b: {  	v8 =	vadd.f32 v1, v54;
	[tilespmem:v62+s17+$0x0] =	vst.idx.msk $0xffff, v30;
	v0 =	vmul.f32 v0, v3  }
0x14c: {  	v2 =	vsub.f32 $0.0e+00, v2;
	[tilespmem:v7+s15+$0x0] =	vst.idx.msk $0xffff, v4;
	v4 =	vmul.f32 v12, v11  }
0x14d: {  	v1 =	vmul.f32 v1, v29;
	[tilespmem:s18+$0x0] =	vst v8;
	v7 =	vmul.f32 v0, v19  }
0x14e: {  	v10 =	vmul.f32 v2, v10;
	[tilespmem:v6+s15+$0x0] =	vst.idx.msk $0xffff, v4  }
0x14f: {  	v1 =	vmul.f32 v1, v3;
	v3 =	vmul.f32 v0, v27;
	[tilespmem:v13+s15+$0x0] =	vst.idx.msk $0xffff, v7  }
0x150: {  	v4 =	vmul.f32 v2, v9;
	[tilespmem:v5+s17+$0x0] =	vst.idx.msk $0xffff, v10  }
0x151: {  	v1 =	vsub.f32 $0.0e+00, v1;
	v2 =	vmul.f32 v2, v11;
	[tilespmem:v17+s15+$0x0] =	vst.idx.msk $0xffff, v3  }
0x152: {  	v0 =	vmul.f32 v0, v22;
	[tilespmem:v26+s17+$0x0] =	vst.idx.msk $0xffff, v4  }
0x153: {  	[tilespmem:v6+s17+$0x0] =	vst.idx.msk $0xffff, v2;
	v2 =	vmul.f32 v1, v19  }
0x154: {  	v3 =	vmul.f32 v1, v27;
	[tilespmem:v18+s15+$0x0] =	vst.idx.msk $0xffff, v0  }
0x155: {  	s6 =	smul.u32 $0x50, s6;
	v0 =	vmul.f32 v1, v22;
	[tilespmem:v13+s17+$0x0] =	vst.idx.msk $0xffff, v2  }
0x156: {  	s19 =	rddreg [dreg:$0x3];
	[tilespmem:v23+s17+$0x0] =	vst.idx.msk $0xffff, v3  }
0x157: {  	s8 =	simm.s32 $0x3200;
	s6 =	sadd.s32 s19, s6;
	s18 =	simm.s32 $0x0;
	[tilespmem:v18+s17+$0x0] =	vst.idx.msk $0xffff, v0  }
0x158: {  	[hbm4b:s6+s18] =	stream.linear.scatter [tilespmem:s8], [sflag:$0x2], $0x280, $0x38;
	[tilespmem:$0x11AA8] =	vst v63  }
0x159: {  	_ = 	snop  }
0x15a: {  	[spmem:s4] =	stream.indirect.scatter.add.f32 [tilespmem:s15], [sflag:$0x5], $0x4, s18, s24, $0xb8;
	[tilespmem:$0x11AA8] =	vst v63  }
0x15b: {  	_ =	swait.ge [sflag:s21], $0x200  }
0x15c: {  	[sflag:s21] =	ssyncset.done $0x0  }
0x15d: {  	s23 =	simm.s32 $0x280;
	[sflag:s21] =	ssyncadd.s32 $0xFFFFFE00  }
0x15e: {  	[spmem:s4] =	stream.indirect.scatter.add.f32 [tilespmem:s17], [sflag:$0x5], $0x4, s23, s24, $0xb8;
	[tilespmem:$0x11AA8] =	vst v63  }
0x15f: {  	_ =	swait.ge [sflag:s21], $0x200  }
0x160: {  	[sflag:s21] =	ssyncset.done $0x0  }
0x161: {  	s31 =	simm.s32 $0x3880;
	[sflag:s21] =	ssyncadd.s32 $0xFFFFFE00  }
0x162: {  	[spmem:s4] =	stream.indirect.scatter.add.f32 [tilespmem:s31], [sflag:$0x5], $0x4, s24, s24, $0xb8;
	[tilespmem:$0x11AA8] =	vst v63  }
0x163: {  	_ =	swait.ge [sflag:s21], $0x200  }
0x164: {  	[sflag:s21] =	ssyncset.done $0x0  }
0x165: {  	s9 =	simm.s32 $0x4C80;
	s8 =	simm.s32 $0x300;
	[sflag:s21] =	ssyncadd.s32 $0xFFFFFE00  }
0x166: {  	[spmem:s4] =	stream.indirect.scatter.add.f32 [tilespmem:s9], [sflag:$0x5], $0x4, s8, s24, $0xb8;
	[tilespmem:$0x11AA8] =	vst v63  }
0x167: {  	_ =	swait.ge [sflag:s21], $0x200  }
0x168: {  	[sflag:s21] =	ssyncset.done $0x0  }
0x169: {  	s12 =	simm.s32 $0x3C80;
	s11 =	simm.s32 $0x100;
	[sflag:s21] =	ssyncadd.s32 $0xFFFFFE00  }
0x16a: {  	[spmem:s4] =	stream.indirect.scatter.add.f32 [tilespmem:s12], [sflag:$0x5], $0x4, s11, s24, $0xb8;
	[tilespmem:$0x11AA8] =	vst v63  }
0x16b: {  	_ =	swait.ge [sflag:s21], $0x200  }
0x16c: {  	[sflag:s21] =	ssyncset.done $0x0  }
0x16d: {  	s13 =	simm.s32 $0x380;
	s19 =	simm.s32 $0x5080;
	[sflag:s21] =	ssyncadd.s32 $0xFFFFFE00  }
0x16e: {  	[spmem:s4] =	stream.indirect.scatter.add.f32 [tilespmem:s19], [sflag:$0x5], $0x4, s13, s24, $0xb8;
	[tilespmem:$0x11AA8] =	vst v63  }
0x16f: {  	_ =	swait.ge [sflag:s21], $0x200  }
0x170: {  	[sflag:s21] =	ssyncset.done $0x0  }
0x171: {  	s23 =	simm.s32 $0x180;
	s31 =	simm.s32 $0x4080;
	[sflag:s21] =	ssyncadd.s32 $0xFFFFFE00  }
0x172: {  	[spmem:s4] =	stream.indirect.scatter.add.f32 [tilespmem:s31], [sflag:$0x5], $0x4, s23, s24, $0xb8;
	[tilespmem:$0x11AA8] =	vst v63  }
0x173: {  	_ =	swait.ge [sflag:s21], $0x200  }
0x174: {  	[sflag:s21] =	ssyncset.done $0x0  }
0x175: {  	s8 =	simm.s32 $0x400;
	s9 =	simm.s32 $0x5480;
	[sflag:s21] =	ssyncadd.s32 $0xFFFFFE00  }
0x176: {  	[spmem:s4] =	stream.indirect.scatter.add.f32 [tilespmem:s9], [sflag:$0x5], $0x4, s8, s24, $0xb8;
	[tilespmem:$0x11AA8] =	vst v63  }
0x177: {  	_ =	swait.ge [sflag:s21], $0x200  }
0x178: {  	[sflag:s21] =	ssyncset.done $0x0  }
0x179: {  	s11 =	simm.s32 $0x200;
	s12 =	simm.s32 $0x4480;
	[sflag:s21] =	ssyncadd.s32 $0xFFFFFE00  }
0x17a: {  	[spmem:s4] =	stream.indirect.scatter.add.f32 [tilespmem:s12], [sflag:$0x5], $0x4, s11, s24, $0xb8;
	[tilespmem:$0x11AA8] =	vst v63  }
0x17b: {  	p3 =	seq.s32 s1, $0x9B;
	_ =	swait.ge [sflag:s21], $0x200  }
0x17c: {  	s13 =	simm.s32 $0x480;
	[sflag:s21] =	ssyncset.done $0x0;
	s6 =	rddreg [dreg:$0xb]  }
0x17d: {  	s19 =	simm.s32 $0x5880;
	[sflag:s21] =	ssyncadd.s32 $0xFFFFFE00;
	s2 =	sadd.s32 @!p3 s6, s2  }
0x17e: {  	[spmem:s4] =	stream.indirect.scatter.add.f32 [tilespmem:s19], [sflag:$0x5], $0x4, s13, s24, $0xb8;
	[tilespmem:$0x11AA8] =	vst v63  }
0x17f: {  	s6 =	smul.u32 @!p3 $0xA0, s2;
	_ =	swait.ge [sflag:s21], $0x200  }
0x180: {  	[sflag:s21] =	ssyncset.done $0x0  }
0x181: {  	s9 =	simm.s32 @!p3 $0x0;
	s6 =	sadd.s32 @!p3 s5, s6;
	[sflag:s21] =	ssyncadd.s32 $0xFFFFFE00  }
0x182: {  	[tilespmem:s9], [sflag:$0x5] =	stream.linear.gather @!p3 [hbm4b:s6+s9], $0x500, $0x38;
	[tilespmem:$0x11AA8] =	vst v63  }
0x183: {  	s6 =	simm.s32 @!p3 $0x5  }
0x184: {  	s2 =	smul.u32 @!p3 $0x50, s2;
	_ =	swait.ge @!p3 [sflag:s6], $0x500  }
0x185: {  	[sflag:s6] =	ssyncset.done @!p3 $0x0  }
0x186: {  	s11 =	simm.s32 @!p3 $0x2D00;
	[sflag:s6] =	ssyncadd.s32 @!p3 $0xFFFFFB00;
	s6 =	sadd.s32 @!p3 s20, s2  }
0x187: {  	[tilespmem:s11], [sflag:$0x1] =	stream.linear.gather @!p3 [hbm4b:s6+s9], $0x280, $0x38;
	[tilespmem:$0x11AA8] =	vst v63  }
0x188: {  	s8 =	smov.u32 s5;
	s5 =	rddreg [dreg:$0x2]  }
0x189: {  	s6 =	simm.s32 @!p3 $0x2F80;
	s2 =	sadd.s32 @!p3 s5, s2  }
0x18a: {  	[tilespmem:s6], [sflag:$0x1] =	stream.linear.gather @!p3 [hbm4b:s2+s9], $0x280, $0x38;
	[tilespmem:$0x11AA8] =	vst v63  }
0x18b: {  	s2 =	simm.s32 @!p3 $0x80;
	s6 =	simm.s32 @!p3 $0x500  }
0x18c: {  	[tilespmem:s6], [sflag:$0x1] =	stream.indirect.gather @!p3 [hbm4b:s7+s2], $0x8, s9, s2, $0xb8;
	[tilespmem:$0x11AA8] =	vst v63  }
0x18d: {  	s6 =	simm.s32 @!p3 $0x280;
	s9 =	simm.s32 @!p3 $0x1900  }
0x18e: {  	[tilespmem:s9], [sflag:$0x1] =	stream.indirect.gather @!p3 [hbm4b:s7+s2], $0x8, s6, s2, $0xb8;
	[tilespmem:$0x11AA8] =	vst v63  }
0x18f: {  	s6 =	simm.s32 @!p3 $0x900  }
0x190: {  	[tilespmem:s6], [sflag:$0x1] =	stream.indirect.gather @!p3 [hbm4b:s7+s2], $0x8, s2, s2, $0xb8;
	[tilespmem:$0x11AA8] =	vst v63  }
0x191: {  	s9 =	simm.s32 @!p3 $0x1D00;
	s6 =	simm.s32 @!p3 $0x300  }
0x192: {  	[tilespmem:s9], [sflag:$0x1] =	stream.indirect.gather @!p3 [hbm4b:s7+s2], $0x8, s6, s2, $0xb8;
	[tilespmem:$0x11AA8] =	vst v63  }
0x193: {  	s6 =	simm.s32 @!p3 $0x100;
	s9 =	simm.s32 @!p3 $0xD00  }
0x194: {  	[tilespmem:s9], [sflag:$0x1] =	stream.indirect.gather @!p3 [hbm4b:s7+s2], $0x8, s6, s2, $0xb8;
	[tilespmem:$0x11AA8] =	vst v63  }
0x195: {  	s6 =	simm.s32 @!p3 $0x380;
	s9 =	simm.s32 @!p3 $0x2100  }
0x196: {  	[tilespmem:s9], [sflag:$0x1] =	stream.indirect.gather @!p3 [hbm4b:s7+s2], $0x8, s6, s2, $0xb8;
	[tilespmem:$0x11AA8] =	vst v63  }
0x197: {  	s6 =	simm.s32 @!p3 $0x180;
	s9 =	simm.s32 @!p3 $0x1100  }
0x198: {  	[tilespmem:s9], [sflag:$0x1] =	stream.indirect.gather @!p3 [hbm4b:s7+s2], $0x8, s6, s2, $0xb8;
	[tilespmem:$0x11AA8] =	vst v63  }
0x199: {  	s6 =	simm.s32 @!p3 $0x400;
	s9 =	simm.s32 @!p3 $0x2500  }
0x19a: {  	[tilespmem:s9], [sflag:$0x1] =	stream.indirect.gather @!p3 [hbm4b:s7+s2], $0x8, s6, s2, $0xb8;
	[tilespmem:$0x11AA8] =	vst v63  }
0x19b: {  	s6 =	simm.s32 @!p3 $0x200;
	s9 =	simm.s32 @!p3 $0x1500  }
0x19c: {  	[tilespmem:s9], [sflag:$0x1] =	stream.indirect.gather @!p3 [hbm4b:s7+s2], $0x8, s6, s2, $0xb8;
	[tilespmem:$0x11AA8] =	vst v63  }
0x19d: {  	s6 =	simm.s32 @!p3 $0x480;
	s9 =	simm.s32 @!p3 $0x2900  }
0x19e: {  	[tilespmem:s9], [sflag:$0x1] =	stream.indirect.gather @!p3 [hbm4b:s7+s2], $0x8, s6, s2, $0xb8;
	[tilespmem:$0x11AA8] =	vst v63  }
0x19f: {  	_ =	swait.ge [sflag:s22], $0x280  }
0x1a0: {  	[sflag:s22] =	ssyncset.done $0x0  }
0x1a1: {  	[sflag:s22] =	ssyncadd.s32 $0xFFFFFD80  }
0x1a2: {  	_ =	swait.ge [sflag:s22], $0x280  }
0x1a3: {  	[sflag:s22] =	ssyncset.done $0x0  }
0x1a4: {  	[sflag:s22] =	ssyncadd.s32 $0xFFFFFD80  }
0x1a5: {  	_ =	swait.ge [sflag:s22], $0x400  }
0x1a6: {  	[sflag:s22] =	ssyncset.done $0x0  }
0x1a7: {  	[sflag:s22] =	ssyncadd.s32 $0xFFFFFC00  }
0x1a8: {  	_ =	swait.ge [sflag:s22], $0x400  }
0x1a9: {  	[sflag:s22] =	ssyncset.done $0x0  }
0x1aa: {  	[sflag:s22] =	ssyncadd.s32 $0xFFFFFC00  }
0x1ab: {  	_ =	swait.ge [sflag:s22], $0x400  }
0x1ac: {  	[sflag:s22] =	ssyncset.done $0x0  }
0x1ad: {  	[sflag:s22] =	ssyncadd.s32 $0xFFFFFC00  }
0x1ae: {  	_ =	swait.ge [sflag:s22], $0x400  }
0x1af: {  	[sflag:s22] =	ssyncset.done $0x0  }
0x1b0: {  	[sflag:s22] =	ssyncadd.s32 $0xFFFFFC00  }
0x1b1: {  	_ =	swait.ge [sflag:s22], $0x400  }
0x1b2: {  	[sflag:s22] =	ssyncset.done $0x0  }
0x1b3: {  	[sflag:s22] =	ssyncadd.s32 $0xFFFFFC00  }
0x1b4: {  	_ =	swait.ge [sflag:s22], $0x400  }
0x1b5: {  	[sflag:s22] =	ssyncset.done $0x0  }
0x1b6: {  	[sflag:s22] =	ssyncadd.s32 $0xFFFFFC00  }
0x1b7: {  	_ =	swait.ge [sflag:s22], $0x400  }
0x1b8: {  	[sflag:s22] =	ssyncset.done $0x0  }
0x1b9: {  	[sflag:s22] =	ssyncadd.s32 $0xFFFFFC00  }
0x1ba: {  	_ =	swait.ge [sflag:s22], $0x400  }
0x1bb: {  	[sflag:s22] =	ssyncset.done $0x0  }
0x1bc: {  	s23 =	simm.s32 $0x0;
	[sflag:s22] =	ssyncadd.s32 $0xFFFFFC00  }
0x1bd: {  	s2 =	sand.u32 $0x60, s23;
	_ =	swait.ge [sflag:s22], $0x400  }
0x1be: {  	v0 =	vmov s2;
	[sflag:s22] =	ssyncset.done $0x0  }
0x1bf: {  	s31 =	simm.s32 $0x0;
	v0 =	vshll.u32 v0, $0x3;
	[sflag:s22] =	ssyncadd.s32 $0xFFFFFC00  }
0x1c0: {  	s2 =	sand.u32 $0xFFFFFC00, s31;
	v0 =	vor.u32 v61, v0;
	_ =	swait.ge [sflag:s22], $0x400  }
0x1c1: {  	v23 =	vor.u32 s2, v0;
	[sflag:s22] =	ssyncset.done $0x0  }
0x1c2: {  	s5 =	simm.s32 $0x10;
	s6 =	simm.s32 @!p2 $0x4;
	[sflag:s22] =	ssyncadd.s32 $0xFFFFFC00  }
0x1c3: {  	s9 =	sand.u32 $0x70, s5;
	v19 =	vor.u32 $0x1, v23;
	_ =	swait.ge @!p2 [sflag:s6], $0x280  }
0x1c4: {  	v0 =	vmov s9;
	[sflag:s6] =	ssyncset.done @!p2 $0x0  }
0x1c5: {  	v21 =	vor.u32 $0x2, v23;
	v0 =	vshll.u32 v0, $0x3;
	[sflag:s6] =	ssyncadd.s32 @!p2 $0xFFFFFD80  }
0x1c6: {  	v0 =	vor.u32 v61, v0;
	v4 =	vld.idx.msk [tilespmem:v23+s16+$0x0], $0xffff  }
0x1c7: {  	v62 =	vor.u32 s2, v0;
	v5 =	vld.idx.msk [tilespmem:v23+s10+$0x0], $0xffff  }
0x1c8: {  	v3 =	vor.u32 $0x1, v62;
	v0 =	vld.idx.msk [tilespmem:v19+s16+$0x0], $0xffff  }
0x1c9: {  	v6 =	vld.idx.msk [tilespmem:v19+s10+$0x0], $0xffff  }
0x1ca: {  	v7 =	vld.idx.msk [tilespmem:v21+s16+$0x0], $0xffff  }
0x1cb: {  	v8 =	vld.idx.msk [tilespmem:v21+s10+$0x0], $0xffff  }
0x1cc: {  	v60 =	vor.u32 $0x2, v62  }
0x1cd: {  	v9 =	vld.idx.msk [tilespmem:v3+s16+$0x0], $0xffff  }
0x1ce: {  	v14 =	vsub.f32 v4, v5;
	v13 =	vsub.f32 v0, v6;
	v0 =	vld.idx.msk [tilespmem:v3+s10+$0x0], $0xffff  }
0x1cf: {  	v4 =	vld.idx.msk [tilespmem:v62+s16+$0x0], $0xffff  }
0x1d0: {  	v18 =	vsub.f32 v7, v8;
	v7 =	vld.idx.msk [tilespmem:v62+s10+$0x0], $0xffff;
	v5 =	vmul.f32 v14, v14;
	v6 =	vmul.f32 v13, v13  }
0x1d1: {  	v8 =	vld.idx.msk [tilespmem:v60+s16+$0x0], $0xffff  }
0x1d2: {  	v10 =	vmul.f32 v18, v18;
	v5 =	vadd.f32 v6, v5;
	v6 =	vld.idx.msk [tilespmem:v60+s10+$0x0], $0xffff;
	_ =	sdelay $0x1  }
0x1d3: {  	v25 =	vsub.f32 v9, v0;
	v10 =	vadd.f32 v10, v5;
	v5 =	vor.u32 $0x3, v62  }
0x1d4: {  	v24 =	vsub.f32 v4, v7;
	v9 =	vor.u32 $0x4, v62  }
0x1d5: {  	v11 =	vmul.f32 v25, v25;
	v0 =	vshrl.u32 v10, $0x1;
	v7 =	vmul.f32 $5.000000000e-01, v10  }
0x1d6: {  	v12 =	vmul.f32 v24, v24;
	v0 =	vsub.s32 $0x5F3759DF, v0;
	v4 =	vsub.f32 v8, v6  }
0x1d7: {  	v6 =	vmul.f32 v0, v7  }
0x1d8: {  	v8 =	vadd.f32 v11, v12;
	v11 =	vmul.f32 v4, v4;
	v20 =	vld.idx.msk [tilespmem:v5+s16+$0x0], $0xffff  }
0x1d9: {  	v22 =	vld.idx.msk [tilespmem:v5+s10+$0x0], $0xffff;
	v5 =	vor.u32 $0x3, v23;
	v6 =	vmul.f32 v0, v6  }
0x1da: {  	v27 =	vadd.f32 v11, v8;
	v8 =	vld.idx.msk [tilespmem:v9+s16+$0x0], $0xffff;
	v11 =	vor.u32 $0x4, v23  }
0x1db: {  	v9 =	vld.idx.msk [tilespmem:v9+s10+$0x0], $0xffff;
	v6 =	vsub.f32 $1.500000000e+00, v6  }
0x1dc: {  	v12 =	vshrl.u32 v27, $0x1;
	v15 =	vmul.f32 $5.000000000e-01, v27  }
0x1dd: {  	v0 =	vmul.f32 v0, v6;
	v6 =	vsub.s32 $0x5F3759DF, v12  }
0x1de: {  	v28 =	vld.idx.msk [tilespmem:v5+s16+$0x0], $0xffff;
	v12 =	vmul.f32 v6, v15  }
0x1df: {  	v29 =	vld.idx.msk [tilespmem:v11+s16+$0x0], $0xffff  }
0x1e0: {  	s11 =	simm.s32 $0x20;
	v16 =	vmul.f32 v0, v7;
	v8 =	vadd.f32 v9, v8;
	v9 =	vld.idx.msk [tilespmem:v5+s10+$0x0], $0xffff;
	v12 =	vmul.f32 v6, v12  }
0x1e1: {  	s2 =	sand.u32 $0x60, s11;
	v17 =	vadd.f32 v22, v20;
	v5 =	vld.idx.msk [tilespmem:v11+s10+$0x0], $0xffff  }
0x1e2: {  	v16 =	vmul.f32 v16, v0;
	v11 =	vsub.f32 $1.500000000e+00, v12;
	v12 =	vmov s2  }
0x1e3: {  	s12 =	simm.s32 $0x100;
	vm0 =	veq.f32 v17, $0.0e+00;
	v30 =	vmul.f32 $5.000000000e-01, v8;
	v12 =	vshll.u32 v12, $0x3  }
0x1e4: {  	s19 =	sand.u32 $0xFFFFFC00, s12;
	v16 =	vsub.f32 $1.500000000e+00, v16;
	v6 =	vmul.f32 v6, v11;
	v11 =	vor.u32 v61, v12  }
0x1e5: {  	s13 =	simm.s32 $0x30;
	v8 =	vsel vm0, $0x7F800000, v17;
	v26 =	vor.u32 s19, v11  }
0x1e6: {  	s23 =	sand.u32 $0x70, s13;
	v8 =	vadd.f32 v30, v8;
	v5 =	vadd.f32 v5, v29;
	v0 =	vmul.f32 v16, v0  }
0x1e7: {  	s5 =	simm.s32 $0x8C10;
	v11 =	vmov s23;
	v16 =	vadd.f32 v9, v28;
	v36 =	vor.u32 $0x1, v26  }
0x1e8: {  	s31 =	simm.s32 $0x8990;
	v31 =	vld [tilespmem:s5+$0xFFFFFFF0];
	v12 =	vmul.f32 v6, v15;
	v11 =	vshll.u32 v11, $0x3;
	v35 =	vor.u32 $0x2, v26  }
0x1e9: {  	v17 =	vld [tilespmem:s31+$0xFFFFFFF0];
	v29 =	vmul.f32 $5.000000000e-01, v5;
	v7 =	vmul.f32 v0, v7;
	vm0 =	veq.f32 v16, $0.0e+00  }
0x1ea: {  	v5 =	vor.u32 v61, v11;
	v12 =	vmul.f32 v12, v6;
	v11 =	vsel vm0, $0x7F800000, v16;
	v16 =	vld.idx.msk [tilespmem:v26+s16+$0x0], $0xffff  }
0x1eb: {  	v7 =	vmul.f32 v7, v0;
	v57 =	vld.idx.msk [tilespmem:v26+s10+$0x0], $0xffff  }
0x1ec: {  	(erf) = vrcp.f32 v8;
	v11 =	vadd.f32 v29, v11;
	v12 =	vsub.f32 $1.500000000e+00, v12;
	v8 =	vld.idx.msk [tilespmem:v36+s16+$0x0], $0xffff  }
0x1ed: {  	v56 =	vsub.f32 $1.500000000e+00, v7;
	v58 =	vld.idx.msk [tilespmem:v35+s16+$0x0], $0xffff  }
0x1ee: {  	v5 =	vor.u32 s19, v5;
	(erf) = vrcp.f32 v11;
	v11 =	vmul.f32 v12, v6;
	v12 =	vld.idx.msk [tilespmem:v36+s10+$0x0], $0xffff  }
0x1ef: {  	v7 =	vor.u32 $0x1, v5;
	v59 =	vld.idx.msk [tilespmem:v35+s10+$0x0], $0xffff;
	v0 =	vmul.f32 v56, v0  }
0x1f0: {  	v15 =	vmul.f32 v11, v15  }
0x1f1: {  	v6 =	vmul.f32 v0, v10  }
0x1f2: {  	v37 =	vsub.f32 v16, v57;
	v15 =	vmul.f32 v15, v11  }
0x1f3: {  	v31 =	vsub.f32 v31, v6;
	v6 =	vor.u32 $0x2, v5;
	v39 =	vsub.f32 v8, v12  }
0x1f4: {  	v16 =	vmul.f32 v29, v17;
	v63 =	vld.idx.msk [tilespmem:v7+s16+$0x0], $0xffff;
	v40 =	vsub.f32 v58, v59;
	v15 =	vsub.f32 $1.500000000e+00, v15  }
0x1f5: {  	v48 =	vld.idx.msk [tilespmem:v7+s10+$0x0], $0xffff;
	v29 =	vmul.f32 v37, v37;
	v8 =	vadd.f32 $0.0e+00, v31;
	v49 =	vmul.f32 v39, v39  }
0x1f6: {  	v51 =	vor.u32 $0x4, v5;
	v12 =	vld.idx.msk [tilespmem:v5+s16+$0x0], $0xffff;
	v42 =	vmul.f32 v15, v11  }
0x1f7: {  	v33 =	vpop (erf);
	v31 =	vld.idx.msk [tilespmem:v5+s10+$0x0], $0xffff;
	v15 =	vmul.f32 v40, v40;
	v8 =	vsub.f32 v8, v16;
	v16 =	vadd.f32 v49, v29  }
0x1f8: {  	vm0 =	vgt.f32 v10, $0.0e+00;
	v11 =	vpop (erf);
	v52 =	vld.idx.msk [tilespmem:v6+s16+$0x0], $0xffff  }
0x1f9: {  	v50 =	vor.u32 $0x3, v5;
	v53 =	vmul.f32 v8, v11;
	v11 =	vld.idx.msk [tilespmem:v6+s10+$0x0], $0xffff;
	v29 =	vadd.f32 v15, v16  }
0x1fa: {  	v0 =	vnsel vm0, $0x7F800000, v0;
	v58 =	vor.u32 $0x3, v26;
	v63 =	vsub.f32 v63, v48  }
0x1fb: {  	v15 =	vmul.f32 v53, v28;
	v16 =	vshrl.u32 v29, $0x1;
	v28 =	vmul.f32 $5.000000000e-01, v29  }
0x1fc: {  	v54 =	vld.idx.msk [tilespmem:v51+s16+$0x0], $0xffff;
	v10 =	vsub.f32 v12, v31;
	v31 =	vmul.f32 v63, v63;
	v16 =	vsub.s32 $0x5F3759DF, v16  }
0x1fd: {  	v32 =	vld.idx.msk [tilespmem:v51+s10+$0x0], $0xffff;
	v59 =	vor.u32 $0x4, v26;
	v9 =	vmul.f32 v53, v9;
	v55 =	vmul.f32 v16, v28  }
0x1fe: {  	v2 =	vld.idx.msk [tilespmem:v50+s10+$0x0], $0xffff;
	v56 =	vmul.f32 v10, v10;
	v15 =	vmul.f32 v15, v0;
	v1 =	vsub.f32 v52, v11  }
0x1ff: {  	v12 =	vld.idx.msk [tilespmem:v50+s16+$0x0], $0xffff;
	v34 =	vadd.f32 v53, v17;
	v0 =	vmul.f32 v9, v0;
	v17 =	vmul.f32 v16, v55  }
0x200: {  	v45 =	vmul.f32 v42, v27;
	v31 =	vadd.f32 v31, v56;
	v57 =	vmul.f32 v1, v1  }
0x201: {  	v43 =	vmul.f32 v15, v14;
	v0 =	vsub.f32 $0.0e+00, v0;
	v17 =	vsub.f32 $1.500000000e+00, v17  }
0x202: {  	v48 =	vmul.f32 v15, v13;
	v49 =	vmul.f32 v15, v18;
	[tilespmem:$0x1FFD0] =	vst v1;
	v50 =	vadd.f32 v57, v31  }
0x203: {  	v56 =	vld [tilespmem:s5+$0x0];
	v51 =	vmul.f32 v0, v14;
	v14 =	vadd.f32 v32, v54;
	v15 =	vmul.f32 v16, v17  }
0x204: {  	s11 =	simm.s32 $0x40;
	v38 =	vld [tilespmem:s31+$0x0];
	v52 =	vmul.f32 v0, v13;
	v16 =	vadd.f32 v2, v12;
	v17 =	vshrl.u32 v50, $0x1  }
0x205: {  	s2 =	sand.u32 $0x60, s11;
	v53 =	vld.idx.msk [tilespmem:v58+s16+$0x0], $0xffff;
	v31 =	vmul.f32 $5.000000000e-01, v50;
	v13 =	vsub.s32 $0x5F3759DF, v17;
	v17 =	vmul.f32 v15, v28  }
0x206: {  	v44 =	vld.idx.msk [tilespmem:v58+s10+$0x0], $0xffff;
	v58 =	vmov s2;
	v41 =	vmul.f32 $5.000000000e-01, v14;
	vm0 =	veq.f32 v16, $0.0e+00  }
0x207: {  	v14 =	vmul.f32 v13, v31;
	v16 =	vsel vm0, $0x7F800000, v16;
	v17 =	vmul.f32 v17, v15  }
0x208: {  	v46 =	vld.idx.msk [tilespmem:v59+s10+$0x0], $0xffff;
	v0 =	vmul.f32 v0, v18;
	v45 =	vsub.f32 v56, v45;
	v16 =	vadd.f32 v41, v16  }
0x209: {  	v57 =	vld.idx.msk [tilespmem:v59+s16+$0x0], $0xffff;
	v30 =	vmul.f32 v30, v38;
	v14 =	vmul.f32 v13, v14;
	v17 =	vsub.f32 $1.500000000e+00, v17  }
0x20a: {  	s12 =	simm.s32 $0x50;
	s19 =	simm.s32 $0x200;
	v45 =	vadd.f32 $0.0e+00, v45;
	(erf) = vrcp.f32 v16;
	v16 =	vshll.u32 v58, $0x3  }
0x20b: {  	s13 =	sand.u32 $0x70, s12;
	s23 =	sand.u32 $0xFFFFFC00, s19;
	v14 =	vsub.f32 $1.500000000e+00, v14;
	v16 =	vor.u32 v61, v16;
	v54 =	vmul.f32 v17, v15  }
0x20c: {  	s31 =	simm.s32 $0x8E90;
	v59 =	vmov s13;
	v17 =	vsub.f32 v45, v30;
	v15 =	vor.u32 s23, v16  }
0x20d: {  	[tilespmem:s31+$0xFFFFFFF0] =	vst v34;
	v30 =	vmul.f32 v13, v14;
	v14 =	vor.u32 $0x2, v15;
	v13 =	vmul.f32 v54, v28  }
0x20e: {  	s6 =	simm.s32 $0x8C30;
	[tilespmem:v23+s29+$0x0] =	vst.idx.msk $0xffff, v43;
	v16 =	vadd.f32 v46, v57;
	v57 =	vshll.u32 v59, $0x3;
	v28 =	vadd.f32 v44, v53  }
0x20f: {  	s2 =	simm.s32 $0x89B0;
	v55 =	vld [tilespmem:s6+$0xFFFFFFF0];
	v32 =	vor.u32 v61, v57;
	v58 =	vmul.f32 v30, v31;
	v13 =	vmul.f32 v13, v54  }
0x210: {  	v47 =	vld [tilespmem:s2+$0xFFFFFFF0];
	[tilespmem:v19+s29+$0x0] =	vst.idx.msk $0xffff, v48;
	v46 =	vmul.f32 $5.000000000e-01, v16;
	v16 =	vor.u32 $0x1, v15;
	vm0 =	veq.f32 v28, $0.0e+00  }
0x211: {  	[tilespmem:v21+s29+$0x0] =	vst.idx.msk $0xffff, v49;
	v45 =	vmul.f32 v58, v30;
	v56 =	vsub.f32 $1.500000000e+00, v13;
	v13 =	vor.u32 s23, v32;
	v32 =	vld.idx.msk [tilespmem:v15+s16+$0x0], $0xffff  }
0x212: {  	[tilespmem:v23+s14+$0x0] =	vst.idx.msk $0xffff, v51;
	v57 =	vmul.f32 v17, v33;
	v28 =	vsel vm0, $0x7F800000, v28;
	vm0 =	vgt.f32 v27, $0.0e+00;
	v27 =	vld.idx.msk [tilespmem:v14+s16+$0x0], $0xffff  }
0x213: {  	vm1 =	vgt.f32 v29, $0.0e+00;
	[tilespmem:v19+s14+$0x0] =	vst.idx.msk $0xffff, v52;
	v28 =	vadd.f32 v46, v28;
	v43 =	vld.idx.msk [tilespmem:v14+s10+$0x0], $0xffff;
	v59 =	vsub.f32 $1.500000000e+00, v45  }
0x214: {  	v52 =	vor.u32 $0x4, v15;
	v22 =	vmul.f32 v57, v22;
	v45 =	vld.idx.msk [tilespmem:v15+s10+$0x0], $0xffff;
	v54 =	vmul.f32 v56, v54  }
0x215: {  	v17 =	vor.u32 $0x1, v13;
	v33 =	vld.idx.msk [tilespmem:v16+s16+$0x0], $0xffff;
	(erf) = vrcp.f32 v28;
	v30 =	vmul.f32 v59, v30  }
0x216: {  	v20 =	vmul.f32 v57, v20;
	v28 =	vnsel vm0, $0x7F800000, v42;
	v42 =	vld.idx.msk [tilespmem:v16+s10+$0x0], $0xffff;
	v58 =	vmul.f32 v54, v29  }
0x217: {  	v38 =	vadd.f32 v57, v38;
	v22 =	vmul.f32 v22, v28;
	v31 =	vmul.f32 v30, v31  }
0x218: {  	v46 =	vmul.f32 v46, v47;
	v18 =	vor.u32 $0x2, v13;
	v34 =	vsub.f32 v55, v58  }
0x219: {  	v48 =	vor.u32 $0x3, v13;
	v49 =	vld.idx.msk [tilespmem:v13+s16+$0x0], $0xffff;
	v55 =	vsub.f32 $0.0e+00, v22;
	v22 =	vmul.f32 v31, v30  }
0x21a: {  	v20 =	vmul.f32 v20, v28;
	v56 =	vld.idx.msk [tilespmem:v17+s16+$0x0], $0xffff;
	v31 =	vsub.f32 v32, v45;
	v59 =	vadd.f32 $0.0e+00, v34  }
0x21b: {  	v58 =	vld.idx.msk [tilespmem:v17+s10+$0x0], $0xffff;
	v32 =	vsub.f32 v33, v42;
	v33 =	vsub.f32 v27, v43;
	v34 =	vmul.f32 v55, v24  }
0x21c: {  	v28 =	vmul.f32 v55, v25;
	v45 =	vsub.f32 $1.500000000e+00, v22;
	v59 =	vsub.f32 v59, v46;
	v46 =	vld.idx.msk [tilespmem:v13+s10+$0x0], $0xffff  }
0x21d: {  	v51 =	vor.u32 $0x4, v13;
	v43 =	vmul.f32 v31, v31;
	v23 =	vmul.f32 v32, v32;
	v22 =	vpop (erf)  }
0x21e: {  	[tilespmem:v21+s14+$0x0] =	vst.idx.msk $0xffff, v0;
	vm0 =	vgt.f32 v50, $0.0e+00;
	v29 =	vmul.f32 v33, v33;
	v45 =	vmul.f32 v45, v30;
	v27 =	vpop (erf)  }
0x21f: {  	v0 =	vnsel vm1, $0x7F800000, v54;
	v30 =	vmul.f32 v55, v4;
	v55 =	vld.idx.msk [tilespmem:v18+s16+$0x0], $0xffff;
	v42 =	vmul.f32 v59, v27  }
0x220: {  	v27 =	vsub.f32 v56, v58;
	v56 =	vmul.f32 v20, v24;
	v24 =	vadd.f32 v23, v43;
	v43 =	vld.idx.msk [tilespmem:v18+s10+$0x0], $0xffff  }
0x221: {  	v58 =	vmul.f32 v45, v50;
	v23 =	vld.idx.msk [tilespmem:v48+s16+$0x0], $0xffff;
	v53 =	vmul.f32 v42, v53;
	v19 =	vsub.f32 v49, v46  }
0x222: {  	v44 =	vmul.f32 v42, v44;
	v21 =	vadd.f32 v29, v24;
	v49 =	vmul.f32 v27, v27;
	v29 =	vld.idx.msk [tilespmem:v48+s10+$0x0], $0xffff  }
0x223: {  	[tilespmem:s31+$0x0] =	vst v38;
	v42 =	vadd.f32 v42, v47;
	v50 =	vmul.f32 v53, v0;
	v59 =	vmul.f32 v19, v19  }
0x224: {  	[tilespmem:v62+s29+$0x0] =	vst.idx.msk $0xffff, v56;
	v0 =	vmul.f32 v44, v0;
	v54 =	vshrl.u32 v21, $0x1;
	v46 =	vmul.f32 $5.000000000e-01, v21  }
0x225: {  	v53 =	vld.idx.msk [tilespmem:v51+s16+$0x0], $0xffff;
	v24 =	vsub.f32 v55, v43;
	v44 =	vsub.s32 $0x5F3759DF, v54;
	v57 =	vmul.f32 v50, v37  }
0x226: {  	s9 =	simm.s32 $0x8EB0;
	v43 =	vld.idx.msk [tilespmem:v51+s10+$0x0], $0xffff;
	v0 =	vsub.f32 $0.0e+00, v0;
	v48 =	vmul.f32 v50, v39;
	v50 =	vmul.f32 v50, v40  }
0x227: {  	[tilespmem:s9+$0xFFFFFFF0] =	vst v42;
	v54 =	vld [tilespmem:s6+$0x0];
	v42 =	vadd.f32 v49, v59;
	v59 =	vmul.f32 v44, v46;
	v56 =	vadd.f32 v29, v23  }
0x228: {  	v51 =	vmul.f32 v0, v37;
	[tilespmem:v26+s29+$0x0] =	vst.idx.msk $0xffff, v57;
	v37 =	vnsel vm0, $0x7F800000, v45;
	v45 =	vmul.f32 v24, v24  }
0x229: {  	v55 =	vor.u32 $0x3, v15;
	v57 =	vmul.f32 v0, v39;
	v59 =	vmul.f32 v44, v59;
	[tilespmem:v36+s29+$0x0] =	vst.idx.msk $0xffff, v48  }
0x22a: {  	v38 =	vld [tilespmem:s2+$0x0];
	v0 =	vmul.f32 v0, v40;
	vm0 =	veq.f32 v56, $0.0e+00;
	[tilespmem:v35+s29+$0x0] =	vst.idx.msk $0xffff, v50;
	v39 =	vadd.f32 v45, v42  }
0x22b: {  	v45 =	vadd.f32 v43, v53;
	v43 =	vmul.f32 v20, v25;
	[tilespmem:v26+s14+$0x0] =	vst.idx.msk $0xffff, v51;
	v26 =	vsub.f32 $1.500000000e+00, v59  }
0x22c: {  	v59 =	vsub.f32 v54, v58;
	[tilespmem:v36+s14+$0x0] =	vst.idx.msk $0xffff, v57;
	v57 =	vshrl.u32 v39, $0x1;
	v49 =	vmul.f32 $5.000000000e-01, v39  }
0x22d: {  	v48 =	vld.idx.msk [tilespmem:v52+s16+$0x0], $0xffff;
	v47 =	vmul.f32 v44, v26;
	v50 =	vsub.s32 $0x5F3759DF, v57;
	v26 =	vsel vm0, $0x7F800000, v56  }
0x22e: {  	v11 =	vmov v2;
	v40 =	vld.idx.msk [tilespmem:v55+s16+$0x0], $0xffff;
	v36 =	vmul.f32 $5.000000000e-01, v45;
	[tilespmem:v35+s14+$0x0] =	vst.idx.msk $0xffff, v0;
	v0 =	vmul.f32 v50, v49  }
0x22f: {  	v25 =	vmovc v17;
	v51 =	vmul.f32 v41, v38;
	v41 =	vld.idx.msk [tilespmem:v55+s10+$0x0], $0xffff;
	vm0 =	vgt.f32 v39, $0.0e+00;
	v44 =	vadd.f32 $0.0e+00, v59;
	v35 =	vmovc v3  }
0x230: {  	s11 =	simm.s32 $0x4;
	s13 =	simm.s32 $0x70;
	v42 =	vadd.f32 v36, v26;
	v45 =	vmul.f32 v47, v46;
	v53 =	vmul.f32 v50, v0;
	v26 =	vmovc v7  }
.LBB2_5:
0x231: {  	v0 =	vmov v7;
	s12 =	sadd.s32 $0xFFFFFFF0, s13;
	s19 =	sand.u32 $0x70, s13  }
0x232: {  	v8 =	vmovc v17;
	v17 =	vld.idx.msk [tilespmem:v52+s10+$0x0], $0xffff;
	v7 =	vmovc v18;
	v1 =	vmul.f32 v45, v47;
	(erf) = vrcp.f32 v42;
	s12 =	sand.u32 $0x60, s12;
	v18 =	vmov s19  }
0x233: {  	v2 =	vmovc v6;
	s11 =	sadd.s32 $0x2, s11;
	v9 =	vsub.f32 $1.500000000e+00, v53;
	v55 =	vsub.f32 v44, v51;
	v6 =	vmovc v0;
	v0 =	vmov s12  }
0x234: {  	v42 =	vmovc v60;
	v44 =	vmovc v28;
	s31 =	sshll.u32 s11, $0x7;
	v18 =	vshll.u32 v18, $0x3;
	v60 =	vsub.f32 $1.500000000e+00, v1;
	v0 =	vshll.u32 v0, $0x3  }
0x235: {  	v51 =	vmovc v31;
	s12 =	sand.u32 $0xFFFFFC00, s31;
	v28 =	vmul.f32 v50, v9;
	v31 =	vmul.f32 v55, v22;
	v0 =	vor.u32 v61, v0  }
0x236: {  	v45 =	vmovc v30;
	v18 =	vor.u32 v61, v18;
	v30 =	vmul.f32 v60, v47;
	v47 =	vor.u32 s12, v0  }
0x237: {  	s6 =	sadd.s32 $0x20, s6;
	v55 =	vor.u32 s12, v18;
	v9 =	vmovc v27;
	v1 =	vadd.f32 v17, v48;
	v27 =	vadd.f32 v41, v40  }
0x238: {  	v54 =	vmovc v34;
	s2 =	sadd.s32 $0x20, s2;
	v34 =	vld [tilespmem:s6+$0xFFFFFFF0];
	v0 =	vmul.f32 v28, v49;
	v50 =	vor.u32 $0x1, v47;
	v48 =	vor.u32 $0x2, v47  }
0x239: {  	v53 =	vmovc v33;
	v18 =	vmul.f32 v30, v46;
	v46 =	vld [tilespmem:s2+$0xFFFFFFF0];
	v33 =	vmul.f32 $5.000000000e-01, v1;
	vm1 =	veq.f32 v27, $0.0e+00  }
0x23a: {  	[tilespmem:v3+s29+$0x0] =	vst.idx.msk $0xffff, v43;
	v0 =	vmul.f32 v0, v28;
	v1 =	vld [tilespmem:$0x1FFD0];
	v27 =	vsel vm1, $0x7F800000, v27  }
0x23b: {  	v43 =	vmov v63;
	v63 =	vmul.f32 v18, v30;
	v27 =	vadd.f32 v33, v27;
	v56 =	vld.idx.msk [tilespmem:v47+s16+$0x0], $0xffff  }
0x23c: {  	v52 =	vmovc v32;
	v60 =	vmul.f32 v31, v11;
	v11 =	vmovc v29;
	v17 =	vor.u32 $0x1, v55;
	v0 =	vsub.f32 $1.500000000e+00, v0;
	v58 =	vld.idx.msk [tilespmem:v47+s10+$0x0], $0xffff  }
0x23d: {  	v22 =	vpop (erf);
	v32 =	vsub.f32 $1.500000000e+00, v63;
	v29 =	vld.idx.msk [tilespmem:v48+s16+$0x0], $0xffff;
	(erf) = vrcp.f32 v27;
	v27 =	vadd.f32 v31, v38  }
0x23e: {  	v0 =	vmul.f32 v0, v28;
	v28 =	vmul.f32 v60, v37;
	v38 =	vld.idx.msk [tilespmem:v50+s10+$0x0], $0xffff  }
0x23f: {  	v57 =	vor.u32 $0x3, v55;
	v61 =	vmul.f32 v32, v30;
	v32 =	vld.idx.msk [tilespmem:v50+s16+$0x0], $0xffff;
	[tilespmem:s9+$0x0] =	vst v27;
	v27 =	vmul.f32 v31, v12  }
0x240: {  	v12 =	vmovc v23;
	v23 =	vld.idx.msk [tilespmem:v48+s10+$0x0], $0xffff;
	v31 =	vmul.f32 v0, v49;
	v49 =	vsub.f32 $0.0e+00, v28;
	v28 =	vmul.f32 v20, v4  }
0x241: {  	v59 =	vor.u32 $0x4, v55;
	v18 =	vor.u32 $0x2, v55;
	v4 =	vmovc v1;
	v1 =	vmovc v24;
	v60 =	vld.idx.msk [tilespmem:v17+s16+$0x0], $0xffff;
	v30 =	vmul.f32 v61, v21  }
0x242: {  	v24 =	vld.idx.msk [tilespmem:v17+s10+$0x0], $0xffff;
	v20 =	vmul.f32 v27, v37;
	v27 =	vmul.f32 v31, v0;
	[tilespmem:v42+s29+$0x0] =	vst.idx.msk $0xffff, v28  }
0x243: {  	v33 =	vmul.f32 v33, v46;
	v31 =	vsub.f32 v56, v58;
	v37 =	vld.idx.msk [tilespmem:v55+s16+$0x0], $0xffff;
	v30 =	vsub.f32 v34, v30  }
0x244: {  	[tilespmem:$0x1FFD0] =	vst v1;
	v56 =	vld.idx.msk [tilespmem:v55+s10+$0x0], $0xffff;
	v34 =	vmul.f32 v49, v10;
	v1 =	vsub.f32 $1.500000000e+00, v27;
	v10 =	vmul.f32 v20, v10  }
0x245: {  	v3 =	vmovc v62;
	v28 =	vmul.f32 v49, v43;
	v43 =	vmul.f32 v20, v43;
	v62 =	vadd.f32 $0.0e+00, v30  }
0x246: {  	v58 =	vld.idx.msk [tilespmem:v18+s10+$0x0], $0xffff;
	v32 =	vsub.f32 v32, v38;
	v30 =	vmul.f32 v49, v4;
	v0 =	vmul.f32 v1, v0  }
0x247: {  	v49 =	vld.idx.msk [tilespmem:v18+s16+$0x0], $0xffff;
	v38 =	vsub.f32 v62, v33;
	v33 =	vsub.f32 v29, v23;
	v29 =	vmul.f32 v31, v31  }
0x248: {  	v27 =	vpop (erf);
	v62 =	vmul.f32 v32, v32;
	v23 =	vld.idx.msk [tilespmem:v57+s16+$0x0], $0xffff;
	[tilespmem:v5+s29+$0x0] =	vst.idx.msk $0xffff, v10;
	v10 =	vmov v19  }
0x249: {  	v19 =	vsub.f32 v37, v56;
	v1 =	vld.idx.msk [tilespmem:v59+s16+$0x0], $0xffff;
	v38 =	vmul.f32 v38, v27;
	v63 =	vmul.f32 v33, v33  }
0x24a: {  	v27 =	vsub.f32 v60, v24;
	v60 =	vmul.f32 v0, v39;
	v24 =	vadd.f32 v62, v29;
	v29 =	vld.idx.msk [tilespmem:v57+s10+$0x0], $0xffff  }
0x24b: {  	vm1 =	vgt.f32 v21, $0.0e+00;
	v57 =	vld [tilespmem:s6+$0x0];
	v39 =	vmul.f32 v38, v40;
	v41 =	vmul.f32 v38, v41  }
0x24c: {  	v40 =	vld.idx.msk [tilespmem:v59+s10+$0x0], $0xffff;
	v21 =	vadd.f32 v63, v24;
	v56 =	vmul.f32 v27, v27;
	v59 =	vmul.f32 v19, v19  }
0x24d: {  	v37 =	vnsel vm1, $0x7F800000, v61;
	v61 =	vadd.f32 v38, v46;
	v38 =	vld [tilespmem:s2+$0x0];
	v24 =	vsub.f32 v49, v58;
	[tilespmem:v3+s14+$0x0] =	vst.idx.msk $0xffff, v54  }
0x24e: {  	v3 =	vmovc v6;
	v6 =	vmov v7;
	v39 =	vmul.f32 v39, v37;
	v37 =	vmul.f32 v41, v37  }
0x24f: {  	v7 =	vmovc v8;
	v62 =	vmovc v5;
	v5 =	vmov v13;
	v41 =	vshrl.u32 v21, $0x1;
	v46 =	vmul.f32 $5.000000000e-01, v21  }
0x250: {  	s9 =	sadd.s32 $0x20, s9;
	[tilespmem:v35+s14+$0x0] =	vst.idx.msk $0xffff, v44;
	v56 =	vadd.f32 v56, v59;
	v49 =	vmul.f32 v39, v51;
	v54 =	vsub.f32 $0.0e+00, v37  }
0x251: {  	v13 =	vmovc v55;
	[tilespmem:s9+$0xFFFFFFF0] =	vst v61;
	v41 =	vsub.s32 $0x5F3759DF, v41;
	v37 =	vmul.f32 v39, v52;
	v8 =	vmul.f32 v39, v53  }
0x252: {  	v55 =	vor.u32 $0x3, v47;
	v59 =	vmul.f32 v41, v46;
	[tilespmem:v15+s29+$0x0] =	vst.idx.msk $0xffff, v49;
	v49 =	vmul.f32 v54, v51  }
0x253: {  	v51 =	vmul.f32 v54, v52;
	[tilespmem:v16+s29+$0x0] =	vst.idx.msk $0xffff, v37;
	v37 =	vnsel vm0, $0x7F800000, v0;
	v0 =	vmul.f32 v24, v24  }
0x254: {  	v35 =	vmov v26;
	v58 =	vmul.f32 v41, v59;
	v59 =	vsub.f32 v57, v60;
	[tilespmem:v14+s29+$0x0] =	vst.idx.msk $0xffff, v8  }
0x255: {  	v52 =	vor.u32 $0x4, v47;
	v8 =	vmul.f32 v54, v53;
	[tilespmem:v15+s14+$0x0] =	vst.idx.msk $0xffff, v49;
	v39 =	vadd.f32 v0, v56  }
0x256: {  	p2 =	slt.u32 s11, $0x26;
	v26 =	vmovc v25;
	v25 =	vmov v17;
	v0 =	vadd.f32 v40, v1;
	v1 =	vsub.f32 $1.500000000e+00, v58;
	[tilespmem:v16+s14+$0x0] =	vst.idx.msk $0xffff, v51  }
.Ltmp3:
0x257: {  	v63 =	vmovc v9;
	v58 =	vadd.f32 v29, v23;
	[tilespmem:v14+s14+$0x0] =	vst.idx.msk $0xffff, v8;
	v8 =	vshrl.u32 v39, $0x1;
	v49 =	vmul.f32 $5.000000000e-01, v39;
	(pc) =	sbr.rel @p2 .LBB2_5-.Ltmp3, $4  }
0x258: {  	v61 =	vld [tilespmem:$0x1FFF0];
	[tilespmem:v42+s14+$0x0] =	vst.idx.msk $0xffff, v45;
	v51 =	vmul.f32 v36, v38;
	v16 =	vmovc v50;
	v36 =	vmul.f32 $5.000000000e-01, v0;
	v50 =	vsub.s32 $0x5F3759DF, v8  }
0x259: {  	v15 =	vmovc v47;
	v47 =	vmul.f32 v41, v1;
	vm0 =	veq.f32 v58, $0.0e+00;
	v40 =	vld.idx.msk [tilespmem:v55+s16+$0x0], $0xffff;
	v0 =	vmul.f32 v50, v49  }
0x25a: {  	v60 =	vmovc v2;
	v44 =	vadd.f32 $0.0e+00, v59;
	v14 =	vmovc v48;
	v1 =	vsel vm0, $0x7F800000, v58;
	v48 =	vld.idx.msk [tilespmem:v52+s16+$0x0], $0xffff;
	vm0 =	vgt.f32 v39, $0.0e+00  }
0x25b: {  	s13 =	sadd.s32 $0x20, s13;
	v41 =	vld.idx.msk [tilespmem:v55+s10+$0x0], $0xffff;
	v45 =	vmul.f32 v47, v46;
	v42 =	vadd.f32 v36, v1;
	v53 =	vmul.f32 v50, v0  }
0x25c: {  	_ =	sdelay $0x1  }
0x25d: {  	v0 =	vsub.f32 $1.500000000e+00, v53;
	_ =	sdelay $0x1  }
0x25e: {  	v59 =	vld.idx.msk [tilespmem:v52+s10+$0x0], $0xffff;
	v45 =	vmul.f32 v45, v47;
	v0 =	vmul.f32 v50, v0;
	_ =	sdelay $0x1  }
0x25f: {  	v45 =	vsub.f32 $1.500000000e+00, v45;
	v1 =	vmul.f32 v0, v49;
	_ =	sdelay $0x1  }
0x260: {  	v45 =	vmul.f32 v45, v47;
	v1 =	vmul.f32 v1, v0  }
0x261: {  	v52 =	vadd.f32 v41, v40;
	v9 =	vadd.f32 v59, v48  }
0x262: {  	v8 =	vmul.f32 v45, v46;
	v1 =	vsub.f32 $1.500000000e+00, v1  }
0x263: {  	vm1 =	veq.f32 v52, $0.0e+00;
	v46 =	vmul.f32 $5.000000000e-01, v9  }
0x264: {  	v47 =	vsel vm1, $0x7F800000, v52;
	v0 =	vmul.f32 v1, v0;
	v1 =	vmul.f32 v8, v45  }
0x265: {  	v47 =	vadd.f32 v46, v47  }
0x266: {  	s6 =	sadd.s32 $0x20, s6;
	(erf) = vrcp.f32 v42;
	v53 =	vmul.f32 v0, v49;
	v1 =	vsub.f32 $1.500000000e+00, v1  }
0x267: {  	v54 =	vld [tilespmem:s6+$0xFFFFFFF0];
	(erf) = vrcp.f32 v47  }
0x268: {  	s2 =	sadd.s32 $0x20, s2;
	v48 =	vmul.f32 v53, v0;
	v1 =	vmul.f32 v1, v45  }
0x269: {  	v56 =	vld [tilespmem:s2+$0xFFFFFFF0]  }
0x26a: {  	v48 =	vsub.f32 $1.500000000e+00, v48;
	v58 =	vmul.f32 v1, v21  }
0x26b: {  	v55 =	vld [tilespmem:s6+$0x0]  }
0x26c: {  	v0 =	vmul.f32 v48, v0;
	v42 =	vsub.f32 v54, v58  }
0x26d: {  	v57 =	vld [tilespmem:s2+$0x0]  }
0x26e: {  	v46 =	vmul.f32 v46, v56;
	v39 =	vmul.f32 v0, v39;
	v42 =	vadd.f32 $0.0e+00, v42  }
0x26f: {  	v44 =	vsub.f32 v44, v51  }
0x270: {  	v59 =	vpop (erf);
	v39 =	vsub.f32 v55, v39;
	v42 =	vsub.f32 v42, v46  }
0x271: {  	v4 =	vmul.f32 v20, v4;
	v22 =	vmul.f32 v44, v22;
	v2 =	vpop (erf)  }
0x272: {  	[tilespmem:v3+s29+$0x0] =	vst.idx.msk $0xffff, v43;
	v36 =	vmul.f32 v36, v57;
	v39 =	vadd.f32 $0.0e+00, v39;
	v8 =	vmul.f32 v42, v2  }
0x273: {  	[tilespmem:v60+s29+$0x0] =	vst.idx.msk $0xffff, v4;
	v38 =	vadd.f32 v22, v38;
	v12 =	vmul.f32 v22, v12  }
0x274: {  	[tilespmem:v62+s14+$0x0] =	vst.idx.msk $0xffff, v34;
	v36 =	vsub.f32 v39, v36;
	v42 =	vadd.f32 v8, v56  }
0x275: {  	s19 =	sadd.s32 $0x20, s9;
	vm15 =	vgt.f32 v21, $0.0e+00;
	[tilespmem:v35+s14+$0x0] =	vst.idx.msk $0xffff, v28;
	v12 =	vmul.f32 v12, v37;
	v40 =	vmul.f32 v8, v40  }
0x276: {  	v1 =	vnsel vm15, $0x7F800000, v1;
	v36 =	vmul.f32 v36, v59;
	[tilespmem:s19+$0xFFFFFFF0] =	vst v42;
	v42 =	vmul.f32 v8, v41  }
0x277: {  	[tilespmem:v60+s14+$0x0] =	vst.idx.msk $0xffff, v30;
	v43 =	vmul.f32 v12, v10;
	v21 =	vmul.f32 v40, v1  }
0x278: {  	[tilespmem:s9+$0x0] =	vst v38;
	v9 =	vadd.f32 v36, v57;
	v1 =	vmul.f32 v42, v1  }
0x279: {  	[tilespmem:v5+s29+$0x0] =	vst.idx.msk $0xffff, v43;
	v44 =	vmul.f32 v21, v31  }
0x27a: {  	v2 =	vmul.f32 v21, v32;
	[tilespmem:s19+$0x0] =	vst v9;
	v1 =	vsub.f32 $0.0e+00, v1  }
0x27b: {  	v48 =	vmul.f32 v22, v11;
	v45 =	vmul.f32 v21, v33;
	[tilespmem:v15+s29+$0x0] =	vst.idx.msk $0xffff, v44  }
0x27c: {  	v49 =	vmul.f32 v36, v23;
	[tilespmem:v16+s29+$0x0] =	vst.idx.msk $0xffff, v2;
	v46 =	vmul.f32 v1, v31  }
0x27d: {  	v0 =	vnsel vm0, $0x7F800000, v0;
	v54 =	vmul.f32 v36, v29;
	[tilespmem:v14+s29+$0x0] =	vst.idx.msk $0xffff, v45;
	v47 =	vmul.f32 v1, v32  }
0x27e: {  	v2 =	vmul.f32 v49, v0;
	v1 =	vmul.f32 v1, v33;
	[tilespmem:v15+s14+$0x0] =	vst.idx.msk $0xffff, v46  }
0x27f: {  	v51 =	vmul.f32 v12, v63;
	v0 =	vmul.f32 v54, v0;
	[tilespmem:v16+s14+$0x0] =	vst.idx.msk $0xffff, v47  }
0x280: {  	v50 =	vmul.f32 v48, v37;
	v55 =	vmul.f32 v2, v19;
	[tilespmem:v14+s14+$0x0] =	vst.idx.msk $0xffff, v1  }
0x281: {  	v0 =	vsub.f32 $0.0e+00, v0;
	v59 =	vmul.f32 v2, v27;
	v52 =	vld [tilespmem:$0x1FFD0];
	[tilespmem:v7+s29+$0x0] =	vst.idx.msk $0xffff, v51  }
0x282: {  	v3 =	vsub.f32 $0.0e+00, v50;
	v60 =	vmul.f32 v2, v24;
	[tilespmem:v13+s29+$0x0] =	vst.idx.msk $0xffff, v55  }
0x283: {  	v62 =	vmul.f32 v0, v19;
	[tilespmem:v17+s29+$0x0] =	vst.idx.msk $0xffff, v59  }
0x284: {  	v57 =	vmul.f32 v3, v63;
	v63 =	vmul.f32 v0, v27;
	[tilespmem:v18+s29+$0x0] =	vst.idx.msk $0xffff, v60  }
0x285: {  	v0 =	vmul.f32 v0, v24;
	[tilespmem:v13+s14+$0x0] =	vst.idx.msk $0xffff, v62  }
0x286: {  	[tilespmem:v25+s14+$0x0] =	vst.idx.msk $0xffff, v63;
	v53 =	vmul.f32 v12, v52  }
0x287: {  	v56 =	vmul.f32 v3, v10;
	[tilespmem:v18+s14+$0x0] =	vst.idx.msk $0xffff, v0  }
0x288: {  	[tilespmem:v6+s29+$0x0] =	vst.idx.msk $0xffff, v53  }
0x289: {  	v58 =	vmul.f32 v3, v52;
	[tilespmem:v5+s14+$0x0] =	vst.idx.msk $0xffff, v56  }
0x28a: {  	s23 =	rddreg [dreg:$0x3];
	[tilespmem:v26+s14+$0x0] =	vst.idx.msk $0xffff, v57  }
0x28b: {  	s31 =	simm.s32 $0x8E80;
	s2 =	sadd.s32 s23, s3;
	[tilespmem:v6+s14+$0x0] =	vst.idx.msk $0xffff, v58  }
0x28c: {  	[hbm4b:s2+s18] =	stream.linear.scatter [tilespmem:s31], [sflag:$0x4], $0x280, $0x38;
	[tilespmem:$0x11AA8] =	vst v63  }
0x28d: {  	s18 =	simm.s32 $0x5C80  }
0x28e: {  	[spmem:s4] =	stream.indirect.scatter.add.f32 [tilespmem:s29], [sflag:$0x5], $0x4, s18, s24, $0xb8;
	[tilespmem:$0x11AA8] =	vst v63  }
0x28f: {  	_ =	swait.ge [sflag:s21], $0x200  }
0x290: {  	[sflag:s21] =	ssyncset.done $0x0  }
0x291: {  	s13 =	simm.s32 $0x5F00;
	[sflag:s21] =	ssyncadd.s32 $0xFFFFFE00  }
0x292: {  	[spmem:s4] =	stream.indirect.scatter.add.f32 [tilespmem:s14], [sflag:$0x5], $0x4, s13, s24, $0xb8;
	[tilespmem:$0x11AA8] =	vst v63  }
0x293: {  	_ =	swait.ge [sflag:s21], $0x200  }
0x294: {  	[sflag:s21] =	ssyncset.done $0x0  }
0x295: {  	s5 =	simm.s32 $0x9500;
	s19 =	simm.s32 $0x5D00;
	[sflag:s21] =	ssyncadd.s32 $0xFFFFFE00  }
0x296: {  	[spmem:s4] =	stream.indirect.scatter.add.f32 [tilespmem:s5], [sflag:$0x5], $0x4, s19, s24, $0xb8;
	[tilespmem:$0x11AA8] =	vst v63  }
0x297: {  	_ =	swait.ge [sflag:s21], $0x200  }
0x298: {  	[sflag:s21] =	ssyncset.done $0x0  }
0x299: {  	s12 =	simm.s32 $0x5F80;
	s6 =	simm.s32 $0xA900;
	[sflag:s21] =	ssyncadd.s32 $0xFFFFFE00  }
0x29a: {  	[spmem:s4] =	stream.indirect.scatter.add.f32 [tilespmem:s6], [sflag:$0x5], $0x4, s12, s24, $0xb8;
	[tilespmem:$0x11AA8] =	vst v63  }
0x29b: {  	_ =	swait.ge [sflag:s21], $0x200  }
0x29c: {  	[sflag:s21] =	ssyncset.done $0x0  }
0x29d: {  	s11 =	simm.s32 $0x9900;
	s9 =	simm.s32 $0x5D80;
	[sflag:s21] =	ssyncadd.s32 $0xFFFFFE00  }
0x29e: {  	[spmem:s4] =	stream.indirect.scatter.add.f32 [tilespmem:s11], [sflag:$0x5], $0x4, s9, s24, $0xb8;
	[tilespmem:$0x11AA8] =	vst v63  }
0x29f: {  	_ =	swait.ge [sflag:s21], $0x200  }
0x2a0: {  	[sflag:s21] =	ssyncset.done $0x0  }
0x2a1: {  	s31 =	simm.s32 $0xAD00;
	[sflag:s21] =	ssyncadd.s32 $0xFFFFFE00  }
0x2a2: {  	[spmem:s4] =	stream.indirect.scatter.add.f32 [tilespmem:s31], [sflag:$0x5], $0x4, s30, s24, $0xb8;
	[tilespmem:$0x11AA8] =	vst v63  }
0x2a3: {  	_ =	swait.ge [sflag:s21], $0x200  }
0x2a4: {  	[sflag:s21] =	ssyncset.done $0x0  }
0x2a5: {  	s3 =	simm.s32 $0x5E00;
	s5 =	simm.s32 $0x9D00;
	[sflag:s21] =	ssyncadd.s32 $0xFFFFFE00  }
0x2a6: {  	[spmem:s4] =	stream.indirect.scatter.add.f32 [tilespmem:s5], [sflag:$0x5], $0x4, s3, s24, $0xb8;
	[tilespmem:$0x11AA8] =	vst v63  }
0x2a7: {  	_ =	swait.ge [sflag:s21], $0x200  }
0x2a8: {  	[sflag:s21] =	ssyncset.done $0x0  }
0x2a9: {  	s6 =	simm.s32 $0x6080;
	s9 =	simm.s32 $0xB100;
	[sflag:s21] =	ssyncadd.s32 $0xFFFFFE00  }
0x2aa: {  	[spmem:s4] =	stream.indirect.scatter.add.f32 [tilespmem:s9], [sflag:$0x5], $0x4, s6, s24, $0xb8;
	[tilespmem:$0x11AA8] =	vst v63  }
0x2ab: {  	_ =	swait.ge [sflag:s21], $0x200  }
0x2ac: {  	[sflag:s21] =	ssyncset.done $0x0  }
0x2ad: {  	s11 =	simm.s32 $0x5E80;
	s30 =	simm.s32 $0xA100;
	[sflag:s21] =	ssyncadd.s32 $0xFFFFFE00  }
0x2ae: {  	[spmem:s4] =	stream.indirect.scatter.add.f32 [tilespmem:s30], [sflag:$0x5], $0x4, s11, s24, $0xb8;
	[tilespmem:$0x11AA8] =	vst v63  }
0x2af: {  	s1 =	sadd.s32 $0x1, s1;
	_ =	swait.ge [sflag:s21], $0x200  }
0x2b0: {  	p2 =	sne.s32 s1, $0x9C;
	[sflag:s21] =	ssyncset.done $0x0  }
.Ltmp4:
0x2b1: {  	s31 =	simm.s32 $0xB500;
	[sflag:s21] =	ssyncadd.s32 $0xFFFFFE00;
	(pc) =	sbr.rel @p2 .LBB2_2-.Ltmp4, $4  }
0x2b2: {  	[spmem:s4] =	stream.indirect.scatter.add.f32 [tilespmem:s31], [sflag:$0x5], $0x4, s26, s24, $0xb8;
	[tilespmem:$0x11AA8] =	vst v63  }
0x2b3: {  	_ =	swait.ge [sflag:s21], $0x200  }
0x2b4: {  	[sflag:s21] =	ssyncset.done $0x0  }
0x2b5: {  	s23 =	simm.s32 $0x0;
	[sflag:s21] =	ssyncadd.s32 $0xFFFFFE00  }
0x2b6: {  	s1 =	simm.s32 $0x2  }
0x2b7: {  	_ =	swait.ge [sflag:s1], $0x280  }
.Ltmp5:
0x2b8: {  	[sflag:s1] =	ssyncset.done $0x0;
	(pc) =	sbr.rel @!p1 .LBB2_8-.Ltmp5, $4  }
0x2b9: {  	s31 =	simm.s32 $0x4;
	[sflag:s1] =	ssyncadd.s32 $0xFFFFFD80  }
0x2ba: {  	_ =	swait.ge [sflag:s31], $0x280  }
0x2bb: {  	[sflag:s31] =	ssyncset.done $0x0  }
0x2bc: {  	[sflag:s31] =	ssyncadd.s32 $0xFFFFFD80  }
0x2bd: {  	s1 =	rddreg [dreg:$0xc];
	s3 =	simm.s32 $0x0  }
0x2be: {  	[tilespmem:s3], [sflag:$0x5] =	stream.linear.gather [hbm4b:s1+s3], $0x500, $0x38;
	[tilespmem:$0x11AA8] =	vst v63  }
0x2bf: {  	_ =	swait.ge [sflag:s21], $0x500  }
0x2c0: {  	[sflag:s21] =	ssyncset.done $0x0  }
0x2c1: {  	s2 =	simm.s32 $0x2D00;
	s23 =	rddreg [dreg:$0xd];
	[sflag:s21] =	ssyncadd.s32 $0xFFFFFB00  }
0x2c2: {  	[tilespmem:s2], [sflag:$0x1] =	stream.linear.gather [hbm4b:s23+s3], $0x280, $0x38;
	[tilespmem:$0x11AA8] =	vst v63  }
0x2c3: {  	s30 =	simm.s32 $0x2F80;
	s26 =	rddreg [dreg:$0xe]  }
0x2c4: {  	[tilespmem:s30], [sflag:$0x1] =	stream.linear.gather [hbm4b:s26+s3], $0x280, $0x38;
	[tilespmem:$0x11AA8] =	vst v63  }
0x2c5: {  	_ = 	snop  }
0x2c6: {  	[tilespmem:s25], [sflag:$0x1] =	stream.indirect.gather [hbm4b:s7+s24], $0x8, s3, s24, $0xb8;
	[tilespmem:$0x11AA8] =	vst v63  }
0x2c7: {  	s31 =	simm.s32 $0x280  }
0x2c8: {  	[tilespmem:s28], [sflag:$0x1] =	stream.indirect.gather [hbm4b:s7+s24], $0x8, s31, s24, $0xb8;
	[tilespmem:$0x11AA8] =	vst v63  }
0x2c9: {  	s2 =	simm.s32 $0x900  }
0x2ca: {  	[tilespmem:s2], [sflag:$0x1] =	stream.indirect.gather [hbm4b:s7+s24], $0x8, s24, s24, $0xb8;
	[tilespmem:$0x11AA8] =	vst v63  }
0x2cb: {  	s5 =	simm.s32 $0x1D00;
	s3 =	simm.s32 $0x300  }
0x2cc: {  	[tilespmem:s5], [sflag:$0x1] =	stream.indirect.gather [hbm4b:s7+s24], $0x8, s3, s24, $0xb8;
	[tilespmem:$0x11AA8] =	vst v63  }
0x2cd: {  	s6 =	simm.s32 $0x100;
	s9 =	simm.s32 $0xD00  }
0x2ce: {  	[tilespmem:s9], [sflag:$0x1] =	stream.indirect.gather [hbm4b:s7+s24], $0x8, s6, s24, $0xb8;
	[tilespmem:$0x11AA8] =	vst v63  }
0x2cf: {  	s11 =	simm.s32 $0x380;
	s12 =	simm.s32 $0x2100  }
0x2d0: {  	[tilespmem:s12], [sflag:$0x1] =	stream.indirect.gather [hbm4b:s7+s24], $0x8, s11, s24, $0xb8;
	[tilespmem:$0x11AA8] =	vst v63  }
0x2d1: {  	s23 =	simm.s32 $0x180;
	s26 =	simm.s32 $0x1100  }
0x2d2: {  	[tilespmem:s26], [sflag:$0x1] =	stream.indirect.gather [hbm4b:s7+s24], $0x8, s23, s24, $0xb8;
	[tilespmem:$0x11AA8] =	vst v63  }
0x2d3: {  	s30 =	simm.s32 $0x400;
	s31 =	simm.s32 $0x2500  }
0x2d4: {  	[tilespmem:s31], [sflag:$0x1] =	stream.indirect.gather [hbm4b:s7+s24], $0x8, s30, s24, $0xb8;
	[tilespmem:$0x11AA8] =	vst v63  }
0x2d5: {  	s2 =	simm.s32 $0x200;
	s3 =	simm.s32 $0x1500  }
0x2d6: {  	[tilespmem:s3], [sflag:$0x1] =	stream.indirect.gather [hbm4b:s7+s24], $0x8, s2, s24, $0xb8;
	[tilespmem:$0x11AA8] =	vst v63  }
0x2d7: {  	s5 =	simm.s32 $0x480;
	s6 =	simm.s32 $0x2900  }
0x2d8: {  	[tilespmem:s6], [sflag:$0x1] =	stream.indirect.gather [hbm4b:s7+s24], $0x8, s5, s24, $0xb8;
	[tilespmem:$0x11AA8] =	vst v63  }
0x2d9: {  	_ =	swait.ge [sflag:s0], $0x280  }
0x2da: {  	[sflag:s0] =	ssyncset.done $0x0  }
0x2db: {  	[sflag:s0] =	ssyncadd.s32 $0xFFFFFD80  }
0x2dc: {  	_ =	swait.ge [sflag:s0], $0x280  }
0x2dd: {  	[sflag:s0] =	ssyncset.done $0x0  }
0x2de: {  	[sflag:s0] =	ssyncadd.s32 $0xFFFFFD80  }
0x2df: {  	_ =	swait.ge [sflag:s0], $0x400  }
0x2e0: {  	[sflag:s0] =	ssyncset.done $0x0  }
0x2e1: {  	[sflag:s0] =	ssyncadd.s32 $0xFFFFFC00  }
0x2e2: {  	_ =	swait.ge [sflag:s0], $0x400  }
0x2e3: {  	[sflag:s0] =	ssyncset.done $0x0  }
0x2e4: {  	[sflag:s0] =	ssyncadd.s32 $0xFFFFFC00  }
0x2e5: {  	_ =	swait.ge [sflag:s0], $0x400  }
0x2e6: {  	[sflag:s0] =	ssyncset.done $0x0  }
0x2e7: {  	[sflag:s0] =	ssyncadd.s32 $0xFFFFFC00  }
0x2e8: {  	_ =	swait.ge [sflag:s0], $0x400  }
0x2e9: {  	[sflag:s0] =	ssyncset.done $0x0  }
0x2ea: {  	[sflag:s0] =	ssyncadd.s32 $0xFFFFFC00  }
0x2eb: {  	_ =	swait.ge [sflag:s0], $0x400  }
0x2ec: {  	[sflag:s0] =	ssyncset.done $0x0  }
0x2ed: {  	[sflag:s0] =	ssyncadd.s32 $0xFFFFFC00  }
0x2ee: {  	_ =	swait.ge [sflag:s0], $0x400  }
0x2ef: {  	[sflag:s0] =	ssyncset.done $0x0  }
0x2f0: {  	[sflag:s0] =	ssyncadd.s32 $0xFFFFFC00  }
0x2f1: {  	_ =	swait.ge [sflag:s0], $0x400  }
0x2f2: {  	[sflag:s0] =	ssyncset.done $0x0  }
0x2f3: {  	s9 =	simm.s32 $0x0;
	[sflag:s0] =	ssyncadd.s32 $0xFFFFFC00  }
0x2f4: {  	s1 =	sand.u32 $0x60, s9;
	_ =	swait.ge [sflag:s0], $0x400  }
0x2f5: {  	v0 =	vmov s1;
	[sflag:s0] =	ssyncset.done $0x0  }
0x2f6: {  	s11 =	simm.s32 $0x0;
	v0 =	vshll.u32 v0, $0x3;
	[sflag:s0] =	ssyncadd.s32 $0xFFFFFC00  }
0x2f7: {  	s1 =	sand.u32 $0xFFFFFC00, s11;
	v0 =	vor.u32 v61, v0;
	_ =	swait.ge [sflag:s0], $0x400  }
0x2f8: {  	v22 =	vor.u32 s1, v0;
	[sflag:s0] =	ssyncset.done $0x0  }
0x2f9: {  	s12 =	simm.s32 $0x10;
	[sflag:s0] =	ssyncadd.s32 $0xFFFFFC00  }
0x2fa: {  	v19 =	vor.u32 $0x1, v22;
	s2 =	sand.u32 $0x70, s12;
	_ =	swait.ge [sflag:s0], $0x400  }
0x2fb: {  	v0 =	vmov s2;
	[sflag:s0] =	ssyncset.done $0x0  }
0x2fc: {  	v21 =	vor.u32 $0x2, v22;
	v0 =	vshll.u32 v0, $0x3;
	[sflag:s0] =	ssyncadd.s32 $0xFFFFFC00  }
0x2fd: {  	v0 =	vor.u32 v61, v0;
	v4 =	vld.idx.msk [tilespmem:v22+s25+$0x0], $0xffff  }
0x2fe: {  	v2 =	vor.u32 s1, v0;
	v5 =	vld.idx.msk [tilespmem:v22+s28+$0x0], $0xffff  }
0x2ff: {  	v62 =	vor.u32 $0x1, v2;
	v0 =	vld.idx.msk [tilespmem:v19+s25+$0x0], $0xffff  }
0x300: {  	v6 =	vld.idx.msk [tilespmem:v19+s28+$0x0], $0xffff  }
0x301: {  	v7 =	vld.idx.msk [tilespmem:v21+s25+$0x0], $0xffff  }
0x302: {  	v8 =	vld.idx.msk [tilespmem:v21+s28+$0x0], $0xffff  }
0x303: {  	v60 =	vor.u32 $0x2, v2  }
0x304: {  	v9 =	vld.idx.msk [tilespmem:v62+s25+$0x0], $0xffff  }
0x305: {  	v14 =	vsub.f32 v4, v5;
	v13 =	vsub.f32 v0, v6;
	v0 =	vld.idx.msk [tilespmem:v62+s28+$0x0], $0xffff  }
0x306: {  	v4 =	vld.idx.msk [tilespmem:v2+s25+$0x0], $0xffff  }
0x307: {  	v18 =	vsub.f32 v7, v8;
	v7 =	vld.idx.msk [tilespmem:v2+s28+$0x0], $0xffff;
	v5 =	vmul.f32 v14, v14;
	v6 =	vmul.f32 v13, v13  }
0x308: {  	v8 =	vld.idx.msk [tilespmem:v60+s25+$0x0], $0xffff  }
0x309: {  	v10 =	vmul.f32 v18, v18;
	v5 =	vadd.f32 v6, v5;
	v6 =	vld.idx.msk [tilespmem:v60+s28+$0x0], $0xffff;
	_ =	sdelay $0x1  }
0x30a: {  	v23 =	vsub.f32 v9, v0;
	v10 =	vadd.f32 v10, v5;
	v5 =	vor.u32 $0x3, v2  }
0x30b: {  	v24 =	vsub.f32 v4, v7;
	v9 =	vor.u32 $0x4, v2  }
0x30c: {  	v11 =	vmul.f32 v23, v23;
	v0 =	vshrl.u32 v10, $0x1;
	v7 =	vmul.f32 $5.000000000e-01, v10  }
0x30d: {  	v12 =	vmul.f32 v24, v24;
	v0 =	vsub.s32 $0x5F3759DF, v0;
	v4 =	vsub.f32 v8, v6  }
0x30e: {  	v6 =	vmul.f32 v0, v7  }
0x30f: {  	v8 =	vadd.f32 v11, v12;
	v11 =	vmul.f32 v4, v4;
	v20 =	vld.idx.msk [tilespmem:v5+s25+$0x0], $0xffff  }
0x310: {  	v25 =	vld.idx.msk [tilespmem:v5+s28+$0x0], $0xffff;
	v5 =	vor.u32 $0x3, v22;
	v6 =	vmul.f32 v0, v6  }
0x311: {  	v27 =	vadd.f32 v11, v8;
	v8 =	vld.idx.msk [tilespmem:v9+s25+$0x0], $0xffff;
	v11 =	vor.u32 $0x4, v22  }
0x312: {  	v9 =	vld.idx.msk [tilespmem:v9+s28+$0x0], $0xffff;
	v6 =	vsub.f32 $1.500000000e+00, v6  }
0x313: {  	v12 =	vshrl.u32 v27, $0x1;
	v15 =	vmul.f32 $5.000000000e-01, v27  }
0x314: {  	v0 =	vmul.f32 v0, v6;
	v6 =	vsub.s32 $0x5F3759DF, v12  }
0x315: {  	v28 =	vld.idx.msk [tilespmem:v5+s25+$0x0], $0xffff;
	v12 =	vmul.f32 v6, v15  }
0x316: {  	v29 =	vld.idx.msk [tilespmem:v11+s25+$0x0], $0xffff  }
0x317: {  	s23 =	simm.s32 $0x20;
	v16 =	vmul.f32 v0, v7;
	v8 =	vadd.f32 v9, v8;
	v9 =	vld.idx.msk [tilespmem:v5+s28+$0x0], $0xffff;
	v12 =	vmul.f32 v6, v12  }
0x318: {  	s1 =	sand.u32 $0x60, s23;
	v17 =	vadd.f32 v25, v20;
	v5 =	vld.idx.msk [tilespmem:v11+s28+$0x0], $0xffff  }
0x319: {  	v16 =	vmul.f32 v16, v0;
	v11 =	vsub.f32 $1.500000000e+00, v12;
	v12 =	vmov s1  }
0x31a: {  	s26 =	simm.s32 $0x100;
	vm0 =	veq.f32 v17, $0.0e+00;
	v30 =	vmul.f32 $5.000000000e-01, v8;
	v12 =	vshll.u32 v12, $0x3  }
0x31b: {  	s31 =	sand.u32 $0xFFFFFC00, s26;
	v16 =	vsub.f32 $1.500000000e+00, v16;
	v6 =	vmul.f32 v6, v11;
	v11 =	vor.u32 v61, v12  }
0x31c: {  	s30 =	simm.s32 $0x30;
	v8 =	vsel vm0, $0x7F800000, v17;
	v26 =	vor.u32 s31, v11  }
0x31d: {  	s5 =	sand.u32 $0x70, s30;
	v8 =	vadd.f32 v30, v8;
	v5 =	vadd.f32 v5, v29;
	v0 =	vmul.f32 v16, v0  }
0x31e: {  	s9 =	simm.s32 $0x2F90;
	v11 =	vmov s5;
	v16 =	vadd.f32 v9, v28;
	v31 =	vor.u32 $0x1, v26  }
0x31f: {  	s6 =	simm.s32 $0x2D10;
	v32 =	vld [tilespmem:s9+$0xFFFFFFF0];
	v12 =	vmul.f32 v6, v15;
	v11 =	vshll.u32 v11, $0x3;
	v36 =	vor.u32 $0x2, v26  }
0x320: {  	v17 =	vld [tilespmem:s6+$0xFFFFFFF0];
	v29 =	vmul.f32 $5.000000000e-01, v5;
	v7 =	vmul.f32 v0, v7;
	vm0 =	veq.f32 v16, $0.0e+00  }
0x321: {  	v5 =	vor.u32 v61, v11;
	v12 =	vmul.f32 v12, v6;
	v11 =	vsel vm0, $0x7F800000, v16;
	v16 =	vld.idx.msk [tilespmem:v26+s25+$0x0], $0xffff  }
0x322: {  	v7 =	vmul.f32 v7, v0;
	v34 =	vld.idx.msk [tilespmem:v26+s28+$0x0], $0xffff  }
0x323: {  	(erf) = vrcp.f32 v8;
	v11 =	vadd.f32 v29, v11;
	v12 =	vsub.f32 $1.500000000e+00, v12;
	v8 =	vld.idx.msk [tilespmem:v31+s25+$0x0], $0xffff  }
0x324: {  	v33 =	vsub.f32 $1.500000000e+00, v7;
	v49 =	vld.idx.msk [tilespmem:v36+s25+$0x0], $0xffff  }
0x325: {  	v5 =	vor.u32 s31, v5;
	(erf) = vrcp.f32 v11;
	v11 =	vmul.f32 v12, v6;
	v12 =	vld.idx.msk [tilespmem:v31+s28+$0x0], $0xffff  }
0x326: {  	v7 =	vor.u32 $0x1, v5;
	v35 =	vld.idx.msk [tilespmem:v36+s28+$0x0], $0xffff;
	v0 =	vmul.f32 v33, v0  }
0x327: {  	v15 =	vmul.f32 v11, v15  }
0x328: {  	v6 =	vmul.f32 v0, v10  }
0x329: {  	v37 =	vsub.f32 v16, v34;
	v15 =	vmul.f32 v15, v11  }
0x32a: {  	v32 =	vsub.f32 v32, v6;
	v6 =	vor.u32 $0x2, v5;
	v38 =	vsub.f32 v8, v12  }
0x32b: {  	v16 =	vmul.f32 v29, v17;
	v39 =	vld.idx.msk [tilespmem:v7+s25+$0x0], $0xffff;
	v40 =	vsub.f32 v49, v35;
	v15 =	vsub.f32 $1.500000000e+00, v15  }
0x32c: {  	v41 =	vld.idx.msk [tilespmem:v7+s28+$0x0], $0xffff;
	v29 =	vmul.f32 v37, v37;
	v8 =	vadd.f32 $0.0e+00, v32;
	v51 =	vmul.f32 v38, v38  }
0x32d: {  	v53 =	vor.u32 $0x4, v5;
	v50 =	vld.idx.msk [tilespmem:v5+s28+$0x0], $0xffff;
	v42 =	vmul.f32 v15, v11  }
0x32e: {  	v34 =	vpop (erf);
	v12 =	vld.idx.msk [tilespmem:v5+s25+$0x0], $0xffff;
	v15 =	vmul.f32 v40, v40;
	v8 =	vsub.f32 v8, v16;
	v16 =	vadd.f32 v51, v29  }
0x32f: {  	v59 =	vor.u32 $0x3, v26;
	v11 =	vpop (erf);
	v43 =	vld.idx.msk [tilespmem:v6+s25+$0x0], $0xffff  }
0x330: {  	v52 =	vor.u32 $0x3, v5;
	v44 =	vmul.f32 v8, v11;
	v11 =	vld.idx.msk [tilespmem:v6+s28+$0x0], $0xffff;
	v29 =	vadd.f32 v15, v16  }
0x331: {  	v56 =	vor.u32 $0x4, v26;
	vm0 =	vgt.f32 v10, $0.0e+00;
	v63 =	vsub.f32 v39, v41  }
0x332: {  	v15 =	vmul.f32 v44, v28;
	v16 =	vshrl.u32 v29, $0x1;
	v28 =	vmul.f32 $5.000000000e-01, v29  }
0x333: {  	v55 =	vld.idx.msk [tilespmem:v53+s25+$0x0], $0xffff;
	v10 =	vsub.f32 v12, v50;
	v54 =	vmul.f32 v63, v63;
	v16 =	vsub.s32 $0x5F3759DF, v16  }
0x334: {  	v33 =	vld.idx.msk [tilespmem:v53+s28+$0x0], $0xffff;
	v0 =	vnsel vm0, $0x7F800000, v0;
	v9 =	vmul.f32 v44, v9;
	v57 =	vmul.f32 v16, v28  }
0x335: {  	v3 =	vld.idx.msk [tilespmem:v52+s28+$0x0], $0xffff;
	v46 =	vmul.f32 v10, v10;
	v15 =	vmul.f32 v15, v0;
	v1 =	vsub.f32 v43, v11  }
0x336: {  	v12 =	vld.idx.msk [tilespmem:v52+s25+$0x0], $0xffff;
	v35 =	vadd.f32 v44, v17;
	v0 =	vmul.f32 v9, v0;
	v17 =	vmul.f32 v16, v57  }
0x337: {  	v45 =	vmul.f32 v42, v27;
	v32 =	vadd.f32 v54, v46;
	v58 =	vmul.f32 v1, v1  }
0x338: {  	v43 =	vmul.f32 v15, v14;
	v0 =	vsub.f32 $0.0e+00, v0;
	[tilespmem:$0x1FFC0] =	vst v1;
	v17 =	vsub.f32 $1.500000000e+00, v17  }
0x339: {  	v48 =	vmul.f32 v15, v13;
	v49 =	vmul.f32 v15, v18;
	v47 =	vld [tilespmem:s9+$0x0];
	v50 =	vadd.f32 v58, v32  }
0x33a: {  	v39 =	vld [tilespmem:s6+$0x0];
	v51 =	vmul.f32 v0, v14;
	v14 =	vadd.f32 v33, v55;
	v15 =	vmul.f32 v16, v17  }
0x33b: {  	s12 =	simm.s32 $0x50;
	v52 =	vmul.f32 v0, v13;
	v53 =	vld.idx.msk [tilespmem:v59+s25+$0x0], $0xffff;
	v16 =	vadd.f32 v3, v12;
	v17 =	vshrl.u32 v50, $0x1  }
0x33c: {  	s23 =	sand.u32 $0x70, s12;
	v57 =	vld.idx.msk [tilespmem:v56+s25+$0x0], $0xffff;
	v32 =	vmul.f32 $5.000000000e-01, v50;
	v13 =	vsub.s32 $0x5F3759DF, v17;
	v17 =	vmul.f32 v15, v28  }
0x33d: {  	s11 =	simm.s32 $0x40;
	v44 =	vld.idx.msk [tilespmem:v59+s28+$0x0], $0xffff;
	v59 =	vmov s23;
	v41 =	vmul.f32 $5.000000000e-01, v14;
	vm0 =	veq.f32 v16, $0.0e+00  }
0x33e: {  	s1 =	sand.u32 $0x60, s11;
	v46 =	vld.idx.msk [tilespmem:v56+s28+$0x0], $0xffff;
	v14 =	vmul.f32 v13, v32;
	v16 =	vsel vm0, $0x7F800000, v16;
	v17 =	vmul.f32 v17, v15  }
0x33f: {  	v58 =	vmov s1;
	v45 =	vsub.f32 v47, v45;
	v16 =	vadd.f32 v41, v16  }
0x340: {  	v30 =	vmul.f32 v30, v39;
	v14 =	vmul.f32 v13, v14;
	v17 =	vsub.f32 $1.500000000e+00, v17  }
0x341: {  	s26 =	simm.s32 $0x200;
	v45 =	vadd.f32 $0.0e+00, v45;
	(erf) = vrcp.f32 v16;
	v16 =	vshll.u32 v58, $0x3  }
0x342: {  	s30 =	sand.u32 $0xFFFFFC00, s26;
	v14 =	vsub.f32 $1.500000000e+00, v14;
	v16 =	vor.u32 v61, v16;
	v54 =	vmul.f32 v17, v15  }
0x343: {  	v17 =	vsub.f32 v45, v30;
	v15 =	vor.u32 s30, v16;
	v16 =	vadd.f32 v46, v57  }
0x344: {  	v30 =	vmul.f32 v13, v14;
	v14 =	vor.u32 $0x2, v15;
	v13 =	vmul.f32 v54, v28  }
0x345: {  	s2 =	simm.s32 $0x2FB0;
	v57 =	vshll.u32 v59, $0x3;
	v28 =	vadd.f32 v44, v53;
	v46 =	vmul.f32 $5.000000000e-01, v16  }
0x346: {  	v55 =	vld [tilespmem:s2+$0xFFFFFFF0];
	s1 =	simm.s32 $0x2D30;
	v16 =	vor.u32 $0x1, v15;
	v58 =	vmul.f32 v30, v32;
	v13 =	vmul.f32 v13, v54  }
0x347: {  	v47 =	vld [tilespmem:s1+$0xFFFFFFF0];
	v33 =	vor.u32 v61, v57;
	vm0 =	veq.f32 v28, $0.0e+00  }
0x348: {  	v45 =	vmul.f32 v58, v30;
	v56 =	vsub.f32 $1.500000000e+00, v13;
	v13 =	vor.u32 s30, v33;
	v33 =	vld.idx.msk [tilespmem:v15+s25+$0x0], $0xffff  }
0x349: {  	v57 =	vmul.f32 v17, v34;
	v28 =	vsel vm0, $0x7F800000, v28;
	vm0 =	vgt.f32 v27, $0.0e+00;
	v27 =	vld.idx.msk [tilespmem:v14+s25+$0x0], $0xffff  }
0x34a: {  	v0 =	vmul.f32 v0, v18;
	v28 =	vadd.f32 v46, v28;
	v59 =	vsub.f32 $1.500000000e+00, v45;
	v45 =	vld.idx.msk [tilespmem:v15+s28+$0x0], $0xffff  }
0x34b: {  	s31 =	simm.s32 $0x3210;
	v25 =	vmul.f32 v57, v25;
	v17 =	vor.u32 $0x1, v13;
	v34 =	vld.idx.msk [tilespmem:v16+s25+$0x0], $0xffff;
	v54 =	vmul.f32 v56, v54  }
0x34c: {  	[tilespmem:s31+$0xFFFFFFF0] =	vst v35;
	(erf) = vrcp.f32 v28;
	v28 =	vnsel vm0, $0x7F800000, v42;
	v42 =	vld.idx.msk [tilespmem:v16+s28+$0x0], $0xffff;
	v30 =	vmul.f32 v59, v30  }
0x34d: {  	[tilespmem:v22+s15+$0x0] =	vst.idx.msk $0xffff, v43;
	v20 =	vmul.f32 v57, v20;
	v43 =	vld.idx.msk [tilespmem:v14+s28+$0x0], $0xffff;
	v25 =	vmul.f32 v25, v28  }
0x34e: {  	vm1 =	vgt.f32 v29, $0.0e+00;
	[tilespmem:v19+s15+$0x0] =	vst.idx.msk $0xffff, v48;
	v58 =	vmul.f32 v54, v29;
	v32 =	vmul.f32 v30, v32  }
0x34f: {  	[tilespmem:v21+s15+$0x0] =	vst.idx.msk $0xffff, v49;
	v39 =	vadd.f32 v57, v39;
	v46 =	vmul.f32 v46, v47;
	v18 =	vor.u32 $0x2, v13  }
0x350: {  	[tilespmem:v22+s17+$0x0] =	vst.idx.msk $0xffff, v51;
	v35 =	vsub.f32 v55, v58;
	v55 =	vsub.f32 $0.0e+00, v25;
	v25 =	vmul.f32 v32, v30  }
0x351: {  	v48 =	vor.u32 $0x3, v13;
	v56 =	vld.idx.msk [tilespmem:v17+s25+$0x0], $0xffff;
	v33 =	vsub.f32 v33, v45;
	v32 =	vsub.f32 v34, v42  }
0x352: {  	v20 =	vmul.f32 v20, v28;
	v58 =	vld.idx.msk [tilespmem:v17+s28+$0x0], $0xffff;
	v34 =	vsub.f32 v27, v43;
	v59 =	vadd.f32 $0.0e+00, v35  }
0x353: {  	v49 =	vld.idx.msk [tilespmem:v13+s25+$0x0], $0xffff;
	v35 =	vmul.f32 v55, v24;
	v28 =	vmul.f32 v55, v23;
	v45 =	vsub.f32 $1.500000000e+00, v25  }
0x354: {  	v43 =	vmul.f32 v33, v33;
	v42 =	vmul.f32 v32, v32;
	v59 =	vsub.f32 v59, v46;
	v46 =	vld.idx.msk [tilespmem:v13+s28+$0x0], $0xffff;
	v25 =	vpop (erf)  }
0x355: {  	[tilespmem:v19+s17+$0x0] =	vst.idx.msk $0xffff, v52;
	v51 =	vor.u32 $0x4, v13;
	v29 =	vmul.f32 v34, v34;
	v45 =	vmul.f32 v45, v30;
	v27 =	vpop (erf)  }
0x356: {  	vm0 =	vgt.f32 v50, $0.0e+00;
	v30 =	vmul.f32 v55, v4;
	v55 =	vld.idx.msk [tilespmem:v18+s25+$0x0], $0xffff;
	v22 =	vmul.f32 v59, v27  }
0x357: {  	v27 =	vsub.f32 v56, v58;
	v56 =	vmul.f32 v20, v24;
	v24 =	vadd.f32 v42, v43;
	v42 =	vld.idx.msk [tilespmem:v18+s28+$0x0], $0xffff  }
0x358: {  	[tilespmem:v21+s17+$0x0] =	vst.idx.msk $0xffff, v0;
	v0 =	vnsel vm1, $0x7F800000, v54;
	v43 =	vmul.f32 v45, v50;
	v58 =	vmul.f32 v22, v53  }
0x359: {  	v19 =	vsub.f32 v49, v46;
	v44 =	vmul.f32 v22, v44;
	v24 =	vadd.f32 v29, v24  }
0x35a: {  	v21 =	vld.idx.msk [tilespmem:v48+s25+$0x0], $0xffff;
	v46 =	vmul.f32 v27, v27;
	v59 =	vadd.f32 v22, v47;
	v49 =	vmul.f32 v58, v0  }
0x35b: {  	[tilespmem:s31+$0x0] =	vst v39;
	v50 =	vld.idx.msk [tilespmem:v51+s25+$0x0], $0xffff;
	v52 =	vmul.f32 v19, v19;
	v0 =	vmul.f32 v44, v0;
	v57 =	vshrl.u32 v24, $0x1  }
0x35c: {  	v29 =	vld.idx.msk [tilespmem:v48+s28+$0x0], $0xffff;
	[tilespmem:v2+s15+$0x0] =	vst.idx.msk $0xffff, v56;
	v47 =	vmul.f32 $5.000000000e-01, v24;
	v22 =	vsub.f32 v55, v42;
	v48 =	vsub.s32 $0x5F3759DF, v57  }
0x35d: {  	s3 =	simm.s32 $0x3230;
	v42 =	vld.idx.msk [tilespmem:v51+s28+$0x0], $0xffff;
	v58 =	vmul.f32 v49, v37;
	v0 =	vsub.f32 $0.0e+00, v0;
	v53 =	vmul.f32 v49, v38  }
0x35e: {  	[tilespmem:s3+$0xFFFFFFF0] =	vst v59;
	v49 =	vmul.f32 v49, v40;
	v44 =	vadd.f32 v46, v52;
	v46 =	vmul.f32 v48, v47  }
0x35f: {  	v56 =	vld [tilespmem:s2+$0x0];
	v54 =	vmul.f32 v0, v37;
	[tilespmem:v26+s15+$0x0] =	vst.idx.msk $0xffff, v58;
	v37 =	vnsel vm0, $0x7F800000, v45;
	v45 =	vmul.f32 v22, v22  }
0x360: {  	v57 =	vor.u32 $0x3, v15;
	v55 =	vmul.f32 v0, v38;
	v46 =	vmul.f32 v48, v46;
	[tilespmem:v31+s15+$0x0] =	vst.idx.msk $0xffff, v53  }
0x361: {  	v39 =	vld [tilespmem:s1+$0x0];
	v0 =	vmul.f32 v0, v40;
	[tilespmem:v36+s15+$0x0] =	vst.idx.msk $0xffff, v49;
	v38 =	vadd.f32 v45, v44  }
0x362: {  	v52 =	vor.u32 $0x4, v15;
	v59 =	vadd.f32 v42, v50;
	[tilespmem:v26+s17+$0x0] =	vst.idx.msk $0xffff, v54;
	v54 =	vadd.f32 v29, v21  }
0x363: {  	v26 =	vsub.f32 $1.500000000e+00, v46;
	v58 =	vshrl.u32 v38, $0x1;
	v46 =	vmul.f32 $5.000000000e-01, v38  }
0x364: {  	[tilespmem:v31+s17+$0x0] =	vst.idx.msk $0xffff, v55;
	v31 =	vmul.f32 $5.000000000e-01, v59;
	v59 =	vsub.f32 v56, v43;
	vm0 =	veq.f32 v54, $0.0e+00  }
0x365: {  	v11 =	vmovc v3;
	v40 =	vld.idx.msk [tilespmem:v57+s25+$0x0], $0xffff;
	v48 =	vmul.f32 v48, v26;
	v50 =	vsub.s32 $0x5F3759DF, v58;
	v26 =	vsel vm0, $0x7F800000, v54  }
0x366: {  	v51 =	vmul.f32 v41, v39;
	v41 =	vld.idx.msk [tilespmem:v57+s28+$0x0], $0xffff;
	[tilespmem:v36+s17+$0x0] =	vst.idx.msk $0xffff, v0;
	v0 =	vmul.f32 v50, v46  }
0x367: {  	v49 =	vld.idx.msk [tilespmem:v52+s25+$0x0], $0xffff;
	v43 =	vmul.f32 v20, v23;
	v23 =	vmovc v17;
	v36 =	vmovc v62;
	vm0 =	vgt.f32 v38, $0.0e+00;
	v44 =	vadd.f32 $0.0e+00, v59  }
0x368: {  	s6 =	simm.s32 $0x4;
	s9 =	simm.s32 $0x70;
	v53 =	vmul.f32 v48, v47;
	v42 =	vadd.f32 v31, v26;
	v45 =	vmul.f32 v50, v0;
	v26 =	vmovc v7  }
.LBB2_10:
0x369: {  	v0 =	vmov v7;
	s11 =	sadd.s32 $0xFFFFFFF0, s9;
	s12 =	sand.u32 $0x70, s9  }
0x36a: {  	v8 =	vmovc v17;
	v17 =	vld.idx.msk [tilespmem:v52+s28+$0x0], $0xffff;
	v7 =	vmovc v18;
	v9 =	vmul.f32 v53, v48;
	(erf) = vrcp.f32 v42;
	s11 =	sand.u32 $0x60, s11;
	v18 =	vmov s12  }
0x36b: {  	v3 =	vmovc v6;
	s6 =	sadd.s32 $0x2, s6;
	v1 =	vsub.f32 $1.500000000e+00, v45;
	v55 =	vsub.f32 v44, v51;
	v6 =	vmovc v0;
	v0 =	vmov s11  }
0x36c: {  	v52 =	vmovc v32;
	[tilespmem:v62+s15+$0x0] =	vst.idx.msk $0xffff, v43;
	s31 =	sshll.u32 s6, $0x7;
	v18 =	vshll.u32 v18, $0x3;
	v62 =	vsub.f32 $1.500000000e+00, v9;
	v0 =	vshll.u32 v0, $0x3  }
0x36d: {  	v44 =	vmovc v28;
	s11 =	sand.u32 $0xFFFFFC00, s31;
	v28 =	vmul.f32 v50, v1;
	v32 =	vmul.f32 v55, v25;
	v0 =	vor.u32 v61, v0  }
0x36e: {  	v45 =	vmovc v30;
	v18 =	vor.u32 v61, v18;
	v30 =	vmul.f32 v62, v48;
	v48 =	vor.u32 s11, v0  }
0x36f: {  	s2 =	sadd.s32 $0x20, s2;
	v55 =	vor.u32 s11, v18;
	v9 =	vmovc v27;
	v1 =	vadd.f32 v17, v49;
	v27 =	vadd.f32 v41, v40  }
0x370: {  	v54 =	vmovc v35;
	s1 =	sadd.s32 $0x20, s1;
	v35 =	vld [tilespmem:s2+$0xFFFFFFF0];
	v0 =	vmul.f32 v28, v46;
	v50 =	vor.u32 $0x1, v48;
	v49 =	vor.u32 $0x2, v48  }
0x371: {  	v53 =	vmovc v34;
	v18 =	vmul.f32 v30, v47;
	v47 =	vld [tilespmem:s1+$0xFFFFFFF0];
	v34 =	vmul.f32 $5.000000000e-01, v1;
	vm1 =	veq.f32 v27, $0.0e+00  }
0x372: {  	v0 =	vmul.f32 v0, v28;
	v1 =	vld [tilespmem:$0x1FFC0];
	v27 =	vsel vm1, $0x7F800000, v27  }
0x373: {  	v42 =	vmovc v60;
	v43 =	vmov v63;
	v63 =	vmul.f32 v18, v30;
	v27 =	vadd.f32 v34, v27;
	v56 =	vld.idx.msk [tilespmem:v48+s25+$0x0], $0xffff  }
0x374: {  	v51 =	vmovc v33;
	v60 =	vmul.f32 v32, v11;
	v11 =	vmovc v29;
	v17 =	vor.u32 $0x1, v55;
	v0 =	vsub.f32 $1.500000000e+00, v0;
	v58 =	vld.idx.msk [tilespmem:v48+s28+$0x0], $0xffff  }
0x375: {  	v25 =	vpop (erf);
	v33 =	vsub.f32 $1.500000000e+00, v63;
	v29 =	vld.idx.msk [tilespmem:v49+s25+$0x0], $0xffff;
	(erf) = vrcp.f32 v27;
	v27 =	vadd.f32 v32, v39  }
0x376: {  	v39 =	vld.idx.msk [tilespmem:v50+s25+$0x0], $0xffff;
	v0 =	vmul.f32 v0, v28;
	v28 =	vmul.f32 v60, v37  }
0x377: {  	v60 =	vld.idx.msk [tilespmem:v50+s28+$0x0], $0xffff;
	v61 =	vmul.f32 v33, v30;
	[tilespmem:s3+$0x0] =	vst v27;
	v27 =	vmul.f32 v32, v12  }
0x378: {  	v12 =	vmovc v21;
	v21 =	vld.idx.msk [tilespmem:v49+s28+$0x0], $0xffff;
	v32 =	vmul.f32 v0, v46;
	v46 =	vsub.f32 $0.0e+00, v28;
	v28 =	vmul.f32 v20, v4  }
0x379: {  	v57 =	vor.u32 $0x3, v55;
	v18 =	vor.u32 $0x2, v55;
	v62 =	vld.idx.msk [tilespmem:v17+s25+$0x0], $0xffff;
	v30 =	vmul.f32 v61, v24  }
0x37a: {  	v59 =	vor.u32 $0x4, v55;
	vm1 =	vgt.f32 v24, $0.0e+00;
	v4 =	vmovc v1;
	v1 =	vmov v22;
	v22 =	vld.idx.msk [tilespmem:v17+s28+$0x0], $0xffff;
	[tilespmem:v42+s15+$0x0] =	vst.idx.msk $0xffff, v28  }
0x37b: {  	v34 =	vmul.f32 v34, v47;
	v20 =	vmul.f32 v27, v37;
	v37 =	vld.idx.msk [tilespmem:v55+s25+$0x0], $0xffff;
	v30 =	vsub.f32 v35, v30  }
0x37c: {  	v27 =	vmul.f32 v32, v0;
	v33 =	vsub.f32 v56, v58;
	v56 =	vld.idx.msk [tilespmem:v55+s28+$0x0], $0xffff;
	v32 =	vsub.f32 v39, v60  }
0x37d: {  	v35 =	vmul.f32 v46, v10;
	v10 =	vmul.f32 v20, v10;
	v63 =	vadd.f32 $0.0e+00, v30  }
0x37e: {  	[tilespmem:$0x1FFC0] =	vst v1;
	v28 =	vmul.f32 v46, v43;
	v58 =	vld.idx.msk [tilespmem:v18+s28+$0x0], $0xffff;
	v1 =	vsub.f32 $1.500000000e+00, v27;
	v43 =	vmul.f32 v20, v43  }
0x37f: {  	v60 =	vmul.f32 v32, v32;
	v30 =	vmul.f32 v46, v4;
	v46 =	vld.idx.msk [tilespmem:v18+s25+$0x0], $0xffff;
	v39 =	vsub.f32 v63, v34  }
0x380: {  	v0 =	vmul.f32 v1, v0;
	v27 =	vpop (erf);
	v34 =	vsub.f32 v29, v21;
	v29 =	vmul.f32 v33, v33;
	v21 =	vld.idx.msk [tilespmem:v57+s25+$0x0], $0xffff  }
0x381: {  	[tilespmem:v5+s15+$0x0] =	vst.idx.msk $0xffff, v10;
	v10 =	vmov v19;
	v19 =	vsub.f32 v37, v56;
	v39 =	vmul.f32 v39, v27  }
0x382: {  	v1 =	vld.idx.msk [tilespmem:v59+s25+$0x0], $0xffff;
	v63 =	vmul.f32 v34, v34;
	v27 =	vsub.f32 v62, v22;
	v22 =	vadd.f32 v60, v29  }
0x383: {  	v37 =	vnsel vm1, $0x7F800000, v61;
	v62 =	vmul.f32 v0, v38;
	v29 =	vld.idx.msk [tilespmem:v57+s28+$0x0], $0xffff;
	v38 =	vmul.f32 v39, v40  }
0x384: {  	v57 =	vld [tilespmem:s2+$0x0];
	v41 =	vmul.f32 v39, v41;
	v24 =	vadd.f32 v63, v22;
	v56 =	vmul.f32 v27, v27  }
0x385: {  	v40 =	vld.idx.msk [tilespmem:v59+s28+$0x0], $0xffff;
	v59 =	vmul.f32 v19, v19;
	v22 =	vsub.f32 v46, v58;
	v38 =	vmul.f32 v38, v37  }
0x386: {  	v63 =	vmov v9;
	v9 =	vadd.f32 v39, v47;
	v37 =	vmul.f32 v41, v37;
	v39 =	vld [tilespmem:s1+$0x0];
	[tilespmem:v2+s17+$0x0] =	vst.idx.msk $0xffff, v54  }
0x387: {  	s3 =	sadd.s32 $0x20, s3;
	v60 =	vmovc v3;
	v41 =	vshrl.u32 v24, $0x1;
	v47 =	vmul.f32 $5.000000000e-01, v24;
	v2 =	vmovc v5;
	v5 =	vmov v13;
	[tilespmem:v36+s17+$0x0] =	vst.idx.msk $0xffff, v44  }
0x388: {  	v56 =	vadd.f32 v56, v59;
	v13 =	vmovc v55;
	v46 =	vmul.f32 v38, v51;
	[tilespmem:s3+$0xFFFFFFF0] =	vst v9;
	v54 =	vsub.f32 $0.0e+00, v37  }
0x389: {  	v41 =	vsub.s32 $0x5F3759DF, v41;
	v37 =	vmul.f32 v38, v52;
	v3 =	vmul.f32 v38, v53;
	[tilespmem:v42+s17+$0x0] =	vst.idx.msk $0xffff, v45  }
0x38a: {  	v55 =	vor.u32 $0x3, v48;
	v59 =	vmul.f32 v41, v47;
	[tilespmem:v15+s15+$0x0] =	vst.idx.msk $0xffff, v46;
	v46 =	vmul.f32 v54, v51  }
0x38b: {  	v51 =	vmul.f32 v54, v52;
	[tilespmem:v16+s15+$0x0] =	vst.idx.msk $0xffff, v37;
	v37 =	vnsel vm0, $0x7F800000, v0;
	v0 =	vmul.f32 v22, v22  }
0x38c: {  	v36 =	vmov v26;
	v58 =	vmul.f32 v41, v59;
	v59 =	vsub.f32 v57, v62;
	[tilespmem:v14+s15+$0x0] =	vst.idx.msk $0xffff, v3  }
0x38d: {  	v52 =	vor.u32 $0x4, v48;
	v3 =	vmul.f32 v54, v53;
	[tilespmem:v15+s17+$0x0] =	vst.idx.msk $0xffff, v46;
	v38 =	vadd.f32 v0, v56  }
0x38e: {  	p2 =	slt.u32 s6, $0x26;
	v26 =	vmovc v23;
	v23 =	vmov v17;
	v0 =	vadd.f32 v40, v1;
	v1 =	vsub.f32 $1.500000000e+00, v58;
	[tilespmem:v16+s17+$0x0] =	vst.idx.msk $0xffff, v51  }
.Ltmp6:
0x38f: {  	v62 =	vmovc v6;
	v58 =	vadd.f32 v29, v21;
	[tilespmem:v14+s17+$0x0] =	vst.idx.msk $0xffff, v3;
	v3 =	vshrl.u32 v38, $0x1;
	v46 =	vmul.f32 $5.000000000e-01, v38;
	(pc) =	sbr.rel @p2 .LBB2_10-.Ltmp6, $4  }
0x390: {  	v61 =	vld [tilespmem:$0x1FFF0];
	v6 =	vmovc v7;
	v51 =	vmul.f32 v31, v39;
	v16 =	vmovc v50;
	v31 =	vmul.f32 $5.000000000e-01, v0;
	v50 =	vsub.s32 $0x5F3759DF, v3  }
0x391: {  	v15 =	vmovc v48;
	v48 =	vmul.f32 v41, v1;
	vm0 =	veq.f32 v58, $0.0e+00;
	v40 =	vld.idx.msk [tilespmem:v55+s25+$0x0], $0xffff;
	v0 =	vmul.f32 v50, v46  }
0x392: {  	v7 =	vmovc v8;
	v44 =	vadd.f32 $0.0e+00, v59;
	v14 =	vmovc v49;
	v1 =	vsel vm0, $0x7F800000, v58;
	v49 =	vld.idx.msk [tilespmem:v52+s25+$0x0], $0xffff;
	vm0 =	vgt.f32 v38, $0.0e+00  }
0x393: {  	s9 =	sadd.s32 $0x20, s9;
	v41 =	vld.idx.msk [tilespmem:v55+s28+$0x0], $0xffff;
	v53 =	vmul.f32 v48, v47;
	v42 =	vadd.f32 v31, v1;
	v45 =	vmul.f32 v50, v0  }
0x394: {  	_ =	sdelay $0x2  }
0x395: {  	v0 =	vmul.f32 v53, v48  }
0x396: {  	v1 =	vld.idx.msk [tilespmem:v52+s28+$0x0], $0xffff  }
0x397: {  	v0 =	vsub.f32 $1.500000000e+00, v0  }
0x398: {  	v45 =	vsub.f32 $1.500000000e+00, v45  }
0x399: {  	v0 =	vmul.f32 v0, v48  }
0x39a: {  	v45 =	vmul.f32 v50, v45  }
0x39b: {  	v57 =	vadd.f32 v41, v40;
	v1 =	vadd.f32 v1, v49;
	v47 =	vmul.f32 v0, v47  }
0x39c: {  	v58 =	vmul.f32 v45, v46  }
0x39d: {  	vm1 =	veq.f32 v57, $0.0e+00;
	v1 =	vmul.f32 $5.000000000e-01, v1;
	v47 =	vmul.f32 v47, v0  }
0x39e: {  	v48 =	vsel vm1, $0x7F800000, v57;
	v49 =	vmul.f32 v58, v45  }
0x39f: {  	s2 =	sadd.s32 $0x20, s2;
	v48 =	vadd.f32 v1, v48;
	v47 =	vsub.f32 $1.500000000e+00, v47  }
0x3a0: {  	(erf) = vrcp.f32 v42;
	v59 =	vld [tilespmem:s2+$0xFFFFFFF0];
	v8 =	vsub.f32 $1.500000000e+00, v49  }
0x3a1: {  	s1 =	sadd.s32 $0x20, s1;
	(erf) = vrcp.f32 v48;
	v0 =	vmul.f32 v47, v0  }
0x3a2: {  	v45 =	vmul.f32 v8, v45;
	v47 =	vld [tilespmem:s1+$0xFFFFFFF0]  }
0x3a3: {  	v9 =	vmul.f32 v0, v24  }
0x3a4: {  	v52 =	vmul.f32 v45, v46  }
0x3a5: {  	v42 =	vsub.f32 v59, v9  }
0x3a6: {  	v44 =	vsub.f32 v44, v51;
	v53 =	vmul.f32 v52, v45  }
0x3a7: {  	v1 =	vmul.f32 v1, v47;
	v42 =	vadd.f32 $0.0e+00, v42  }
0x3a8: {  	v4 =	vmul.f32 v20, v4;
	v25 =	vmul.f32 v44, v25;
	v55 =	vsub.f32 $1.500000000e+00, v53  }
0x3a9: {  	[tilespmem:v62+s15+$0x0] =	vst.idx.msk $0xffff, v43;
	v57 =	vld [tilespmem:s2+$0x0];
	v54 =	vpop (erf);
	v1 =	vsub.f32 v42, v1  }
0x3aa: {  	[tilespmem:v60+s15+$0x0] =	vst.idx.msk $0xffff, v4;
	v12 =	vmul.f32 v25, v12;
	v59 =	vmul.f32 v55, v45;
	v56 =	vpop (erf)  }
0x3ab: {  	[tilespmem:v2+s17+$0x0] =	vst.idx.msk $0xffff, v35;
	v8 =	vld [tilespmem:s1+$0x0];
	v1 =	vmul.f32 v1, v56  }
0x3ac: {  	vm15 =	vgt.f32 v24, $0.0e+00;
	[tilespmem:v36+s17+$0x0] =	vst.idx.msk $0xffff, v28;
	v12 =	vmul.f32 v12, v37;
	v38 =	vmul.f32 v59, v38  }
0x3ad: {  	[tilespmem:v60+s17+$0x0] =	vst.idx.msk $0xffff, v30;
	v58 =	vadd.f32 v25, v39;
	v0 =	vnsel vm15, $0x7F800000, v0;
	v3 =	vmul.f32 v1, v40  }
0x3ae: {  	v9 =	vmul.f32 v1, v41;
	v40 =	vmul.f32 v12, v10;
	v41 =	vsub.f32 v57, v38  }
0x3af: {  	[tilespmem:s3+$0x0] =	vst v58;
	v53 =	vmul.f32 v12, v63;
	v1 =	vadd.f32 v1, v47;
	v3 =	vmul.f32 v3, v0  }
0x3b0: {  	s5 =	sadd.s32 $0x20, s3;
	v45 =	vmul.f32 v31, v8;
	v0 =	vmul.f32 v9, v0;
	[tilespmem:v5+s15+$0x0] =	vst.idx.msk $0xffff, v40;
	v4 =	vadd.f32 $0.0e+00, v41  }
0x3b1: {  	[tilespmem:s5+$0xFFFFFFF0] =	vst v1;
	v43 =	vmul.f32 v3, v33  }
0x3b2: {  	[tilespmem:v7+s15+$0x0] =	vst.idx.msk $0xffff, v53;
	v0 =	vsub.f32 $0.0e+00, v0;
	v44 =	vmul.f32 v3, v32;
	v2 =	vsub.f32 v4, v45  }
0x3b3: {  	v3 =	vmul.f32 v3, v34;
	[tilespmem:v15+s15+$0x0] =	vst.idx.msk $0xffff, v43  }
0x3b4: {  	v47 =	vmul.f32 v0, v33;
	v49 =	vmul.f32 v2, v54;
	[tilespmem:v16+s15+$0x0] =	vst.idx.msk $0xffff, v44  }
0x3b5: {  	v48 =	vmul.f32 v0, v32;
	[tilespmem:v14+s15+$0x0] =	vst.idx.msk $0xffff, v3  }
0x3b6: {  	v0 =	vmul.f32 v0, v34;
	v51 =	vmul.f32 v49, v21;
	[tilespmem:v15+s17+$0x0] =	vst.idx.msk $0xffff, v47  }
0x3b7: {  	v52 =	vnsel vm0, $0x7F800000, v59;
	v1 =	vmul.f32 v49, v29;
	[tilespmem:v16+s17+$0x0] =	vst.idx.msk $0xffff, v48  }
0x3b8: {  	[tilespmem:v14+s17+$0x0] =	vst.idx.msk $0xffff, v0;
	v0 =	vmul.f32 v51, v52  }
0x3b9: {  	v8 =	vadd.f32 v49, v8;
	v1 =	vmul.f32 v1, v52;
	v54 =	vld [tilespmem:$0x1FFC0]  }
0x3ba: {  	v50 =	vmul.f32 v25, v11;
	v56 =	vmul.f32 v0, v19  }
0x3bb: {  	[tilespmem:s5+$0x0] =	vst v8;
	v1 =	vsub.f32 $0.0e+00, v1;
	v59 =	vmul.f32 v0, v27  }
0x3bc: {  	v2 =	vmul.f32 v50, v37;
	v0 =	vmul.f32 v0, v22;
	[tilespmem:v13+s15+$0x0] =	vst.idx.msk $0xffff, v56  }
0x3bd: {  	v60 =	vmul.f32 v1, v19;
	[tilespmem:v17+s15+$0x0] =	vst.idx.msk $0xffff, v59  }
0x3be: {  	v2 =	vsub.f32 $0.0e+00, v2;
	v55 =	vmul.f32 v12, v54;
	[tilespmem:v18+s15+$0x0] =	vst.idx.msk $0xffff, v0  }
0x3bf: {  	v62 =	vmul.f32 v1, v27;
	[tilespmem:v13+s17+$0x0] =	vst.idx.msk $0xffff, v60  }
0x3c0: {  	v57 =	vmul.f32 v2, v10;
	[tilespmem:v6+s15+$0x0] =	vst.idx.msk $0xffff, v55  }
0x3c1: {  	v58 =	vmul.f32 v2, v63;
	v63 =	vmul.f32 v1, v22;
	[tilespmem:v23+s17+$0x0] =	vst.idx.msk $0xffff, v62  }
0x3c2: {  	[tilespmem:v5+s17+$0x0] =	vst.idx.msk $0xffff, v57  }
0x3c3: {  	v2 =	vmul.f32 v2, v54;
	[tilespmem:v18+s17+$0x0] =	vst.idx.msk $0xffff, v63  }
0x3c4: {  	[tilespmem:v26+s17+$0x0] =	vst.idx.msk $0xffff, v58  }
0x3c5: {  	[tilespmem:v6+s17+$0x0] =	vst.idx.msk $0xffff, v2  }
0x3c6: {  	s6 =	simm.s32 $0x0;
	s9 =	simm.s32 $0x3200;
	s1 =	rddreg [dreg:$0xf]  }
0x3c7: {  	[hbm4b:s1+s6] =	stream.linear.scatter [tilespmem:s9], [sflag:$0x2], $0x280, $0x38;
	[tilespmem:$0x11AA8] =	vst v63  }
0x3c8: {  	_ = 	snop  }
0x3c9: {  	[spmem:s4] =	stream.indirect.scatter.add.f32 [tilespmem:s15], [sflag:$0x5], $0x4, s6, s24, $0xb8;
	[tilespmem:$0x11AA8] =	vst v63  }
0x3ca: {  	_ =	swait.ge [sflag:s21], $0x200  }
0x3cb: {  	[sflag:s21] =	ssyncset.done $0x0  }
0x3cc: {  	s11 =	simm.s32 $0x280;
	[sflag:s21] =	ssyncadd.s32 $0xFFFFFE00  }
0x3cd: {  	[spmem:s4] =	stream.indirect.scatter.add.f32 [tilespmem:s17], [sflag:$0x5], $0x4, s11, s24, $0xb8;
	[tilespmem:$0x11AA8] =	vst v63  }
0x3ce: {  	_ =	swait.ge [sflag:s21], $0x200  }
0x3cf: {  	[sflag:s21] =	ssyncset.done $0x0  }
0x3d0: {  	s12 =	simm.s32 $0x3880;
	[sflag:s21] =	ssyncadd.s32 $0xFFFFFE00  }
0x3d1: {  	[spmem:s4] =	stream.indirect.scatter.add.f32 [tilespmem:s12], [sflag:$0x5], $0x4, s24, s24, $0xb8;
	[tilespmem:$0x11AA8] =	vst v63  }
0x3d2: {  	_ =	swait.ge [sflag:s21], $0x200  }
0x3d3: {  	[sflag:s21] =	ssyncset.done $0x0  }
0x3d4: {  	s23 =	simm.s32 $0x300;
	s26 =	simm.s32 $0x4C80;
	[sflag:s21] =	ssyncadd.s32 $0xFFFFFE00  }
0x3d5: {  	[spmem:s4] =	stream.indirect.scatter.add.f32 [tilespmem:s26], [sflag:$0x5], $0x4, s23, s24, $0xb8;
	[tilespmem:$0x11AA8] =	vst v63  }
0x3d6: {  	_ =	swait.ge [sflag:s21], $0x200  }
0x3d7: {  	[sflag:s21] =	ssyncset.done $0x0  }
0x3d8: {  	s30 =	simm.s32 $0x100;
	s31 =	simm.s32 $0x3C80;
	[sflag:s21] =	ssyncadd.s32 $0xFFFFFE00  }
0x3d9: {  	[spmem:s4] =	stream.indirect.scatter.add.f32 [tilespmem:s31], [sflag:$0x5], $0x4, s30, s24, $0xb8;
	[tilespmem:$0x11AA8] =	vst v63  }
0x3da: {  	_ =	swait.ge [sflag:s21], $0x200  }
0x3db: {  	[sflag:s21] =	ssyncset.done $0x0  }
0x3dc: {  	s2 =	simm.s32 $0x380;
	s3 =	simm.s32 $0x5080;
	[sflag:s21] =	ssyncadd.s32 $0xFFFFFE00  }
0x3dd: {  	[spmem:s4] =	stream.indirect.scatter.add.f32 [tilespmem:s3], [sflag:$0x5], $0x4, s2, s24, $0xb8;
	[tilespmem:$0x11AA8] =	vst v63  }
0x3de: {  	_ =	swait.ge [sflag:s21], $0x200  }
0x3df: {  	[sflag:s21] =	ssyncset.done $0x0  }
0x3e0: {  	s5 =	simm.s32 $0x180;
	s6 =	simm.s32 $0x4080;
	[sflag:s21] =	ssyncadd.s32 $0xFFFFFE00  }
0x3e1: {  	[spmem:s4] =	stream.indirect.scatter.add.f32 [tilespmem:s6], [sflag:$0x5], $0x4, s5, s24, $0xb8;
	[tilespmem:$0x11AA8] =	vst v63  }
0x3e2: {  	_ =	swait.ge [sflag:s21], $0x200  }
0x3e3: {  	[sflag:s21] =	ssyncset.done $0x0  }
0x3e4: {  	s9 =	simm.s32 $0x400;
	s11 =	simm.s32 $0x5480;
	[sflag:s21] =	ssyncadd.s32 $0xFFFFFE00  }
0x3e5: {  	[spmem:s4] =	stream.indirect.scatter.add.f32 [tilespmem:s11], [sflag:$0x5], $0x4, s9, s24, $0xb8;
	[tilespmem:$0x11AA8] =	vst v63  }
0x3e6: {  	_ =	swait.ge [sflag:s21], $0x200  }
0x3e7: {  	[sflag:s21] =	ssyncset.done $0x0  }
0x3e8: {  	s12 =	simm.s32 $0x200;
	s23 =	simm.s32 $0x4480;
	[sflag:s21] =	ssyncadd.s32 $0xFFFFFE00  }
0x3e9: {  	[spmem:s4] =	stream.indirect.scatter.add.f32 [tilespmem:s23], [sflag:$0x5], $0x4, s12, s24, $0xb8;
	[tilespmem:$0x11AA8] =	vst v63  }
0x3ea: {  	_ =	swait.ge [sflag:s21], $0x200  }
0x3eb: {  	[sflag:s21] =	ssyncset.done $0x0  }
0x3ec: {  	s26 =	simm.s32 $0x480;
	s30 =	simm.s32 $0x5880;
	[sflag:s21] =	ssyncadd.s32 $0xFFFFFE00  }
0x3ed: {  	[spmem:s4] =	stream.indirect.scatter.add.f32 [tilespmem:s30], [sflag:$0x5], $0x4, s26, s24, $0xb8;
	[tilespmem:$0x11AA8] =	vst v63  }
0x3ee: {  	_ =	swait.ge [sflag:s21], $0x200  }
0x3ef: {  	[sflag:s21] =	ssyncset.done $0x0  }
0x3f0: {  	s31 =	simm.s32 $0x2;
	[sflag:s21] =	ssyncadd.s32 $0xFFFFFE00  }
0x3f1: {  	_ =	swait.ge [sflag:s31], $0x280  }
0x3f2: {  	[sflag:s31] =	ssyncset.done $0x0  }
0x3f3: {  	[sflag:s31] =	ssyncadd.s32 $0xFFFFFD80  }
0x3f4: {  	[bflag:$0x0] =	sbarrier.arrive $0xFFFF  }
0x3f5: {  	s2 =	rddreg [dreg:$0x10]  }
0x3f6: {  	s1 =	simm.s32 @!p0 $0x1C05;
	s3 =	rddreg [dreg:$0x12]  }
0x3f7: {  	[hbm:s2], [sflag:s1] =	dma.local @!p0 [spmem:s3], $0x186A0  }
.Ltmp7:
0x3f8: {  	_ = 	snop;
	(pc) =	sbr.rel .LBB2_12-.Ltmp7, $4  }
0x3f9: {  	s1 =	simm.s32 @!p0 $0x5  }
0x3fa: {  	_ =	swait.ge @!p0 [sflag:s1], $0x186A0  }
0x3fb: {  	[sflag:s1] =	ssyncset.done @!p0 $0x0  }
0x3fc: {  	s12 =	simm.s32 $0x5F80;
	s2 =	rddreg [dreg:$0x13];
	[sflag:s1] =	ssyncadd.s32 @!p0 $0xFFFE7960  }
.LBB2_13:
0x3fd: {  	_ =	sfence.sel $0x180000  }
0x3fe: {  	[bflag:$0x0] =	sbarrier.arrive $0xFFFF  }
0x3ff: {  	_ =	strace $0x9000004A  }
0x400: {  	[bflag:$0x2] =	sbarrier.arrive $0xFFFF  }
0x401: {  	s0 =	rddreg [dreg:$0x5]  }
0x402: {  	s0 =	sadd.s32 @!p0 $0x100000, s0  }
0x403: {  	[sflag:s0] =	ssyncadd.tile.s32 @!p0 $0x1;
	_ =	shalt  }
.Lfunc_end2:
_tile_overlayer_lowered:
.L_overlay_start_2:
0x404: {  	(tag) =	ssettag $0x2  }
0x405: {  	s0 =	rddreg [dreg:$0x0];
	s2 =	stileid.u32  }
0x406: {  	s1 =	rddreg [dreg:$0x1];
	p0 =	sne.s32 s2, $0x0  }
0x407: {  	s3 =	rddreg [dreg:$0x2];
	[bflag:$0x3] =	sbarrier.arrive $0xFFFF;
	s2 =	simm.s32 @!p0 $0x1C05  }
0x408: {  	[timem:s3], [sflag:s2] =	dma.local @!p0 [hbm:s0], s1  }
0x409: {  	s0 =	simm.s32 @!p0 $0x5  }
0x40a: {  	_ =	swait.ge @!p0 [sflag:s0], s1  }
0x40b: {  	s1 =	ssub.s32 @!p0 $0x0, s1;
	[sflag:s0] =	ssyncset.done @!p0 $0x0  }
0x40c: {  	[sflag:s0] =	ssyncadd.s32 @!p0 s1  }
0x40d: {  	[bflag:$0x3] =	sbarrier.arrive $0xFFFF  }
0x40e: {  	_ =	shalt  }

// kernel: sparse-core-data-format-call.cloned.1.call-start
scs
called_computation_lowered:
.L_overlay_start_0:
0x0: {  	s1 =	sld [smem:$0x3FD9]  }
0x1: {  	s2 =	sld [smem:$0x3FFE];
	_ =	sdelay $0x1  }
0x2: {  	s3 =	srdreg.scid  }
0x3: {  	s0 =	sand.u32 $0x1, s3  }
0x4: {  	s17 =	sshll.u32 s0, $0xA;
	s1 =	sadd.s32 s2, s1  }
0x5: {  	s1 =	sadd.s32 s1, s17  }
0x6: {  	[smem:$0x3FC2] =	sst s1  }
0x7: {  	_ = 	snop  }
0x8: {  	(tm) =	ssettm $0x1  }
0x9: {  	s18 =	sld [smem:$0x3FFB];
	_ =	sdelay $0x3  }
0xa: {  	_ =	strace s18  }
0xb: {  	s1 =	sld [smem:$0x3FFC];
	_ =	sdelay $0x3  }
0xc: {  	_ =	strace s1  }
0xd: {  	s1 =	sld [smem:$0x3FFD];
	_ =	sdelay $0x3  }
0xe: {  	_ =	strace s1  }
0xf: {  	_ =	strace $0x8FFFFFFF  }
0x10: {  	s19 =	sld [smem:$0x3FDB];
	_ =	sdelay $0x1  }
0x11: {  	s20 =	simm.s32 $_scs_section_size  }
0x12: {  	s4 =	simm.s32 $_size__tile_overlayer_lowered;
	s5 =	simm.s32 $_tile_overlayer_lowered  }
0x13: {  	s23 =	simm.s32 $0x1BFF;
	s22 =	sshll.u32 s5, $0x1;
	s1 =	sadd.s32 s20, s19  }
0x14: {  	s6 =	simm.s32 $0x0;
	s21 =	sshll.u32 s4, $0x1;
	s4 =	sadd.s32 s22, s1  }
0x15: {  	[timem:s6], [sflag:s23] =	dma.local [hbm:s4], s21  }
0x16: {  	_ =	swait.ge [sflag:s23], s21  }
0x17: {  	s2 =	ssub.s32 $0x0, s21;
	[sflag:s23] =	ssyncset.done $0x0  }
0x18: {  	[sflag:s23] =	ssyncadd.s32 s2;
	_ =	sdelay $0x1  }
0x19: {  	s24 =	simm.s32 $0x1B8B  }
0x1a: {  	_ =	swait.ge [sflag:s24], $0x1  }
0x1b: {  	[sflag:s24] =	ssyncset.done $0x0  }
0x1c: {  	s26 =	simm.s32 $0x1B8E;
	s25 =	sld [smem:$0x3FFE];
	[sflag:s24] =	ssyncadd.s32 $0xFFFFFFFF  }
0x1d: {  	s27 =	simm.s32 $execute0_lowered;
	[smem:$0x3FD2] =	sst s26  }
0x1e: {  	s4 =	sshll.u32 s27, $0x1;
	_ =	strace $0x80000046;
	[dreg:$0x1] =	wrdreg $0xFFFFFFFF  }
0x1f: {  	s28 =	simm.s32 $_size_execute0_lowered;
	s1 =	sadd.s32 s1, s4;
	[dreg:$0x0] =	wrdreg $0x0  }
0x20: {  	s4 =	sshll.u32 s28, $0x1;
	[dreg:$0x2] =	wrdreg s1  }
0x21: {  	[dreg:$0x3] =	wrdreg s4  }
0x22: {  	[dreg:$0x4] =	wrdreg $0xC0  }
0x23: {  	_ =	task [dreg:s6], $0x5FFFF  }
0x24: {  	[dreg:$0x1] =	wrdreg $0xFFFFFFFF  }
0x25: {  	[dreg:$0x0] =	wrdreg $0x60  }
0x26: {  	[dreg:$0x2] =	wrdreg s25  }
0x27: {  	[dreg:$0x3] =	wrdreg $0x9  }
0x28: {  	_ =	task.clear_ibuf [dreg:s6], $0x4FFFF;
	_ =	strace $0x90000046  }
0x29: {  	s29 =	simm.s32 $0x9;
	_ =	strace $0x80000048  }
0x2a: {  	_ =	swait.ge [sflag:s29], $0x1  }
0x2b: {  	[sflag:s29] =	ssyncadd.s32 $0xFFFFFFFF  }
0x2c: {  	_ =	strace $0x90000048  }
0x2d: {  	_ =	sfence  }
0x2e: {  	s30 =	sld [smem:$0x0];
	_ =	sdelay $0x2  }
0x2f: {  	s31 =	sshll.u32 s3, $0xD;
	s3 =	sshrl.u32 s3, $0x2  }
0x30: {  	s2 =	sand.u32 $0x4000, s31;
	s1 =	sadd.s32 s3, s30  }
0x31: {  	s0 =	sor.u32 s2, s0;
	s1 =	sshll.u32 s1, $0x11  }
0x32: {  	s0 =	sor.u32 s1, s0  }
0x33: {  	s0 =	sadd.s32 $0x8F2B, s0  }
0x34: {  	[sflag:s0] =	ssyncadd.remote.s32 $0x1  }
0x35: {  	_ =	sfence.sel $0xFFFF  }
0x36: {  	[dreg:$0x0] =	wrdreg $0xFFFFFFFF;
	(pc) =	sbr.abs _section_cstart, $3  }
0x37: {  	[dreg:$0x1] =	wrdreg $0xFFFFFFFF  }
0x38: {  	_ =	task.clear_ibuf [dreg:s6], $0x2FFFF;
	_ =	strace $0x9FFFFFFF  }
0x39: {  	(tm) =	ssettm $0x7FFFFFFF  }
tec
execute0_lowered:
.L_overlay_start_1:
0x0: {  	(tag) =	ssettag $0x1  }
0x1: {  	s2 =	stileid.u32;
	s0 =	srdreg.scid  }
0x2: {  	s7 =	rddreg [dreg:$0x0];
	s1 =	sshll.u32 s2, $0x6;
	s0 =	sshll.u32 s0, $0xA  }
0x3: {  	_ =	strace $0x80000047;
	s5 =	simm.s32 $0x1;
	s0 =	sor.u32 s1, s0  }
0x4: {  	s31 =	simm.s32 $0x2;
	s2 =	sand.u32 $0x1, s2;
	s3 =	sand.u32 $0x780, s0  }
0x5: {  	s18 =	simm.s32 $0x0;
	s29 =	ssub.s32 $0x2, s2;
	s30 =	ssub.s32 $0x2700, s3  }
0x6: {  	s4 =	sshrl.u32 s29, $0x1;
	s0 =	sand.u32 $0x1, s29;
	s1 =	sshrl.u32 s30, $0xB  }
0x7: {  	s9 =	simm.s32 $0x80;
	s0 =	sadd.s32 s0, s4;
	s1 =	sadd.s32 $0x1, s1  }
0x8: {  	s10 =	simm.s32 $0x800;
	s20 =	simm.s32 $0x0;
	s0 =	smul.u32 s1, s0  }
.Ltmp0:
0x9: {  	s19 =	simm.s32 $0x0;
	s11 =	simm.s32 $0x0;
	(pc) =	sbr.rel .LBB1_1-.Ltmp0, $4  }
0xa: {  	s12 =	simm.s32 $0x0;
	s14 =	simm.s32 $0x0;
	s13 =	simm.s32 $0x0  }
0xb: {  	s17 =	simm.s32 $0x0;
	[sflag:s5] =	ssyncpa.u1 $0x0;
	s6 =	smul.u32 $0x5, s0  }
0xc: {  	[sflag:s31] =	ssyncpa.u1 $0x0;
	s16 =	smov.u32 s2;
	s4 =	sadd.s32 $0x1600, s7  }
0xd: {  	s7 =	sadd.s32 $0x272600, s7;
	s15 =	smov.u32 s3;
	s8 =	sadd.s32 $0x1, s6  }
.LBB1_11:
0xe: {  	s0 =	sshll.u32 s14, $0x7  }
0xf: {  	s1 =	sshll.u32 s12, $0x8;
	s22 =	sshll.u32 s11, $0x4;
	s0 =	sadd.s32 s7, s0  }
0x10: {  	s22 =	sand.u32 $0x70, s22;
	s0 =	sadd.s32 s1, s0  }
0x11: {  	s31 =	sor.u32 $0x8000, s25;
	s0 =	sadd.s32 s22, s0  }
0x12: {  	[hbm4b:s0+s9] =	stream.strided.scatter [tilespmem:s31], [sflag:$0x2], s21, s10, s9, $0x38;
	[tilespmem:$0x10000] =	vst v63  }
.LBB1_12:
0x13: {  	p0 =	slt.u32 s17, $0x2  }
0x14: {  	p1 =	sgt.s32 @!p0 s20, $0x2690  }
0x15: {  	s0 =	smov.u32 s20;
	s1 =	sshra.s32 @!p0 s20, $0x1F;
	p1 =	por !p1, p0  }
0x16: {  	p2 =	sgt.s32 @!p0 s19, $0x1;
	s1 =	sand.u32 @!p0 s1, s20;
	s0 =	simm.s32 @p1 $0x2690  }
0x17: {  	s21 =	sshra.s32 @!p0 s18, $0x1F;
	p2 =	por !p2, p0;
	s0 =	ssub.s32 @!p0 s0, s1  }
0x18: {  	s20 =	sshra.s32 @!p0 s19, $0x1F;
	s1 =	sadd.s32 @!p0 $0xFFFFD970, s0;
	s0 =	ssub.s32 @!p0 $0x2710, s0  }
0x19: {  	p1 =	sgt.s32 @!p0 s1, $0x7F;
	s1 =	smov.u32 s19;
	s19 =	sand.u32 @!p0 s20, s19  }
0x1a: {  	s20 =	smov.u32 s18;
	s1 =	simm.s32 @p2 $0x1;
	p2 =	sgt.s32 @!p0 s18, $0x7  }
0x1b: {  	p1 =	por !p1, p0;
	s19 =	sxor.u32 @!p0 $0xFFFFFFFF, s19;
	p2 =	por !p2, p0  }
0x1c: {  	s18 =	sand.u32 @!p0 s21, s18;
	s1 =	sadd.s32 @!p0 s19, s1;
	s20 =	simm.s32 @p2 $0x7  }
0x1d: {  	p2 =	sgt.s32 @!p0 s1, $0x0;
	s1 =	sshll.u32 @!p0 s1, $0x7;
	s18 =	ssub.s32 @!p0 s20, s18  }
0x1e: {  	s1 =	ssub.s32 @!p0 $0x80, s1;
	p2 =	por !p2, p0;
	s19 =	sadd.s32 @!p0 $0xFFFFFFF9, s18  }
0x1f: {  	s0 =	simm.s32 @!p1 $0x0;
	s1 =	simm.s32 @!p2 $0x0;
	p1 =	sgt.s32 @!p0 s19, $0x0  }
0x20: {  	s18 =	ssub.s32 @!p0 $0x8, s18;
	s0 =	smul.u32 @!p0 s0, s1;
	p1 =	por !p1, p0  }
0x21: {  	s21 =	smov.u32 s15;
	s1 =	sadd.s32 $0x1, s13;
	s18 =	simm.s32 @!p1 $0x0  }
0x22: {  	p1 =	sgt.s32 s1, $0x4;
	s0 =	smul.u32 @!p0 s18, s0;
	s18 =	sadd.s32 $0x800, s15  }
0x23: {  	s21 =	smov.u32 @p1 s18  }
0x24: {  	s23 =	smov.u32 s16;
	s18 =	sadd.s32 $0x2, s16;
	p2 =	sgt.s32 s21, $0x270F  }
0x25: {  	s22 =	simm.s32 @!p0 $0x2;
	s23 =	smov.u32 @p2 s18  }
0x26: {  	s20 =	smov.u32 s12;
	s1 =	simm.s32 @p1 $0x0;
	p1 =	sgt.s32 s23, $0x1  }
0x27: {  	s12 =	smov.u32 s15;
	s23 =	smov.u32 @p1 s2;
	p1 =	sne.s32 s17, s8  }
.Ltmp1:
0x28: {  	s19 =	smov.u32 s14;
	s0 =	sand.u32 @!p0 $0x3FFFFF80, s0;
	(pc) =	sbr.rel @!p1 .LBB1_13-.Ltmp1, $4  }
0x29: {  	s14 =	smov.u32 s16;
	_ =	swait.ge @!p0 [sflag:s22], s0;
	s0 =	ssub.s32 @!p0 $0x0, s0  }
0x2a: {  	s21 =	smov.u32 @p2 s3;
	s18 =	smov.u32 s11;
	s11 =	smov.u32 s13  }
0x2b: {  	s13 =	smov.u32 s1;
	[sflag:s22] =	ssyncset.done @!p0 $0x0;
	s15 =	smov.u32 s21  }
0x2c: {  	s17 =	sadd.s32 $0x1, s17;
	[sflag:s22] =	ssyncadd.s32 @!p0 s0;
	s16 =	smov.u32 s23  }
.LBB1_1:
0x2d: {  	p0 =	sge.u32 s17, s6;
	s0 =	smov.u32 s16;
	s22 =	smov.u32 s15  }
0x2e: {  	s31 =	sadd.s32 $0xFFFFFFFF, s17;
	p1 =	sgt.s32 @!p0 s16, $0x1;
	s1 =	sxor.u32 @!p0 $0xFFFFFFFF, s17  }
0x2f: {  	s21 =	sshra.s32 @!p0 s16, $0x1F;
	s23 =	sshra.s32 @!p0 s15, $0x1F;
	p1 =	por !p1, p0  }
0x30: {  	s21 =	sand.u32 @!p0 s21, s16;
	s0 =	simm.s32 @p1 $0x1;
	p1 =	sgt.s32 @!p0 s15, $0x2690  }
0x31: {  	s23 =	sand.u32 @!p0 s23, s15;
	s21 =	sxor.u32 @!p0 $0xFFFFFFFF, s21;
	p1 =	por !p1, p0  }
0x32: {  	s0 =	sadd.s32 @!p0 s21, s0;
	s22 =	simm.s32 @p1 $0x2690;
	p1 =	sgt.s32 @!p0 s13, $0x7  }
0x33: {  	s22 =	ssub.s32 @!p0 s22, s23;
	p1 =	por !p1, p0;
	s23 =	smov.u32 s13  }
0x34: {  	s21 =	sadd.s32 @!p0 $0xFFFFD970, s22;
	s23 =	simm.s32 @p1 $0x7;
	p1 =	sgt.s32 @!p0 s0, $0x0  }
0x35: {  	s0 =	sshll.u32 @!p0 s0, $0x7;
	p2 =	sgt.s32 @!p0 s21, $0x7F;
	s21 =	sshra.s32 @!p0 s13, $0x1F  }
0x36: {  	s22 =	ssub.s32 @!p0 $0x2710, s22;
	s0 =	ssub.s32 @!p0 $0x80, s0;
	s21 =	sand.u32 @!p0 s21, s13  }
0x37: {  	p1 =	por !p1, p0;
	p2 =	por !p2, p0;
	s21 =	ssub.s32 @!p0 s23, s21  }
0x38: {  	s0 =	simm.s32 @!p1 $0x0;
	s22 =	simm.s32 @!p2 $0x0;
	s23 =	sadd.s32 @!p0 $0xFFFFFFF9, s21  }
0x39: {  	s1 =	sshll.u32 @!p0 s1, $0xE;
	s0 =	smul.u32 @!p0 s22, s0;
	p2 =	sgt.s32 @!p0 s23, $0x0  }
0x3a: {  	s21 =	ssub.s32 @!p0 $0x8, s21;
	s22 =	smul.u32 @!p0 $0x138800, s16;
	p1 =	por !p2, p0  }
0x3b: {  	s1 =	sand.u32 @!p0 $0x4000, s1;
	s23 =	sshll.u32 @!p0 s13, $0x4;
	s21 =	simm.s32 @!p1 $0x0  }
0x3c: {  	s22 =	sadd.s32 @!p0 s4, s22;
	s0 =	smul.u32 @!p0 s21, s0;
	s21 =	sshll.u32 @!p0 s15, $0x7  }
0x3d: {  	s23 =	sand.u32 @!p0 $0x70, s23;
	s21 =	sadd.s32 @!p0 s21, s22;
	s22 =	simm.s32 @!p0 $0x80  }
0x3e: {  	s0 =	sand.u32 @!p0 $0x3FFFFF80, s0;
	s21 =	sadd.s32 @!p0 s23, s21;
	s23 =	simm.s32 @!p0 $0x400  }
0x3f: {  	[tilespmem:s1], [sflag:$0x1] =	stream.strided.gather @!p0 [hbm4b:s21+s22], s0, s23, s22, $0x38;
	[tilespmem:$0x10000] =	vst v63  }
0x40: {  	p0 =	sge.u32 s31, s6  }
.Ltmp2:
0x41: {  	_ = 	snop;
	(pc) =	sbr.rel @p0 .LBB1_12-.Ltmp2, $1  }
0x42: {  	_ =	sdelay $0x3  }
0x43: {  	s0 =	sshra.s32 s14, $0x1F  }
0x44: {  	p0 =	sgt.s32 s14, $0x1;
	s1 =	smov.u32 s14;
	p1 =	sgt.s32 s12, $0x2690  }
0x45: {  	s21 =	sshra.s32 s12, $0x1F;
	s22 =	sshra.s32 s11, $0x1F;
	s0 =	sand.u32 s0, s14  }
0x46: {  	s1 =	simm.s32 @!p0 $0x1;
	s21 =	sand.u32 s21, s12;
	s0 =	sxor.u32 $0xFFFFFFFF, s0  }
0x47: {  	s22 =	sand.u32 s22, s11;
	s0 =	sadd.s32 s0, s1;
	s1 =	smov.u32 s12  }
0x48: {  	p0 =	sgt.s32 s0, $0x0;
	s1 =	simm.s32 @!p1 $0x2690;
	p1 =	sgt.s32 s11, $0x7  }
0x49: {  	s0 =	sshll.u32 s0, $0x7;
	s1 =	ssub.s32 s1, s21;
	s21 =	smov.u32 s11  }
0x4a: {  	s0 =	ssub.s32 $0x80, s0;
	s23 =	sadd.s32 $0xFFFFD970, s1;
	s21 =	simm.s32 @!p1 $0x7  }
0x4b: {  	s1 =	ssub.s32 $0x2710, s1;
	s0 =	simm.s32 @p0 $0x0;
	p1 =	sgt.s32 s23, $0x7F  }
0x4c: {  	s21 =	ssub.s32 s21, s22;
	s23 =	sadd.s32 $0x80, s12;
	s1 =	simm.s32 @p1 $0x0  }
0x4d: {  	s22 =	sadd.s32 $0xFFFFFFF9, s21;
	s0 =	smul.u32 s1, s0;
	s1 =	sadd.s32 $0x1, s14  }
0x4e: {  	s21 =	ssub.s32 $0x8, s21;
	p1 =	sgt.s32 s22, $0x0;
	p0 =	slt.s32 s1, $0x2  }
0x4f: {  	s21 =	simm.s32 @p1 $0x0;
	s1 =	simm.s32 @!p0 $0x2;
	p0 =	slt.s32 s23, $0x2710  }
0x50: {  	s22 =	ssub.s32 s1, s14;
	s23 =	simm.s32 @!p0 $0x2710;
	s1 =	sadd.s32 $0x1, s11  }
0x51: {  	s23 =	ssub.s32 s23, s12;
	p1 =	slt.s32 s1, $0x5;
	p0 =	slt.s32 s22, $0x1  }
0x52: {  	s1 =	simm.s32 @!p1 $0x5;
	p1 =	slt.s32 @!p0 s23, $0x1  }
0x53: {  	s24 =	ssub.s32 s1, s11;
	p1 =	por p0, p1  }
0x54: {  	p2 =	slt.s32 @!p1 s24, $0x1  }
0x55: {  	s0 =	smul.u32 s21, s0;
	p1 =	por p1, p2  }
.Ltmp3:
0x56: {  	_ = 	snop;
	(pc) =	sbr.rel @p1 .LBB1_11-.Ltmp3, $4  }
0x57: {  	s21 =	sand.u32 $0x3FFFFF80, s0  }
0x58: {  	_ =	swait.ge [sflag:s5], s21  }
0x59: {  	s31 =	sshll.u32 s17, $0xE;
	s0 =	ssub.s32 $0x0, s21;
	[sflag:s5] =	ssyncset.done $0x0  }
0x5a: {  	s25 =	sand.u32 $0x4000, s31;
	[sflag:s5] =	ssyncadd.s32 s0  }
.Ltmp4:
0x5b: {  	(pc) =	sbr.rel .LBB1_4-.Ltmp4, $2  }
0x5c: {  	_ =	sdelay $0x2  }
0x5d: {  	s26 =	sor.u32 @!p0 $0x8000, s25;
	s27 =	simm.s32 $0x0  }
.LBB1_10:
0x5e: {  	s27 =	sadd.s32 $0x1, s27  }
0x5f: {  	p0 =	sne.s32 s27, s22  }
.Ltmp5:
0x60: {  	_ = 	snop;
	(pc) =	sbr.rel @!p0 .LBB1_11-.Ltmp5, $1  }
0x61: {  	_ =	sdelay $0x3  }
.LBB1_4:
0x62: {  	s0 =	sshll.u32 s27, $0x10  }
0x63: {  	s0 =	sshra.s32 s0, $0x2  }
0x64: {  	s29 =	simm.s32 $0x0;
	s28 =	sadd.s32 s0, s25  }
.LBB1_5:
0x65: {  	s1 =	sadd.s32 s27, s29  }
0x66: {  	s0 =	sshll.u32 s29, $0x9;
	s1 =	sshll.u32 s1, $0x9  }
0x67: {  	s0 =	sshra.s32 s0, $0x2;
	s1 =	sshra.s32 s1, $0x2  }
0x68: {  	p1 =	sne.s32 s24, $0x1;
	s0 =	sadd.s32 s0, s28;
	s1 =	sadd.s32 s1, s26  }
.Ltmp6:
0x69: {  	v1 =	vmov s0;
	v0 =	vmov s1;
	(pc) =	sbr.rel @!p1 .LBB1_6-.Ltmp6, $3  }
0x6a: {  	_ =	sdelay $0x1  }
0x6b: {  	s30 =	simm.s32 $0x0  }
0x6c: {  	p0 =	por $0x0, $0x0;
	s30 =	sand.u32 $0x380, s30;
	s0 =	sadd.s32 $0xFFFFFFFF, s24  }
0x6d: {  	_ =	sdelay $0x3  }
0x6e: {  	v7 =	vld.idx.msk [tilespmem:v1+s30+$0x70 ss:$0x1], $0xffff  }
0x6f: {  	v8 =	vld.idx.msk [tilespmem:v1+s30+$0x0 ss:$0x1], $0xffff  }
0x70: {  	v2 =	vld.idx.msk [tilespmem:v1+s30+$0x10 ss:$0x1], $0xffff;
	p1 =	sne.s32 s0, $0x1  }
.Ltmp7:
0x71: {  	v3 =	vld.idx.msk [tilespmem:v1+s30+$0x20 ss:$0x1], $0xffff;
	(pc) =	sbr.rel @!p1 .LBB1_9-.Ltmp7, $4  }
0x72: {  	v4 =	vld.idx.msk [tilespmem:v1+s30+$0x30 ss:$0x1], $0xffff  }
0x73: {  	v5 =	vld.idx.msk [tilespmem:v1+s30+$0x40 ss:$0x1], $0xffff  }
0x74: {  	v6 =	vld.idx.msk [tilespmem:v1+s30+$0x50 ss:$0x1], $0xffff;
	s1 =	simm.s32 $0x80;
	[tilespmem:v0+s30+$0x70 ss:$0x1] =	vst.idx.msk $0xffff, v7  }
0x75: {  	s0 =	sadd.s32 $0xFFFFFFFF, s0;
	p0 =	por $0x1, $0x1;
	s31 =	sand.u32 $0x380, s1;
	[tilespmem:v0+s30+$0x0 ss:$0x1] =	vst.idx.msk $0xffff, v8;
	v7 =	vld.idx.msk [tilespmem:v1+s30+$0x60 ss:$0x1], $0xffff  }
.LBB1_8:
0x76: {  	p1 =	sne.s32 s0, $0x1;
	v8 =	vld.idx.msk [tilespmem:v1+s31+$0x70 ss:$0x1], $0xffff;
	[tilespmem:v0+s30+$0x10 ss:$0x1] =	vst.idx.msk $0xffff, v2  }
0x77: {  	v9 =	vld.idx.msk [tilespmem:v1+s31+$0x0 ss:$0x1], $0xffff;
	[tilespmem:v0+s30+$0x20 ss:$0x1] =	vst.idx.msk $0xffff, v3  }
0x78: {  	v2 =	vld.idx.msk [tilespmem:v1+s31+$0x10 ss:$0x1], $0xffff;
	[tilespmem:v0+s30+$0x30 ss:$0x1] =	vst.idx.msk $0xffff, v4  }
.Ltmp8:
0x79: {  	v3 =	vld.idx.msk [tilespmem:v1+s31+$0x20 ss:$0x1], $0xffff;
	[tilespmem:v0+s30+$0x40 ss:$0x1] =	vst.idx.msk $0xffff, v5;
	(pc) =	sbr.rel @p1 .LBB1_8-.Ltmp8, $4  }
0x7a: {  	v4 =	vld.idx.msk [tilespmem:v1+s31+$0x30 ss:$0x1], $0xffff;
	[tilespmem:v0+s30+$0x50 ss:$0x1] =	vst.idx.msk $0xffff, v6  }
0x7b: {  	v5 =	vld.idx.msk [tilespmem:v1+s31+$0x40 ss:$0x1], $0xffff;
	[tilespmem:v0+s30+$0x60 ss:$0x1] =	vst.idx.msk $0xffff, v7;
	s30 =	smov.u32 s31  }
0x7c: {  	s1 =	sadd.s32 $0x80, s1;
	v6 =	vld.idx.msk [tilespmem:v1+s30+$0x50 ss:$0x1], $0xffff;
	[tilespmem:v0+s30+$0x70 ss:$0x1] =	vst.idx.msk $0xffff, v8  }
0x7d: {  	s0 =	sadd.s32 $0xFFFFFFFF, s0;
	s31 =	sand.u32 $0x380, s1;
	[tilespmem:v0+s30+$0x0 ss:$0x1] =	vst.idx.msk $0xffff, v9;
	v7 =	vld.idx.msk [tilespmem:v1+s30+$0x60 ss:$0x1], $0xffff  }
.LBB1_9:
0x7e: {  	_ =	sdelay $0x3  }
0x7f: {  	[tilespmem:v0+s30+$0x10 ss:$0x1] =	vst.idx.msk @p0 $0xffff, v2  }
0x80: {  	v56 =	vld.idx.msk [tilespmem:v1+s31+$0x70 ss:$0x1], $0xffff;
	[tilespmem:v0+s30+$0x20 ss:$0x1] =	vst.idx.msk @p0 $0xffff, v3  }
0x81: {  	v57 =	vld.idx.msk [tilespmem:v1+s31+$0x0 ss:$0x1], $0xffff;
	[tilespmem:v0+s30+$0x30 ss:$0x1] =	vst.idx.msk @p0 $0xffff, v4  }
0x82: {  	v58 =	vld.idx.msk [tilespmem:v1+s31+$0x10 ss:$0x1], $0xffff;
	[tilespmem:v0+s30+$0x40 ss:$0x1] =	vst.idx.msk @p0 $0xffff, v5  }
0x83: {  	v59 =	vld.idx.msk [tilespmem:v1+s31+$0x20 ss:$0x1], $0xffff;
	[tilespmem:v0+s30+$0x50 ss:$0x1] =	vst.idx.msk @p0 $0xffff, v6  }
0x84: {  	v60 =	vld.idx.msk [tilespmem:v1+s31+$0x30 ss:$0x1], $0xffff;
	[tilespmem:v0+s30+$0x60 ss:$0x1] =	vst.idx.msk @p0 $0xffff, v7  }
0x85: {  	v61 =	vld.idx.msk [tilespmem:v1+s31+$0x40 ss:$0x1], $0xffff;
	[tilespmem:v0+s31+$0x70 ss:$0x1] =	vst.idx.msk $0xffff, v56  }
0x86: {  	v62 =	vld.idx.msk [tilespmem:v1+s31+$0x50 ss:$0x1], $0xffff;
	s29 =	sadd.s32 $0x1, s29;
	[tilespmem:v0+s31+$0x0 ss:$0x1] =	vst.idx.msk $0xffff, v57  }
0x87: {  	v63 =	vld.idx.msk [tilespmem:v1+s31+$0x60 ss:$0x1], $0xffff;
	p0 =	sne.s32 s29, s23;
	[tilespmem:v0+s31+$0x10 ss:$0x1] =	vst.idx.msk $0xffff, v58  }
.Ltmp9:
0x88: {  	[tilespmem:v0+s31+$0x20 ss:$0x1] =	vst.idx.msk $0xffff, v59;
	(pc) =	sbr.rel @p0 .LBB1_5-.Ltmp9, $4  }
.Ltmp10:
0x89: {  	[tilespmem:v0+s31+$0x30 ss:$0x1] =	vst.idx.msk $0xffff, v60;
	(pc) =	sbr.rel @!p0 .LBB1_10-.Ltmp10, $4  }
0x8a: {  	[tilespmem:v0+s31+$0x40 ss:$0x1] =	vst.idx.msk $0xffff, v61  }
0x8b: {  	[tilespmem:v0+s31+$0x50 ss:$0x1] =	vst.idx.msk $0xffff, v62  }
0x8c: {  	[tilespmem:v0+s31+$0x60 ss:$0x1] =	vst.idx.msk $0xffff, v63  }
0x8d: {  	_ = 	snop  }
.LBB1_6:
.Ltmp11:
0x8e: {  	(pc) =	sbr.rel .LBB1_9-.Ltmp11, $2  }
0x8f: {  	_ =	sdelay $0x2  }
0x90: {  	s31 =	smov.u32 s30  }
.LBB1_13:
0x91: {  	_ =	sfence.sel $0x180000  }
0x92: {  	s0 =	simm.s32 $0x1;
	[bflag:$0x0] =	sbarrier.arrive $0xFFFF  }
0x93: {  	s30 =	simm.s32 $0x2;
	[sflag:s0] =	ssyncpa.u1 $0x1  }
0x94: {  	[sflag:s30] =	ssyncpa.u1 $0x1  }
0x95: {  	_ =	strace $0x90000047  }
0x96: {  	s31 =	stileid.u32;
	[bflag:$0x2] =	sbarrier.arrive $0xFFFF  }
0x97: {  	p0 =	sne.s32 s31, $0x0;
	s0 =	rddreg [dreg:$0x1]  }
0x98: {  	s0 =	sadd.s32 @!p0 $0x100000, s0  }
0x99: {  	[sflag:s0] =	ssyncadd.tile.s32 @!p0 $0x1;
	_ =	shalt  }
.Lfunc_end1:
_tile_overlayer_lowered:
.L_overlay_start_2:
0x9a: {  	(tag) =	ssettag $0x2  }
0x9b: {  	s0 =	rddreg [dreg:$0x0];
	s2 =	stileid.u32  }
0x9c: {  	s1 =	rddreg [dreg:$0x1];
	p0 =	sne.s32 s2, $0x0  }
0x9d: {  	s3 =	rddreg [dreg:$0x2];
	[bflag:$0x3] =	sbarrier.arrive $0xFFFF;
	s2 =	simm.s32 @!p0 $0x1C01  }
0x9e: {  	[timem:s3], [sflag:s2] =	dma.local @!p0 [hbm:s0], s1  }
0x9f: {  	s0 =	simm.s32 @!p0 $0x1  }
0xa0: {  	_ =	swait.ge @!p0 [sflag:s0], s1  }
0xa1: {  	s1 =	ssub.s32 @!p0 $0x0, s1;
	[sflag:s0] =	ssyncset.done @!p0 $0x0  }
0xa2: {  	[sflag:s0] =	ssyncadd.s32 @!p0 s1  }
0xa3: {  	[bflag:$0x3] =	sbarrier.arrive $0xFFFF  }
0xa4: {  	_ =	shalt  }

</sc_bundles>
